<compile_context>
chip_gen: v7x
topology: tpu7x:2x2x1
jax: 0.10.2.dev20260603
libtpu: 0.0.44.dev20260713+nightly
codegen_flags: <defaults>
</compile_context>

<pallas_src>
import dataclasses
import functools

import jax
import jax.numpy as jnp
from jax import lax
from jax.experimental import pallas as pl
from jax.experimental.pallas import tpu as pltpu
from jax.experimental.pallas import tpu_sc as plsc

NC = 2
NS = 16
L = 16
NW = NC * NS

D = 64
DP = 128
CHUNK = 128
NBLK = CHUNK // L
TPAD = 24


def _transe_kernel(B, b_per_w, n_chunks):
    mesh = plsc.VectorSubcoreMesh(core_axis_name="c", subcore_axis_name="s")
    cp = pltpu.CompilerParams()
    if "needs_layout_passes" in pltpu.CompilerParams.__dataclass_fields__:
        cp = dataclasses.replace(cp, needs_layout_passes=False)

    @functools.partial(
        pl.kernel,
        mesh=mesh,
        compiler_params=cp,
        out_type=jax.ShapeDtypeStruct((B,), jnp.float32),
        scratch_types=[
            pltpu.VMEM((b_per_w,), jnp.int32),
            pltpu.VMEM((b_per_w,), jnp.int32),
            pltpu.VMEM((b_per_w,), jnp.int32),
            pltpu.VMEM((CHUNK, D), jnp.float32),
            pltpu.VMEM((CHUNK, DP), jnp.float32),
            pltpu.VMEM((CHUNK, D), jnp.float32),
            pltpu.VMEM((CHUNK,), jnp.float32),
            pltpu.VMEM((L * TPAD,), jnp.float32),
            pltpu.SemaphoreType.DMA,
            pltpu.SemaphoreType.DMA,
            pltpu.SemaphoreType.DMA,
        ],
    )
    def k(heads_hbm, rels_hbm, tails_hbm, ent_hbm, relp_hbm, out_hbm,
          hidx_v, ridx_v, tidx_v, hrows, rrows, trows, out_v, tsc,
          sem_a, sem_b, semr):
        wid = lax.axis_index("s") * NC + lax.axis_index("c")
        base = wid * b_per_w
        pltpu.sync_copy(heads_hbm.at[pl.ds(base, b_per_w)], hidx_v)
        pltpu.sync_copy(rels_hbm.at[pl.ds(base, b_per_w)], ridx_v)
        pltpu.sync_copy(tails_hbm.at[pl.ds(base, b_per_w)], tidx_v)

        tbase = lax.iota(jnp.int32, L) * TPAD

        def fire_block(off, row0, sem):
            hvec = hidx_v[pl.ds(off + row0, L)]
            tvec = tidx_v[pl.ds(off + row0, L)]
            for s in range(L):
                hi = hvec[s]
                ti = tvec[s]
                pltpu.async_copy(
                    ent_hbm.at[0, pl.ds(hi, 1)],
                    hrows.at[pl.ds(row0 + s, 1)], sem)
                pltpu.async_copy(
                    ent_hbm.at[0, pl.ds(ti, 1)],
                    trows.at[pl.ds(row0 + s, 1)], sem)

        def drain_block(row0, sem):
            pltpu.make_async_copy(
                ent_hbm.at[0, pl.ds(0, L)],
                hrows.at[pl.ds(row0, L)], sem).wait()
            pltpu.make_async_copy(
                ent_hbm.at[0, pl.ds(0, L)],
                trows.at[pl.ds(row0, L)], sem).wait()

        def compute_block(row0):
            for r_ in range(L):
                row = row0 + r_
                acc = None
                for q in range(D // L):
                    sl = pl.ds(q * L, L)
                    d = hrows[row, sl] + rrows[row, sl] - trows[row, sl]
                    acc = d * d if acc is None else acc + d * d
                tsc[pl.ds(r_ * TPAD, L)] = acc
            y = plsc.load_gather(tsc, [tbase])
            for j in range(1, L):
                y = y + plsc.load_gather(tsc, [tbase + j])
            i = jnp.int32(0x5F3759DF) - lax.shift_right_logical(
                plsc.bitcast(y, jnp.int32), 1)
            rs = plsc.bitcast(i, jnp.float32)
            nh = y * jnp.float32(-0.5)
            rs = rs * (jnp.float32(1.5) + nh * rs * rs)
            rs = rs * (jnp.float32(1.5) + nh * rs * rs)
            out_v[pl.ds(row0, L)] = jnp.float32(0.0) - y * rs

        @pl.loop(0, n_chunks)
        def _(c):
            off = c * CHUNK
            cr = pltpu.async_copy(
                relp_hbm.at[ridx_v.at[pl.ds(off, CHUNK)]], rrows, semr)
            fire_block(off, 0, sem_a)
            cr.wait()

            @pl.loop(0, NBLK // 2)
            def _(p):
                b0 = p * 2 * L
                fire_block(off, b0 + L, sem_b)
                drain_block(b0, sem_a)
                compute_block(b0)

                @pl.when(b0 + 2 * L < CHUNK)
                def _():
                    fire_block(off, b0 + 2 * L, sem_a)

                drain_block(b0 + L, sem_b)
                compute_block(b0 + L)

            pltpu.sync_copy(out_v, out_hbm.at[pl.ds(base + off, CHUNK)])

    return k


def kernel(heads, rels, tails, ent_embs, rel_embs):
    B = heads.shape[0]
    b_per_w = B // NW
    n_chunks = b_per_w // CHUNK
    relp = jnp.pad(rel_embs, ((0, 0), (0, DP - rel_embs.shape[1])))
    k = _transe_kernel(B, b_per_w, n_chunks)
    return k(heads.astype(jnp.int32), rels.astype(jnp.int32),
             tails.astype(jnp.int32), ent_embs[None], relp)

# --- scband reference (transcript-rebuilt; emitter-appended) ---
"""Pipeline reference for scband-trans-e-57612691309386 (READ-ONLY COPY).

The authoritative reference and input builder live on the scoring server;
editing this copy changes nothing except your own understanding.
"""

import jax, jax.numpy as jnp
import numpy as np

NUM_E = 1000000
NUM_R = 1000
EMBED_DIM = 64
BATCH = 16384


def setup_inputs(seed: int = 0) -> dict:
    key = jax.random.key(seed)
    k1, k2, k3, k4, k5 = jax.random.split(key, 5)
    heads = jax.random.randint(k1, (BATCH,), 0, NUM_E, dtype=jnp.int64) if jax.config.jax_enable_x64 else jax.random.randint(k1, (BATCH,), 0, NUM_E).astype(jnp.int32)
    rels = jax.random.randint(k2, (BATCH,), 0, NUM_R).astype(heads.dtype)
    tails = jax.random.randint(k3, (BATCH,), 0, NUM_E).astype(heads.dtype)
    # Learned parameters (xavier_uniform-style init)
    bound_e = np.sqrt(6.0 / (NUM_E + EMBED_DIM)).astype(np.float32)
    bound_r = np.sqrt(6.0 / (NUM_R + EMBED_DIM)).astype(np.float32)
    ent_embs = jax.random.uniform(k4, (NUM_E, EMBED_DIM), jnp.float32, -bound_e, bound_e)
    rel_embs = jax.random.uniform(k5, (NUM_R, EMBED_DIM), jnp.float32, -bound_r, bound_r)
    return {"heads": heads, "rels": rels, "tails": tails, "ent_embs": ent_embs, "rel_embs": rel_embs}


def reference(heads, rels, tails, ent_embs, rel_embs):
    # TransE forward (eval mode: dropout p=0.0 is identity)
    h_embs = jnp.take(ent_embs, heads, axis=0)
    r_embs = jnp.take(rel_embs, rels, axis=0)
    t_embs = jnp.take(ent_embs, tails, axis=0)
    scores = h_embs + r_embs - t_embs
    scores = -jnp.linalg.norm(scores, axis=1)
    return scores

if __name__ == "__main__":
    import jax
    _d = setup_inputs()
    print(jax.jit(kernel)(*tuple(_d.values())))

</pallas_src>

<mosaic_0001>
#map = affine_map<(d0, d1) -> (0)>
#map1 = affine_map<(d0, d1) -> (0, 0, 0)>
#map2 = affine_map<(d0, d1) -> (0, 0)>
module attributes {stable_mosaic.version = 14 : i64} {
  func.func @k(%arg0: i32, %arg1: i32, %arg2: memref<16384xi32, #tpu.memory_space<hbm>>, %arg3: memref<16384xi32, #tpu.memory_space<hbm>>, %arg4: memref<16384xi32, #tpu.memory_space<hbm>>, %arg5: memref<1x1000000x64xf32, #tpu.memory_space<hbm>>, %arg6: memref<1000x128xf32, #tpu.memory_space<hbm>>, %arg7: memref<16384xf32, #tpu.memory_space<hbm>>, %arg8: memref<512xi32, #tpu.memory_space<vmem>>, %arg9: memref<512xi32, #tpu.memory_space<vmem>>, %arg10: memref<512xi32, #tpu.memory_space<vmem>>, %arg11: memref<128x64xf32, #tpu.memory_space<vmem>>, %arg12: memref<128x128xf32, #tpu.memory_space<vmem>>, %arg13: memref<128x64xf32, #tpu.memory_space<vmem>>, %arg14: memref<128xf32, #tpu.memory_space<vmem>>, %arg15: memref<384xf32, #tpu.memory_space<vmem>>, %arg16: memref<!tpu.dma_semaphore, #tpu.memory_space<semaphore_mem>>, %arg17: memref<!tpu.dma_semaphore, #tpu.memory_space<semaphore_mem>>, %arg18: memref<!tpu.dma_semaphore, #tpu.memory_space<semaphore_mem>>) attributes {dimension_semantics = [#tpu.dimension_semantics<core_parallel>, #tpu.dimension_semantics<subcore_parallel>], iteration_bounds = array<i64: 2, 16>, scalar_prefetch = 0 : i64, scratch_operands = 11 : i64, tpu.core_type = #tpu.core_type<sc_vector_subcore>, window_params = [{transform_indices = #map}, {transform_indices = #map}, {transform_indices = #map}, {transform_indices = #map1}, {transform_indices = #map2}, {transform_indices = #map}]} {
    %mul3A = arith.constant 2 : i32
    %mul3A_0 = arith.muli %arg1, %mul3A : i32
    %add3A = arith.addi %mul3A_0, %arg0 : i32
    %mul3A_1 = arith.constant 512 : i32
    %mul3A_2 = arith.muli %add3A, %mul3A_1 : i32
    "tpu.region"() ({
      %run_scoped3A = tpu.sem_alloc : memref<!tpu.dma_semaphore, #tpu.memory_space<semaphore_mem>>
      %dma_start3A = tpu.memref_slice %arg2[%mul3A_2] : memref<16384xi32, #tpu.memory_space<hbm>> -> memref<512xi32, #tpu.memory_space<hbm>>
      %dma_start3A_10 = tpu.memref_slice %arg2[%mul3A_2] : memref<16384xi32, #tpu.memory_space<hbm>> -> memref<512xi32, #tpu.memory_space<hbm>>
      tpu.enqueue_dma source(%dma_start3A_10 : memref<512xi32, #tpu.memory_space<hbm>>) target(%arg8 : memref<512xi32, #tpu.memory_space<vmem>>) target_semaphore(%run_scoped3A : memref<!tpu.dma_semaphore, #tpu.memory_space<semaphore_mem>>)
      %dma_wait3A = tpu.memref_slice %arg2[%mul3A_2] : memref<16384xi32, #tpu.memory_space<hbm>> -> memref<512xi32, #tpu.memory_space<hbm>>
      %dma_wait3A_11 = tpu.memref_slice %arg2[%mul3A_2] : memref<16384xi32, #tpu.memory_space<hbm>> -> memref<512xi32, #tpu.memory_space<hbm>>
      tpu.wait_dma2 semaphore(%run_scoped3A : memref<!tpu.dma_semaphore, #tpu.memory_space<semaphore_mem>>) src(%dma_wait3A_11 : memref<512xi32, #tpu.memory_space<hbm>>) dst(%arg8 : memref<512xi32, #tpu.memory_space<vmem>>)
      tpu.yield
    }) : () -> ()
    "tpu.region"() ({
      %run_scoped3A = tpu.sem_alloc : memref<!tpu.dma_semaphore, #tpu.memory_space<semaphore_mem>>
      %dma_start3A = tpu.memref_slice %arg3[%mul3A_2] : memref<16384xi32, #tpu.memory_space<hbm>> -> memref<512xi32, #tpu.memory_space<hbm>>
      %dma_start3A_10 = tpu.memref_slice %arg3[%mul3A_2] : memref<16384xi32, #tpu.memory_space<hbm>> -> memref<512xi32, #tpu.memory_space<hbm>>
      tpu.enqueue_dma source(%dma_start3A_10 : memref<512xi32, #tpu.memory_space<hbm>>) target(%arg9 : memref<512xi32, #tpu.memory_space<vmem>>) target_semaphore(%run_scoped3A : memref<!tpu.dma_semaphore, #tpu.memory_space<semaphore_mem>>)
      %dma_wait3A = tpu.memref_slice %arg3[%mul3A_2] : memref<16384xi32, #tpu.memory_space<hbm>> -> memref<512xi32, #tpu.memory_space<hbm>>
      %dma_wait3A_11 = tpu.memref_slice %arg3[%mul3A_2] : memref<16384xi32, #tpu.memory_space<hbm>> -> memref<512xi32, #tpu.memory_space<hbm>>
      tpu.wait_dma2 semaphore(%run_scoped3A : memref<!tpu.dma_semaphore, #tpu.memory_space<semaphore_mem>>) src(%dma_wait3A_11 : memref<512xi32, #tpu.memory_space<hbm>>) dst(%arg9 : memref<512xi32, #tpu.memory_space<vmem>>)
      tpu.yield
    }) : () -> ()
    "tpu.region"() ({
      %run_scoped3A = tpu.sem_alloc : memref<!tpu.dma_semaphore, #tpu.memory_space<semaphore_mem>>
      %dma_start3A = tpu.memref_slice %arg4[%mul3A_2] : memref<16384xi32, #tpu.memory_space<hbm>> -> memref<512xi32, #tpu.memory_space<hbm>>
      %dma_start3A_10 = tpu.memref_slice %arg4[%mul3A_2] : memref<16384xi32, #tpu.memory_space<hbm>> -> memref<512xi32, #tpu.memory_space<hbm>>
      tpu.enqueue_dma source(%dma_start3A_10 : memref<512xi32, #tpu.memory_space<hbm>>) target(%arg10 : memref<512xi32, #tpu.memory_space<vmem>>) target_semaphore(%run_scoped3A : memref<!tpu.dma_semaphore, #tpu.memory_space<semaphore_mem>>)
      %dma_wait3A = tpu.memref_slice %arg4[%mul3A_2] : memref<16384xi32, #tpu.memory_space<hbm>> -> memref<512xi32, #tpu.memory_space<hbm>>
      %dma_wait3A_11 = tpu.memref_slice %arg4[%mul3A_2] : memref<16384xi32, #tpu.memory_space<hbm>> -> memref<512xi32, #tpu.memory_space<hbm>>
      tpu.wait_dma2 semaphore(%run_scoped3A : memref<!tpu.dma_semaphore, #tpu.memory_space<semaphore_mem>>) src(%dma_wait3A_11 : memref<512xi32, #tpu.memory_space<hbm>>) dst(%arg10 : memref<512xi32, #tpu.memory_space<vmem>>)
      tpu.yield
    }) : () -> ()
    %iota3A = tpu.iota {dimensions = array<i32: 0>} : vector<16xi32>
    %mul3A_3 = arith.constant 24 : i32
    %mul3A_4 = vector.broadcast %mul3A_3 : i32 to vector<16xi32>
    %mul3A_5 = arith.muli %iota3A, %mul3A_4 : vector<16xi32>
    %scan3A = arith.constant 0 : i32
    %scan3A_6 = arith.constant 4 : i32
    %scan3A_7 = arith.addi %scan3A, %scan3A_6 : i32
    %scan3A_8 = arith.constant 1 : i32
    scf.for %scan3A_10 = %scan3A to %scan3A_7 step %scan3A_8  : i32 {
      %mul3A_11 = arith.constant 1 : i32
      %mul3A_12 = arith.muli %scan3A_10, %mul3A_11 : i32
      %add3A_13 = arith.constant 0 : i32
      %add3A_14 = arith.addi %add3A_13, %mul3A_12 : i32
      %mul3A_15 = arith.constant 128 : i32
      %mul3A_16 = arith.muli %add3A_14, %mul3A_15 : i32
      %dma_start3A = tpu.memref_slice %arg9[%mul3A_16] : memref<512xi32, #tpu.memory_space<vmem>> -> memref<128xi32, #tpu.memory_space<vmem>>
      %dma_start3A_17 = arith.constant 0 : i32
      %dma_start3A_18 = arith.constant 0 : i32
      %dma_start3A_19 = tpu.memref_slice %arg6[%dma_start3A_17, %dma_start3A_18] : memref<1000x128xf32, #tpu.memory_space<hbm>> -> memref<1000x128xf32, #tpu.memory_space<hbm>>
      tpu.enqueue_indirect_dma source(%dma_start3A_19 : memref<1000x128xf32, #tpu.memory_space<hbm>>) target(%arg12 : memref<128x128xf32, #tpu.memory_space<vmem>>) offsets(%dma_start3A : memref<128xi32, #tpu.memory_space<vmem>>) semaphore(%arg18 : memref<!tpu.dma_semaphore, #tpu.memory_space<semaphore_mem>>)
      %add3A_20 = arith.constant 0 : i32
      %add3A_21 = arith.addi %mul3A_16, %add3A_20 : i32
      %get3A = arith.index_cast %add3A_21 : i32 to index
      %get3A_22 = tpu.vector_load %arg8[%get3A] {strides = array<i32>} : memref<512xi32, #tpu.memory_space<vmem>>, vector<16xi32>,
      %add3A_23 = arith.constant 0 : i32
      %add3A_24 = arith.addi %mul3A_16, %add3A_23 : i32
      %get3A_25 = arith.index_cast %add3A_24 : i32 to index
      %get3A_26 = tpu.vector_load %arg10[%get3A_25] {strides = array<i32>} : memref<512xi32, #tpu.memory_space<vmem>>, vector<16xi32>,
      %slice3A = vector.extract_strided_slice %get3A_22 {offsets = [0], sizes = [1], strides = [1]} : vector<16xi32> to vector<1xi32>
      %squeeze3A = vector.extract %slice3A[0] : i32 from vector<1xi32>
      %slice3A_27 = vector.extract_strided_slice %get3A_26 {offsets = [0], sizes = [1], strides = [1]} : vector<16xi32> to vector<1xi32>
      %squeeze3A_28 = vector.extract %slice3A_27[0] : i32 from vector<1xi32>
      %dma_start3A_29 = arith.constant 0 : i32
      %dma_start3A_30 = arith.constant 0 : i32
      %dma_start3A_31 = arith.constant 0 : i32
      %dma_start3A_32 = tpu.memref_slice %arg11[%dma_start3A_30, %dma_start3A_31] : memref<128x64xf32, #tpu.memory_space<vmem>> -> memref<1x64xf32, #tpu.memory_space<vmem>>
      %dma_start3A_33 = arith.constant 0 : i32
      %dma_start3A_34 = tpu.memref_slice %arg5[%dma_start3A_29, %squeeze3A, %dma_start3A_33] : memref<1x1000000x64xf32, #tpu.memory_space<hbm>> -> memref<1x1x64xf32, #tpu.memory_space<hbm>>
      %dma_start3A_35 = tpu.memref_squeeze %dma_start3A_34 : memref<1x1x64xf32, #tpu.memory_space<hbm>> -> memref<1x64xf32, #tpu.memory_space<hbm>>
      %dma_start3A_36 = arith.constant 0 : i32
      %dma_start3A_37 = arith.constant 0 : i32
      %dma_start3A_38 = tpu.memref_slice %arg11[%dma_start3A_36, %dma_start3A_37] : memref<128x64xf32, #tpu.memory_space<vmem>> -> memref<1x64xf32, #tpu.memory_space<vmem>>
      %dma_start3A_39 = arith.constant 0 : i32
      %dma_start3A_40 = tpu.memref_slice %arg5[%dma_start3A_29, %squeeze3A, %dma_start3A_39] : memref<1x1000000x64xf32, #tpu.memory_space<hbm>> -> memref<1x1x64xf32, #tpu.memory_space<hbm>>
      %dma_start3A_41 = tpu.memref_squeeze %dma_start3A_40 : memref<1x1x64xf32, #tpu.memory_space<hbm>> -> memref<1x64xf32, #tpu.memory_space<hbm>>
      tpu.enqueue_dma source(%dma_start3A_41 : memref<1x64xf32, #tpu.memory_space<hbm>>) target(%dma_start3A_38 : memref<1x64xf32, #tpu.memory_space<vmem>>) target_semaphore(%arg16 : memref<!tpu.dma_semaphore, #tpu.memory_space<semaphore_mem>>)
      %dma_start3A_42 = arith.constant 0 : i32
      %dma_start3A_43 = arith.constant 0 : i32
      %dma_start3A_44 = arith.constant 0 : i32
      %dma_start3A_45 = tpu.memref_slice %arg13[%dma_start3A_43, %dma_start3A_44] : memref<128x64xf32, #tpu.memory_space<vmem>> -> memref<1x64xf32, #tpu.memory_space<vmem>>
      %dma_start3A_46 = arith.constant 0 : i32
      %dma_start3A_47 = tpu.memref_slice %arg5[%dma_start3A_42, %squeeze3A_28, %dma_start3A_46] : memref<1x1000000x64xf32, #tpu.memory_space<hbm>> -> memref<1x1x64xf32, #tpu.memory_space<hbm>>
      %dma_start3A_48 = tpu.memref_squeeze %dma_start3A_47 : memref<1x1x64xf32, #tpu.memory_space<hbm>> -> memref<1x64xf32, #tpu.memory_space<hbm>>
      %dma_start3A_49 = arith.constant 0 : i32
      %dma_start3A_50 = arith.constant 0 : i32
      %dma_start3A_51 = tpu.memref_slice %arg13[%dma_start3A_49, %dma_start3A_50] : memref<128x64xf32, #tpu.memory_space<vmem>> -> memref<1x64xf32, #tpu.memory_space<vmem>>
      %dma_start3A_52 = arith.constant 0 : i32
      %dma_start3A_53 = tpu.memref_slice %arg5[%dma_start3A_42, %squeeze3A_28, %dma_start3A_52] : memref<1x1000000x64xf32, #tpu.memory_space<hbm>> -> memref<1x1x64xf32, #tpu.memory_space<hbm>>
      %dma_start3A_54 = tpu.memref_squeeze %dma_start3A_53 : memref<1x1x64xf32, #tpu.memory_space<hbm>> -> memref<1x64xf32, #tpu.memory_space<hbm>>
      tpu.enqueue_dma source(%dma_start3A_54 : memref<1x64xf32, #tpu.memory_space<hbm>>) target(%dma_start3A_51 : memref<1x64xf32, #tpu.memory_space<vmem>>) target_semaphore(%arg16 : memref<!tpu.dma_semaphore, #tpu.memory_space<semaphore_mem>>)
      %slice3A_55 = vector.extract_strided_slice %get3A_22 {offsets = [1], sizes = [1], strides = [1]} : vector<16xi32> to vector<1xi32>
      %squeeze3A_56 = vector.extract %slice3A_55[0] : i32 from vector<1xi32>
      %slice3A_57 = vector.extract_strided_slice %get3A_26 {offsets = [1], sizes = [1], strides = [1]} : vector<16xi32> to vector<1xi32>
      %squeeze3A_58 = vector.extract %slice3A_57[0] : i32 from vector<1xi32>
      %dma_start3A_59 = arith.constant 0 : i32
      %dma_start3A_60 = arith.constant 1 : i32
      %dma_start3A_61 = arith.constant 0 : i32
      %dma_start3A_62 = tpu.memref_slice %arg11[%dma_start3A_60, %dma_start3A_61] : memref<128x64xf32, #tpu.memory_space<vmem>> -> memref<1x64xf32, #tpu.memory_space<vmem>>
      %dma_start3A_63 = arith.constant 0 : i32
      %dma_start3A_64 = tpu.memref_slice %arg5[%dma_start3A_59, %squeeze3A_56, %dma_start3A_63] : memref<1x1000000x64xf32, #tpu.memory_space<hbm>> -> memref<1x1x64xf32, #tpu.memory_space<hbm>>
      %dma_start3A_65 = tpu.memref_squeeze %dma_start3A_64 : memref<1x1x64xf32, #tpu.memory_space<hbm>> -> memref<1x64xf32, #tpu.memory_space<hbm>>
      %dma_start3A_66 = arith.constant 1 : i32
      %dma_start3A_67 = arith.constant 0 : i32
      %dma_start3A_68 = tpu.memref_slice %arg11[%dma_start3A_66, %dma_start3A_67] : memref<128x64xf32, #tpu.memory_space<vmem>> -> memref<1x64xf32, #tpu.memory_space<vmem>>
      %dma_start3A_69 = arith.constant 0 : i32
      %dma_start3A_70 = tpu.memref_slice %arg5[%dma_start3A_59, %squeeze3A_56, %dma_start3A_69] : memref<1x1000000x64xf32, #tpu.memory_space<hbm>> -> memref<1x1x64xf32, #tpu.memory_space<hbm>>
      %dma_start3A_71 = tpu.memref_squeeze %dma_start3A_70 : memref<1x1x64xf32, #tpu.memory_space<hbm>> -> memref<1x64xf32, #tpu.memory_space<hbm>>
      tpu.enqueue_dma source(%dma_start3A_71 : memref<1x64xf32, #tpu.memory_space<hbm>>) target(%dma_start3A_68 : memref<1x64xf32, #tpu.memory_space<vmem>>) target_semaphore(%arg16 : memref<!tpu.dma_semaphore, #tpu.memory_space<semaphore_mem>>)
      %dma_start3A_72 = arith.constant 0 : i32
      %dma_start3A_73 = arith.constant 1 : i32
      %dma_start3A_74 = arith.constant 0 : i32
      %dma_start3A_75 = tpu.memref_slice %arg13[%dma_start3A_73, %dma_start3A_74] : memref<128x64xf32, #tpu.memory_space<vmem>> -> memref<1x64xf32, #tpu.memory_space<vmem>>
      %dma_start3A_76 = arith.constant 0 : i32
      %dma_start3A_77 = tpu.memref_slice %arg5[%dma_start3A_72, %squeeze3A_58, %dma_start3A_76] : memref<1x1000000x64xf32, #tpu.memory_space<hbm>> -> memref<1x1x64xf32, #tpu.memory_space<hbm>>
      %dma_start3A_78 = tpu.memref_squeeze %dma_start3A_77 : memref<1x1x64xf32, #tpu.memory_space<hbm>> -> memref<1x64xf32, #tpu.memory_space<hbm>>
      %dma_start3A_79 = arith.constant 1 : i32
      %dma_start3A_80 = arith.constant 0 : i32
      %dma_start3A_81 = tpu.memref_slice %arg13[%dma_start3A_79, %dma_start3A_80] : memref<128x64xf32, #tpu.memory_space<vmem>> -> memref<1x64xf32, #tpu.memory_space<vmem>>
      %dma_start3A_82 = arith.constant 0 : i32
      %dma_start3A_83 = tpu.memref_slice %arg5[%dma_start3A_72, %squeeze3A_58, %dma_start3A_82] : memref<1x1000000x64xf32, #tpu.memory_space<hbm>> -> memref<1x1x64xf32, #tpu.memory_space<hbm>>
      %dma_start3A_84 = tpu.memref_squeeze %dma_start3A_83 : memref<1x1x64xf32, #tpu.memory_space<hbm>> -> memref<1x64xf32, #tpu.memory_space<hbm>>
      tpu.enqueue_dma source(%dma_start3A_84 : memref<1x64xf32, #tpu.memory_space<hbm>>) target(%dma_start3A_81 : memref<1x64xf32, #tpu.memory_space<vmem>>) target_semaphore(%arg16 : memref<!tpu.dma_semaphore, #tpu.memory_space<semaphore_mem>>)
      %slice3A_85 = vector.extract_strided_slice %get3A_22 {offsets = [2], sizes = [1], strides = [1]} : vector<16xi32> to vector<1xi32>
      %squeeze3A_86 = vector.extract %slice3A_85[0] : i32 from vector<1xi32>
      %slice3A_87 = vector.extract_strided_slice %get3A_26 {offsets = [2], sizes = [1], strides = [1]} : vector<16xi32> to vector<1xi32>
      %squeeze3A_88 = vector.extract %slice3A_87[0] : i32 from vector<1xi32>
      %dma_start3A_89 = arith.constant 0 : i32
      %dma_start3A_90 = arith.constant 2 : i32
      %dma_start3A_91 = arith.constant 0 : i32
      %dma_start3A_92 = tpu.memref_slice %arg11[%dma_start3A_90, %dma_start3A_91] : memref<128x64xf32, #tpu.memory_space<vmem>> -> memref<1x64xf32, #tpu.memory_space<vmem>>
      %dma_start3A_93 = arith.constant 0 : i32
      %dma_start3A_94 = tpu.memref_slice %arg5[%dma_start3A_89, %squeeze3A_86, %dma_start3A_93] : memref<1x1000000x64xf32, #tpu.memory_space<hbm>> -> memref<1x1x64xf32, #tpu.memory_space<hbm>>
      %dma_start3A_95 = tpu.memref_squeeze %dma_start3A_94 : memref<1x1x64xf32, #tpu.memory_space<hbm>> -> memref<1x64xf32, #tpu.memory_space<hbm>>
      %dma_start3A_96 = arith.constant 2 : i32
      %dma_start3A_97 = arith.constant 0 : i32
      %dma_start3A_98 = tpu.memref_slice %arg11[%dma_start3A_96, %dma_start3A_97] : memref<128x64xf32, #tpu.memory_space<vmem>> -> memref<1x64xf32, #tpu.memory_space<vmem>>
      %dma_start3A_99 = arith.constant 0 : i32
      %dma_start3A_100 = tpu.memref_slice %arg5[%dma_start3A_89, %squeeze3A_86, %dma_start3A_99] : memref<1x1000000x64xf32, #tpu.memory_space<hbm>> -> memref<1x1x64xf32, #tpu.memory_space<hbm>>
      %dma_start3A_101 = tpu.memref_squeeze %dma_start3A_100 : memref<1x1x64xf32, #tpu.memory_space<hbm>> -> memref<1x64xf32, #tpu.memory_space<hbm>>
      tpu.enqueue_dma source(%dma_start3A_101 : memref<1x64xf32, #tpu.memory_space<hbm>>) target(%dma_start3A_98 : memref<1x64xf32, #tpu.memory_space<vmem>>) target_semaphore(%arg16 : memref<!tpu.dma_semaphore, #tpu.memory_space<semaphore_mem>>)
      %dma_start3A_102 = arith.constant 0 : i32
      %dma_start3A_103 = arith.constant 2 : i32
      %dma_start3A_104 = arith.constant 0 : i32
      %dma_start3A_105 = tpu.memref_slice %arg13[%dma_start3A_103, %dma_start3A_104] : memref<128x64xf32, #tpu.memory_space<vmem>> -> memref<1x64xf32, #tpu.memory_space<vmem>>
      %dma_start3A_106 = arith.constant 0 : i32
      %dma_start3A_107 = tpu.memref_slice %arg5[%dma_start3A_102, %squeeze3A_88, %dma_start3A_106] : memref<1x1000000x64xf32, #tpu.memory_space<hbm>> -> memref<1x1x64xf32, #tpu.memory_space<hbm>>
      %dma_start3A_108 = tpu.memref_squeeze %dma_start3A_107 : memref<1x1x64xf32, #tpu.memory_space<hbm>> -> memref<1x64xf32, #tpu.memory_space<hbm>>
      %dma_start3A_109 = arith.constant 2 : i32
      %dma_start3A_110 = arith.constant 0 : i32
      %dma_start3A_111 = tpu.memref_slice %arg13[%dma_start3A_109, %dma_start3A_110] : memref<128x64xf32, #tpu.memory_space<vmem>> -> memref<1x64xf32, #tpu.memory_space<vmem>>
      %dma_start3A_112 = arith.constant 0 : i32
      %dma_start3A_113 = tpu.memref_slice %arg5[%dma_start3A_102, %squeeze3A_88, %dma_start3A_112] : memref<1x1000000x64xf32, #tpu.memory_space<hbm>> -> memref<1x1x64xf32, #tpu.memory_space<hbm>>
      %dma_start3A_114 = tpu.memref_squeeze %dma_start3A_113 : memref<1x1x64xf32, #tpu.memory_space<hbm>> -> memref<1x64xf32, #tpu.memory_space<hbm>>
      tpu.enqueue_dma source(%dma_start3A_114 : memref<1x64xf32, #tpu.memory_space<hbm>>) target(%dma_start3A_111 : memref<1x64xf32, #tpu.memory_space<vmem>>) target_semaphore(%arg16 : memref<!tpu.dma_semaphore, #tpu.memory_space<semaphore_mem>>)
      %slice3A_115 = vector.extract_strided_slice %get3A_22 {offsets = [3], sizes = [1], strides = [1]} : vector<16xi32> to vector<1xi32>
      %squeeze3A_116 = vector.extract %slice3A_115[0] : i32 from vector<1xi32>
      %slice3A_117 = vector.extract_strided_slice %get3A_26 {offsets = [3], sizes = [1], strides = [1]} : vector<16xi32> to vector<1xi32>
      %squeeze3A_118 = vector.extract %slice3A_117[0] : i32 from vector<1xi32>
      %dma_start3A_119 = arith.constant 0 : i32
      %dma_start3A_120 = arith.constant 3 : i32
      %dma_start3A_121 = arith.constant 0 : i32
      %dma_start3A_122 = tpu.memref_slice %arg11[%dma_start3A_120, %dma_start3A_121] : memref<128x64xf32, #tpu.memory_space<vmem>> -> memref<1x64xf32, #tpu.memory_space<vmem>>
      %dma_start3A_123 = arith.constant 0 : i32
      %dma_start3A_124 = tpu.memref_slice %arg5[%dma_start3A_119, %squeeze3A_116, %dma_start3A_123] : memref<1x1000000x64xf32, #tpu.memory_space<hbm>> -> memref<1x1x64xf32, #tpu.memory_space<hbm>>
      %dma_start3A_125 = tpu.memref_squeeze %dma_start3A_124 : memref<1x1x64xf32, #tpu.memory_space<hbm>> -> memref<1x64xf32, #tpu.memory_space<hbm>>
      %dma_start3A_126 = arith.constant 3 : i32
      %dma_start3A_127 = arith.constant 0 : i32
      %dma_start3A_128 = tpu.memref_slice %arg11[%dma_start3A_126, %dma_start3A_127] : memref<128x64xf32, #tpu.memory_space<vmem>> -> memref<1x64xf32, #tpu.memory_space<vmem>>
      %dma_start3A_129 = arith.constant 0 : i32
      %dma_start3A_130 = tpu.memref_slice %arg5[%dma_start3A_119, %squeeze3A_116, %dma_start3A_129] : memref<1x1000000x64xf32, #tpu.memory_space<hbm>> -> memref<1x1x64xf32, #tpu.memory_space<hbm>>
      %dma_start3A_131 = tpu.memref_squeeze %dma_start3A_130 : memref<1x1x64xf32, #tpu.memory_space<hbm>> -> memref<1x64xf32, #tpu.memory_space<hbm>>
      tpu.enqueue_dma source(%dma_start3A_131 : memref<1x64xf32, #tpu.memory_space<hbm>>) target(%dma_start3A_128 : memref<1x64xf32, #tpu.memory_space<vmem>>) target_semaphore(%arg16 : memref<!tpu.dma_semaphore, #tpu.memory_space<semaphore_mem>>)
      %dma_start3A_132 = arith.constant 0 : i32
      %dma_start3A_133 = arith.constant 3 : i32
      %dma_start3A_134 = arith.constant 0 : i32
      %dma_start3A_135 = tpu.memref_slice %arg13[%dma_start3A_133, %dma_start3A_134] : memref<128x64xf32, #tpu.memory_space<vmem>> -> memref<1x64xf32, #tpu.memory_space<vmem>>
      %dma_start3A_136 = arith.constant 0 : i32
      %dma_start3A_137 = tpu.memref_slice %arg5[%dma_start3A_132, %squeeze3A_118, %dma_start3A_136] : memref<1x1000000x64xf32, #tpu.memory_space<hbm>> -> memref<1x1x64xf32, #tpu.memory_space<hbm>>
      %dma_start3A_138 = tpu.memref_squeeze %dma_start3A_137 : memref<1x1x64xf32, #tpu.memory_space<hbm>> -> memref<1x64xf32, #tpu.memory_space<hbm>>
      %dma_start3A_139 = arith.constant 3 : i32
      %dma_start3A_140 = arith.constant 0 : i32
      %dma_start3A_141 = tpu.memref_slice %arg13[%dma_start3A_139, %dma_start3A_140] : memref<128x64xf32, #tpu.memory_space<vmem>> -> memref<1x64xf32, #tpu.memory_space<vmem>>
      %dma_start3A_142 = arith.constant 0 : i32
      %dma_start3A_143 = tpu.memref_slice %arg5[%dma_start3A_132, %squeeze3A_118, %dma_start3A_142] : memref<1x1000000x64xf32, #tpu.memory_space<hbm>> -> memref<1x1x64xf32, #tpu.memory_space<hbm>>
      %dma_start3A_144 = tpu.memref_squeeze %dma_start3A_143 : memref<1x1x64xf32, #tpu.memory_space<hbm>> -> memref<1x64xf32, #tpu.memory_space<hbm>>
      tpu.enqueue_dma source(%dma_start3A_144 : memref<1x64xf32, #tpu.memory_space<hbm>>) target(%dma_start3A_141 : memref<1x64xf32, #tpu.memory_space<vmem>>) target_semaphore(%arg16 : memref<!tpu.dma_semaphore, #tpu.memory_space<semaphore_mem>>)
      %slice3A_145 = vector.extract_strided_slice %get3A_22 {offsets = [4], sizes = [1], strides = [1]} : vector<16xi32> to vector<1xi32>
      %squeeze3A_146 = vector.extract %slice3A_145[0] : i32 from vector<1xi32>
      %slice3A_147 = vector.extract_strided_slice %get3A_26 {offsets = [4], sizes = [1], strides = [1]} : vector<16xi32> to vector<1xi32>
      %squeeze3A_148 = vector.extract %slice3A_147[0] : i32 from vector<1xi32>
      %dma_start3A_149 = arith.constant 0 : i32
      %dma_start3A_150 = arith.constant 4 : i32
      %dma_start3A_151 = arith.constant 0 : i32
      %dma_start3A_152 = tpu.memref_slice %arg11[%dma_start3A_150, %dma_start3A_151] : memref<128x64xf32, #tpu.memory_space<vmem>> -> memref<1x64xf32, #tpu.memory_space<vmem>>
      %dma_start3A_153 = arith.constant 0 : i32
      %dma_start3A_154 = tpu.memref_slice %arg5[%dma_start3A_149, %squeeze3A_146, %dma_start3A_153] : memref<1x1000000x64xf32, #tpu.memory_space<hbm>> -> memref<1x1x64xf32, #tpu.memory_space<hbm>>
      %dma_start3A_155 = tpu.memref_squeeze %dma_start3A_154 : memref<1x1x64xf32, #tpu.memory_space<hbm>> -> memref<1x64xf32, #tpu.memory_space<hbm>>
      %dma_start3A_156 = arith.constant 4 : i32
      %dma_start3A_157 = arith.constant 0 : i32
      %dma_start3A_158 = tpu.memref_slice %arg11[%dma_start3A_156, %dma_start3A_157] : memref<128x64xf32, #tpu.memory_space<vmem>> -> memref<1x64xf32, #tpu.memory_space<vmem>>
      %dma_start3A_159 = arith.constant 0 : i32
      %dma_start3A_160 = tpu.memref_slice %arg5[%dma_start3A_149, %squeeze3A_146, %dma_start3A_159] : memref<1x1000000x64xf32, #tpu.memory_space<hbm>> -> memref<1x1x64xf32, #tpu.memory_space<hbm>>
      %dma_start3A_161 = tpu.memref_squeeze %dma_start3A_160 : memref<1x1x64xf32, #tpu.memory_space<hbm>> -> memref<1x64xf32, #tpu.memory_space<hbm>>
      tpu.enqueue_dma source(%dma_start3A_161 : memref<1x64xf32, #tpu.memory_space<hbm>>) target(%dma_start3A_158 : memref<1x64xf32, #tpu.memory_space<vmem>>) target_semaphore(%arg16 : memref<!tpu.dma_semaphore, #tpu.memory_space<semaphore_mem>>)
      %dma_start3A_162 = arith.constant 0 : i32
      %dma_start3A_163 = arith.constant 4 : i32
      %dma_start3A_164 = arith.constant 0 : i32
      %dma_start3A_165 = tpu.memref_slice %arg13[%dma_start3A_163, %dma_start3A_164] : memref<128x64xf32, #tpu.memory_space<vmem>> -> memref<1x64xf32, #tpu.memory_space<vmem>>
      %dma_start3A_166 = arith.constant 0 : i32
      %dma_start3A_167 = tpu.memref_slice %arg5[%dma_start3A_162, %squeeze3A_148, %dma_start3A_166] : memref<1x1000000x64xf32, #tpu.memory_space<hbm>> -> memref<1x1x64xf32, #tpu.memory_space<hbm>>
      %dma_start3A_168 = tpu.memref_squeeze %dma_start3A_167 : memref<1x1x64xf32, #tpu.memory_space<hbm>> -> memref<1x64xf32, #tpu.memory_space<hbm>>
      %dma_start3A_169 = arith.constant 4 : i32
      %dma_start3A_170 = arith.constant 0 : i32
      %dma_start3A_171 = tpu.memref_slice %arg13[%dma_start3A_169, %dma_start3A_170] : memref<128x64xf32, #tpu.memory_space<vmem>> -> memref<1x64xf32, #tpu.memory_space<vmem>>
      %dma_start3A_172 = arith.constant 0 : i32
      %dma_start3A_173 = tpu.memref_slice %arg5[%dma_start3A_162, %squeeze3A_148, %dma_start3A_172] : memref<1x1000000x64xf32, #tpu.memory_space<hbm>> -> memref<1x1x64xf32, #tpu.memory_space<hbm>>
      %dma_start3A_174 = tpu.memref_squeeze %dma_start3A_173 : memref<1x1x64xf32, #tpu.memory_space<hbm>> -> memref<1x64xf32, #tpu.memory_space<hbm>>
      tpu.enqueue_dma source(%dma_start3A_174 : memref<1x64xf32, #tpu.memory_space<hbm>>) target(%dma_start3A_171 : memref<1x64xf32, #tpu.memory_space<vmem>>) target_semaphore(%arg16 : memref<!tpu.dma_semaphore, #tpu.memory_space<semaphore_mem>>)
      %slice3A_175 = vector.extract_strided_slice %get3A_22 {offsets = [5], sizes = [1], strides = [1]} : vector<16xi32> to vector<1xi32>
      %squeeze3A_176 = vector.extract %slice3A_175[0] : i32 from vector<1xi32>
      %slice3A_177 = vector.extract_strided_slice %get3A_26 {offsets = [5], sizes = [1], strides = [1]} : vector<16xi32> to vector<1xi32>
      %squeeze3A_178 = vector.extract %slice3A_177[0] : i32 from vector<1xi32>
      %dma_start3A_179 = arith.constant 0 : i32
      %dma_start3A_180 = arith.constant 5 : i32
      %dma_start3A_181 = arith.constant 0 : i32
      %dma_start3A_182 = tpu.memref_slice %arg11[%dma_start3A_180, %dma_start3A_181] : memref<128x64xf32, #tpu.memory_space<vmem>> -> memref<1x64xf32, #tpu.memory_space<vmem>>
      %dma_start3A_183 = arith.constant 0 : i32
      %dma_start3A_184 = tpu.memref_slice %arg5[%dma_start3A_179, %squeeze3A_176, %dma_start3A_183] : memref<1x1000000x64xf32, #tpu.memory_space<hbm>> -> memref<1x1x64xf32, #tpu.memory_space<hbm>>
      %dma_start3A_185 = tpu.memref_squeeze %dma_start3A_184 : memref<1x1x64xf32, #tpu.memory_space<hbm>> -> memref<1x64xf32, #tpu.memory_space<hbm>>
      %dma_start3A_186 = arith.constant 5 : i32
      %dma_start3A_187 = arith.constant 0 : i32
      %dma_start3A_188 = tpu.memref_slice %arg11[%dma_start3A_186, %dma_start3A_187] : memref<128x64xf32, #tpu.memory_space<vmem>> -> memref<1x64xf32, #tpu.memory_space<vmem>>
      %dma_start3A_189 = arith.constant 0 : i32
      %dma_start3A_190 = tpu.memref_slice %arg5[%dma_start3A_179, %squeeze3A_176, %dma_start3A_189] : memref<1x1000000x64xf32, #tpu.memory_space<hbm>> -> memref<1x1x64xf32, #tpu.memory_space<hbm>>
      %dma_start3A_191 = tpu.memref_squeeze %dma_start3A_190 : memref<1x1x64xf32, #tpu.memory_space<hbm>> -> memref<1x64xf32, #tpu.memory_space<hbm>>
      tpu.enqueue_dma source(%dma_start3A_191 : memref<1x64xf32, #tpu.memory_space<hbm>>) target(%dma_start3A_188 : memref<1x64xf32, #tpu.memory_space<vmem>>) target_semaphore(%arg16 : memref<!tpu.dma_semaphore, #tpu.memory_space<semaphore_mem>>)
      %dma_start3A_192 = arith.constant 0 : i32
      %dma_start3A_193 = arith.constant 5 : i32
      %dma_start3A_194 = arith.constant 0 : i32
      %dma_start3A_195 = tpu.memref_slice %arg13[%dma_start3A_193, %dma_start3A_194] : memref<128x64xf32, #tpu.memory_space<vmem>> -> memref<1x64xf32, #tpu.memory_space<vmem>>
      %dma_start3A_196 = arith.constant 0 : i32
      %dma_start3A_197 = tpu.memref_slice %arg5[%dma_start3A_192, %squeeze3A_178, %dma_start3A_196] : memref<1x1000000x64xf32, #tpu.memory_space<hbm>> -> memref<1x1x64xf32, #tpu.memory_space<hbm>>
      %dma_start3A_198 = tpu.memref_squeeze %dma_start3A_197 : memref<1x1x64xf32, #tpu.memory_space<hbm>> -> memref<1x64xf32, #tpu.memory_space<hbm>>
      %dma_start3A_199 = arith.constant 5 : i32
      %dma_start3A_200 = arith.constant 0 : i32
      %dma_start3A_201 = tpu.memref_slice %arg13[%dma_start3A_199, %dma_start3A_200] : memref<128x64xf32, #tpu.memory_space<vmem>> -> memref<1x64xf32, #tpu.memory_space<vmem>>
      %dma_start3A_202 = arith.constant 0 : i32
      %dma_start3A_203 = tpu.memref_slice %arg5[%dma_start3A_192, %squeeze3A_178, %dma_start3A_202] : memref<1x1000000x64xf32, #tpu.memory_space<hbm>> -> memref<1x1x64xf32, #tpu.memory_space<hbm>>
      %dma_start3A_204 = tpu.memref_squeeze %dma_start3A_203 : memref<1x1x64xf32, #tpu.memory_space<hbm>> -> memref<1x64xf32, #tpu.memory_space<hbm>>
      tpu.enqueue_dma source(%dma_start3A_204 : memref<1x64xf32, #tpu.memory_space<hbm>>) target(%dma_start3A_201 : memref<1x64xf32, #tpu.memory_space<vmem>>) target_semaphore(%arg16 : memref<!tpu.dma_semaphore, #tpu.memory_space<semaphore_mem>>)
      %slice3A_205 = vector.extract_strided_slice %get3A_22 {offsets = [6], sizes = [1], strides = [1]} : vector<16xi32> to vector<1xi32>
      %squeeze3A_206 = vector.extract %slice3A_205[0] : i32 from vector<1xi32>
      %slice3A_207 = vector.extract_strided_slice %get3A_26 {offsets = [6], sizes = [1], strides = [1]} : vector<16xi32> to vector<1xi32>
      %squeeze3A_208 = vector.extract %slice3A_207[0] : i32 from vector<1xi32>
      %dma_start3A_209 = arith.constant 0 : i32
      %dma_start3A_210 = arith.constant 6 : i32
      %dma_start3A_211 = arith.constant 0 : i32
      %dma_start3A_212 = tpu.memref_slice %arg11[%dma_start3A_210, %dma_start3A_211] : memref<128x64xf32, #tpu.memory_space<vmem>> -> memref<1x64xf32, #tpu.memory_space<vmem>>
      %dma_start3A_213 = arith.constant 0 : i32
      %dma_start3A_214 = tpu.memref_slice %arg5[%dma_start3A_209, %squeeze3A_206, %dma_start3A_213] : memref<1x1000000x64xf32, #tpu.memory_space<hbm>> -> memref<1x1x64xf32, #tpu.memory_space<hbm>>
      %dma_start3A_215 = tpu.memref_squeeze %dma_start3A_214 : memref<1x1x64xf32, #tpu.memory_space<hbm>> -> memref<1x64xf32, #tpu.memory_space<hbm>>
      %dma_start3A_216 = arith.constant 6 : i32
      %dma_start3A_217 = arith.constant 0 : i32
      %dma_start3A_218 = tpu.memref_slice %arg11[%dma_start3A_216, %dma_start3A_217] : memref<128x64xf32, #tpu.memory_space<vmem>> -> memref<1x64xf32, #tpu.memory_space<vmem>>
      %dma_start3A_219 = arith.constant 0 : i32
      %dma_start3A_220 = tpu.memref_slice %arg5[%dma_start3A_209, %squeeze3A_206, %dma_start3A_219] : memref<1x1000000x64xf32, #tpu.memory_space<hbm>> -> memref<1x1x64xf32, #tpu.memory_space<hbm>>
      %dma_start3A_221 = tpu.memref_squeeze %dma_start3A_220 : memref<1x1x64xf32, #tpu.memory_space<hbm>> -> memref<1x64xf32, #tpu.memory_space<hbm>>
      tpu.enqueue_dma source(%dma_start3A_221 : memref<1x64xf32, #tpu.memory_space<hbm>>) target(%dma_start3A_218 : memref<1x64xf32, #tpu.memory_space<vmem>>) target_semaphore(%arg16 : memref<!tpu.dma_semaphore, #tpu.memory_space<semaphore_mem>>)
      %dma_start3A_222 = arith.constant 0 : i32
      %dma_start3A_223 = arith.constant 6 : i32
      %dma_start3A_224 = arith.constant 0 : i32
      %dma_start3A_225 = tpu.memref_slice %arg13[%dma_start3A_223, %dma_start3A_224] : memref<128x64xf32, #tpu.memory_space<vmem>> -> memref<1x64xf32, #tpu.memory_space<vmem>>
      %dma_start3A_226 = arith.constant 0 : i32
      %dma_start3A_227 = tpu.memref_slice %arg5[%dma_start3A_222, %squeeze3A_208, %dma_start3A_226] : memref<1x1000000x64xf32, #tpu.memory_space<hbm>> -> memref<1x1x64xf32, #tpu.memory_space<hbm>>
      %dma_start3A_228 = tpu.memref_squeeze %dma_start3A_227 : memref<1x1x64xf32, #tpu.memory_space<hbm>> -> memref<1x64xf32, #tpu.memory_space<hbm>>
      %dma_start3A_229 = arith.constant 6 : i32
      %dma_start3A_230 = arith.constant 0 : i32
      %dma_start3A_231 = tpu.memref_slice %arg13[%dma_start3A_229, %dma_start3A_230] : memref<128x64xf32, #tpu.memory_space<vmem>> -> memref<1x64xf32, #tpu.memory_space<vmem>>
      %dma_start3A_232 = arith.constant 0 : i32
      %dma_start3A_233 = tpu.memref_slice %arg5[%dma_start3A_222, %squeeze3A_208, %dma_start3A_232] : memref<1x1000000x64xf32, #tpu.memory_space<hbm>> -> memref<1x1x64xf32, #tpu.memory_space<hbm>>
      %dma_start3A_234 = tpu.memref_squeeze %dma_start3A_233 : memref<1x1x64xf32, #tpu.memory_space<hbm>> -> memref<1x64xf32, #tpu.memory_space<hbm>>
      tpu.enqueue_dma source(%dma_start3A_234 : memref<1x64xf32, #tpu.memory_space<hbm>>) target(%dma_start3A_231 : memref<1x64xf32, #tpu.memory_space<vmem>>) target_semaphore(%arg16 : memref<!tpu.dma_semaphore, #tpu.memory_space<semaphore_mem>>)
      %slice3A_235 = vector.extract_strided_slice %get3A_22 {offsets = [7], sizes = [1], strides = [1]} : vector<16xi32> to vector<1xi32>
      %squeeze3A_236 = vector.extract %slice3A_235[0] : i32 from vector<1xi32>
      %slice3A_237 = vector.extract_strided_slice %get3A_26 {offsets = [7], sizes = [1], strides = [1]} : vector<16xi32> to vector<1xi32>
      %squeeze3A_238 = vector.extract %slice3A_237[0] : i32 from vector<1xi32>
      %dma_start3A_239 = arith.constant 0 : i32
      %dma_start3A_240 = arith.constant 7 : i32
      %dma_start3A_241 = arith.constant 0 : i32
      %dma_start3A_242 = tpu.memref_slice %arg11[%dma_start3A_240, %dma_start3A_241] : memref<128x64xf32, #tpu.memory_space<vmem>> -> memref<1x64xf32, #tpu.memory_space<vmem>>
      %dma_start3A_243 = arith.constant 0 : i32
      %dma_start3A_244 = tpu.memref_slice %arg5[%dma_start3A_239, %squeeze3A_236, %dma_start3A_243] : memref<1x1000000x64xf32, #tpu.memory_space<hbm>> -> memref<1x1x64xf32, #tpu.memory_space<hbm>>
      %dma_start3A_245 = tpu.memref_squeeze %dma_start3A_244 : memref<1x1x64xf32, #tpu.memory_space<hbm>> -> memref<1x64xf32, #tpu.memory_space<hbm>>
      %dma_start3A_246 = arith.constant 7 : i32
      %dma_start3A_247 = arith.constant 0 : i32
      %dma_start3A_248 = tpu.memref_slice %arg11[%dma_start3A_246, %dma_start3A_247] : memref<128x64xf32, #tpu.memory_space<vmem>> -> memref<1x64xf32, #tpu.memory_space<vmem>>
      %dma_start3A_249 = arith.constant 0 : i32
      %dma_start3A_250 = tpu.memref_slice %arg5[%dma_start3A_239, %squeeze3A_236, %dma_start3A_249] : memref<1x1000000x64xf32, #tpu.memory_space<hbm>> -> memref<1x1x64xf32, #tpu.memory_space<hbm>>
      %dma_start3A_251 = tpu.memref_squeeze %dma_start3A_250 : memref<1x1x64xf32, #tpu.memory_space<hbm>> -> memref<1x64xf32, #tpu.memory_space<hbm>>
      tpu.enqueue_dma source(%dma_start3A_251 : memref<1x64xf32, #tpu.memory_space<hbm>>) target(%dma_start3A_248 : memref<1x64xf32, #tpu.memory_space<vmem>>) target_semaphore(%arg16 : memref<!tpu.dma_semaphore, #tpu.memory_space<semaphore_mem>>)
      %dma_start3A_252 = arith.constant 0 : i32
      %dma_start3A_253 = arith.constant 7 : i32
      %dma_start3A_254 = arith.constant 0 : i32
      %dma_start3A_255 = tpu.memref_slice %arg13[%dma_start3A_253, %dma_start3A_254] : memref<128x64xf32, #tpu.memory_space<vmem>> -> memref<1x64xf32, #tpu.memory_space<vmem>>
      %dma_start3A_256 = arith.constant 0 : i32
      %dma_start3A_257 = tpu.memref_slice %arg5[%dma_start3A_252, %squeeze3A_238, %dma_start3A_256] : memref<1x1000000x64xf32, #tpu.memory_space<hbm>> -> memref<1x1x64xf32, #tpu.memory_space<hbm>>
      %dma_start3A_258 = tpu.memref_squeeze %dma_start3A_257 : memref<1x1x64xf32, #tpu.memory_space<hbm>> -> memref<1x64xf32, #tpu.memory_space<hbm>>
      %dma_start3A_259 = arith.constant 7 : i32
      %dma_start3A_260 = arith.constant 0 : i32
      %dma_start3A_261 = tpu.memref_slice %arg13[%dma_start3A_259, %dma_start3A_260] : memref<128x64xf32, #tpu.memory_space<vmem>> -> memref<1x64xf32, #tpu.memory_space<vmem>>
      %dma_start3A_262 = arith.constant 0 : i32
      %dma_start3A_263 = tpu.memref_slice %arg5[%dma_start3A_252, %squeeze3A_238, %dma_start3A_262] : memref<1x1000000x64xf32, #tpu.memory_space<hbm>> -> memref<1x1x64xf32, #tpu.memory_space<hbm>>
      %dma_start3A_264 = tpu.memref_squeeze %dma_start3A_263 : memref<1x1x64xf32, #tpu.memory_space<hbm>> -> memref<1x64xf32, #tpu.memory_space<hbm>>
      tpu.enqueue_dma source(%dma_start3A_264 : memref<1x64xf32, #tpu.memory_space<hbm>>) target(%dma_start3A_261 : memref<1x64xf32, #tpu.memory_space<vmem>>) target_semaphore(%arg16 : memref<!tpu.dma_semaphore, #tpu.memory_space<semaphore_mem>>)
      %slice3A_265 = vector.extract_strided_slice %get3A_22 {offsets = [8], sizes = [1], strides = [1]} : vector<16xi32> to vector<1xi32>
      %squeeze3A_266 = vector.extract %slice3A_265[0] : i32 from vector<1xi32>
      %slice3A_267 = vector.extract_strided_slice %get3A_26 {offsets = [8], sizes = [1], strides = [1]} : vector<16xi32> to vector<1xi32>
      %squeeze3A_268 = vector.extract %slice3A_267[0] : i32 from vector<1xi32>
      %dma_start3A_269 = arith.constant 0 : i32
      %dma_start3A_270 = arith.constant 8 : i32
      %dma_start3A_271 = arith.constant 0 : i32
      %dma_start3A_272 = tpu.memref_slice %arg11[%dma_start3A_270, %dma_start3A_271] : memref<128x64xf32, #tpu.memory_space<vmem>> -> memref<1x64xf32, #tpu.memory_space<vmem>>
      %dma_start3A_273 = arith.constant 0 : i32
      %dma_start3A_274 = tpu.memref_slice %arg5[%dma_start3A_269, %squeeze3A_266, %dma_start3A_273] : memref<1x1000000x64xf32, #tpu.memory_space<hbm>> -> memref<1x1x64xf32, #tpu.memory_space<hbm>>
      %dma_start3A_275 = tpu.memref_squeeze %dma_start3A_274 : memref<1x1x64xf32, #tpu.memory_space<hbm>> -> memref<1x64xf32, #tpu.memory_space<hbm>>
      %dma_start3A_276 = arith.constant 8 : i32
      %dma_start3A_277 = arith.constant 0 : i32
      %dma_start3A_278 = tpu.memref_slice %arg11[%dma_start3A_276, %dma_start3A_277] : memref<128x64xf32, #tpu.memory_space<vmem>> -> memref<1x64xf32, #tpu.memory_space<vmem>>
      %dma_start3A_279 = arith.constant 0 : i32
      %dma_start3A_280 = tpu.memref_slice %arg5[%dma_start3A_269, %squeeze3A_266, %dma_start3A_279] : memref<1x1000000x64xf32, #tpu.memory_space<hbm>> -> memref<1x1x64xf32, #tpu.memory_space<hbm>>
      %dma_start3A_281 = tpu.memref_squeeze %dma_start3A_280 : memref<1x1x64xf32, #tpu.memory_space<hbm>> -> memref<1x64xf32, #tpu.memory_space<hbm>>
      tpu.enqueue_dma source(%dma_start3A_281 : memref<1x64xf32, #tpu.memory_space<hbm>>) target(%dma_start3A_278 : memref<1x64xf32, #tpu.memory_space<vmem>>) target_semaphore(%arg16 : memref<!tpu.dma_semaphore, #tpu.memory_space<semaphore_mem>>)
      %dma_start3A_282 = arith.constant 0 : i32
      %dma_start3A_283 = arith.constant 8 : i32
      %dma_start3A_284 = arith.constant 0 : i32
      %dma_start3A_285 = tpu.memref_slice %arg13[%dma_start3A_283, %dma_start3A_284] : memref<128x64xf32, #tpu.memory_space<vmem>> -> memref<1x64xf32, #tpu.memory_space<vmem>>
      %dma_start3A_286 = arith.constant 0 : i32
      %dma_start3A_287 = tpu.memref_slice %arg5[%dma_start3A_282, %squeeze3A_268, %dma_start3A_286] : memref<1x1000000x64xf32, #tpu.memory_space<hbm>> -> memref<1x1x64xf32, #tpu.memory_space<hbm>>
      %dma_start3A_288 = tpu.memref_squeeze %dma_start3A_287 : memref<1x1x64xf32, #tpu.memory_space<hbm>> -> memref<1x64xf32, #tpu.memory_space<hbm>>
      %dma_start3A_289 = arith.constant 8 : i32
      %dma_start3A_290 = arith.constant 0 : i32
      %dma_start3A_291 = tpu.memref_slice %arg13[%dma_start3A_289, %dma_start3A_290] : memref<128x64xf32, #tpu.memory_space<vmem>> -> memref<1x64xf32, #tpu.memory_space<vmem>>
      %dma_start3A_292 = arith.constant 0 : i32
      %dma_start3A_293 = tpu.memref_slice %arg5[%dma_start3A_282, %squeeze3A_268, %dma_start3A_292] : memref<1x1000000x64xf32, #tpu.memory_space<hbm>> -> memref<1x1x64xf32, #tpu.memory_space<hbm>>
      %dma_start3A_294 = tpu.memref_squeeze %dma_start3A_293 : memref<1x1x64xf32, #tpu.memory_space<hbm>> -> memref<1x64xf32, #tpu.memory_space<hbm>>
      tpu.enqueue_dma source(%dma_start3A_294 : memref<1x64xf32, #tpu.memory_space<hbm>>) target(%dma_start3A_291 : memref<1x64xf32, #tpu.memory_space<vmem>>) target_semaphore(%arg16 : memref<!tpu.dma_semaphore, #tpu.memory_space<semaphore_mem>>)
      %slice3A_295 = vector.extract_strided_slice %get3A_22 {offsets = [9], sizes = [1], strides = [1]} : vector<16xi32> to vector<1xi32>
      %squeeze3A_296 = vector.extract %slice3A_295[0] : i32 from vector<1xi32>
      %slice3A_297 = vector.extract_strided_slice %get3A_26 {offsets = [9], sizes = [1], strides = [1]} : vector<16xi32> to vector<1xi32>
      %squeeze3A_298 = vector.extract %slice3A_297[0] : i32 from vector<1xi32>
      %dma_start3A_299 = arith.constant 0 : i32
      %dma_start3A_300 = arith.constant 9 : i32
      %dma_start3A_301 = arith.constant 0 : i32
      %dma_start3A_302 = tpu.memref_slice %arg11[%dma_start3A_300, %dma_start3A_301] : memref<128x64xf32, #tpu.memory_space<vmem>> -> memref<1x64xf32, #tpu.memory_space<vmem>>
      %dma_start3A_303 = arith.constant 0 : i32
      %dma_start3A_304 = tpu.memref_slice %arg5[%dma_start3A_299, %squeeze3A_296, %dma_start3A_303] : memref<1x1000000x64xf32, #tpu.memory_space<hbm>> -> memref<1x1x64xf32, #tpu.memory_space<hbm>>
      %dma_start3A_305 = tpu.memref_squeeze %dma_start3A_304 : memref<1x1x64xf32, #tpu.memory_space<hbm>> -> memref<1x64xf32, #tpu.memory_space<hbm>>
      %dma_start3A_306 = arith.constant 9 : i32
      %dma_start3A_307 = arith.constant 0 : i32
      %dma_start3A_308 = tpu.memref_slice %arg11[%dma_start3A_306, %dma_start3A_307] : memref<128x64xf32, #tpu.memory_space<vmem>> -> memref<1x64xf32, #tpu.memory_space<vmem>>
      %dma_start3A_309 = arith.constant 0 : i32
      %dma_start3A_310 = tpu.memref_slice %arg5[%dma_start3A_299, %squeeze3A_296, %dma_start3A_309] : memref<1x1000000x64xf32, #tpu.memory_space<hbm>> -> memref<1x1x64xf32, #tpu.memory_space<hbm>>
      %dma_start3A_311 = tpu.memref_squeeze %dma_start3A_310 : memref<1x1x64xf32, #tpu.memory_space<hbm>> -> memref<1x64xf32, #tpu.memory_space<hbm>>
      tpu.enqueue_dma source(%dma_start3A_311 : memref<1x64xf32, #tpu.memory_space<hbm>>) target(%dma_start3A_308 : memref<1x64xf32, #tpu.memory_space<vmem>>) target_semaphore(%arg16 : memref<!tpu.dma_semaphore, #tpu.memory_space<semaphore_mem>>)
      %dma_start3A_312 = arith.constant 0 : i32
      %dma_start3A_313 = arith.constant 9 : i32
      %dma_start3A_314 = arith.constant 0 : i32
      %dma_start3A_315 = tpu.memref_slice %arg13[%dma_start3A_313, %dma_start3A_314] : memref<128x64xf32, #tpu.memory_space<vmem>> -> memref<1x64xf32, #tpu.memory_space<vmem>>
      %dma_start3A_316 = arith.constant 0 : i32
      %dma_start3A_317 = tpu.memref_slice %arg5[%dma_start3A_312, %squeeze3A_298, %dma_start3A_316] : memref<1x1000000x64xf32, #tpu.memory_space<hbm>> -> memref<1x1x64xf32, #tpu.memory_space<hbm>>
      %dma_start3A_318 = tpu.memref_squeeze %dma_start3A_317 : memref<1x1x64xf32, #tpu.memory_space<hbm>> -> memref<1x64xf32, #tpu.memory_space<hbm>>
      %dma_start3A_319 = arith.constant 9 : i32
      %dma_start3A_320 = arith.constant 0 : i32
      %dma_start3A_321 = tpu.memref_slice %arg13[%dma_start3A_319, %dma_start3A_320] : memref<128x64xf32, #tpu.memory_space<vmem>> -> memref<1x64xf32, #tpu.memory_space<vmem>>
      %dma_start3A_322 = arith.constant 0 : i32
      %dma_start3A_323 = tpu.memref_slice %arg5[%dma_start3A_312, %squeeze3A_298, %dma_start3A_322] : memref<1x1000000x64xf32, #tpu.memory_space<hbm>> -> memref<1x1x64xf32, #tpu.memory_space<hbm>>
      %dma_start3A_324 = tpu.memref_squeeze %dma_start3A_323 : memref<1x1x64xf32, #tpu.memory_space<hbm>> -> memref<1x64xf32, #tpu.memory_space<hbm>>
      tpu.enqueue_dma source(%dma_start3A_324 : memref<1x64xf32, #tpu.memory_space<hbm>>) target(%dma_start3A_321 : memref<1x64xf32, #tpu.memory_space<vmem>>) target_semaphore(%arg16 : memref<!tpu.dma_semaphore, #tpu.memory_space<semaphore_mem>>)
      %slice3A_325 = vector.extract_strided_slice %get3A_22 {offsets = [10], sizes = [1], strides = [1]} : vector<16xi32> to vector<1xi32>
      %squeeze3A_326 = vector.extract %slice3A_325[0] : i32 from vector<1xi32>
      %slice3A_327 = vector.extract_strided_slice %get3A_26 {offsets = [10], sizes = [1], strides = [1]} : vector<16xi32> to vector<1xi32>
      %squeeze3A_328 = vector.extract %slice3A_327[0] : i32 from vector<1xi32>
      %dma_start3A_329 = arith.constant 0 : i32
      %dma_start3A_330 = arith.constant 10 : i32
      %dma_start3A_331 = arith.constant 0 : i32
      %dma_start3A_332 = tpu.memref_slice %arg11[%dma_start3A_330, %dma_start3A_331] : memref<128x64xf32, #tpu.memory_space<vmem>> -> memref<1x64xf32, #tpu.memory_space<vmem>>
      %dma_start3A_333 = arith.constant 0 : i32
      %dma_start3A_334 = tpu.memref_slice %arg5[%dma_start3A_329, %squeeze3A_326, %dma_start3A_333] : memref<1x1000000x64xf32, #tpu.memory_space<hbm>> -> memref<1x1x64xf32, #tpu.memory_space<hbm>>
      %dma_start3A_335 = tpu.memref_squeeze %dma_start3A_334 : memref<1x1x64xf32, #tpu.memory_space<hbm>> -> memref<1x64xf32, #tpu.memory_space<hbm>>
      %dma_start3A_336 = arith.constant 10 : i32
      %dma_start3A_337 = arith.constant 0 : i32
      %dma_start3A_338 = tpu.memref_slice %arg11[%dma_start3A_336, %dma_start3A_337] : memref<128x64xf32, #tpu.memory_space<vmem>> -> memref<1x64xf32, #tpu.memory_space<vmem>>
      %dma_start3A_339 = arith.constant 0 : i32
      %dma_start3A_340 = tpu.memref_slice %arg5[%dma_start3A_329, %squeeze3A_326, %dma_start3A_339] : memref<1x1000000x64xf32, #tpu.memory_space<hbm>> -> memref<1x1x64xf32, #tpu.memory_space<hbm>>
      %dma_start3A_341 = tpu.memref_squeeze %dma_start3A_340 : memref<1x1x64xf32, #tpu.memory_space<hbm>> -> memref<1x64xf32, #tpu.memory_space<hbm>>
      tpu.enqueue_dma source(%dma_start3A_341 : memref<1x64xf32, #tpu.memory_space<hbm>>) target(%dma_start3A_338 : memref<1x64xf32, #tpu.memory_space<vmem>>) target_semaphore(%arg16 : memref<!tpu.dma_semaphore, #tpu.memory_space<semaphore_mem>>)
      %dma_start3A_342 = arith.constant 0 : i32
      %dma_start3A_343 = arith.constant 10 : i32
      %dma_start3A_344 = arith.constant 0 : i32
      %dma_start3A_345 = tpu.memref_slice %arg13[%dma_start3A_343, %dma_start3A_344] : memref<128x64xf32, #tpu.memory_space<vmem>> -> memref<1x64xf32, #tpu.memory_space<vmem>>
      %dma_start3A_346 = arith.constant 0 : i32
      %dma_start3A_347 = tpu.memref_slice %arg5[%dma_start3A_342, %squeeze3A_328, %dma_start3A_346] : memref<1x1000000x64xf32, #tpu.memory_space<hbm>> -> memref<1x1x64xf32, #tpu.memory_space<hbm>>
      %dma_start3A_348 = tpu.memref_squeeze %dma_start3A_347 : memref<1x1x64xf32, #tpu.memory_space<hbm>> -> memref<1x64xf32, #tpu.memory_space<hbm>>
      %dma_start3A_349 = arith.constant 10 : i32
      %dma_start3A_350 = arith.constant 0 : i32
      %dma_start3A_351 = tpu.memref_slice %arg13[%dma_start3A_349, %dma_start3A_350] : memref<128x64xf32, #tpu.memory_space<vmem>> -> memref<1x64xf32, #tpu.memory_space<vmem>>
      %dma_start3A_352 = arith.constant 0 : i32
      %dma_start3A_353 = tpu.memref_slice %arg5[%dma_start3A_342, %squeeze3A_328, %dma_start3A_352] : memref<1x1000000x64xf32, #tpu.memory_space<hbm>> -> memref<1x1x64xf32, #tpu.memory_space<hbm>>
      %dma_start3A_354 = tpu.memref_squeeze %dma_start3A_353 : memref<1x1x64xf32, #tpu.memory_space<hbm>> -> memref<1x64xf32, #tpu.memory_space<hbm>>
      tpu.enqueue_dma source(%dma_start3A_354 : memref<1x64xf32, #tpu.memory_space<hbm>>) target(%dma_start3A_351 : memref<1x64xf32, #tpu.memory_space<vmem>>) target_semaphore(%arg16 : memref<!tpu.dma_semaphore, #tpu.memory_space<semaphore_mem>>)
      %slice3A_355 = vector.extract_strided_slice %get3A_22 {offsets = [11], sizes = [1], strides = [1]} : vector<16xi32> to vector<1xi32>
      %squeeze3A_356 = vector.extract %slice3A_355[0] : i32 from vector<1xi32>
      %slice3A_357 = vector.extract_strided_slice %get3A_26 {offsets = [11], sizes = [1], strides = [1]} : vector<16xi32> to vector<1xi32>
      %squeeze3A_358 = vector.extract %slice3A_357[0] : i32 from vector<1xi32>
      %dma_start3A_359 = arith.constant 0 : i32
      %dma_start3A_360 = arith.constant 11 : i32
      %dma_start3A_361 = arith.constant 0 : i32
      %dma_start3A_362 = tpu.memref_slice %arg11[%dma_start3A_360, %dma_start3A_361] : memref<128x64xf32, #tpu.memory_space<vmem>> -> memref<1x64xf32, #tpu.memory_space<vmem>>
      %dma_start3A_363 = arith.constant 0 : i32
      %dma_start3A_364 = tpu.memref_slice %arg5[%dma_start3A_359, %squeeze3A_356, %dma_start3A_363] : memref<1x1000000x64xf32, #tpu.memory_space<hbm>> -> memref<1x1x64xf32, #tpu.memory_space<hbm>>
      %dma_start3A_365 = tpu.memref_squeeze %dma_start3A_364 : memref<1x1x64xf32, #tpu.memory_space<hbm>> -> memref<1x64xf32, #tpu.memory_space<hbm>>
      %dma_start3A_366 = arith.constant 11 : i32
      %dma_start3A_367 = arith.constant 0 : i32
      %dma_start3A_368 = tpu.memref_slice %arg11[%dma_start3A_366, %dma_start3A_367] : memref<128x64xf32, #tpu.memory_space<vmem>> -> memref<1x64xf32, #tpu.memory_space<vmem>>
      %dma_start3A_369 = arith.constant 0 : i32
      %dma_start3A_370 = tpu.memref_slice %arg5[%dma_start3A_359, %squeeze3A_356, %dma_start3A_369] : memref<1x1000000x64xf32, #tpu.memory_space<hbm>> -> memref<1x1x64xf32, #tpu.memory_space<hbm>>
      %dma_start3A_371 = tpu.memref_squeeze %dma_start3A_370 : memref<1x1x64xf32, #tpu.memory_space<hbm>> -> memref<1x64xf32, #tpu.memory_space<hbm>>
      tpu.enqueue_dma source(%dma_start3A_371 : memref<1x64xf32, #tpu.memory_space<hbm>>) target(%dma_start3A_368 : memref<1x64xf32, #tpu.memory_space<vmem>>) target_semaphore(%arg16 : memref<!tpu.dma_semaphore, #tpu.memory_space<semaphore_mem>>)
      %dma_start3A_372 = arith.constant 0 : i32
      %dma_start3A_373 = arith.constant 11 : i32
      %dma_start3A_374 = arith.constant 0 : i32
      %dma_start3A_375 = tpu.memref_slice %arg13[%dma_start3A_373, %dma_start3A_374] : memref<128x64xf32, #tpu.memory_space<vmem>> -> memref<1x64xf32, #tpu.memory_space<vmem>>
      %dma_start3A_376 = arith.constant 0 : i32
      %dma_start3A_377 = tpu.memref_slice %arg5[%dma_start3A_372, %squeeze3A_358, %dma_start3A_376] : memref<1x1000000x64xf32, #tpu.memory_space<hbm>> -> memref<1x1x64xf32, #tpu.memory_space<hbm>>
      %dma_start3A_378 = tpu.memref_squeeze %dma_start3A_377 : memref<1x1x64xf32, #tpu.memory_space<hbm>> -> memref<1x64xf32, #tpu.memory_space<hbm>>
      %dma_start3A_379 = arith.constant 11 : i32
      %dma_start3A_380 = arith.constant 0 : i32
      %dma_start3A_381 = tpu.memref_slice %arg13[%dma_start3A_379, %dma_start3A_380] : memref<128x64xf32, #tpu.memory_space<vmem>> -> memref<1x64xf32, #tpu.memory_space<vmem>>
      %dma_start3A_382 = arith.constant 0 : i32
      %dma_start3A_383 = tpu.memref_slice %arg5[%dma_start3A_372, %squeeze3A_358, %dma_start3A_382] : memref<1x1000000x64xf32, #tpu.memory_space<hbm>> -> memref<1x1x64xf32, #tpu.memory_space<hbm>>
      %dma_start3A_384 = tpu.memref_squeeze %dma_start3A_383 : memref<1x1x64xf32, #tpu.memory_space<hbm>> -> memref<1x64xf32, #tpu.memory_space<hbm>>
      tpu.enqueue_dma source(%dma_start3A_384 : memref<1x64xf32, #tpu.memory_space<hbm>>) target(%dma_start3A_381 : memref<1x64xf32, #tpu.memory_space<vmem>>) target_semaphore(%arg16 : memref<!tpu.dma_semaphore, #tpu.memory_space<semaphore_mem>>)
      %slice3A_385 = vector.extract_strided_slice %get3A_22 {offsets = [12], sizes = [1], strides = [1]} : vector<16xi32> to vector<1xi32>
      %squeeze3A_386 = vector.extract %slice3A_385[0] : i32 from vector<1xi32>
      %slice3A_387 = vector.extract_strided_slice %get3A_26 {offsets = [12], sizes = [1], strides = [1]} : vector<16xi32> to vector<1xi32>
      %squeeze3A_388 = vector.extract %slice3A_387[0] : i32 from vector<1xi32>
      %dma_start3A_389 = arith.constant 0 : i32
      %dma_start3A_390 = arith.constant 12 : i32
      %dma_start3A_391 = arith.constant 0 : i32
      %dma_start3A_392 = tpu.memref_slice %arg11[%dma_start3A_390, %dma_start3A_391] : memref<128x64xf32, #tpu.memory_space<vmem>> -> memref<1x64xf32, #tpu.memory_space<vmem>>
      %dma_start3A_393 = arith.constant 0 : i32
      %dma_start3A_394 = tpu.memref_slice %arg5[%dma_start3A_389, %squeeze3A_386, %dma_start3A_393] : memref<1x1000000x64xf32, #tpu.memory_space<hbm>> -> memref<1x1x64xf32, #tpu.memory_space<hbm>>
      %dma_start3A_395 = tpu.memref_squeeze %dma_start3A_394 : memref<1x1x64xf32, #tpu.memory_space<hbm>> -> memref<1x64xf32, #tpu.memory_space<hbm>>
      %dma_start3A_396 = arith.constant 12 : i32
      %dma_start3A_397 = arith.constant 0 : i32
      %dma_start3A_398 = tpu.memref_slice %arg11[%dma_start3A_396, %dma_start3A_397] : memref<128x64xf32, #tpu.memory_space<vmem>> -> memref<1x64xf32, #tpu.memory_space<vmem>>
      %dma_start3A_399 = arith.constant 0 : i32
      %dma_start3A_400 = tpu.memref_slice %arg5[%dma_start3A_389, %squeeze3A_386, %dma_start3A_399] : memref<1x1000000x64xf32, #tpu.memory_space<hbm>> -> memref<1x1x64xf32, #tpu.memory_space<hbm>>
      %dma_start3A_401 = tpu.memref_squeeze %dma_start3A_400 : memref<1x1x64xf32, #tpu.memory_space<hbm>> -> memref<1x64xf32, #tpu.memory_space<hbm>>
      tpu.enqueue_dma source(%dma_start3A_401 : memref<1x64xf32, #tpu.memory_space<hbm>>) target(%dma_start3A_398 : memref<1x64xf32, #tpu.memory_space<vmem>>) target_semaphore(%arg16 : memref<!tpu.dma_semaphore, #tpu.memory_space<semaphore_mem>>)
      %dma_start3A_402 = arith.constant 0 : i32
      %dma_start3A_403 = arith.constant 12 : i32
      %dma_start3A_404 = arith.constant 0 : i32
      %dma_start3A_405 = tpu.memref_slice %arg13[%dma_start3A_403, %dma_start3A_404] : memref<128x64xf32, #tpu.memory_space<vmem>> -> memref<1x64xf32, #tpu.memory_space<vmem>>
      %dma_start3A_406 = arith.constant 0 : i32
      %dma_start3A_407 = tpu.memref_slice %arg5[%dma_start3A_402, %squeeze3A_388, %dma_start3A_406] : memref<1x1000000x64xf32, #tpu.memory_space<hbm>> -> memref<1x1x64xf32, #tpu.memory_space<hbm>>
      %dma_start3A_408 = tpu.memref_squeeze %dma_start3A_407 : memref<1x1x64xf32, #tpu.memory_space<hbm>> -> memref<1x64xf32, #tpu.memory_space<hbm>>
      %dma_start3A_409 = arith.constant 12 : i32
      %dma_start3A_410 = arith.constant 0 : i32
      %dma_start3A_411 = tpu.memref_slice %arg13[%dma_start3A_409, %dma_start3A_410] : memref<128x64xf32, #tpu.memory_space<vmem>> -> memref<1x64xf32, #tpu.memory_space<vmem>>
      %dma_start3A_412 = arith.constant 0 : i32
      %dma_start3A_413 = tpu.memref_slice %arg5[%dma_start3A_402, %squeeze3A_388, %dma_start3A_412] : memref<1x1000000x64xf32, #tpu.memory_space<hbm>> -> memref<1x1x64xf32, #tpu.memory_space<hbm>>
      %dma_start3A_414 = tpu.memref_squeeze %dma_start3A_413 : memref<1x1x64xf32, #tpu.memory_space<hbm>> -> memref<1x64xf32, #tpu.memory_space<hbm>>
      tpu.enqueue_dma source(%dma_start3A_414 : memref<1x64xf32, #tpu.memory_space<hbm>>) target(%dma_start3A_411 : memref<1x64xf32, #tpu.memory_space<vmem>>) target_semaphore(%arg16 : memref<!tpu.dma_semaphore, #tpu.memory_space<semaphore_mem>>)
      %slice3A_415 = vector.extract_strided_slice %get3A_22 {offsets = [13], sizes = [1], strides = [1]} : vector<16xi32> to vector<1xi32>
      %squeeze3A_416 = vector.extract %slice3A_415[0] : i32 from vector<1xi32>
      %slice3A_417 = vector.extract_strided_slice %get3A_26 {offsets = [13], sizes = [1], strides = [1]} : vector<16xi32> to vector<1xi32>
      %squeeze3A_418 = vector.extract %slice3A_417[0] : i32 from vector<1xi32>
      %dma_start3A_419 = arith.constant 0 : i32
      %dma_start3A_420 = arith.constant 13 : i32
      %dma_start3A_421 = arith.constant 0 : i32
      %dma_start3A_422 = tpu.memref_slice %arg11[%dma_start3A_420, %dma_start3A_421] : memref<128x64xf32, #tpu.memory_space<vmem>> -> memref<1x64xf32, #tpu.memory_space<vmem>>
      %dma_start3A_423 = arith.constant 0 : i32
      %dma_start3A_424 = tpu.memref_slice %arg5[%dma_start3A_419, %squeeze3A_416, %dma_start3A_423] : memref<1x1000000x64xf32, #tpu.memory_space<hbm>> -> memref<1x1x64xf32, #tpu.memory_space<hbm>>
      %dma_start3A_425 = tpu.memref_squeeze %dma_start3A_424 : memref<1x1x64xf32, #tpu.memory_space<hbm>> -> memref<1x64xf32, #tpu.memory_space<hbm>>
      %dma_start3A_426 = arith.constant 13 : i32
      %dma_start3A_427 = arith.constant 0 : i32
      %dma_start3A_428 = tpu.memref_slice %arg11[%dma_start3A_426, %dma_start3A_427] : memref<128x64xf32, #tpu.memory_space<vmem>> -> memref<1x64xf32, #tpu.memory_space<vmem>>
      %dma_start3A_429 = arith.constant 0 : i32
      %dma_start3A_430 = tpu.memref_slice %arg5[%dma_start3A_419, %squeeze3A_416, %dma_start3A_429] : memref<1x1000000x64xf32, #tpu.memory_space<hbm>> -> memref<1x1x64xf32, #tpu.memory_space<hbm>>
      %dma_start3A_431 = tpu.memref_squeeze %dma_start3A_430 : memref<1x1x64xf32, #tpu.memory_space<hbm>> -> memref<1x64xf32, #tpu.memory_space<hbm>>
      tpu.enqueue_dma source(%dma_start3A_431 : memref<1x64xf32, #tpu.memory_space<hbm>>) target(%dma_start3A_428 : memref<1x64xf32, #tpu.memory_space<vmem>>) target_semaphore(%arg16 : memref<!tpu.dma_semaphore, #tpu.memory_space<semaphore_mem>>)
      %dma_start3A_432 = arith.constant 0 : i32
      %dma_start3A_433 = arith.constant 13 : i32
      %dma_start3A_434 = arith.constant 0 : i32
      %dma_start3A_435 = tpu.memref_slice %arg13[%dma_start3A_433, %dma_start3A_434] : memref<128x64xf32, #tpu.memory_space<vmem>> -> memref<1x64xf32, #tpu.memory_space<vmem>>
      %dma_start3A_436 = arith.constant 0 : i32
      %dma_start3A_437 = tpu.memref_slice %arg5[%dma_start3A_432, %squeeze3A_418, %dma_start3A_436] : memref<1x1000000x64xf32, #tpu.memory_space<hbm>> -> memref<1x1x64xf32, #tpu.memory_space<hbm>>
      %dma_start3A_438 = tpu.memref_squeeze %dma_start3A_437 : memref<1x1x64xf32, #tpu.memory_space<hbm>> -> memref<1x64xf32, #tpu.memory_space<hbm>>
      %dma_start3A_439 = arith.constant 13 : i32
      %dma_start3A_440 = arith.constant 0 : i32
      %dma_start3A_441 = tpu.memref_slice %arg13[%dma_start3A_439, %dma_start3A_440] : memref<128x64xf32, #tpu.memory_space<vmem>> -> memref<1x64xf32, #tpu.memory_space<vmem>>
      %dma_start3A_442 = arith.constant 0 : i32
      %dma_start3A_443 = tpu.memref_slice %arg5[%dma_start3A_432, %squeeze3A_418, %dma_start3A_442] : memref<1x1000000x64xf32, #tpu.memory_space<hbm>> -> memref<1x1x64xf32, #tpu.memory_space<hbm>>
      %dma_start3A_444 = tpu.memref_squeeze %dma_start3A_443 : memref<1x1x64xf32, #tpu.memory_space<hbm>> -> memref<1x64xf32, #tpu.memory_space<hbm>>
      tpu.enqueue_dma source(%dma_start3A_444 : memref<1x64xf32, #tpu.memory_space<hbm>>) target(%dma_start3A_441 : memref<1x64xf32, #tpu.memory_space<vmem>>) target_semaphore(%arg16 : memref<!tpu.dma_semaphore, #tpu.memory_space<semaphore_mem>>)
      %slice3A_445 = vector.extract_strided_slice %get3A_22 {offsets = [14], sizes = [1], strides = [1]} : vector<16xi32> to vector<1xi32>
      %squeeze3A_446 = vector.extract %slice3A_445[0] : i32 from vector<1xi32>
      %slice3A_447 = vector.extract_strided_slice %get3A_26 {offsets = [14], sizes = [1], strides = [1]} : vector<16xi32> to vector<1xi32>
      %squeeze3A_448 = vector.extract %slice3A_447[0] : i32 from vector<1xi32>
      %dma_start3A_449 = arith.constant 0 : i32
      %dma_start3A_450 = arith.constant 14 : i32
      %dma_start3A_451 = arith.constant 0 : i32
      %dma_start3A_452 = tpu.memref_slice %arg11[%dma_start3A_450, %dma_start3A_451] : memref<128x64xf32, #tpu.memory_space<vmem>> -> memref<1x64xf32, #tpu.memory_space<vmem>>
      %dma_start3A_453 = arith.constant 0 : i32
      %dma_start3A_454 = tpu.memref_slice %arg5[%dma_start3A_449, %squeeze3A_446, %dma_start3A_453] : memref<1x1000000x64xf32, #tpu.memory_space<hbm>> -> memref<1x1x64xf32, #tpu.memory_space<hbm>>
      %dma_start3A_455 = tpu.memref_squeeze %dma_start3A_454 : memref<1x1x64xf32, #tpu.memory_space<hbm>> -> memref<1x64xf32, #tpu.memory_space<hbm>>
      %dma_start3A_456 = arith.constant 14 : i32
      %dma_start3A_457 = arith.constant 0 : i32
      %dma_start3A_458 = tpu.memref_slice %arg11[%dma_start3A_456, %dma_start3A_457] : memref<128x64xf32, #tpu.memory_space<vmem>> -> memref<1x64xf32, #tpu.memory_space<vmem>>
      %dma_start3A_459 = arith.constant 0 : i32
      %dma_start3A_460 = tpu.memref_slice %arg5[%dma_start3A_449, %squeeze3A_446, %dma_start3A_459] : memref<1x1000000x64xf32, #tpu.memory_space<hbm>> -> memref<1x1x64xf32, #tpu.memory_space<hbm>>
      %dma_start3A_461 = tpu.memref_squeeze %dma_start3A_460 : memref<1x1x64xf32, #tpu.memory_space<hbm>> -> memref<1x64xf32, #tpu.memory_space<hbm>>
      tpu.enqueue_dma source(%dma_start3A_461 : memref<1x64xf32, #tpu.memory_space<hbm>>) target(%dma_start3A_458 : memref<1x64xf32, #tpu.memory_space<vmem>>) target_semaphore(%arg16 : memref<!tpu.dma_semaphore, #tpu.memory_space<semaphore_mem>>)
      %dma_start3A_462 = arith.constant 0 : i32
      %dma_start3A_463 = arith.constant 14 : i32
      %dma_start3A_464 = arith.constant 0 : i32
      %dma_start3A_465 = tpu.memref_slice %arg13[%dma_start3A_463, %dma_start3A_464] : memref<128x64xf32, #tpu.memory_space<vmem>> -> memref<1x64xf32, #tpu.memory_space<vmem>>
      %dma_start3A_466 = arith.constant 0 : i32
      %dma_start3A_467 = tpu.memref_slice %arg5[%dma_start3A_462, %squeeze3A_448, %dma_start3A_466] : memref<1x1000000x64xf32, #tpu.memory_space<hbm>> -> memref<1x1x64xf32, #tpu.memory_space<hbm>>
      %dma_start3A_468 = tpu.memref_squeeze %dma_start3A_467 : memref<1x1x64xf32, #tpu.memory_space<hbm>> -> memref<1x64xf32, #tpu.memory_space<hbm>>
      %dma_start3A_469 = arith.constant 14 : i32
      %dma_start3A_470 = arith.constant 0 : i32
      %dma_start3A_471 = tpu.memref_slice %arg13[%dma_start3A_469, %dma_start3A_470] : memref<128x64xf32, #tpu.memory_space<vmem>> -> memref<1x64xf32, #tpu.memory_space<vmem>>
      %dma_start3A_472 = arith.constant 0 : i32
      %dma_start3A_473 = tpu.memref_slice %arg5[%dma_start3A_462, %squeeze3A_448, %dma_start3A_472] : memref<1x1000000x64xf32, #tpu.memory_space<hbm>> -> memref<1x1x64xf32, #tpu.memory_space<hbm>>
      %dma_start3A_474 = tpu.memref_squeeze %dma_start3A_473 : memref<1x1x64xf32, #tpu.memory_space<hbm>> -> memref<1x64xf32, #tpu.memory_space<hbm>>
      tpu.enqueue_dma source(%dma_start3A_474 : memref<1x64xf32, #tpu.memory_space<hbm>>) target(%dma_start3A_471 : memref<1x64xf32, #tpu.memory_space<vmem>>) target_semaphore(%arg16 : memref<!tpu.dma_semaphore, #tpu.memory_space<semaphore_mem>>)
      %slice3A_475 = vector.extract_strided_slice %get3A_22 {offsets = [15], sizes = [1], strides = [1]} : vector<16xi32> to vector<1xi32>
      %squeeze3A_476 = vector.extract %slice3A_475[0] : i32 from vector<1xi32>
      %slice3A_477 = vector.extract_strided_slice %get3A_26 {offsets = [15], sizes = [1], strides = [1]} : vector<16xi32> to vector<1xi32>
      %squeeze3A_478 = vector.extract %slice3A_477[0] : i32 from vector<1xi32>
      %dma_start3A_479 = arith.constant 0 : i32
      %dma_start3A_480 = arith.constant 15 : i32
      %dma_start3A_481 = arith.constant 0 : i32
      %dma_start3A_482 = tpu.memref_slice %arg11[%dma_start3A_480, %dma_start3A_481] : memref<128x64xf32, #tpu.memory_space<vmem>> -> memref<1x64xf32, #tpu.memory_space<vmem>>
      %dma_start3A_483 = arith.constant 0 : i32
      %dma_start3A_484 = tpu.memref_slice %arg5[%dma_start3A_479, %squeeze3A_476, %dma_start3A_483] : memref<1x1000000x64xf32, #tpu.memory_space<hbm>> -> memref<1x1x64xf32, #tpu.memory_space<hbm>>
      %dma_start3A_485 = tpu.memref_squeeze %dma_start3A_484 : memref<1x1x64xf32, #tpu.memory_space<hbm>> -> memref<1x64xf32, #tpu.memory_space<hbm>>
      %dma_start3A_486 = arith.constant 15 : i32
      %dma_start3A_487 = arith.constant 0 : i32
      %dma_start3A_488 = tpu.memref_slice %arg11[%dma_start3A_486, %dma_start3A_487] : memref<128x64xf32, #tpu.memory_space<vmem>> -> memref<1x64xf32, #tpu.memory_space<vmem>>
      %dma_start3A_489 = arith.constant 0 : i32
      %dma_start3A_490 = tpu.memref_slice %arg5[%dma_start3A_479, %squeeze3A_476, %dma_start3A_489] : memref<1x1000000x64xf32, #tpu.memory_space<hbm>> -> memref<1x1x64xf32, #tpu.memory_space<hbm>>
      %dma_start3A_491 = tpu.memref_squeeze %dma_start3A_490 : memref<1x1x64xf32, #tpu.memory_space<hbm>> -> memref<1x64xf32, #tpu.memory_space<hbm>>
      tpu.enqueue_dma source(%dma_start3A_491 : memref<1x64xf32, #tpu.memory_space<hbm>>) target(%dma_start3A_488 : memref<1x64xf32, #tpu.memory_space<vmem>>) target_semaphore(%arg16 : memref<!tpu.dma_semaphore, #tpu.memory_space<semaphore_mem>>)
      %dma_start3A_492 = arith.constant 0 : i32
      %dma_start3A_493 = arith.constant 15 : i32
      %dma_start3A_494 = arith.constant 0 : i32
      %dma_start3A_495 = tpu.memref_slice %arg13[%dma_start3A_493, %dma_start3A_494] : memref<128x64xf32, #tpu.memory_space<vmem>> -> memref<1x64xf32, #tpu.memory_space<vmem>>
      %dma_start3A_496 = arith.constant 0 : i32
      %dma_start3A_497 = tpu.memref_slice %arg5[%dma_start3A_492, %squeeze3A_478, %dma_start3A_496] : memref<1x1000000x64xf32, #tpu.memory_space<hbm>> -> memref<1x1x64xf32, #tpu.memory_space<hbm>>
      %dma_start3A_498 = tpu.memref_squeeze %dma_start3A_497 : memref<1x1x64xf32, #tpu.memory_space<hbm>> -> memref<1x64xf32, #tpu.memory_space<hbm>>
      %dma_start3A_499 = arith.constant 15 : i32
      %dma_start3A_500 = arith.constant 0 : i32
      %dma_start3A_501 = tpu.memref_slice %arg13[%dma_start3A_499, %dma_start3A_500] : memref<128x64xf32, #tpu.memory_space<vmem>> -> memref<1x64xf32, #tpu.memory_space<vmem>>
      %dma_start3A_502 = arith.constant 0 : i32
      %dma_start3A_503 = tpu.memref_slice %arg5[%dma_start3A_492, %squeeze3A_478, %dma_start3A_502] : memref<1x1000000x64xf32, #tpu.memory_space<hbm>> -> memref<1x1x64xf32, #tpu.memory_space<hbm>>
      %dma_start3A_504 = tpu.memref_squeeze %dma_start3A_503 : memref<1x1x64xf32, #tpu.memory_space<hbm>> -> memref<1x64xf32, #tpu.memory_space<hbm>>
      tpu.enqueue_dma source(%dma_start3A_504 : memref<1x64xf32, #tpu.memory_space<hbm>>) target(%dma_start3A_501 : memref<1x64xf32, #tpu.memory_space<vmem>>) target_semaphore(%arg16 : memref<!tpu.dma_semaphore, #tpu.memory_space<semaphore_mem>>)
      %dma_wait3A = tpu.memref_slice %arg9[%mul3A_16] : memref<512xi32, #tpu.memory_space<vmem>> -> memref<128xi32, #tpu.memory_space<vmem>>
      %dma_wait3A_505 = arith.constant 0 : i32
      %dma_wait3A_506 = arith.constant 0 : i32
      %dma_wait3A_507 = tpu.memref_slice %arg6[%dma_wait3A_505, %dma_wait3A_506] : memref<1000x128xf32, #tpu.memory_space<hbm>> -> memref<1000x128xf32, #tpu.memory_space<hbm>>
      tpu.wait_indirect_dma semaphore(%arg18 : memref<!tpu.dma_semaphore, #tpu.memory_space<semaphore_mem>>) src(%dma_wait3A_507 : memref<1000x128xf32, #tpu.memory_space<hbm>>) dst(%arg12 : memref<128x128xf32, #tpu.memory_space<vmem>>)
      %scan3A_508 = arith.constant 0 : i32
      %scan3A_509 = arith.constant 4 : i32
      %scan3A_510 = arith.addi %scan3A_508, %scan3A_509 : i32
      %scan3A_511 = arith.constant 1 : i32
      scf.for %scan3A_514 = %scan3A_508 to %scan3A_510 step %scan3A_511  : i32 {
        %mul3A_515 = arith.constant 1 : i32
        %mul3A_516 = arith.muli %scan3A_514, %mul3A_515 : i32
        %add3A_517 = arith.constant 0 : i32
        %add3A_518 = arith.addi %add3A_517, %mul3A_516 : i32
        %mul3A_519 = arith.constant 2 : i32
        %mul3A_520 = arith.muli %add3A_518, %mul3A_519 : i32
        %mul3A_521 = arith.constant 16 : i32
        %mul3A_522 = arith.muli %mul3A_520, %mul3A_521 : i32
        %add3A_523 = arith.constant 16 : i32
        %add3A_524 = arith.addi %mul3A_522, %add3A_523 : i32
        %add3A_525 = arith.addi %mul3A_16, %add3A_524 : i32
        %get3A_526 = arith.index_cast %add3A_525 : i32 to index
        %get3A_527 = tpu.vector_load %arg8[%get3A_526] {strides = array<i32>} : memref<512xi32, #tpu.memory_space<vmem>>, vector<16xi32>,
        %add3A_528 = arith.addi %mul3A_16, %add3A_524 : i32
        %get3A_529 = arith.index_cast %add3A_528 : i32 to index
        %get3A_530 = tpu.vector_load %arg10[%get3A_529] {strides = array<i32>} : memref<512xi32, #tpu.memory_space<vmem>>, vector<16xi32>,
        %slice3A_531 = vector.extract_strided_slice %get3A_527 {offsets = [0], sizes = [1], strides = [1]} : vector<16xi32> to vector<1xi32>
        %squeeze3A_532 = vector.extract %slice3A_531[0] : i32 from vector<1xi32>
        %slice3A_533 = vector.extract_strided_slice %get3A_530 {offsets = [0], sizes = [1], strides = [1]} : vector<16xi32> to vector<1xi32>
        %squeeze3A_534 = vector.extract %slice3A_533[0] : i32 from vector<1xi32>
        %add3A_535 = arith.constant 0 : i32
        %add3A_536 = arith.addi %add3A_524, %add3A_535 : i32
        %dma_start3A_537 = arith.constant 0 : i32
        %dma_start3A_538 = arith.constant 0 : i32
        %dma_start3A_539 = tpu.memref_slice %arg11[%add3A_536, %dma_start3A_538] : memref<128x64xf32, #tpu.memory_space<vmem>> -> memref<1x64xf32, #tpu.memory_space<vmem>>
        %dma_start3A_540 = arith.constant 0 : i32
        %dma_start3A_541 = tpu.memref_slice %arg5[%dma_start3A_537, %squeeze3A_532, %dma_start3A_540] : memref<1x1000000x64xf32, #tpu.memory_space<hbm>> -> memref<1x1x64xf32, #tpu.memory_space<hbm>>
        %dma_start3A_542 = tpu.memref_squeeze %dma_start3A_541 : memref<1x1x64xf32, #tpu.memory_space<hbm>> -> memref<1x64xf32, #tpu.memory_space<hbm>>
        %dma_start3A_543 = arith.constant 0 : i32
        %dma_start3A_544 = tpu.memref_slice %arg11[%add3A_536, %dma_start3A_543] : memref<128x64xf32, #tpu.memory_space<vmem>> -> memref<1x64xf32, #tpu.memory_space<vmem>>
        %dma_start3A_545 = arith.constant 0 : i32
        %dma_start3A_546 = tpu.memref_slice %arg5[%dma_start3A_537, %squeeze3A_532, %dma_start3A_545] : memref<1x1000000x64xf32, #tpu.memory_space<hbm>> -> memref<1x1x64xf32, #tpu.memory_space<hbm>>
        %dma_start3A_547 = tpu.memref_squeeze %dma_start3A_546 : memref<1x1x64xf32, #tpu.memory_space<hbm>> -> memref<1x64xf32, #tpu.memory_space<hbm>>
        tpu.enqueue_dma source(%dma_start3A_547 : memref<1x64xf32, #tpu.memory_space<hbm>>) target(%dma_start3A_544 : memref<1x64xf32, #tpu.memory_space<vmem>>) target_semaphore(%arg17 : memref<!tpu.dma_semaphore, #tpu.memory_space<semaphore_mem>>)
        %add3A_548 = arith.constant 0 : i32
        %add3A_549 = arith.addi %add3A_524, %add3A_548 : i32
        %dma_start3A_550 = arith.constant 0 : i32
        %dma_start3A_551 = arith.constant 0 : i32
        %dma_start3A_552 = tpu.memref_slice %arg13[%add3A_549, %dma_start3A_551] : memref<128x64xf32, #tpu.memory_space<vmem>> -> memref<1x64xf32, #tpu.memory_space<vmem>>
        %dma_start3A_553 = arith.constant 0 : i32
        %dma_start3A_554 = tpu.memref_slice %arg5[%dma_start3A_550, %squeeze3A_534, %dma_start3A_553] : memref<1x1000000x64xf32, #tpu.memory_space<hbm>> -> memref<1x1x64xf32, #tpu.memory_space<hbm>>
        %dma_start3A_555 = tpu.memref_squeeze %dma_start3A_554 : memref<1x1x64xf32, #tpu.memory_space<hbm>> -> memref<1x64xf32, #tpu.memory_space<hbm>>
        %dma_start3A_556 = arith.constant 0 : i32
        %dma_start3A_557 = tpu.memref_slice %arg13[%add3A_549, %dma_start3A_556] : memref<128x64xf32, #tpu.memory_space<vmem>> -> memref<1x64xf32, #tpu.memory_space<vmem>>
        %dma_start3A_558 = arith.constant 0 : i32
        %dma_start3A_559 = tpu.memref_slice %arg5[%dma_start3A_550, %squeeze3A_534, %dma_start3A_558] : memref<1x1000000x64xf32, #tpu.memory_space<hbm>> -> memref<1x1x64xf32, #tpu.memory_space<hbm>>
        %dma_start3A_560 = tpu.memref_squeeze %dma_start3A_559 : memref<1x1x64xf32, #tpu.memory_space<hbm>> -> memref<1x64xf32, #tpu.memory_space<hbm>>
        tpu.enqueue_dma source(%dma_start3A_560 : memref<1x64xf32, #tpu.memory_space<hbm>>) target(%dma_start3A_557 : memref<1x64xf32, #tpu.memory_space<vmem>>) target_semaphore(%arg17 : memref<!tpu.dma_semaphore, #tpu.memory_space<semaphore_mem>>)
        %slice3A_561 = vector.extract_strided_slice %get3A_527 {offsets = [1], sizes = [1], strides = [1]} : vector<16xi32> to vector<1xi32>
        %squeeze3A_562 = vector.extract %slice3A_561[0] : i32 from vector<1xi32>
        %slice3A_563 = vector.extract_strided_slice %get3A_530 {offsets = [1], sizes = [1], strides = [1]} : vector<16xi32> to vector<1xi32>
        %squeeze3A_564 = vector.extract %slice3A_563[0] : i32 from vector<1xi32>
        %add3A_565 = arith.constant 1 : i32
        %add3A_566 = arith.addi %add3A_524, %add3A_565 : i32
        %dma_start3A_567 = arith.constant 0 : i32
        %dma_start3A_568 = arith.constant 0 : i32
        %dma_start3A_569 = tpu.memref_slice %arg11[%add3A_566, %dma_start3A_568] : memref<128x64xf32, #tpu.memory_space<vmem>> -> memref<1x64xf32, #tpu.memory_space<vmem>>
        %dma_start3A_570 = arith.constant 0 : i32
        %dma_start3A_571 = tpu.memref_slice %arg5[%dma_start3A_567, %squeeze3A_562, %dma_start3A_570] : memref<1x1000000x64xf32, #tpu.memory_space<hbm>> -> memref<1x1x64xf32, #tpu.memory_space<hbm>>
        %dma_start3A_572 = tpu.memref_squeeze %dma_start3A_571 : memref<1x1x64xf32, #tpu.memory_space<hbm>> -> memref<1x64xf32, #tpu.memory_space<hbm>>
        %dma_start3A_573 = arith.constant 0 : i32
        %dma_start3A_574 = tpu.memref_slice %arg11[%add3A_566, %dma_start3A_573] : memref<128x64xf32, #tpu.memory_space<vmem>> -> memref<1x64xf32, #tpu.memory_space<vmem>>
        %dma_start3A_575 = arith.constant 0 : i32
        %dma_start3A_576 = tpu.memref_slice %arg5[%dma_start3A_567, %squeeze3A_562, %dma_start3A_575] : memref<1x1000000x64xf32, #tpu.memory_space<hbm>> -> memref<1x1x64xf32, #tpu.memory_space<hbm>>
        %dma_start3A_577 = tpu.memref_squeeze %dma_start3A_576 : memref<1x1x64xf32, #tpu.memory_space<hbm>> -> memref<1x64xf32, #tpu.memory_space<hbm>>
        tpu.enqueue_dma source(%dma_start3A_577 : memref<1x64xf32, #tpu.memory_space<hbm>>) target(%dma_start3A_574 : memref<1x64xf32, #tpu.memory_space<vmem>>) target_semaphore(%arg17 : memref<!tpu.dma_semaphore, #tpu.memory_space<semaphore_mem>>)
        %add3A_578 = arith.constant 1 : i32
        %add3A_579 = arith.addi %add3A_524, %add3A_578 : i32
        %dma_start3A_580 = arith.constant 0 : i32
        %dma_start3A_581 = arith.constant 0 : i32
        %dma_start3A_582 = tpu.memref_slice %arg13[%add3A_579, %dma_start3A_581] : memref<128x64xf32, #tpu.memory_space<vmem>> -> memref<1x64xf32, #tpu.memory_space<vmem>>
        %dma_start3A_583 = arith.constant 0 : i32
        %dma_start3A_584 = tpu.memref_slice %arg5[%dma_start3A_580, %squeeze3A_564, %dma_start3A_583] : memref<1x1000000x64xf32, #tpu.memory_space<hbm>> -> memref<1x1x64xf32, #tpu.memory_space<hbm>>
        %dma_start3A_585 = tpu.memref_squeeze %dma_start3A_584 : memref<1x1x64xf32, #tpu.memory_space<hbm>> -> memref<1x64xf32, #tpu.memory_space<hbm>>
        %dma_start3A_586 = arith.constant 0 : i32
        %dma_start3A_587 = tpu.memref_slice %arg13[%add3A_579, %dma_start3A_586] : memref<128x64xf32, #tpu.memory_space<vmem>> -> memref<1x64xf32, #tpu.memory_space<vmem>>
        %dma_start3A_588 = arith.constant 0 : i32
        %dma_start3A_589 = tpu.memref_slice %arg5[%dma_start3A_580, %squeeze3A_564, %dma_start3A_588] : memref<1x1000000x64xf32, #tpu.memory_space<hbm>> -> memref<1x1x64xf32, #tpu.memory_space<hbm>>
        %dma_start3A_590 = tpu.memref_squeeze %dma_start3A_589 : memref<1x1x64xf32, #tpu.memory_space<hbm>> -> memref<1x64xf32, #tpu.memory_space<hbm>>
        tpu.enqueue_dma source(%dma_start3A_590 : memref<1x64xf32, #tpu.memory_space<hbm>>) target(%dma_start3A_587 : memref<1x64xf32, #tpu.memory_space<vmem>>) target_semaphore(%arg17 : memref<!tpu.dma_semaphore, #tpu.memory_space<semaphore_mem>>)
        %slice3A_591 = vector.extract_strided_slice %get3A_527 {offsets = [2], sizes = [1], strides = [1]} : vector<16xi32> to vector<1xi32>
        %squeeze3A_592 = vector.extract %slice3A_591[0] : i32 from vector<1xi32>
        %slice3A_593 = vector.extract_strided_slice %get3A_530 {offsets = [2], sizes = [1], strides = [1]} : vector<16xi32> to vector<1xi32>
        %squeeze3A_594 = vector.extract %slice3A_593[0] : i32 from vector<1xi32>
        %add3A_595 = arith.constant 2 : i32
        %add3A_596 = arith.addi %add3A_524, %add3A_595 : i32
        %dma_start3A_597 = arith.constant 0 : i32
        %dma_start3A_598 = arith.constant 0 : i32
        %dma_start3A_599 = tpu.memref_slice %arg11[%add3A_596, %dma_start3A_598] : memref<128x64xf32, #tpu.memory_space<vmem>> -> memref<1x64xf32, #tpu.memory_space<vmem>>
        %dma_start3A_600 = arith.constant 0 : i32
        %dma_start3A_601 = tpu.memref_slice %arg5[%dma_start3A_597, %squeeze3A_592, %dma_start3A_600] : memref<1x1000000x64xf32, #tpu.memory_space<hbm>> -> memref<1x1x64xf32, #tpu.memory_space<hbm>>
        %dma_start3A_602 = tpu.memref_squeeze %dma_start3A_601 : memref<1x1x64xf32, #tpu.memory_space<hbm>> -> memref<1x64xf32, #tpu.memory_space<hbm>>
        %dma_start3A_603 = arith.constant 0 : i32
        %dma_start3A_604 = tpu.memref_slice %arg11[%add3A_596, %dma_start3A_603] : memref<128x64xf32, #tpu.memory_space<vmem>> -> memref<1x64xf32, #tpu.memory_space<vmem>>
        %dma_start3A_605 = arith.constant 0 : i32
        %dma_start3A_606 = tpu.memref_slice %arg5[%dma_start3A_597, %squeeze3A_592, %dma_start3A_605] : memref<1x1000000x64xf32, #tpu.memory_space<hbm>> -> memref<1x1x64xf32, #tpu.memory_space<hbm>>
        %dma_start3A_607 = tpu.memref_squeeze %dma_start3A_606 : memref<1x1x64xf32, #tpu.memory_space<hbm>> -> memref<1x64xf32, #tpu.memory_space<hbm>>
        tpu.enqueue_dma source(%dma_start3A_607 : memref<1x64xf32, #tpu.memory_space<hbm>>) target(%dma_start3A_604 : memref<1x64xf32, #tpu.memory_space<vmem>>) target_semaphore(%arg17 : memref<!tpu.dma_semaphore, #tpu.memory_space<semaphore_mem>>)
        %add3A_608 = arith.constant 2 : i32
        %add3A_609 = arith.addi %add3A_524, %add3A_608 : i32
        %dma_start3A_610 = arith.constant 0 : i32
        %dma_start3A_611 = arith.constant 0 : i32
        %dma_start3A_612 = tpu.memref_slice %arg13[%add3A_609, %dma_start3A_611] : memref<128x64xf32, #tpu.memory_space<vmem>> -> memref<1x64xf32, #tpu.memory_space<vmem>>
        %dma_start3A_613 = arith.constant 0 : i32
        %dma_start3A_614 = tpu.memref_slice %arg5[%dma_start3A_610, %squeeze3A_594, %dma_start3A_613] : memref<1x1000000x64xf32, #tpu.memory_space<hbm>> -> memref<1x1x64xf32, #tpu.memory_space<hbm>>
        %dma_start3A_615 = tpu.memref_squeeze %dma_start3A_614 : memref<1x1x64xf32, #tpu.memory_space<hbm>> -> memref<1x64xf32, #tpu.memory_space<hbm>>
        %dma_start3A_616 = arith.constant 0 : i32
        %dma_start3A_617 = tpu.memref_slice %arg13[%add3A_609, %dma_start3A_616] : memref<128x64xf32, #tpu.memory_space<vmem>> -> memref<1x64xf32, #tpu.memory_space<vmem>>
        %dma_start3A_618 = arith.constant 0 : i32
        %dma_start3A_619 = tpu.memref_slice %arg5[%dma_start3A_610, %squeeze3A_594, %dma_start3A_618] : memref<1x1000000x64xf32, #tpu.memory_space<hbm>> -> memref<1x1x64xf32, #tpu.memory_space<hbm>>
        %dma_start3A_620 = tpu.memref_squeeze %dma_start3A_619 : memref<1x1x64xf32, #tpu.memory_space<hbm>> -> memref<1x64xf32, #tpu.memory_space<hbm>>
        tpu.enqueue_dma source(%dma_start3A_620 : memref<1x64xf32, #tpu.memory_space<hbm>>) target(%dma_start3A_617 : memref<1x64xf32, #tpu.memory_space<vmem>>) target_semaphore(%arg17 : memref<!tpu.dma_semaphore, #tpu.memory_space<semaphore_mem>>)
        %slice3A_621 = vector.extract_strided_slice %get3A_527 {offsets = [3], sizes = [1], strides = [1]} : vector<16xi32> to vector<1xi32>
        %squeeze3A_622 = vector.extract %slice3A_621[0] : i32 from vector<1xi32>
        %slice3A_623 = vector.extract_strided_slice %get3A_530 {offsets = [3], sizes = [1], strides = [1]} : vector<16xi32> to vector<1xi32>
        %squeeze3A_624 = vector.extract %slice3A_623[0] : i32 from vector<1xi32>
        %add3A_625 = arith.constant 3 : i32
        %add3A_626 = arith.addi %add3A_524, %add3A_625 : i32
        %dma_start3A_627 = arith.constant 0 : i32
        %dma_start3A_628 = arith.constant 0 : i32
        %dma_start3A_629 = tpu.memref_slice %arg11[%add3A_626, %dma_start3A_628] : memref<128x64xf32, #tpu.memory_space<vmem>> -> memref<1x64xf32, #tpu.memory_space<vmem>>
        %dma_start3A_630 = arith.constant 0 : i32
        %dma_start3A_631 = tpu.memref_slice %arg5[%dma_start3A_627, %squeeze3A_622, %dma_start3A_630] : memref<1x1000000x64xf32, #tpu.memory_space<hbm>> -> memref<1x1x64xf32, #tpu.memory_space<hbm>>
        %dma_start3A_632 = tpu.memref_squeeze %dma_start3A_631 : memref<1x1x64xf32, #tpu.memory_space<hbm>> -> memref<1x64xf32, #tpu.memory_space<hbm>>
        %dma_start3A_633 = arith.constant 0 : i32
        %dma_start3A_634 = tpu.memref_slice %arg11[%add3A_626, %dma_start3A_633] : memref<128x64xf32, #tpu.memory_space<vmem>> -> memref<1x64xf32, #tpu.memory_space<vmem>>
        %dma_start3A_635 = arith.constant 0 : i32
        %dma_start3A_636 = tpu.memref_slice %arg5[%dma_start3A_627, %squeeze3A_622, %dma_start3A_635] : memref<1x1000000x64xf32, #tpu.memory_space<hbm>> -> memref<1x1x64xf32, #tpu.memory_space<hbm>>
        %dma_start3A_637 = tpu.memref_squeeze %dma_start3A_636 : memref<1x1x64xf32, #tpu.memory_space<hbm>> -> memref<1x64xf32, #tpu.memory_space<hbm>>
        tpu.enqueue_dma source(%dma_start3A_637 : memref<1x64xf32, #tpu.memory_space<hbm>>) target(%dma_start3A_634 : memref<1x64xf32, #tpu.memory_space<vmem>>) target_semaphore(%arg17 : memref<!tpu.dma_semaphore, #tpu.memory_space<semaphore_mem>>)
        %add3A_638 = arith.constant 3 : i32
        %add3A_639 = arith.addi %add3A_524, %add3A_638 : i32
        %dma_start3A_640 = arith.constant 0 : i32
        %dma_start3A_641 = arith.constant 0 : i32
        %dma_start3A_642 = tpu.memref_slice %arg13[%add3A_639, %dma_start3A_641] : memref<128x64xf32, #tpu.memory_space<vmem>> -> memref<1x64xf32, #tpu.memory_space<vmem>>
        %dma_start3A_643 = arith.constant 0 : i32
        %dma_start3A_644 = tpu.memref_slice %arg5[%dma_start3A_640, %squeeze3A_624, %dma_start3A_643] : memref<1x1000000x64xf32, #tpu.memory_space<hbm>> -> memref<1x1x64xf32, #tpu.memory_space<hbm>>
        %dma_start3A_645 = tpu.memref_squeeze %dma_start3A_644 : memref<1x1x64xf32, #tpu.memory_space<hbm>> -> memref<1x64xf32, #tpu.memory_space<hbm>>
        %dma_start3A_646 = arith.constant 0 : i32
        %dma_start3A_647 = tpu.memref_slice %arg13[%add3A_639, %dma_start3A_646] : memref<128x64xf32, #tpu.memory_space<vmem>> -> memref<1x64xf32, #tpu.memory_space<vmem>>
        %dma_start3A_648 = arith.constant 0 : i32
        %dma_start3A_649 = tpu.memref_slice %arg5[%dma_start3A_640, %squeeze3A_624, %dma_start3A_648] : memref<1x1000000x64xf32, #tpu.memory_space<hbm>> -> memref<1x1x64xf32, #tpu.memory_space<hbm>>
        %dma_start3A_650 = tpu.memref_squeeze %dma_start3A_649 : memref<1x1x64xf32, #tpu.memory_space<hbm>> -> memref<1x64xf32, #tpu.memory_space<hbm>>
        tpu.enqueue_dma source(%dma_start3A_650 : memref<1x64xf32, #tpu.memory_space<hbm>>) target(%dma_start3A_647 : memref<1x64xf32, #tpu.memory_space<vmem>>) target_semaphore(%arg17 : memref<!tpu.dma_semaphore, #tpu.memory_space<semaphore_mem>>)
        %slice3A_651 = vector.extract_strided_slice %get3A_527 {offsets = [4], sizes = [1], strides = [1]} : vector<16xi32> to vector<1xi32>
        %squeeze3A_652 = vector.extract %slice3A_651[0] : i32 from vector<1xi32>
        %slice3A_653 = vector.extract_strided_slice %get3A_530 {offsets = [4], sizes = [1], strides = [1]} : vector<16xi32> to vector<1xi32>
        %squeeze3A_654 = vector.extract %slice3A_653[0] : i32 from vector<1xi32>
        %add3A_655 = arith.constant 4 : i32
        %add3A_656 = arith.addi %add3A_524, %add3A_655 : i32
        %dma_start3A_657 = arith.constant 0 : i32
        %dma_start3A_658 = arith.constant 0 : i32
        %dma_start3A_659 = tpu.memref_slice %arg11[%add3A_656, %dma_start3A_658] : memref<128x64xf32, #tpu.memory_space<vmem>> -> memref<1x64xf32, #tpu.memory_space<vmem>>
        %dma_start3A_660 = arith.constant 0 : i32
        %dma_start3A_661 = tpu.memref_slice %arg5[%dma_start3A_657, %squeeze3A_652, %dma_start3A_660] : memref<1x1000000x64xf32, #tpu.memory_space<hbm>> -> memref<1x1x64xf32, #tpu.memory_space<hbm>>
        %dma_start3A_662 = tpu.memref_squeeze %dma_start3A_661 : memref<1x1x64xf32, #tpu.memory_space<hbm>> -> memref<1x64xf32, #tpu.memory_space<hbm>>
        %dma_start3A_663 = arith.constant 0 : i32
        %dma_start3A_664 = tpu.memref_slice %arg11[%add3A_656, %dma_start3A_663] : memref<128x64xf32, #tpu.memory_space<vmem>> -> memref<1x64xf32, #tpu.memory_space<vmem>>
        %dma_start3A_665 = arith.constant 0 : i32
        %dma_start3A_666 = tpu.memref_slice %arg5[%dma_start3A_657, %squeeze3A_652, %dma_start3A_665] : memref<1x1000000x64xf32, #tpu.memory_space<hbm>> -> memref<1x1x64xf32, #tpu.memory_space<hbm>>
        %dma_start3A_667 = tpu.memref_squeeze %dma_start3A_666 : memref<1x1x64xf32, #tpu.memory_space<hbm>> -> memref<1x64xf32, #tpu.memory_space<hbm>>
        tpu.enqueue_dma source(%dma_start3A_667 : memref<1x64xf32, #tpu.memory_space<hbm>>) target(%dma_start3A_664 : memref<1x64xf32, #tpu.memory_space<vmem>>) target_semaphore(%arg17 : memref<!tpu.dma_semaphore, #tpu.memory_space<semaphore_mem>>)
        %add3A_668 = arith.constant 4 : i32
        %add3A_669 = arith.addi %add3A_524, %add3A_668 : i32
        %dma_start3A_670 = arith.constant 0 : i32
        %dma_start3A_671 = arith.constant 0 : i32
        %dma_start3A_672 = tpu.memref_slice %arg13[%add3A_669, %dma_start3A_671] : memref<128x64xf32, #tpu.memory_space<vmem>> -> memref<1x64xf32, #tpu.memory_space<vmem>>
        %dma_start3A_673 = arith.constant 0 : i32
        %dma_start3A_674 = tpu.memref_slice %arg5[%dma_start3A_670, %squeeze3A_654, %dma_start3A_673] : memref<1x1000000x64xf32, #tpu.memory_space<hbm>> -> memref<1x1x64xf32, #tpu.memory_space<hbm>>
        %dma_start3A_675 = tpu.memref_squeeze %dma_start3A_674 : memref<1x1x64xf32, #tpu.memory_space<hbm>> -> memref<1x64xf32, #tpu.memory_space<hbm>>
        %dma_start3A_676 = arith.constant 0 : i32
        %dma_start3A_677 = tpu.memref_slice %arg13[%add3A_669, %dma_start3A_676] : memref<128x64xf32, #tpu.memory_space<vmem>> -> memref<1x64xf32, #tpu.memory_space<vmem>>
        %dma_start3A_678 = arith.constant 0 : i32
        %dma_start3A_679 = tpu.memref_slice %arg5[%dma_start3A_670, %squeeze3A_654, %dma_start3A_678] : memref<1x1000000x64xf32, #tpu.memory_space<hbm>> -> memref<1x1x64xf32, #tpu.memory_space<hbm>>
        %dma_start3A_680 = tpu.memref_squeeze %dma_start3A_679 : memref<1x1x64xf32, #tpu.memory_space<hbm>> -> memref<1x64xf32, #tpu.memory_space<hbm>>
        tpu.enqueue_dma source(%dma_start3A_680 : memref<1x64xf32, #tpu.memory_space<hbm>>) target(%dma_start3A_677 : memref<1x64xf32, #tpu.memory_space<vmem>>) target_semaphore(%arg17 : memref<!tpu.dma_semaphore, #tpu.memory_space<semaphore_mem>>)
        %slice3A_681 = vector.extract_strided_slice %get3A_527 {offsets = [5], sizes = [1], strides = [1]} : vector<16xi32> to vector<1xi32>
        %squeeze3A_682 = vector.extract %slice3A_681[0] : i32 from vector<1xi32>
        %slice3A_683 = vector.extract_strided_slice %get3A_530 {offsets = [5], sizes = [1], strides = [1]} : vector<16xi32> to vector<1xi32>
        %squeeze3A_684 = vector.extract %slice3A_683[0] : i32 from vector<1xi32>
        %add3A_685 = arith.constant 5 : i32
        %add3A_686 = arith.addi %add3A_524, %add3A_685 : i32
        %dma_start3A_687 = arith.constant 0 : i32
        %dma_start3A_688 = arith.constant 0 : i32
        %dma_start3A_689 = tpu.memref_slice %arg11[%add3A_686, %dma_start3A_688] : memref<128x64xf32, #tpu.memory_space<vmem>> -> memref<1x64xf32, #tpu.memory_space<vmem>>
        %dma_start3A_690 = arith.constant 0 : i32
        %dma_start3A_691 = tpu.memref_slice %arg5[%dma_start3A_687, %squeeze3A_682, %dma_start3A_690] : memref<1x1000000x64xf32, #tpu.memory_space<hbm>> -> memref<1x1x64xf32, #tpu.memory_space<hbm>>
        %dma_start3A_692 = tpu.memref_squeeze %dma_start3A_691 : memref<1x1x64xf32, #tpu.memory_space<hbm>> -> memref<1x64xf32, #tpu.memory_space<hbm>>
        %dma_start3A_693 = arith.constant 0 : i32
        %dma_start3A_694 = tpu.memref_slice %arg11[%add3A_686, %dma_start3A_693] : memref<128x64xf32, #tpu.memory_space<vmem>> -> memref<1x64xf32, #tpu.memory_space<vmem>>
        %dma_start3A_695 = arith.constant 0 : i32
        %dma_start3A_696 = tpu.memref_slice %arg5[%dma_start3A_687, %squeeze3A_682, %dma_start3A_695] : memref<1x1000000x64xf32, #tpu.memory_space<hbm>> -> memref<1x1x64xf32, #tpu.memory_space<hbm>>
        %dma_start3A_697 = tpu.memref_squeeze %dma_start3A_696 : memref<1x1x64xf32, #tpu.memory_space<hbm>> -> memref<1x64xf32, #tpu.memory_space<hbm>>
        tpu.enqueue_dma source(%dma_start3A_697 : memref<1x64xf32, #tpu.memory_space<hbm>>) target(%dma_start3A_694 : memref<1x64xf32, #tpu.memory_space<vmem>>) target_semaphore(%arg17 : memref<!tpu.dma_semaphore, #tpu.memory_space<semaphore_mem>>)
        %add3A_698 = arith.constant 5 : i32
        %add3A_699 = arith.addi %add3A_524, %add3A_698 : i32
        %dma_start3A_700 = arith.constant 0 : i32
        %dma_start3A_701 = arith.constant 0 : i32
        %dma_start3A_702 = tpu.memref_slice %arg13[%add3A_699, %dma_start3A_701] : memref<128x64xf32, #tpu.memory_space<vmem>> -> memref<1x64xf32, #tpu.memory_space<vmem>>
        %dma_start3A_703 = arith.constant 0 : i32
        %dma_start3A_704 = tpu.memref_slice %arg5[%dma_start3A_700, %squeeze3A_684, %dma_start3A_703] : memref<1x1000000x64xf32, #tpu.memory_space<hbm>> -> memref<1x1x64xf32, #tpu.memory_space<hbm>>
        %dma_start3A_705 = tpu.memref_squeeze %dma_start3A_704 : memref<1x1x64xf32, #tpu.memory_space<hbm>> -> memref<1x64xf32, #tpu.memory_space<hbm>>
        %dma_start3A_706 = arith.constant 0 : i32
        %dma_start3A_707 = tpu.memref_slice %arg13[%add3A_699, %dma_start3A_706] : memref<128x64xf32, #tpu.memory_space<vmem>> -> memref<1x64xf32, #tpu.memory_space<vmem>>
        %dma_start3A_708 = arith.constant 0 : i32
        %dma_start3A_709 = tpu.memref_slice %arg5[%dma_start3A_700, %squeeze3A_684, %dma_start3A_708] : memref<1x1000000x64xf32, #tpu.memory_space<hbm>> -> memref<1x1x64xf32, #tpu.memory_space<hbm>>
        %dma_start3A_710 = tpu.memref_squeeze %dma_start3A_709 : memref<1x1x64xf32, #tpu.memory_space<hbm>> -> memref<1x64xf32, #tpu.memory_space<hbm>>
        tpu.enqueue_dma source(%dma_start3A_710 : memref<1x64xf32, #tpu.memory_space<hbm>>) target(%dma_start3A_707 : memref<1x64xf32, #tpu.memory_space<vmem>>) target_semaphore(%arg17 : memref<!tpu.dma_semaphore, #tpu.memory_space<semaphore_mem>>)
        %slice3A_711 = vector.extract_strided_slice %get3A_527 {offsets = [6], sizes = [1], strides = [1]} : vector<16xi32> to vector<1xi32>
        %squeeze3A_712 = vector.extract %slice3A_711[0] : i32 from vector<1xi32>
        %slice3A_713 = vector.extract_strided_slice %get3A_530 {offsets = [6], sizes = [1], strides = [1]} : vector<16xi32> to vector<1xi32>
        %squeeze3A_714 = vector.extract %slice3A_713[0] : i32 from vector<1xi32>
        %add3A_715 = arith.constant 6 : i32
        %add3A_716 = arith.addi %add3A_524, %add3A_715 : i32
        %dma_start3A_717 = arith.constant 0 : i32
        %dma_start3A_718 = arith.constant 0 : i32
        %dma_start3A_719 = tpu.memref_slice %arg11[%add3A_716, %dma_start3A_718] : memref<128x64xf32, #tpu.memory_space<vmem>> -> memref<1x64xf32, #tpu.memory_space<vmem>>
        %dma_start3A_720 = arith.constant 0 : i32
        %dma_start3A_721 = tpu.memref_slice %arg5[%dma_start3A_717, %squeeze3A_712, %dma_start3A_720] : memref<1x1000000x64xf32, #tpu.memory_space<hbm>> -> memref<1x1x64xf32, #tpu.memory_space<hbm>>
        %dma_start3A_722 = tpu.memref_squeeze %dma_start3A_721 : memref<1x1x64xf32, #tpu.memory_space<hbm>> -> memref<1x64xf32, #tpu.memory_space<hbm>>
        %dma_start3A_723 = arith.constant 0 : i32
        %dma_start3A_724 = tpu.memref_slice %arg11[%add3A_716, %dma_start3A_723] : memref<128x64xf32, #tpu.memory_space<vmem>> -> memref<1x64xf32, #tpu.memory_space<vmem>>
        %dma_start3A_725 = arith.constant 0 : i32
        %dma_start3A_726 = tpu.memref_slice %arg5[%dma_start3A_717, %squeeze3A_712, %dma_start3A_725] : memref<1x1000000x64xf32, #tpu.memory_space<hbm>> -> memref<1x1x64xf32, #tpu.memory_space<hbm>>
        %dma_start3A_727 = tpu.memref_squeeze %dma_start3A_726 : memref<1x1x64xf32, #tpu.memory_space<hbm>> -> memref<1x64xf32, #tpu.memory_space<hbm>>
        tpu.enqueue_dma source(%dma_start3A_727 : memref<1x64xf32, #tpu.memory_space<hbm>>) target(%dma_start3A_724 : memref<1x64xf32, #tpu.memory_space<vmem>>) target_semaphore(%arg17 : memref<!tpu.dma_semaphore, #tpu.memory_space<semaphore_mem>>)
        %add3A_728 = arith.constant 6 : i32
        %add3A_729 = arith.addi %add3A_524, %add3A_728 : i32
        %dma_start3A_730 = arith.constant 0 : i32
        %dma_start3A_731 = arith.constant 0 : i32
        %dma_start3A_732 = tpu.memref_slice %arg13[%add3A_729, %dma_start3A_731] : memref<128x64xf32, #tpu.memory_space<vmem>> -> memref<1x64xf32, #tpu.memory_space<vmem>>
        %dma_start3A_733 = arith.constant 0 : i32
        %dma_start3A_734 = tpu.memref_slice %arg5[%dma_start3A_730, %squeeze3A_714, %dma_start3A_733] : memref<1x1000000x64xf32, #tpu.memory_space<hbm>> -> memref<1x1x64xf32, #tpu.memory_space<hbm>>
        %dma_start3A_735 = tpu.memref_squeeze %dma_start3A_734 : memref<1x1x64xf32, #tpu.memory_space<hbm>> -> memref<1x64xf32, #tpu.memory_space<hbm>>
        %dma_start3A_736 = arith.constant 0 : i32
        %dma_start3A_737 = tpu.memref_slice %arg13[%add3A_729, %dma_start3A_736] : memref<128x64xf32, #tpu.memory_space<vmem>> -> memref<1x64xf32, #tpu.memory_space<vmem>>
        %dma_start3A_738 = arith.constant 0 : i32
        %dma_start3A_739 = tpu.memref_slice %arg5[%dma_start3A_730, %squeeze3A_714, %dma_start3A_738] : memref<1x1000000x64xf32, #tpu.memory_space<hbm>> -> memref<1x1x64xf32, #tpu.memory_space<hbm>>
        %dma_start3A_740 = tpu.memref_squeeze %dma_start3A_739 : memref<1x1x64xf32, #tpu.memory_space<hbm>> -> memref<1x64xf32, #tpu.memory_space<hbm>>
        tpu.enqueue_dma source(%dma_start3A_740 : memref<1x64xf32, #tpu.memory_space<hbm>>) target(%dma_start3A_737 : memref<1x64xf32, #tpu.memory_space<vmem>>) target_semaphore(%arg17 : memref<!tpu.dma_semaphore, #tpu.memory_space<semaphore_mem>>)
        %slice3A_741 = vector.extract_strided_slice %get3A_527 {offsets = [7], sizes = [1], strides = [1]} : vector<16xi32> to vector<1xi32>
        %squeeze3A_742 = vector.extract %slice3A_741[0] : i32 from vector<1xi32>
        %slice3A_743 = vector.extract_strided_slice %get3A_530 {offsets = [7], sizes = [1], strides = [1]} : vector<16xi32> to vector<1xi32>
        %squeeze3A_744 = vector.extract %slice3A_743[0] : i32 from vector<1xi32>
        %add3A_745 = arith.constant 7 : i32
        %add3A_746 = arith.addi %add3A_524, %add3A_745 : i32
        %dma_start3A_747 = arith.constant 0 : i32
        %dma_start3A_748 = arith.constant 0 : i32
        %dma_start3A_749 = tpu.memref_slice %arg11[%add3A_746, %dma_start3A_748] : memref<128x64xf32, #tpu.memory_space<vmem>> -> memref<1x64xf32, #tpu.memory_space<vmem>>
        %dma_start3A_750 = arith.constant 0 : i32
        %dma_start3A_751 = tpu.memref_slice %arg5[%dma_start3A_747, %squeeze3A_742, %dma_start3A_750] : memref<1x1000000x64xf32, #tpu.memory_space<hbm>> -> memref<1x1x64xf32, #tpu.memory_space<hbm>>
        %dma_start3A_752 = tpu.memref_squeeze %dma_start3A_751 : memref<1x1x64xf32, #tpu.memory_space<hbm>> -> memref<1x64xf32, #tpu.memory_space<hbm>>
        %dma_start3A_753 = arith.constant 0 : i32
        %dma_start3A_754 = tpu.memref_slice %arg11[%add3A_746, %dma_start3A_753] : memref<128x64xf32, #tpu.memory_space<vmem>> -> memref<1x64xf32, #tpu.memory_space<vmem>>
        %dma_start3A_755 = arith.constant 0 : i32
        %dma_start3A_756 = tpu.memref_slice %arg5[%dma_start3A_747, %squeeze3A_742, %dma_start3A_755] : memref<1x1000000x64xf32, #tpu.memory_space<hbm>> -> memref<1x1x64xf32, #tpu.memory_space<hbm>>
        %dma_start3A_757 = tpu.memref_squeeze %dma_start3A_756 : memref<1x1x64xf32, #tpu.memory_space<hbm>> -> memref<1x64xf32, #tpu.memory_space<hbm>>
        tpu.enqueue_dma source(%dma_start3A_757 : memref<1x64xf32, #tpu.memory_space<hbm>>) target(%dma_start3A_754 : memref<1x64xf32, #tpu.memory_space<vmem>>) target_semaphore(%arg17 : memref<!tpu.dma_semaphore, #tpu.memory_space<semaphore_mem>>)
        %add3A_758 = arith.constant 7 : i32
        %add3A_759 = arith.addi %add3A_524, %add3A_758 : i32
        %dma_start3A_760 = arith.constant 0 : i32
        %dma_start3A_761 = arith.constant 0 : i32
        %dma_start3A_762 = tpu.memref_slice %arg13[%add3A_759, %dma_start3A_761] : memref<128x64xf32, #tpu.memory_space<vmem>> -> memref<1x64xf32, #tpu.memory_space<vmem>>
        %dma_start3A_763 = arith.constant 0 : i32
        %dma_start3A_764 = tpu.memref_slice %arg5[%dma_start3A_760, %squeeze3A_744, %dma_start3A_763] : memref<1x1000000x64xf32, #tpu.memory_space<hbm>> -> memref<1x1x64xf32, #tpu.memory_space<hbm>>
        %dma_start3A_765 = tpu.memref_squeeze %dma_start3A_764 : memref<1x1x64xf32, #tpu.memory_space<hbm>> -> memref<1x64xf32, #tpu.memory_space<hbm>>
        %dma_start3A_766 = arith.constant 0 : i32
        %dma_start3A_767 = tpu.memref_slice %arg13[%add3A_759, %dma_start3A_766] : memref<128x64xf32, #tpu.memory_space<vmem>> -> memref<1x64xf32, #tpu.memory_space<vmem>>
        %dma_start3A_768 = arith.constant 0 : i32
        %dma_start3A_769 = tpu.memref_slice %arg5[%dma_start3A_760, %squeeze3A_744, %dma_start3A_768] : memref<1x1000000x64xf32, #tpu.memory_space<hbm>> -> memref<1x1x64xf32, #tpu.memory_space<hbm>>
        %dma_start3A_770 = tpu.memref_squeeze %dma_start3A_769 : memref<1x1x64xf32, #tpu.memory_space<hbm>> -> memref<1x64xf32, #tpu.memory_space<hbm>>
        tpu.enqueue_dma source(%dma_start3A_770 : memref<1x64xf32, #tpu.memory_space<hbm>>) target(%dma_start3A_767 : memref<1x64xf32, #tpu.memory_space<vmem>>) target_semaphore(%arg17 : memref<!tpu.dma_semaphore, #tpu.memory_space<semaphore_mem>>)
        %slice3A_771 = vector.extract_strided_slice %get3A_527 {offsets = [8], sizes = [1], strides = [1]} : vector<16xi32> to vector<1xi32>
        %squeeze3A_772 = vector.extract %slice3A_771[0] : i32 from vector<1xi32>
        %slice3A_773 = vector.extract_strided_slice %get3A_530 {offsets = [8], sizes = [1], strides = [1]} : vector<16xi32> to vector<1xi32>
        %squeeze3A_774 = vector.extract %slice3A_773[0] : i32 from vector<1xi32>
        %add3A_775 = arith.constant 8 : i32
        %add3A_776 = arith.addi %add3A_524, %add3A_775 : i32
        %dma_start3A_777 = arith.constant 0 : i32
        %dma_start3A_778 = arith.constant 0 : i32
        %dma_start3A_779 = tpu.memref_slice %arg11[%add3A_776, %dma_start3A_778] : memref<128x64xf32, #tpu.memory_space<vmem>> -> memref<1x64xf32, #tpu.memory_space<vmem>>
        %dma_start3A_780 = arith.constant 0 : i32
        %dma_start3A_781 = tpu.memref_slice %arg5[%dma_start3A_777, %squeeze3A_772, %dma_start3A_780] : memref<1x1000000x64xf32, #tpu.memory_space<hbm>> -> memref<1x1x64xf32, #tpu.memory_space<hbm>>
        %dma_start3A_782 = tpu.memref_squeeze %dma_start3A_781 : memref<1x1x64xf32, #tpu.memory_space<hbm>> -> memref<1x64xf32, #tpu.memory_space<hbm>>
        %dma_start3A_783 = arith.constant 0 : i32
        %dma_start3A_784 = tpu.memref_slice %arg11[%add3A_776, %dma_start3A_783] : memref<128x64xf32, #tpu.memory_space<vmem>> -> memref<1x64xf32, #tpu.memory_space<vmem>>
        %dma_start3A_785 = arith.constant 0 : i32
        %dma_start3A_786 = tpu.memref_slice %arg5[%dma_start3A_777, %squeeze3A_772, %dma_start3A_785] : memref<1x1000000x64xf32, #tpu.memory_space<hbm>> -> memref<1x1x64xf32, #tpu.memory_space<hbm>>
        %dma_start3A_787 = tpu.memref_squeeze %dma_start3A_786 : memref<1x1x64xf32, #tpu.memory_space<hbm>> -> memref<1x64xf32, #tpu.memory_space<hbm>>
        tpu.enqueue_dma source(%dma_start3A_787 : memref<1x64xf32, #tpu.memory_space<hbm>>) target(%dma_start3A_784 : memref<1x64xf32, #tpu.memory_space<vmem>>) target_semaphore(%arg17 : memref<!tpu.dma_semaphore, #tpu.memory_space<semaphore_mem>>)
        %add3A_788 = arith.constant 8 : i32
        %add3A_789 = arith.addi %add3A_524, %add3A_788 : i32
        %dma_start3A_790 = arith.constant 0 : i32
        %dma_start3A_791 = arith.constant 0 : i32
        %dma_start3A_792 = tpu.memref_slice %arg13[%add3A_789, %dma_start3A_791] : memref<128x64xf32, #tpu.memory_space<vmem>> -> memref<1x64xf32, #tpu.memory_space<vmem>>
        %dma_start3A_793 = arith.constant 0 : i32
        %dma_start3A_794 = tpu.memref_slice %arg5[%dma_start3A_790, %squeeze3A_774, %dma_start3A_793] : memref<1x1000000x64xf32, #tpu.memory_space<hbm>> -> memref<1x1x64xf32, #tpu.memory_space<hbm>>
        %dma_start3A_795 = tpu.memref_squeeze %dma_start3A_794 : memref<1x1x64xf32, #tpu.memory_space<hbm>> -> memref<1x64xf32, #tpu.memory_space<hbm>>
        %dma_start3A_796 = arith.constant 0 : i32
        %dma_start3A_797 = tpu.memref_slice %arg13[%add3A_789, %dma_start3A_796] : memref<128x64xf32, #tpu.memory_space<vmem>> -> memref<1x64xf32, #tpu.memory_space<vmem>>
        %dma_start3A_798 = arith.constant 0 : i32
        %dma_start3A_799 = tpu.memref_slice %arg5[%dma_start3A_790, %squeeze3A_774, %dma_start3A_798] : memref<1x1000000x64xf32, #tpu.memory_space<hbm>> -> memref<1x1x64xf32, #tpu.memory_space<hbm>>
        %dma_start3A_800 = tpu.memref_squeeze %dma_start3A_799 : memref<1x1x64xf32, #tpu.memory_space<hbm>> -> memref<1x64xf32, #tpu.memory_space<hbm>>
        tpu.enqueue_dma source(%dma_start3A_800 : memref<1x64xf32, #tpu.memory_space<hbm>>) target(%dma_start3A_797 : memref<1x64xf32, #tpu.memory_space<vmem>>) target_semaphore(%arg17 : memref<!tpu.dma_semaphore, #tpu.memory_space<semaphore_mem>>)
        %slice3A_801 = vector.extract_strided_slice %get3A_527 {offsets = [9], sizes = [1], strides = [1]} : vector<16xi32> to vector<1xi32>
        %squeeze3A_802 = vector.extract %slice3A_801[0] : i32 from vector<1xi32>
        %slice3A_803 = vector.extract_strided_slice %get3A_530 {offsets = [9], sizes = [1], strides = [1]} : vector<16xi32> to vector<1xi32>
        %squeeze3A_804 = vector.extract %slice3A_803[0] : i32 from vector<1xi32>
        %add3A_805 = arith.constant 9 : i32
        %add3A_806 = arith.addi %add3A_524, %add3A_805 : i32
        %dma_start3A_807 = arith.constant 0 : i32
        %dma_start3A_808 = arith.constant 0 : i32
        %dma_start3A_809 = tpu.memref_slice %arg11[%add3A_806, %dma_start3A_808] : memref<128x64xf32, #tpu.memory_space<vmem>> -> memref<1x64xf32, #tpu.memory_space<vmem>>
        %dma_start3A_810 = arith.constant 0 : i32
        %dma_start3A_811 = tpu.memref_slice %arg5[%dma_start3A_807, %squeeze3A_802, %dma_start3A_810] : memref<1x1000000x64xf32, #tpu.memory_space<hbm>> -> memref<1x1x64xf32, #tpu.memory_space<hbm>>
        %dma_start3A_812 = tpu.memref_squeeze %dma_start3A_811 : memref<1x1x64xf32, #tpu.memory_space<hbm>> -> memref<1x64xf32, #tpu.memory_space<hbm>>
        %dma_start3A_813 = arith.constant 0 : i32
        %dma_start3A_814 = tpu.memref_slice %arg11[%add3A_806, %dma_start3A_813] : memref<128x64xf32, #tpu.memory_space<vmem>> -> memref<1x64xf32, #tpu.memory_space<vmem>>
        %dma_start3A_815 = arith.constant 0 : i32
        %dma_start3A_816 = tpu.memref_slice %arg5[%dma_start3A_807, %squeeze3A_802, %dma_start3A_815] : memref<1x1000000x64xf32, #tpu.memory_space<hbm>> -> memref<1x1x64xf32, #tpu.memory_space<hbm>>
        %dma_start3A_817 = tpu.memref_squeeze %dma_start3A_816 : memref<1x1x64xf32, #tpu.memory_space<hbm>> -> memref<1x64xf32, #tpu.memory_space<hbm>>
        tpu.enqueue_dma source(%dma_start3A_817 : memref<1x64xf32, #tpu.memory_space<hbm>>) target(%dma_start3A_814 : memref<1x64xf32, #tpu.memory_space<vmem>>) target_semaphore(%arg17 : memref<!tpu.dma_semaphore, #tpu.memory_space<semaphore_mem>>)
        %add3A_818 = arith.constant 9 : i32
        %add3A_819 = arith.addi %add3A_524, %add3A_818 : i32
        %dma_start3A_820 = arith.constant 0 : i32
        %dma_start3A_821 = arith.constant 0 : i32
        %dma_start3A_822 = tpu.memref_slice %arg13[%add3A_819, %dma_start3A_821] : memref<128x64xf32, #tpu.memory_space<vmem>> -> memref<1x64xf32, #tpu.memory_space<vmem>>
        %dma_start3A_823 = arith.constant 0 : i32
        %dma_start3A_824 = tpu.memref_slice %arg5[%dma_start3A_820, %squeeze3A_804, %dma_start3A_823] : memref<1x1000000x64xf32, #tpu.memory_space<hbm>> -> memref<1x1x64xf32, #tpu.memory_space<hbm>>
        %dma_start3A_825 = tpu.memref_squeeze %dma_start3A_824 : memref<1x1x64xf32, #tpu.memory_space<hbm>> -> memref<1x64xf32, #tpu.memory_space<hbm>>
        %dma_start3A_826 = arith.constant 0 : i32
        %dma_start3A_827 = tpu.memref_slice %arg13[%add3A_819, %dma_start3A_826] : memref<128x64xf32, #tpu.memory_space<vmem>> -> memref<1x64xf32, #tpu.memory_space<vmem>>
        %dma_start3A_828 = arith.constant 0 : i32
        %dma_start3A_829 = tpu.memref_slice %arg5[%dma_start3A_820, %squeeze3A_804, %dma_start3A_828] : memref<1x1000000x64xf32, #tpu.memory_space<hbm>> -> memref<1x1x64xf32, #tpu.memory_space<hbm>>
        %dma_start3A_830 = tpu.memref_squeeze %dma_start3A_829 : memref<1x1x64xf32, #tpu.memory_space<hbm>> -> memref<1x64xf32, #tpu.memory_space<hbm>>
        tpu.enqueue_dma source(%dma_start3A_830 : memref<1x64xf32, #tpu.memory_space<hbm>>) target(%dma_start3A_827 : memref<1x64xf32, #tpu.memory_space<vmem>>) target_semaphore(%arg17 : memref<!tpu.dma_semaphore, #tpu.memory_space<semaphore_mem>>)
        %slice3A_831 = vector.extract_strided_slice %get3A_527 {offsets = [10], sizes = [1], strides = [1]} : vector<16xi32> to vector<1xi32>
        %squeeze3A_832 = vector.extract %slice3A_831[0] : i32 from vector<1xi32>
        %slice3A_833 = vector.extract_strided_slice %get3A_530 {offsets = [10], sizes = [1], strides = [1]} : vector<16xi32> to vector<1xi32>
        %squeeze3A_834 = vector.extract %slice3A_833[0] : i32 from vector<1xi32>
        %add3A_835 = arith.constant 10 : i32
        %add3A_836 = arith.addi %add3A_524, %add3A_835 : i32
        %dma_start3A_837 = arith.constant 0 : i32
        %dma_start3A_838 = arith.constant 0 : i32
        %dma_start3A_839 = tpu.memref_slice %arg11[%add3A_836, %dma_start3A_838] : memref<128x64xf32, #tpu.memory_space<vmem>> -> memref<1x64xf32, #tpu.memory_space<vmem>>
        %dma_start3A_840 = arith.constant 0 : i32
        %dma_start3A_841 = tpu.memref_slice %arg5[%dma_start3A_837, %squeeze3A_832, %dma_start3A_840] : memref<1x1000000x64xf32, #tpu.memory_space<hbm>> -> memref<1x1x64xf32, #tpu.memory_space<hbm>>
        %dma_start3A_842 = tpu.memref_squeeze %dma_start3A_841 : memref<1x1x64xf32, #tpu.memory_space<hbm>> -> memref<1x64xf32, #tpu.memory_space<hbm>>
        %dma_start3A_843 = arith.constant 0 : i32
        %dma_start3A_844 = tpu.memref_slice %arg11[%add3A_836, %dma_start3A_843] : memref<128x64xf32, #tpu.memory_space<vmem>> -> memref<1x64xf32, #tpu.memory_space<vmem>>
        %dma_start3A_845 = arith.constant 0 : i32
        %dma_start3A_846 = tpu.memref_slice %arg5[%dma_start3A_837, %squeeze3A_832, %dma_start3A_845] : memref<1x1000000x64xf32, #tpu.memory_space<hbm>> -> memref<1x1x64xf32, #tpu.memory_space<hbm>>
        %dma_start3A_847 = tpu.memref_squeeze %dma_start3A_846 : memref<1x1x64xf32, #tpu.memory_space<hbm>> -> memref<1x64xf32, #tpu.memory_space<hbm>>
        tpu.enqueue_dma source(%dma_start3A_847 : memref<1x64xf32, #tpu.memory_space<hbm>>) target(%dma_start3A_844 : memref<1x64xf32, #tpu.memory_space<vmem>>) target_semaphore(%arg17 : memref<!tpu.dma_semaphore, #tpu.memory_space<semaphore_mem>>)
        %add3A_848 = arith.constant 10 : i32
        %add3A_849 = arith.addi %add3A_524, %add3A_848 : i32
        %dma_start3A_850 = arith.constant 0 : i32
        %dma_start3A_851 = arith.constant 0 : i32
        %dma_start3A_852 = tpu.memref_slice %arg13[%add3A_849, %dma_start3A_851] : memref<128x64xf32, #tpu.memory_space<vmem>> -> memref<1x64xf32, #tpu.memory_space<vmem>>
        %dma_start3A_853 = arith.constant 0 : i32
        %dma_start3A_854 = tpu.memref_slice %arg5[%dma_start3A_850, %squeeze3A_834, %dma_start3A_853] : memref<1x1000000x64xf32, #tpu.memory_space<hbm>> -> memref<1x1x64xf32, #tpu.memory_space<hbm>>
        %dma_start3A_855 = tpu.memref_squeeze %dma_start3A_854 : memref<1x1x64xf32, #tpu.memory_space<hbm>> -> memref<1x64xf32, #tpu.memory_space<hbm>>
        %dma_start3A_856 = arith.constant 0 : i32
        %dma_start3A_857 = tpu.memref_slice %arg13[%add3A_849, %dma_start3A_856] : memref<128x64xf32, #tpu.memory_space<vmem>> -> memref<1x64xf32, #tpu.memory_space<vmem>>
        %dma_start3A_858 = arith.constant 0 : i32
        %dma_start3A_859 = tpu.memref_slice %arg5[%dma_start3A_850, %squeeze3A_834, %dma_start3A_858] : memref<1x1000000x64xf32, #tpu.memory_space<hbm>> -> memref<1x1x64xf32, #tpu.memory_space<hbm>>
        %dma_start3A_860 = tpu.memref_squeeze %dma_start3A_859 : memref<1x1x64xf32, #tpu.memory_space<hbm>> -> memref<1x64xf32, #tpu.memory_space<hbm>>
        tpu.enqueue_dma source(%dma_start3A_860 : memref<1x64xf32, #tpu.memory_space<hbm>>) target(%dma_start3A_857 : memref<1x64xf32, #tpu.memory_space<vmem>>) target_semaphore(%arg17 : memref<!tpu.dma_semaphore, #tpu.memory_space<semaphore_mem>>)
        %slice3A_861 = vector.extract_strided_slice %get3A_527 {offsets = [11], sizes = [1], strides = [1]} : vector<16xi32> to vector<1xi32>
        %squeeze3A_862 = vector.extract %slice3A_861[0] : i32 from vector<1xi32>
        %slice3A_863 = vector.extract_strided_slice %get3A_530 {offsets = [11], sizes = [1], strides = [1]} : vector<16xi32> to vector<1xi32>
        %squeeze3A_864 = vector.extract %slice3A_863[0] : i32 from vector<1xi32>
        %add3A_865 = arith.constant 11 : i32
        %add3A_866 = arith.addi %add3A_524, %add3A_865 : i32
        %dma_start3A_867 = arith.constant 0 : i32
        %dma_start3A_868 = arith.constant 0 : i32
        %dma_start3A_869 = tpu.memref_slice %arg11[%add3A_866, %dma_start3A_868] : memref<128x64xf32, #tpu.memory_space<vmem>> -> memref<1x64xf32, #tpu.memory_space<vmem>>
        %dma_start3A_870 = arith.constant 0 : i32
        %dma_start3A_871 = tpu.memref_slice %arg5[%dma_start3A_867, %squeeze3A_862, %dma_start3A_870] : memref<1x1000000x64xf32, #tpu.memory_space<hbm>> -> memref<1x1x64xf32, #tpu.memory_space<hbm>>
        %dma_start3A_872 = tpu.memref_squeeze %dma_start3A_871 : memref<1x1x64xf32, #tpu.memory_space<hbm>> -> memref<1x64xf32, #tpu.memory_space<hbm>>
        %dma_start3A_873 = arith.constant 0 : i32
        %dma_start3A_874 = tpu.memref_slice %arg11[%add3A_866, %dma_start3A_873] : memref<128x64xf32, #tpu.memory_space<vmem>> -> memref<1x64xf32, #tpu.memory_space<vmem>>
        %dma_start3A_875 = arith.constant 0 : i32
        %dma_start3A_876 = tpu.memref_slice %arg5[%dma_start3A_867, %squeeze3A_862, %dma_start3A_875] : memref<1x1000000x64xf32, #tpu.memory_space<hbm>> -> memref<1x1x64xf32, #tpu.memory_space<hbm>>
        %dma_start3A_877 = tpu.memref_squeeze %dma_start3A_876 : memref<1x1x64xf32, #tpu.memory_space<hbm>> -> memref<1x64xf32, #tpu.memory_space<hbm>>
        tpu.enqueue_dma source(%dma_start3A_877 : memref<1x64xf32, #tpu.memory_space<hbm>>) target(%dma_start3A_874 : memref<1x64xf32, #tpu.memory_space<vmem>>) target_semaphore(%arg17 : memref<!tpu.dma_semaphore, #tpu.memory_space<semaphore_mem>>)
        %add3A_878 = arith.constant 11 : i32
        %add3A_879 = arith.addi %add3A_524, %add3A_878 : i32
        %dma_start3A_880 = arith.constant 0 : i32
        %dma_start3A_881 = arith.constant 0 : i32
        %dma_start3A_882 = tpu.memref_slice %arg13[%add3A_879, %dma_start3A_881] : memref<128x64xf32, #tpu.memory_space<vmem>> -> memref<1x64xf32, #tpu.memory_space<vmem>>
        %dma_start3A_883 = arith.constant 0 : i32
        %dma_start3A_884 = tpu.memref_slice %arg5[%dma_start3A_880, %squeeze3A_864, %dma_start3A_883] : memref<1x1000000x64xf32, #tpu.memory_space<hbm>> -> memref<1x1x64xf32, #tpu.memory_space<hbm>>
        %dma_start3A_885 = tpu.memref_squeeze %dma_start3A_884 : memref<1x1x64xf32, #tpu.memory_space<hbm>> -> memref<1x64xf32, #tpu.memory_space<hbm>>
        %dma_start3A_886 = arith.constant 0 : i32
        %dma_start3A_887 = tpu.memref_slice %arg13[%add3A_879, %dma_start3A_886] : memref<128x64xf32, #tpu.memory_space<vmem>> -> memref<1x64xf32, #tpu.memory_space<vmem>>
        %dma_start3A_888 = arith.constant 0 : i32
        %dma_start3A_889 = tpu.memref_slice %arg5[%dma_start3A_880, %squeeze3A_864, %dma_start3A_888] : memref<1x1000000x64xf32, #tpu.memory_space<hbm>> -> memref<1x1x64xf32, #tpu.memory_space<hbm>>
        %dma_start3A_890 = tpu.memref_squeeze %dma_start3A_889 : memref<1x1x64xf32, #tpu.memory_space<hbm>> -> memref<1x64xf32, #tpu.memory_space<hbm>>
        tpu.enqueue_dma source(%dma_start3A_890 : memref<1x64xf32, #tpu.memory_space<hbm>>) target(%dma_start3A_887 : memref<1x64xf32, #tpu.memory_space<vmem>>) target_semaphore(%arg17 : memref<!tpu.dma_semaphore, #tpu.memory_space<semaphore_mem>>)
        %slice3A_891 = vector.extract_strided_slice %get3A_527 {offsets = [12], sizes = [1], strides = [1]} : vector<16xi32> to vector<1xi32>
        %squeeze3A_892 = vector.extract %slice3A_891[0] : i32 from vector<1xi32>
        %slice3A_893 = vector.extract_strided_slice %get3A_530 {offsets = [12], sizes = [1], strides = [1]} : vector<16xi32> to vector<1xi32>
        %squeeze3A_894 = vector.extract %slice3A_893[0] : i32 from vector<1xi32>
        %add3A_895 = arith.constant 12 : i32
        %add3A_896 = arith.addi %add3A_524, %add3A_895 : i32
        %dma_start3A_897 = arith.constant 0 : i32
        %dma_start3A_898 = arith.constant 0 : i32
        %dma_start3A_899 = tpu.memref_slice %arg11[%add3A_896, %dma_start3A_898] : memref<128x64xf32, #tpu.memory_space<vmem>> -> memref<1x64xf32, #tpu.memory_space<vmem>>
        %dma_start3A_900 = arith.constant 0 : i32
        %dma_start3A_901 = tpu.memref_slice %arg5[%dma_start3A_897, %squeeze3A_892, %dma_start3A_900] : memref<1x1000000x64xf32, #tpu.memory_space<hbm>> -> memref<1x1x64xf32, #tpu.memory_space<hbm>>
        %dma_start3A_902 = tpu.memref_squeeze %dma_start3A_901 : memref<1x1x64xf32, #tpu.memory_space<hbm>> -> memref<1x64xf32, #tpu.memory_space<hbm>>
        %dma_start3A_903 = arith.constant 0 : i32
        %dma_start3A_904 = tpu.memref_slice %arg11[%add3A_896, %dma_start3A_903] : memref<128x64xf32, #tpu.memory_space<vmem>> -> memref<1x64xf32, #tpu.memory_space<vmem>>
        %dma_start3A_905 = arith.constant 0 : i32
        %dma_start3A_906 = tpu.memref_slice %arg5[%dma_start3A_897, %squeeze3A_892, %dma_start3A_905] : memref<1x1000000x64xf32, #tpu.memory_space<hbm>> -> memref<1x1x64xf32, #tpu.memory_space<hbm>>
        %dma_start3A_907 = tpu.memref_squeeze %dma_start3A_906 : memref<1x1x64xf32, #tpu.memory_space<hbm>> -> memref<1x64xf32, #tpu.memory_space<hbm>>
        tpu.enqueue_dma source(%dma_start3A_907 : memref<1x64xf32, #tpu.memory_space<hbm>>) target(%dma_start3A_904 : memref<1x64xf32, #tpu.memory_space<vmem>>) target_semaphore(%arg17 : memref<!tpu.dma_semaphore, #tpu.memory_space<semaphore_mem>>)
        %add3A_908 = arith.constant 12 : i32
        %add3A_909 = arith.addi %add3A_524, %add3A_908 : i32
        %dma_start3A_910 = arith.constant 0 : i32
        %dma_start3A_911 = arith.constant 0 : i32
        %dma_start3A_912 = tpu.memref_slice %arg13[%add3A_909, %dma_start3A_911] : memref<128x64xf32, #tpu.memory_space<vmem>> -> memref<1x64xf32, #tpu.memory_space<vmem>>
        %dma_start3A_913 = arith.constant 0 : i32
        %dma_start3A_914 = tpu.memref_slice %arg5[%dma_start3A_910, %squeeze3A_894, %dma_start3A_913] : memref<1x1000000x64xf32, #tpu.memory_space<hbm>> -> memref<1x1x64xf32, #tpu.memory_space<hbm>>
        %dma_start3A_915 = tpu.memref_squeeze %dma_start3A_914 : memref<1x1x64xf32, #tpu.memory_space<hbm>> -> memref<1x64xf32, #tpu.memory_space<hbm>>
        %dma_start3A_916 = arith.constant 0 : i32
        %dma_start3A_917 = tpu.memref_slice %arg13[%add3A_909, %dma_start3A_916] : memref<128x64xf32, #tpu.memory_space<vmem>> -> memref<1x64xf32, #tpu.memory_space<vmem>>
        %dma_start3A_918 = arith.constant 0 : i32
        %dma_start3A_919 = tpu.memref_slice %arg5[%dma_start3A_910, %squeeze3A_894, %dma_start3A_918] : memref<1x1000000x64xf32, #tpu.memory_space<hbm>> -> memref<1x1x64xf32, #tpu.memory_space<hbm>>
        %dma_start3A_920 = tpu.memref_squeeze %dma_start3A_919 : memref<1x1x64xf32, #tpu.memory_space<hbm>> -> memref<1x64xf32, #tpu.memory_space<hbm>>
        tpu.enqueue_dma source(%dma_start3A_920 : memref<1x64xf32, #tpu.memory_space<hbm>>) target(%dma_start3A_917 : memref<1x64xf32, #tpu.memory_space<vmem>>) target_semaphore(%arg17 : memref<!tpu.dma_semaphore, #tpu.memory_space<semaphore_mem>>)
        %slice3A_921 = vector.extract_strided_slice %get3A_527 {offsets = [13], sizes = [1], strides = [1]} : vector<16xi32> to vector<1xi32>
        %squeeze3A_922 = vector.extract %slice3A_921[0] : i32 from vector<1xi32>
        %slice3A_923 = vector.extract_strided_slice %get3A_530 {offsets = [13], sizes = [1], strides = [1]} : vector<16xi32> to vector<1xi32>
        %squeeze3A_924 = vector.extract %slice3A_923[0] : i32 from vector<1xi32>
        %add3A_925 = arith.constant 13 : i32
        %add3A_926 = arith.addi %add3A_524, %add3A_925 : i32
        %dma_start3A_927 = arith.constant 0 : i32
        %dma_start3A_928 = arith.constant 0 : i32
        %dma_start3A_929 = tpu.memref_slice %arg11[%add3A_926, %dma_start3A_928] : memref<128x64xf32, #tpu.memory_space<vmem>> -> memref<1x64xf32, #tpu.memory_space<vmem>>
        %dma_start3A_930 = arith.constant 0 : i32
        %dma_start3A_931 = tpu.memref_slice %arg5[%dma_start3A_927, %squeeze3A_922, %dma_start3A_930] : memref<1x1000000x64xf32, #tpu.memory_space<hbm>> -> memref<1x1x64xf32, #tpu.memory_space<hbm>>
        %dma_start3A_932 = tpu.memref_squeeze %dma_start3A_931 : memref<1x1x64xf32, #tpu.memory_space<hbm>> -> memref<1x64xf32, #tpu.memory_space<hbm>>
        %dma_start3A_933 = arith.constant 0 : i32
        %dma_start3A_934 = tpu.memref_slice %arg11[%add3A_926, %dma_start3A_933] : memref<128x64xf32, #tpu.memory_space<vmem>> -> memref<1x64xf32, #tpu.memory_space<vmem>>
        %dma_start3A_935 = arith.constant 0 : i32
        %dma_start3A_936 = tpu.memref_slice %arg5[%dma_start3A_927, %squeeze3A_922, %dma_start3A_935] : memref<1x1000000x64xf32, #tpu.memory_space<hbm>> -> memref<1x1x64xf32, #tpu.memory_space<hbm>>
        %dma_start3A_937 = tpu.memref_squeeze %dma_start3A_936 : memref<1x1x64xf32, #tpu.memory_space<hbm>> -> memref<1x64xf32, #tpu.memory_space<hbm>>
        tpu.enqueue_dma source(%dma_start3A_937 : memref<1x64xf32, #tpu.memory_space<hbm>>) target(%dma_start3A_934 : memref<1x64xf32, #tpu.memory_space<vmem>>) target_semaphore(%arg17 : memref<!tpu.dma_semaphore, #tpu.memory_space<semaphore_mem>>)
        %add3A_938 = arith.constant 13 : i32
        %add3A_939 = arith.addi %add3A_524, %add3A_938 : i32
        %dma_start3A_940 = arith.constant 0 : i32
        %dma_start3A_941 = arith.constant 0 : i32
        %dma_start3A_942 = tpu.memref_slice %arg13[%add3A_939, %dma_start3A_941] : memref<128x64xf32, #tpu.memory_space<vmem>> -> memref<1x64xf32, #tpu.memory_space<vmem>>
        %dma_start3A_943 = arith.constant 0 : i32
        %dma_start3A_944 = tpu.memref_slice %arg5[%dma_start3A_940, %squeeze3A_924, %dma_start3A_943] : memref<1x1000000x64xf32, #tpu.memory_space<hbm>> -> memref<1x1x64xf32, #tpu.memory_space<hbm>>
        %dma_start3A_945 = tpu.memref_squeeze %dma_start3A_944 : memref<1x1x64xf32, #tpu.memory_space<hbm>> -> memref<1x64xf32, #tpu.memory_space<hbm>>
        %dma_start3A_946 = arith.constant 0 : i32
        %dma_start3A_947 = tpu.memref_slice %arg13[%add3A_939, %dma_start3A_946] : memref<128x64xf32, #tpu.memory_space<vmem>> -> memref<1x64xf32, #tpu.memory_space<vmem>>
        %dma_start3A_948 = arith.constant 0 : i32
        %dma_start3A_949 = tpu.memref_slice %arg5[%dma_start3A_940, %squeeze3A_924, %dma_start3A_948] : memref<1x1000000x64xf32, #tpu.memory_space<hbm>> -> memref<1x1x64xf32, #tpu.memory_space<hbm>>
        %dma_start3A_950 = tpu.memref_squeeze %dma_start3A_949 : memref<1x1x64xf32, #tpu.memory_space<hbm>> -> memref<1x64xf32, #tpu.memory_space<hbm>>
        tpu.enqueue_dma source(%dma_start3A_950 : memref<1x64xf32, #tpu.memory_space<hbm>>) target(%dma_start3A_947 : memref<1x64xf32, #tpu.memory_space<vmem>>) target_semaphore(%arg17 : memref<!tpu.dma_semaphore, #tpu.memory_space<semaphore_mem>>)
        %slice3A_951 = vector.extract_strided_slice %get3A_527 {offsets = [14], sizes = [1], strides = [1]} : vector<16xi32> to vector<1xi32>
        %squeeze3A_952 = vector.extract %slice3A_951[0] : i32 from vector<1xi32>
        %slice3A_953 = vector.extract_strided_slice %get3A_530 {offsets = [14], sizes = [1], strides = [1]} : vector<16xi32> to vector<1xi32>
        %squeeze3A_954 = vector.extract %slice3A_953[0] : i32 from vector<1xi32>
        %add3A_955 = arith.constant 14 : i32
        %add3A_956 = arith.addi %add3A_524, %add3A_955 : i32
        %dma_start3A_957 = arith.constant 0 : i32
        %dma_start3A_958 = arith.constant 0 : i32
        %dma_start3A_959 = tpu.memref_slice %arg11[%add3A_956, %dma_start3A_958] : memref<128x64xf32, #tpu.memory_space<vmem>> -> memref<1x64xf32, #tpu.memory_space<vmem>>
        %dma_start3A_960 = arith.constant 0 : i32
        %dma_start3A_961 = tpu.memref_slice %arg5[%dma_start3A_957, %squeeze3A_952, %dma_start3A_960] : memref<1x1000000x64xf32, #tpu.memory_space<hbm>> -> memref<1x1x64xf32, #tpu.memory_space<hbm>>
        %dma_start3A_962 = tpu.memref_squeeze %dma_start3A_961 : memref<1x1x64xf32, #tpu.memory_space<hbm>> -> memref<1x64xf32, #tpu.memory_space<hbm>>
        %dma_start3A_963 = arith.constant 0 : i32
        %dma_start3A_964 = tpu.memref_slice %arg11[%add3A_956, %dma_start3A_963] : memref<128x64xf32, #tpu.memory_space<vmem>> -> memref<1x64xf32, #tpu.memory_space<vmem>>
        %dma_start3A_965 = arith.constant 0 : i32
        %dma_start3A_966 = tpu.memref_slice %arg5[%dma_start3A_957, %squeeze3A_952, %dma_start3A_965] : memref<1x1000000x64xf32, #tpu.memory_space<hbm>> -> memref<1x1x64xf32, #tpu.memory_space<hbm>>
        %dma_start3A_967 = tpu.memref_squeeze %dma_start3A_966 : memref<1x1x64xf32, #tpu.memory_space<hbm>> -> memref<1x64xf32, #tpu.memory_space<hbm>>
        tpu.enqueue_dma source(%dma_start3A_967 : memref<1x64xf32, #tpu.memory_space<hbm>>) target(%dma_start3A_964 : memref<1x64xf32, #tpu.memory_space<vmem>>) target_semaphore(%arg17 : memref<!tpu.dma_semaphore, #tpu.memory_space<semaphore_mem>>)
        %add3A_968 = arith.constant 14 : i32
        %add3A_969 = arith.addi %add3A_524, %add3A_968 : i32
        %dma_start3A_970 = arith.constant 0 : i32
        %dma_start3A_971 = arith.constant 0 : i32
        %dma_start3A_972 = tpu.memref_slice %arg13[%add3A_969, %dma_start3A_971] : memref<128x64xf32, #tpu.memory_space<vmem>> -> memref<1x64xf32, #tpu.memory_space<vmem>>
        %dma_start3A_973 = arith.constant 0 : i32
        %dma_start3A_974 = tpu.memref_slice %arg5[%dma_start3A_970, %squeeze3A_954, %dma_start3A_973] : memref<1x1000000x64xf32, #tpu.memory_space<hbm>> -> memref<1x1x64xf32, #tpu.memory_space<hbm>>
        %dma_start3A_975 = tpu.memref_squeeze %dma_start3A_974 : memref<1x1x64xf32, #tpu.memory_space<hbm>> -> memref<1x64xf32, #tpu.memory_space<hbm>>
        %dma_start3A_976 = arith.constant 0 : i32
        %dma_start3A_977 = tpu.memref_slice %arg13[%add3A_969, %dma_start3A_976] : memref<128x64xf32, #tpu.memory_space<vmem>> -> memref<1x64xf32, #tpu.memory_space<vmem>>
        %dma_start3A_978 = arith.constant 0 : i32
        %dma_start3A_979 = tpu.memref_slice %arg5[%dma_start3A_970, %squeeze3A_954, %dma_start3A_978] : memref<1x1000000x64xf32, #tpu.memory_space<hbm>> -> memref<1x1x64xf32, #tpu.memory_space<hbm>>
        %dma_start3A_980 = tpu.memref_squeeze %dma_start3A_979 : memref<1x1x64xf32, #tpu.memory_space<hbm>> -> memref<1x64xf32, #tpu.memory_space<hbm>>
        tpu.enqueue_dma source(%dma_start3A_980 : memref<1x64xf32, #tpu.memory_space<hbm>>) target(%dma_start3A_977 : memref<1x64xf32, #tpu.memory_space<vmem>>) target_semaphore(%arg17 : memref<!tpu.dma_semaphore, #tpu.memory_space<semaphore_mem>>)
        %slice3A_981 = vector.extract_strided_slice %get3A_527 {offsets = [15], sizes = [1], strides = [1]} : vector<16xi32> to vector<1xi32>
        %squeeze3A_982 = vector.extract %slice3A_981[0] : i32 from vector<1xi32>
        %slice3A_983 = vector.extract_strided_slice %get3A_530 {offsets = [15], sizes = [1], strides = [1]} : vector<16xi32> to vector<1xi32>
        %squeeze3A_984 = vector.extract %slice3A_983[0] : i32 from vector<1xi32>
        %add3A_985 = arith.constant 15 : i32
        %add3A_986 = arith.addi %add3A_524, %add3A_985 : i32
        %dma_start3A_987 = arith.constant 0 : i32
        %dma_start3A_988 = arith.constant 0 : i32
        %dma_start3A_989 = tpu.memref_slice %arg11[%add3A_986, %dma_start3A_988] : memref<128x64xf32, #tpu.memory_space<vmem>> -> memref<1x64xf32, #tpu.memory_space<vmem>>
        %dma_start3A_990 = arith.constant 0 : i32
        %dma_start3A_991 = tpu.memref_slice %arg5[%dma_start3A_987, %squeeze3A_982, %dma_start3A_990] : memref<1x1000000x64xf32, #tpu.memory_space<hbm>> -> memref<1x1x64xf32, #tpu.memory_space<hbm>>
        %dma_start3A_992 = tpu.memref_squeeze %dma_start3A_991 : memref<1x1x64xf32, #tpu.memory_space<hbm>> -> memref<1x64xf32, #tpu.memory_space<hbm>>
        %dma_start3A_993 = arith.constant 0 : i32
        %dma_start3A_994 = tpu.memref_slice %arg11[%add3A_986, %dma_start3A_993] : memref<128x64xf32, #tpu.memory_space<vmem>> -> memref<1x64xf32, #tpu.memory_space<vmem>>
        %dma_start3A_995 = arith.constant 0 : i32
        %dma_start3A_996 = tpu.memref_slice %arg5[%dma_start3A_987, %squeeze3A_982, %dma_start3A_995] : memref<1x1000000x64xf32, #tpu.memory_space<hbm>> -> memref<1x1x64xf32, #tpu.memory_space<hbm>>
        %dma_start3A_997 = tpu.memref_squeeze %dma_start3A_996 : memref<1x1x64xf32, #tpu.memory_space<hbm>> -> memref<1x64xf32, #tpu.memory_space<hbm>>
        tpu.enqueue_dma source(%dma_start3A_997 : memref<1x64xf32, #tpu.memory_space<hbm>>) target(%dma_start3A_994 : memref<1x64xf32, #tpu.memory_space<vmem>>) target_semaphore(%arg17 : memref<!tpu.dma_semaphore, #tpu.memory_space<semaphore_mem>>)
        %add3A_998 = arith.constant 15 : i32
        %add3A_999 = arith.addi %add3A_524, %add3A_998 : i32
        %dma_start3A_1000 = arith.constant 0 : i32
        %dma_start3A_1001 = arith.constant 0 : i32
        %dma_start3A_1002 = tpu.memref_slice %arg13[%add3A_999, %dma_start3A_1001] : memref<128x64xf32, #tpu.memory_space<vmem>> -> memref<1x64xf32, #tpu.memory_space<vmem>>
        %dma_start3A_1003 = arith.constant 0 : i32
        %dma_start3A_1004 = tpu.memref_slice %arg5[%dma_start3A_1000, %squeeze3A_984, %dma_start3A_1003] : memref<1x1000000x64xf32, #tpu.memory_space<hbm>> -> memref<1x1x64xf32, #tpu.memory_space<hbm>>
        %dma_start3A_1005 = tpu.memref_squeeze %dma_start3A_1004 : memref<1x1x64xf32, #tpu.memory_space<hbm>> -> memref<1x64xf32, #tpu.memory_space<hbm>>
        %dma_start3A_1006 = arith.constant 0 : i32
        %dma_start3A_1007 = tpu.memref_slice %arg13[%add3A_999, %dma_start3A_1006] : memref<128x64xf32, #tpu.memory_space<vmem>> -> memref<1x64xf32, #tpu.memory_space<vmem>>
        %dma_start3A_1008 = arith.constant 0 : i32
        %dma_start3A_1009 = tpu.memref_slice %arg5[%dma_start3A_1000, %squeeze3A_984, %dma_start3A_1008] : memref<1x1000000x64xf32, #tpu.memory_space<hbm>> -> memref<1x1x64xf32, #tpu.memory_space<hbm>>
        %dma_start3A_1010 = tpu.memref_squeeze %dma_start3A_1009 : memref<1x1x64xf32, #tpu.memory_space<hbm>> -> memref<1x64xf32, #tpu.memory_space<hbm>>
        tpu.enqueue_dma source(%dma_start3A_1010 : memref<1x64xf32, #tpu.memory_space<hbm>>) target(%dma_start3A_1007 : memref<1x64xf32, #tpu.memory_space<vmem>>) target_semaphore(%arg17 : memref<!tpu.dma_semaphore, #tpu.memory_space<semaphore_mem>>)
        %dma_wait3A_1011 = arith.constant 0 : i32
        %dma_wait3A_1012 = arith.constant 0 : i32
        %dma_wait3A_1013 = tpu.memref_slice %arg11[%mul3A_522, %dma_wait3A_1012] : memref<128x64xf32, #tpu.memory_space<vmem>> -> memref<16x64xf32, #tpu.memory_space<vmem>>
        %dma_wait3A_1014 = arith.constant 0 : i32
        %dma_wait3A_1015 = arith.constant 0 : i32
        %dma_wait3A_1016 = tpu.memref_slice %arg5[%dma_wait3A_1011, %dma_wait3A_1014, %dma_wait3A_1015] : memref<1x1000000x64xf32, #tpu.memory_space<hbm>> -> memref<1x16x64xf32, #tpu.memory_space<hbm>>
        %dma_wait3A_1017 = tpu.memref_squeeze %dma_wait3A_1016 : memref<1x16x64xf32, #tpu.memory_space<hbm>> -> memref<16x64xf32, #tpu.memory_space<hbm>>
        %dma_wait3A_1018 = arith.constant 0 : i32
        %dma_wait3A_1019 = tpu.memref_slice %arg11[%mul3A_522, %dma_wait3A_1018] : memref<128x64xf32, #tpu.memory_space<vmem>> -> memref<16x64xf32, #tpu.memory_space<vmem>>
        %dma_wait3A_1020 = arith.constant 0 : i32
        %dma_wait3A_1021 = arith.constant 0 : i32
        %dma_wait3A_1022 = tpu.memref_slice %arg5[%dma_wait3A_1011, %dma_wait3A_1020, %dma_wait3A_1021] : memref<1x1000000x64xf32, #tpu.memory_space<hbm>> -> memref<1x16x64xf32, #tpu.memory_space<hbm>>
        %dma_wait3A_1023 = tpu.memref_squeeze %dma_wait3A_1022 : memref<1x16x64xf32, #tpu.memory_space<hbm>> -> memref<16x64xf32, #tpu.memory_space<hbm>>
        tpu.wait_dma2 semaphore(%arg16 : memref<!tpu.dma_semaphore, #tpu.memory_space<semaphore_mem>>) src(%dma_wait3A_1023 : memref<16x64xf32, #tpu.memory_space<hbm>>) dst(%dma_wait3A_1019 : memref<16x64xf32, #tpu.memory_space<vmem>>)
        %dma_wait3A_1024 = arith.constant 0 : i32
        %dma_wait3A_1025 = arith.constant 0 : i32
        %dma_wait3A_1026 = tpu.memref_slice %arg13[%mul3A_522, %dma_wait3A_1025] : memref<128x64xf32, #tpu.memory_space<vmem>> -> memref<16x64xf32, #tpu.memory_space<vmem>>
        %dma_wait3A_1027 = arith.constant 0 : i32
        %dma_wait3A_1028 = arith.constant 0 : i32
        %dma_wait3A_1029 = tpu.memref_slice %arg5[%dma_wait3A_1024, %dma_wait3A_1027, %dma_wait3A_1028] : memref<1x1000000x64xf32, #tpu.memory_space<hbm>> -> memref<1x16x64xf32, #tpu.memory_space<hbm>>
        %dma_wait3A_1030 = tpu.memref_squeeze %dma_wait3A_1029 : memref<1x16x64xf32, #tpu.memory_space<hbm>> -> memref<16x64xf32, #tpu.memory_space<hbm>>
        %dma_wait3A_1031 = arith.constant 0 : i32
        %dma_wait3A_1032 = tpu.memref_slice %arg13[%mul3A_522, %dma_wait3A_1031] : memref<128x64xf32, #tpu.memory_space<vmem>> -> memref<16x64xf32, #tpu.memory_space<vmem>>
        %dma_wait3A_1033 = arith.constant 0 : i32
        %dma_wait3A_1034 = arith.constant 0 : i32
        %dma_wait3A_1035 = tpu.memref_slice %arg5[%dma_wait3A_1024, %dma_wait3A_1033, %dma_wait3A_1034] : memref<1x1000000x64xf32, #tpu.memory_space<hbm>> -> memref<1x16x64xf32, #tpu.memory_space<hbm>>
        %dma_wait3A_1036 = tpu.memref_squeeze %dma_wait3A_1035 : memref<1x16x64xf32, #tpu.memory_space<hbm>> -> memref<16x64xf32, #tpu.memory_space<hbm>>
        tpu.wait_dma2 semaphore(%arg16 : memref<!tpu.dma_semaphore, #tpu.memory_space<semaphore_mem>>) src(%dma_wait3A_1036 : memref<16x64xf32, #tpu.memory_space<hbm>>) dst(%dma_wait3A_1032 : memref<16x64xf32, #tpu.memory_space<vmem>>)
        %add3A_1037 = arith.constant 0 : i32
        %add3A_1038 = arith.addi %mul3A_522, %add3A_1037 : i32
        %get3A_1039 = arith.index_cast %add3A_1038 : i32 to index
        %get3A_1040 = arith.constant 0 : index
        %get3A_1041 = tpu.vector_load %arg11[%get3A_1039, %get3A_1040] {strides = array<i32>} : memref<128x64xf32, #tpu.memory_space<vmem>>, vector<16xf32>,
        %get3A_1042 = arith.index_cast %add3A_1038 : i32 to index
        %get3A_1043 = arith.constant 0 : index
        %get3A_1044 = tpu.vector_load %arg12[%get3A_1042, %get3A_1043] {strides = array<i32>} : memref<128x128xf32, #tpu.memory_space<vmem>>, vector<16xf32>,
        %add3A_1045 = arith.addf %get3A_1041, %get3A_1044 : vector<16xf32>
        %get3A_1046 = arith.index_cast %add3A_1038 : i32 to index
        %get3A_1047 = arith.constant 0 : index
        %get3A_1048 = tpu.vector_load %arg13[%get3A_1046, %get3A_1047] {strides = array<i32>} : memref<128x64xf32, #tpu.memory_space<vmem>>, vector<16xf32>,
        %sub3A = arith.subf %add3A_1045, %get3A_1048 : vector<16xf32>
        %mul3A_1049 = arith.mulf %sub3A, %sub3A : vector<16xf32>
        %get3A_1050 = arith.index_cast %add3A_1038 : i32 to index
        %get3A_1051 = arith.constant 16 : index
        %get3A_1052 = tpu.vector_load %arg11[%get3A_1050, %get3A_1051] {strides = array<i32>} : memref<128x64xf32, #tpu.memory_space<vmem>>, vector<16xf32>,
        %get3A_1053 = arith.index_cast %add3A_1038 : i32 to index
        %get3A_1054 = arith.constant 16 : index
        %get3A_1055 = tpu.vector_load %arg12[%get3A_1053, %get3A_1054] {strides = array<i32>} : memref<128x128xf32, #tpu.memory_space<vmem>>, vector<16xf32>,
        %add3A_1056 = arith.addf %get3A_1052, %get3A_1055 : vector<16xf32>
        %get3A_1057 = arith.index_cast %add3A_1038 : i32 to index
        %get3A_1058 = arith.constant 16 : index
        %get3A_1059 = tpu.vector_load %arg13[%get3A_1057, %get3A_1058] {strides = array<i32>} : memref<128x64xf32, #tpu.memory_space<vmem>>, vector<16xf32>,
        %sub3A_1060 = arith.subf %add3A_1056, %get3A_1059 : vector<16xf32>
        %mul3A_1061 = arith.mulf %sub3A_1060, %sub3A_1060 : vector<16xf32>
        %add3A_1062 = arith.addf %mul3A_1049, %mul3A_1061 : vector<16xf32>
        %get3A_1063 = arith.index_cast %add3A_1038 : i32 to index
        %get3A_1064 = arith.constant 32 : index
        %get3A_1065 = tpu.vector_load %arg11[%get3A_1063, %get3A_1064] {strides = array<i32>} : memref<128x64xf32, #tpu.memory_space<vmem>>, vector<16xf32>,
        %get3A_1066 = arith.index_cast %add3A_1038 : i32 to index
        %get3A_1067 = arith.constant 32 : index
        %get3A_1068 = tpu.vector_load %arg12[%get3A_1066, %get3A_1067] {strides = array<i32>} : memref<128x128xf32, #tpu.memory_space<vmem>>, vector<16xf32>,
        %add3A_1069 = arith.addf %get3A_1065, %get3A_1068 : vector<16xf32>
        %get3A_1070 = arith.index_cast %add3A_1038 : i32 to index
        %get3A_1071 = arith.constant 32 : index
        %get3A_1072 = tpu.vector_load %arg13[%get3A_1070, %get3A_1071] {strides = array<i32>} : memref<128x64xf32, #tpu.memory_space<vmem>>, vector<16xf32>,
        %sub3A_1073 = arith.subf %add3A_1069, %get3A_1072 : vector<16xf32>
        %mul3A_1074 = arith.mulf %sub3A_1073, %sub3A_1073 : vector<16xf32>
        %add3A_1075 = arith.addf %add3A_1062, %mul3A_1074 : vector<16xf32>
        %get3A_1076 = arith.index_cast %add3A_1038 : i32 to index
        %get3A_1077 = arith.constant 48 : index
        %get3A_1078 = tpu.vector_load %arg11[%get3A_1076, %get3A_1077] {strides = array<i32>} : memref<128x64xf32, #tpu.memory_space<vmem>>, vector<16xf32>,
        %get3A_1079 = arith.index_cast %add3A_1038 : i32 to index
        %get3A_1080 = arith.constant 48 : index
        %get3A_1081 = tpu.vector_load %arg12[%get3A_1079, %get3A_1080] {strides = array<i32>} : memref<128x128xf32, #tpu.memory_space<vmem>>, vector<16xf32>,
        %add3A_1082 = arith.addf %get3A_1078, %get3A_1081 : vector<16xf32>
        %get3A_1083 = arith.index_cast %add3A_1038 : i32 to index
        %get3A_1084 = arith.constant 48 : index
        %get3A_1085 = tpu.vector_load %arg13[%get3A_1083, %get3A_1084] {strides = array<i32>} : memref<128x64xf32, #tpu.memory_space<vmem>>, vector<16xf32>,
        %sub3A_1086 = arith.subf %add3A_1082, %get3A_1085 : vector<16xf32>
        %mul3A_1087 = arith.mulf %sub3A_1086, %sub3A_1086 : vector<16xf32>
        %add3A_1088 = arith.addf %add3A_1075, %mul3A_1087 : vector<16xf32>
        %swap3A = arith.constant 0 : index
        %swap3A_1089 = tpu.vector_load %arg15[%swap3A] {strides = array<i32>} : memref<384xf32, #tpu.memory_space<vmem>>, vector<16xf32>,
        tpu.vector_store %arg15[%swap3A], %add3A_1088 {strides = array<i32>} : memref<384xf32, #tpu.memory_space<vmem>>, vector<16xf32>,
        %add3A_1090 = arith.constant 1 : i32
        %add3A_1091 = arith.addi %mul3A_522, %add3A_1090 : i32
        %get3A_1092 = arith.index_cast %add3A_1091 : i32 to index
        %get3A_1093 = arith.constant 0 : index
        %get3A_1094 = tpu.vector_load %arg11[%get3A_1092, %get3A_1093] {strides = array<i32>} : memref<128x64xf32, #tpu.memory_space<vmem>>, vector<16xf32>,
        %get3A_1095 = arith.index_cast %add3A_1091 : i32 to index
        %get3A_1096 = arith.constant 0 : index
        %get3A_1097 = tpu.vector_load %arg12[%get3A_1095, %get3A_1096] {strides = array<i32>} : memref<128x128xf32, #tpu.memory_space<vmem>>, vector<16xf32>,
        %add3A_1098 = arith.addf %get3A_1094, %get3A_1097 : vector<16xf32>
        %get3A_1099 = arith.index_cast %add3A_1091 : i32 to index
        %get3A_1100 = arith.constant 0 : index
        %get3A_1101 = tpu.vector_load %arg13[%get3A_1099, %get3A_1100] {strides = array<i32>} : memref<128x64xf32, #tpu.memory_space<vmem>>, vector<16xf32>,
        %sub3A_1102 = arith.subf %add3A_1098, %get3A_1101 : vector<16xf32>
        %mul3A_1103 = arith.mulf %sub3A_1102, %sub3A_1102 : vector<16xf32>
        %get3A_1104 = arith.index_cast %add3A_1091 : i32 to index
        %get3A_1105 = arith.constant 16 : index
        %get3A_1106 = tpu.vector_load %arg11[%get3A_1104, %get3A_1105] {strides = array<i32>} : memref<128x64xf32, #tpu.memory_space<vmem>>, vector<16xf32>,
        %get3A_1107 = arith.index_cast %add3A_1091 : i32 to index
        %get3A_1108 = arith.constant 16 : index
        %get3A_1109 = tpu.vector_load %arg12[%get3A_1107, %get3A_1108] {strides = array<i32>} : memref<128x128xf32, #tpu.memory_space<vmem>>, vector<16xf32>,
        %add3A_1110 = arith.addf %get3A_1106, %get3A_1109 : vector<16xf32>
        %get3A_1111 = arith.index_cast %add3A_1091 : i32 to index
        %get3A_1112 = arith.constant 16 : index
        %get3A_1113 = tpu.vector_load %arg13[%get3A_1111, %get3A_1112] {strides = array<i32>} : memref<128x64xf32, #tpu.memory_space<vmem>>, vector<16xf32>,
        %sub3A_1114 = arith.subf %add3A_1110, %get3A_1113 : vector<16xf32>
        %mul3A_1115 = arith.mulf %sub3A_1114, %sub3A_1114 : vector<16xf32>
        %add3A_1116 = arith.addf %mul3A_1103, %mul3A_1115 : vector<16xf32>
        %get3A_1117 = arith.index_cast %add3A_1091 : i32 to index
        %get3A_1118 = arith.constant 32 : index
        %get3A_1119 = tpu.vector_load %arg11[%get3A_1117, %get3A_1118] {strides = array<i32>} : memref<128x64xf32, #tpu.memory_space<vmem>>, vector<16xf32>,
        %get3A_1120 = arith.index_cast %add3A_1091 : i32 to index
        %get3A_1121 = arith.constant 32 : index
        %get3A_1122 = tpu.vector_load %arg12[%get3A_1120, %get3A_1121] {strides = array<i32>} : memref<128x128xf32, #tpu.memory_space<vmem>>, vector<16xf32>,
        %add3A_1123 = arith.addf %get3A_1119, %get3A_1122 : vector<16xf32>
        %get3A_1124 = arith.index_cast %add3A_1091 : i32 to index
        %get3A_1125 = arith.constant 32 : index
        %get3A_1126 = tpu.vector_load %arg13[%get3A_1124, %get3A_1125] {strides = array<i32>} : memref<128x64xf32, #tpu.memory_space<vmem>>, vector<16xf32>,
        %sub3A_1127 = arith.subf %add3A_1123, %get3A_1126 : vector<16xf32>
        %mul3A_1128 = arith.mulf %sub3A_1127, %sub3A_1127 : vector<16xf32>
        %add3A_1129 = arith.addf %add3A_1116, %mul3A_1128 : vector<16xf32>
        %get3A_1130 = arith.index_cast %add3A_1091 : i32 to index
        %get3A_1131 = arith.constant 48 : index
        %get3A_1132 = tpu.vector_load %arg11[%get3A_1130, %get3A_1131] {strides = array<i32>} : memref<128x64xf32, #tpu.memory_space<vmem>>, vector<16xf32>,
        %get3A_1133 = arith.index_cast %add3A_1091 : i32 to index
        %get3A_1134 = arith.constant 48 : index
        %get3A_1135 = tpu.vector_load %arg12[%get3A_1133, %get3A_1134] {strides = array<i32>} : memref<128x128xf32, #tpu.memory_space<vmem>>, vector<16xf32>,
        %add3A_1136 = arith.addf %get3A_1132, %get3A_1135 : vector<16xf32>
        %get3A_1137 = arith.index_cast %add3A_1091 : i32 to index
        %get3A_1138 = arith.constant 48 : index
        %get3A_1139 = tpu.vector_load %arg13[%get3A_1137, %get3A_1138] {strides = array<i32>} : memref<128x64xf32, #tpu.memory_space<vmem>>, vector<16xf32>,
        %sub3A_1140 = arith.subf %add3A_1136, %get3A_1139 : vector<16xf32>
        %mul3A_1141 = arith.mulf %sub3A_1140, %sub3A_1140 : vector<16xf32>
        %add3A_1142 = arith.addf %add3A_1129, %mul3A_1141 : vector<16xf32>
        %swap3A_1143 = arith.constant 24 : index
        %swap3A_1144 = tpu.vector_load %arg15[%swap3A_1143] {strides = array<i32>} : memref<384xf32, #tpu.memory_space<vmem>>, vector<16xf32>,
        tpu.vector_store %arg15[%swap3A_1143], %add3A_1142 {strides = array<i32>} : memref<384xf32, #tpu.memory_space<vmem>>, vector<16xf32>,
        %add3A_1145 = arith.constant 2 : i32
        %add3A_1146 = arith.addi %mul3A_522, %add3A_1145 : i32
        %get3A_1147 = arith.index_cast %add3A_1146 : i32 to index
        %get3A_1148 = arith.constant 0 : index
        %get3A_1149 = tpu.vector_load %arg11[%get3A_1147, %get3A_1148] {strides = array<i32>} : memref<128x64xf32, #tpu.memory_space<vmem>>, vector<16xf32>,
        %get3A_1150 = arith.index_cast %add3A_1146 : i32 to index
        %get3A_1151 = arith.constant 0 : index
        %get3A_1152 = tpu.vector_load %arg12[%get3A_1150, %get3A_1151] {strides = array<i32>} : memref<128x128xf32, #tpu.memory_space<vmem>>, vector<16xf32>,
        %add3A_1153 = arith.addf %get3A_1149, %get3A_1152 : vector<16xf32>
        %get3A_1154 = arith.index_cast %add3A_1146 : i32 to index
        %get3A_1155 = arith.constant 0 : index
        %get3A_1156 = tpu.vector_load %arg13[%get3A_1154, %get3A_1155] {strides = array<i32>} : memref<128x64xf32, #tpu.memory_space<vmem>>, vector<16xf32>,
        %sub3A_1157 = arith.subf %add3A_1153, %get3A_1156 : vector<16xf32>
        %mul3A_1158 = arith.mulf %sub3A_1157, %sub3A_1157 : vector<16xf32>
        %get3A_1159 = arith.index_cast %add3A_1146 : i32 to index
        %get3A_1160 = arith.constant 16 : index
        %get3A_1161 = tpu.vector_load %arg11[%get3A_1159, %get3A_1160] {strides = array<i32>} : memref<128x64xf32, #tpu.memory_space<vmem>>, vector<16xf32>,
        %get3A_1162 = arith.index_cast %add3A_1146 : i32 to index
        %get3A_1163 = arith.constant 16 : index
        %get3A_1164 = tpu.vector_load %arg12[%get3A_1162, %get3A_1163] {strides = array<i32>} : memref<128x128xf32, #tpu.memory_space<vmem>>, vector<16xf32>,
        %add3A_1165 = arith.addf %get3A_1161, %get3A_1164 : vector<16xf32>
        %get3A_1166 = arith.index_cast %add3A_1146 : i32 to index
        %get3A_1167 = arith.constant 16 : index
        %get3A_1168 = tpu.vector_load %arg13[%get3A_1166, %get3A_1167] {strides = array<i32>} : memref<128x64xf32, #tpu.memory_space<vmem>>, vector<16xf32>,
        %sub3A_1169 = arith.subf %add3A_1165, %get3A_1168 : vector<16xf32>
        %mul3A_1170 = arith.mulf %sub3A_1169, %sub3A_1169 : vector<16xf32>
        %add3A_1171 = arith.addf %mul3A_1158, %mul3A_1170 : vector<16xf32>
        %get3A_1172 = arith.index_cast %add3A_1146 : i32 to index
        %get3A_1173 = arith.constant 32 : index
        %get3A_1174 = tpu.vector_load %arg11[%get3A_1172, %get3A_1173] {strides = array<i32>} : memref<128x64xf32, #tpu.memory_space<vmem>>, vector<16xf32>,
        %get3A_1175 = arith.index_cast %add3A_1146 : i32 to index
        %get3A_1176 = arith.constant 32 : index
        %get3A_1177 = tpu.vector_load %arg12[%get3A_1175, %get3A_1176] {strides = array<i32>} : memref<128x128xf32, #tpu.memory_space<vmem>>, vector<16xf32>,
        %add3A_1178 = arith.addf %get3A_1174, %get3A_1177 : vector<16xf32>
        %get3A_1179 = arith.index_cast %add3A_1146 : i32 to index
        %get3A_1180 = arith.constant 32 : index
        %get3A_1181 = tpu.vector_load %arg13[%get3A_1179, %get3A_1180] {strides = array<i32>} : memref<128x64xf32, #tpu.memory_space<vmem>>, vector<16xf32>,
        %sub3A_1182 = arith.subf %add3A_1178, %get3A_1181 : vector<16xf32>
        %mul3A_1183 = arith.mulf %sub3A_1182, %sub3A_1182 : vector<16xf32>
        %add3A_1184 = arith.addf %add3A_1171, %mul3A_1183 : vector<16xf32>
        %get3A_1185 = arith.index_cast %add3A_1146 : i32 to index
        %get3A_1186 = arith.constant 48 : index
        %get3A_1187 = tpu.vector_load %arg11[%get3A_1185, %get3A_1186] {strides = array<i32>} : memref<128x64xf32, #tpu.memory_space<vmem>>, vector<16xf32>,
        %get3A_1188 = arith.index_cast %add3A_1146 : i32 to index
        %get3A_1189 = arith.constant 48 : index
        %get3A_1190 = tpu.vector_load %arg12[%get3A_1188, %get3A_1189] {strides = array<i32>} : memref<128x128xf32, #tpu.memory_space<vmem>>, vector<16xf32>,
        %add3A_1191 = arith.addf %get3A_1187, %get3A_1190 : vector<16xf32>
        %get3A_1192 = arith.index_cast %add3A_1146 : i32 to index
        %get3A_1193 = arith.constant 48 : index
        %get3A_1194 = tpu.vector_load %arg13[%get3A_1192, %get3A_1193] {strides = array<i32>} : memref<128x64xf32, #tpu.memory_space<vmem>>, vector<16xf32>,
        %sub3A_1195 = arith.subf %add3A_1191, %get3A_1194 : vector<16xf32>
        %mul3A_1196 = arith.mulf %sub3A_1195, %sub3A_1195 : vector<16xf32>
        %add3A_1197 = arith.addf %add3A_1184, %mul3A_1196 : vector<16xf32>
        %swap3A_1198 = arith.constant 48 : index
        %swap3A_1199 = tpu.vector_load %arg15[%swap3A_1198] {strides = array<i32>} : memref<384xf32, #tpu.memory_space<vmem>>, vector<16xf32>,
        tpu.vector_store %arg15[%swap3A_1198], %add3A_1197 {strides = array<i32>} : memref<384xf32, #tpu.memory_space<vmem>>, vector<16xf32>,
        %add3A_1200 = arith.constant 3 : i32
        %add3A_1201 = arith.addi %mul3A_522, %add3A_1200 : i32
        %get3A_1202 = arith.index_cast %add3A_1201 : i32 to index
        %get3A_1203 = arith.constant 0 : index
        %get3A_1204 = tpu.vector_load %arg11[%get3A_1202, %get3A_1203] {strides = array<i32>} : memref<128x64xf32, #tpu.memory_space<vmem>>, vector<16xf32>,
        %get3A_1205 = arith.index_cast %add3A_1201 : i32 to index
        %get3A_1206 = arith.constant 0 : index
        %get3A_1207 = tpu.vector_load %arg12[%get3A_1205, %get3A_1206] {strides = array<i32>} : memref<128x128xf32, #tpu.memory_space<vmem>>, vector<16xf32>,
        %add3A_1208 = arith.addf %get3A_1204, %get3A_1207 : vector<16xf32>
        %get3A_1209 = arith.index_cast %add3A_1201 : i32 to index
        %get3A_1210 = arith.constant 0 : index
        %get3A_1211 = tpu.vector_load %arg13[%get3A_1209, %get3A_1210] {strides = array<i32>} : memref<128x64xf32, #tpu.memory_space<vmem>>, vector<16xf32>,
        %sub3A_1212 = arith.subf %add3A_1208, %get3A_1211 : vector<16xf32>
        %mul3A_1213 = arith.mulf %sub3A_1212, %sub3A_1212 : vector<16xf32>
        %get3A_1214 = arith.index_cast %add3A_1201 : i32 to index
        %get3A_1215 = arith.constant 16 : index
        %get3A_1216 = tpu.vector_load %arg11[%get3A_1214, %get3A_1215] {strides = array<i32>} : memref<128x64xf32, #tpu.memory_space<vmem>>, vector<16xf32>,
        %get3A_1217 = arith.index_cast %add3A_1201 : i32 to index
        %get3A_1218 = arith.constant 16 : index
        %get3A_1219 = tpu.vector_load %arg12[%get3A_1217, %get3A_1218] {strides = array<i32>} : memref<128x128xf32, #tpu.memory_space<vmem>>, vector<16xf32>,
        %add3A_1220 = arith.addf %get3A_1216, %get3A_1219 : vector<16xf32>
        %get3A_1221 = arith.index_cast %add3A_1201 : i32 to index
        %get3A_1222 = arith.constant 16 : index
        %get3A_1223 = tpu.vector_load %arg13[%get3A_1221, %get3A_1222] {strides = array<i32>} : memref<128x64xf32, #tpu.memory_space<vmem>>, vector<16xf32>,
        %sub3A_1224 = arith.subf %add3A_1220, %get3A_1223 : vector<16xf32>
        %mul3A_1225 = arith.mulf %sub3A_1224, %sub3A_1224 : vector<16xf32>
        %add3A_1226 = arith.addf %mul3A_1213, %mul3A_1225 : vector<16xf32>
        %get3A_1227 = arith.index_cast %add3A_1201 : i32 to index
        %get3A_1228 = arith.constant 32 : index
        %get3A_1229 = tpu.vector_load %arg11[%get3A_1227, %get3A_1228] {strides = array<i32>} : memref<128x64xf32, #tpu.memory_space<vmem>>, vector<16xf32>,
        %get3A_1230 = arith.index_cast %add3A_1201 : i32 to index
        %get3A_1231 = arith.constant 32 : index
        %get3A_1232 = tpu.vector_load %arg12[%get3A_1230, %get3A_1231] {strides = array<i32>} : memref<128x128xf32, #tpu.memory_space<vmem>>, vector<16xf32>,
        %add3A_1233 = arith.addf %get3A_1229, %get3A_1232 : vector<16xf32>
        %get3A_1234 = arith.index_cast %add3A_1201 : i32 to index
        %get3A_1235 = arith.constant 32 : index
        %get3A_1236 = tpu.vector_load %arg13[%get3A_1234, %get3A_1235] {strides = array<i32>} : memref<128x64xf32, #tpu.memory_space<vmem>>, vector<16xf32>,
        %sub3A_1237 = arith.subf %add3A_1233, %get3A_1236 : vector<16xf32>
        %mul3A_1238 = arith.mulf %sub3A_1237, %sub3A_1237 : vector<16xf32>
        %add3A_1239 = arith.addf %add3A_1226, %mul3A_1238 : vector<16xf32>
        %get3A_1240 = arith.index_cast %add3A_1201 : i32 to index
        %get3A_1241 = arith.constant 48 : index
        %get3A_1242 = tpu.vector_load %arg11[%get3A_1240, %get3A_1241] {strides = array<i32>} : memref<128x64xf32, #tpu.memory_space<vmem>>, vector<16xf32>,
        %get3A_1243 = arith.index_cast %add3A_1201 : i32 to index
        %get3A_1244 = arith.constant 48 : index
        %get3A_1245 = tpu.vector_load %arg12[%get3A_1243, %get3A_1244] {strides = array<i32>} : memref<128x128xf32, #tpu.memory_space<vmem>>, vector<16xf32>,
        %add3A_1246 = arith.addf %get3A_1242, %get3A_1245 : vector<16xf32>
        %get3A_1247 = arith.index_cast %add3A_1201 : i32 to index
        %get3A_1248 = arith.constant 48 : index
        %get3A_1249 = tpu.vector_load %arg13[%get3A_1247, %get3A_1248] {strides = array<i32>} : memref<128x64xf32, #tpu.memory_space<vmem>>, vector<16xf32>,
        %sub3A_1250 = arith.subf %add3A_1246, %get3A_1249 : vector<16xf32>
        %mul3A_1251 = arith.mulf %sub3A_1250, %sub3A_1250 : vector<16xf32>
        %add3A_1252 = arith.addf %add3A_1239, %mul3A_1251 : vector<16xf32>
        %swap3A_1253 = arith.constant 72 : index
        %swap3A_1254 = tpu.vector_load %arg15[%swap3A_1253] {strides = array<i32>} : memref<384xf32, #tpu.memory_space<vmem>>, vector<16xf32>,
        tpu.vector_store %arg15[%swap3A_1253], %add3A_1252 {strides = array<i32>} : memref<384xf32, #tpu.memory_space<vmem>>, vector<16xf32>,
        %add3A_1255 = arith.constant 4 : i32
        %add3A_1256 = arith.addi %mul3A_522, %add3A_1255 : i32
        %get3A_1257 = arith.index_cast %add3A_1256 : i32 to index
        %get3A_1258 = arith.constant 0 : index
        %get3A_1259 = tpu.vector_load %arg11[%get3A_1257, %get3A_1258] {strides = array<i32>} : memref<128x64xf32, #tpu.memory_space<vmem>>, vector<16xf32>,
        %get3A_1260 = arith.index_cast %add3A_1256 : i32 to index
        %get3A_1261 = arith.constant 0 : index
        %get3A_1262 = tpu.vector_load %arg12[%get3A_1260, %get3A_1261] {strides = array<i32>} : memref<128x128xf32, #tpu.memory_space<vmem>>, vector<16xf32>,
        %add3A_1263 = arith.addf %get3A_1259, %get3A_1262 : vector<16xf32>
        %get3A_1264 = arith.index_cast %add3A_1256 : i32 to index
        %get3A_1265 = arith.constant 0 : index
        %get3A_1266 = tpu.vector_load %arg13[%get3A_1264, %get3A_1265] {strides = array<i32>} : memref<128x64xf32, #tpu.memory_space<vmem>>, vector<16xf32>,
        %sub3A_1267 = arith.subf %add3A_1263, %get3A_1266 : vector<16xf32>
        %mul3A_1268 = arith.mulf %sub3A_1267, %sub3A_1267 : vector<16xf32>
        %get3A_1269 = arith.index_cast %add3A_1256 : i32 to index
        %get3A_1270 = arith.constant 16 : index
        %get3A_1271 = tpu.vector_load %arg11[%get3A_1269, %get3A_1270] {strides = array<i32>} : memref<128x64xf32, #tpu.memory_space<vmem>>, vector<16xf32>,
        %get3A_1272 = arith.index_cast %add3A_1256 : i32 to index
        %get3A_1273 = arith.constant 16 : index
        %get3A_1274 = tpu.vector_load %arg12[%get3A_1272, %get3A_1273] {strides = array<i32>} : memref<128x128xf32, #tpu.memory_space<vmem>>, vector<16xf32>,
        %add3A_1275 = arith.addf %get3A_1271, %get3A_1274 : vector<16xf32>
        %get3A_1276 = arith.index_cast %add3A_1256 : i32 to index
        %get3A_1277 = arith.constant 16 : index
        %get3A_1278 = tpu.vector_load %arg13[%get3A_1276, %get3A_1277] {strides = array<i32>} : memref<128x64xf32, #tpu.memory_space<vmem>>, vector<16xf32>,
        %sub3A_1279 = arith.subf %add3A_1275, %get3A_1278 : vector<16xf32>
        %mul3A_1280 = arith.mulf %sub3A_1279, %sub3A_1279 : vector<16xf32>
        %add3A_1281 = arith.addf %mul3A_1268, %mul3A_1280 : vector<16xf32>
        %get3A_1282 = arith.index_cast %add3A_1256 : i32 to index
        %get3A_1283 = arith.constant 32 : index
        %get3A_1284 = tpu.vector_load %arg11[%get3A_1282, %get3A_1283] {strides = array<i32>} : memref<128x64xf32, #tpu.memory_space<vmem>>, vector<16xf32>,
        %get3A_1285 = arith.index_cast %add3A_1256 : i32 to index
        %get3A_1286 = arith.constant 32 : index
        %get3A_1287 = tpu.vector_load %arg12[%get3A_1285, %get3A_1286] {strides = array<i32>} : memref<128x128xf32, #tpu.memory_space<vmem>>, vector<16xf32>,
        %add3A_1288 = arith.addf %get3A_1284, %get3A_1287 : vector<16xf32>
        %get3A_1289 = arith.index_cast %add3A_1256 : i32 to index
        %get3A_1290 = arith.constant 32 : index
        %get3A_1291 = tpu.vector_load %arg13[%get3A_1289, %get3A_1290] {strides = array<i32>} : memref<128x64xf32, #tpu.memory_space<vmem>>, vector<16xf32>,
        %sub3A_1292 = arith.subf %add3A_1288, %get3A_1291 : vector<16xf32>
        %mul3A_1293 = arith.mulf %sub3A_1292, %sub3A_1292 : vector<16xf32>
        %add3A_1294 = arith.addf %add3A_1281, %mul3A_1293 : vector<16xf32>
        %get3A_1295 = arith.index_cast %add3A_1256 : i32 to index
        %get3A_1296 = arith.constant 48 : index
        %get3A_1297 = tpu.vector_load %arg11[%get3A_1295, %get3A_1296] {strides = array<i32>} : memref<128x64xf32, #tpu.memory_space<vmem>>, vector<16xf32>,
        %get3A_1298 = arith.index_cast %add3A_1256 : i32 to index
        %get3A_1299 = arith.constant 48 : index
        %get3A_1300 = tpu.vector_load %arg12[%get3A_1298, %get3A_1299] {strides = array<i32>} : memref<128x128xf32, #tpu.memory_space<vmem>>, vector<16xf32>,
        %add3A_1301 = arith.addf %get3A_1297, %get3A_1300 : vector<16xf32>
        %get3A_1302 = arith.index_cast %add3A_1256 : i32 to index
        %get3A_1303 = arith.constant 48 : index
        %get3A_1304 = tpu.vector_load %arg13[%get3A_1302, %get3A_1303] {strides = array<i32>} : memref<128x64xf32, #tpu.memory_space<vmem>>, vector<16xf32>,
        %sub3A_1305 = arith.subf %add3A_1301, %get3A_1304 : vector<16xf32>
        %mul3A_1306 = arith.mulf %sub3A_1305, %sub3A_1305 : vector<16xf32>
        %add3A_1307 = arith.addf %add3A_1294, %mul3A_1306 : vector<16xf32>
        %swap3A_1308 = arith.constant 96 : index
        %swap3A_1309 = tpu.vector_load %arg15[%swap3A_1308] {strides = array<i32>} : memref<384xf32, #tpu.memory_space<vmem>>, vector<16xf32>,
        tpu.vector_store %arg15[%swap3A_1308], %add3A_1307 {strides = array<i32>} : memref<384xf32, #tpu.memory_space<vmem>>, vector<16xf32>,
        %add3A_1310 = arith.constant 5 : i32
        %add3A_1311 = arith.addi %mul3A_522, %add3A_1310 : i32
        %get3A_1312 = arith.index_cast %add3A_1311 : i32 to index
        %get3A_1313 = arith.constant 0 : index
        %get3A_1314 = tpu.vector_load %arg11[%get3A_1312, %get3A_1313] {strides = array<i32>} : memref<128x64xf32, #tpu.memory_space<vmem>>, vector<16xf32>,
        %get3A_1315 = arith.index_cast %add3A_1311 : i32 to index
        %get3A_1316 = arith.constant 0 : index
        %get3A_1317 = tpu.vector_load %arg12[%get3A_1315, %get3A_1316] {strides = array<i32>} : memref<128x128xf32, #tpu.memory_space<vmem>>, vector<16xf32>,
        %add3A_1318 = arith.addf %get3A_1314, %get3A_1317 : vector<16xf32>
        %get3A_1319 = arith.index_cast %add3A_1311 : i32 to index
        %get3A_1320 = arith.constant 0 : index
        %get3A_1321 = tpu.vector_load %arg13[%get3A_1319, %get3A_1320] {strides = array<i32>} : memref<128x64xf32, #tpu.memory_space<vmem>>, vector<16xf32>,
        %sub3A_1322 = arith.subf %add3A_1318, %get3A_1321 : vector<16xf32>
        %mul3A_1323 = arith.mulf %sub3A_1322, %sub3A_1322 : vector<16xf32>
        %get3A_1324 = arith.index_cast %add3A_1311 : i32 to index
        %get3A_1325 = arith.constant 16 : index
        %get3A_1326 = tpu.vector_load %arg11[%get3A_1324, %get3A_1325] {strides = array<i32>} : memref<128x64xf32, #tpu.memory_space<vmem>>, vector<16xf32>,
        %get3A_1327 = arith.index_cast %add3A_1311 : i32 to index
        %get3A_1328 = arith.constant 16 : index
        %get3A_1329 = tpu.vector_load %arg12[%get3A_1327, %get3A_1328] {strides = array<i32>} : memref<128x128xf32, #tpu.memory_space<vmem>>, vector<16xf32>,
        %add3A_1330 = arith.addf %get3A_1326, %get3A_1329 : vector<16xf32>
        %get3A_1331 = arith.index_cast %add3A_1311 : i32 to index
        %get3A_1332 = arith.constant 16 : index
        %get3A_1333 = tpu.vector_load %arg13[%get3A_1331, %get3A_1332] {strides = array<i32>} : memref<128x64xf32, #tpu.memory_space<vmem>>, vector<16xf32>,
        %sub3A_1334 = arith.subf %add3A_1330, %get3A_1333 : vector<16xf32>
        %mul3A_1335 = arith.mulf %sub3A_1334, %sub3A_1334 : vector<16xf32>
        %add3A_1336 = arith.addf %mul3A_1323, %mul3A_1335 : vector<16xf32>
        %get3A_1337 = arith.index_cast %add3A_1311 : i32 to index
        %get3A_1338 = arith.constant 32 : index
        %get3A_1339 = tpu.vector_load %arg11[%get3A_1337, %get3A_1338] {strides = array<i32>} : memref<128x64xf32, #tpu.memory_space<vmem>>, vector<16xf32>,
        %get3A_1340 = arith.index_cast %add3A_1311 : i32 to index
        %get3A_1341 = arith.constant 32 : index
        %get3A_1342 = tpu.vector_load %arg12[%get3A_1340, %get3A_1341] {strides = array<i32>} : memref<128x128xf32, #tpu.memory_space<vmem>>, vector<16xf32>,
        %add3A_1343 = arith.addf %get3A_1339, %get3A_1342 : vector<16xf32>
        %get3A_1344 = arith.index_cast %add3A_1311 : i32 to index
        %get3A_1345 = arith.constant 32 : index
        %get3A_1346 = tpu.vector_load %arg13[%get3A_1344, %get3A_1345] {strides = array<i32>} : memref<128x64xf32, #tpu.memory_space<vmem>>, vector<16xf32>,
        %sub3A_1347 = arith.subf %add3A_1343, %get3A_1346 : vector<16xf32>
        %mul3A_1348 = arith.mulf %sub3A_1347, %sub3A_1347 : vector<16xf32>
        %add3A_1349 = arith.addf %add3A_1336, %mul3A_1348 : vector<16xf32>
        %get3A_1350 = arith.index_cast %add3A_1311 : i32 to index
        %get3A_1351 = arith.constant 48 : index
        %get3A_1352 = tpu.vector_load %arg11[%get3A_1350, %get3A_1351] {strides = array<i32>} : memref<128x64xf32, #tpu.memory_space<vmem>>, vector<16xf32>,
        %get3A_1353 = arith.index_cast %add3A_1311 : i32 to index
        %get3A_1354 = arith.constant 48 : index
        %get3A_1355 = tpu.vector_load %arg12[%get3A_1353, %get3A_1354] {strides = array<i32>} : memref<128x128xf32, #tpu.memory_space<vmem>>, vector<16xf32>,
        %add3A_1356 = arith.addf %get3A_1352, %get3A_1355 : vector<16xf32>
        %get3A_1357 = arith.index_cast %add3A_1311 : i32 to index
        %get3A_1358 = arith.constant 48 : index
        %get3A_1359 = tpu.vector_load %arg13[%get3A_1357, %get3A_1358] {strides = array<i32>} : memref<128x64xf32, #tpu.memory_space<vmem>>, vector<16xf32>,
        %sub3A_1360 = arith.subf %add3A_1356, %get3A_1359 : vector<16xf32>
        %mul3A_1361 = arith.mulf %sub3A_1360, %sub3A_1360 : vector<16xf32>
        %add3A_1362 = arith.addf %add3A_1349, %mul3A_1361 : vector<16xf32>
        %swap3A_1363 = arith.constant 120 : index
        %swap3A_1364 = tpu.vector_load %arg15[%swap3A_1363] {strides = array<i32>} : memref<384xf32, #tpu.memory_space<vmem>>, vector<16xf32>,
        tpu.vector_store %arg15[%swap3A_1363], %add3A_1362 {strides = array<i32>} : memref<384xf32, #tpu.memory_space<vmem>>, vector<16xf32>,
        %add3A_1365 = arith.constant 6 : i32
        %add3A_1366 = arith.addi %mul3A_522, %add3A_1365 : i32
        %get3A_1367 = arith.index_cast %add3A_1366 : i32 to index
        %get3A_1368 = arith.constant 0 : index
        %get3A_1369 = tpu.vector_load %arg11[%get3A_1367, %get3A_1368] {strides = array<i32>} : memref<128x64xf32, #tpu.memory_space<vmem>>, vector<16xf32>,
        %get3A_1370 = arith.index_cast %add3A_1366 : i32 to index
        %get3A_1371 = arith.constant 0 : index
        %get3A_1372 = tpu.vector_load %arg12[%get3A_1370, %get3A_1371] {strides = array<i32>} : memref<128x128xf32, #tpu.memory_space<vmem>>, vector<16xf32>,
        %add3A_1373 = arith.addf %get3A_1369, %get3A_1372 : vector<16xf32>
        %get3A_1374 = arith.index_cast %add3A_1366 : i32 to index
        %get3A_1375 = arith.constant 0 : index
        %get3A_1376 = tpu.vector_load %arg13[%get3A_1374, %get3A_1375] {strides = array<i32>} : memref<128x64xf32, #tpu.memory_space<vmem>>, vector<16xf32>,
        %sub3A_1377 = arith.subf %add3A_1373, %get3A_1376 : vector<16xf32>
        %mul3A_1378 = arith.mulf %sub3A_1377, %sub3A_1377 : vector<16xf32>
        %get3A_1379 = arith.index_cast %add3A_1366 : i32 to index
        %get3A_1380 = arith.constant 16 : index
        %get3A_1381 = tpu.vector_load %arg11[%get3A_1379, %get3A_1380] {strides = array<i32>} : memref<128x64xf32, #tpu.memory_space<vmem>>, vector<16xf32>,
        %get3A_1382 = arith.index_cast %add3A_1366 : i32 to index
        %get3A_1383 = arith.constant 16 : index
        %get3A_1384 = tpu.vector_load %arg12[%get3A_1382, %get3A_1383] {strides = array<i32>} : memref<128x128xf32, #tpu.memory_space<vmem>>, vector<16xf32>,
        %add3A_1385 = arith.addf %get3A_1381, %get3A_1384 : vector<16xf32>
        %get3A_1386 = arith.index_cast %add3A_1366 : i32 to index
        %get3A_1387 = arith.constant 16 : index
        %get3A_1388 = tpu.vector_load %arg13[%get3A_1386, %get3A_1387] {strides = array<i32>} : memref<128x64xf32, #tpu.memory_space<vmem>>, vector<16xf32>,
        %sub3A_1389 = arith.subf %add3A_1385, %get3A_1388 : vector<16xf32>
        %mul3A_1390 = arith.mulf %sub3A_1389, %sub3A_1389 : vector<16xf32>
        %add3A_1391 = arith.addf %mul3A_1378, %mul3A_1390 : vector<16xf32>
        %get3A_1392 = arith.index_cast %add3A_1366 : i32 to index
        %get3A_1393 = arith.constant 32 : index
        %get3A_1394 = tpu.vector_load %arg11[%get3A_1392, %get3A_1393] {strides = array<i32>} : memref<128x64xf32, #tpu.memory_space<vmem>>, vector<16xf32>,
        %get3A_1395 = arith.index_cast %add3A_1366 : i32 to index
        %get3A_1396 = arith.constant 32 : index
        %get3A_1397 = tpu.vector_load %arg12[%get3A_1395, %get3A_1396] {strides = array<i32>} : memref<128x128xf32, #tpu.memory_space<vmem>>, vector<16xf32>,
        %add3A_1398 = arith.addf %get3A_1394, %get3A_1397 : vector<16xf32>
        %get3A_1399 = arith.index_cast %add3A_1366 : i32 to index
        %get3A_1400 = arith.constant 32 : index
        %get3A_1401 = tpu.vector_load %arg13[%get3A_1399, %get3A_1400] {strides = array<i32>} : memref<128x64xf32, #tpu.memory_space<vmem>>, vector<16xf32>,
        %sub3A_1402 = arith.subf %add3A_1398, %get3A_1401 : vector<16xf32>
        %mul3A_1403 = arith.mulf %sub3A_1402, %sub3A_1402 : vector<16xf32>
        %add3A_1404 = arith.addf %add3A_1391, %mul3A_1403 : vector<16xf32>
        %get3A_1405 = arith.index_cast %add3A_1366 : i32 to index
        %get3A_1406 = arith.constant 48 : index
        %get3A_1407 = tpu.vector_load %arg11[%get3A_1405, %get3A_1406] {strides = array<i32>} : memref<128x64xf32, #tpu.memory_space<vmem>>, vector<16xf32>,
        %get3A_1408 = arith.index_cast %add3A_1366 : i32 to index
        %get3A_1409 = arith.constant 48 : index
        %get3A_1410 = tpu.vector_load %arg12[%get3A_1408, %get3A_1409] {strides = array<i32>} : memref<128x128xf32, #tpu.memory_space<vmem>>, vector<16xf32>,
        %add3A_1411 = arith.addf %get3A_1407, %get3A_1410 : vector<16xf32>
        %get3A_1412 = arith.index_cast %add3A_1366 : i32 to index
        %get3A_1413 = arith.constant 48 : index
        %get3A_1414 = tpu.vector_load %arg13[%get3A_1412, %get3A_1413] {strides = array<i32>} : memref<128x64xf32, #tpu.memory_space<vmem>>, vector<16xf32>,
        %sub3A_1415 = arith.subf %add3A_1411, %get3A_1414 : vector<16xf32>
        %mul3A_1416 = arith.mulf %sub3A_1415, %sub3A_1415 : vector<16xf32>
        %add3A_1417 = arith.addf %add3A_1404, %mul3A_1416 : vector<16xf32>
        %swap3A_1418 = arith.constant 144 : index
        %swap3A_1419 = tpu.vector_load %arg15[%swap3A_1418] {strides = array<i32>} : memref<384xf32, #tpu.memory_space<vmem>>, vector<16xf32>,
        tpu.vector_store %arg15[%swap3A_1418], %add3A_1417 {strides = array<i32>} : memref<384xf32, #tpu.memory_space<vmem>>, vector<16xf32>,
        %add3A_1420 = arith.constant 7 : i32
        %add3A_1421 = arith.addi %mul3A_522, %add3A_1420 : i32
        %get3A_1422 = arith.index_cast %add3A_1421 : i32 to index
        %get3A_1423 = arith.constant 0 : index
        %get3A_1424 = tpu.vector_load %arg11[%get3A_1422, %get3A_1423] {strides = array<i32>} : memref<128x64xf32, #tpu.memory_space<vmem>>, vector<16xf32>,
        %get3A_1425 = arith.index_cast %add3A_1421 : i32 to index
        %get3A_1426 = arith.constant 0 : index
        %get3A_1427 = tpu.vector_load %arg12[%get3A_1425, %get3A_1426] {strides = array<i32>} : memref<128x128xf32, #tpu.memory_space<vmem>>, vector<16xf32>,
        %add3A_1428 = arith.addf %get3A_1424, %get3A_1427 : vector<16xf32>
        %get3A_1429 = arith.index_cast %add3A_1421 : i32 to index
        %get3A_1430 = arith.constant 0 : index
        %get3A_1431 = tpu.vector_load %arg13[%get3A_1429, %get3A_1430] {strides = array<i32>} : memref<128x64xf32, #tpu.memory_space<vmem>>, vector<16xf32>,
        %sub3A_1432 = arith.subf %add3A_1428, %get3A_1431 : vector<16xf32>
        %mul3A_1433 = arith.mulf %sub3A_1432, %sub3A_1432 : vector<16xf32>
        %get3A_1434 = arith.index_cast %add3A_1421 : i32 to index
        %get3A_1435 = arith.constant 16 : index
        %get3A_1436 = tpu.vector_load %arg11[%get3A_1434, %get3A_1435] {strides = array<i32>} : memref<128x64xf32, #tpu.memory_space<vmem>>, vector<16xf32>,
        %get3A_1437 = arith.index_cast %add3A_1421 : i32 to index
        %get3A_1438 = arith.constant 16 : index
        %get3A_1439 = tpu.vector_load %arg12[%get3A_1437, %get3A_1438] {strides = array<i32>} : memref<128x128xf32, #tpu.memory_space<vmem>>, vector<16xf32>,
        %add3A_1440 = arith.addf %get3A_1436, %get3A_1439 : vector<16xf32>
        %get3A_1441 = arith.index_cast %add3A_1421 : i32 to index
        %get3A_1442 = arith.constant 16 : index
        %get3A_1443 = tpu.vector_load %arg13[%get3A_1441, %get3A_1442] {strides = array<i32>} : memref<128x64xf32, #tpu.memory_space<vmem>>, vector<16xf32>,
        %sub3A_1444 = arith.subf %add3A_1440, %get3A_1443 : vector<16xf32>
        %mul3A_1445 = arith.mulf %sub3A_1444, %sub3A_1444 : vector<16xf32>
        %add3A_1446 = arith.addf %mul3A_1433, %mul3A_1445 : vector<16xf32>
        %get3A_1447 = arith.index_cast %add3A_1421 : i32 to index
        %get3A_1448 = arith.constant 32 : index
        %get3A_1449 = tpu.vector_load %arg11[%get3A_1447, %get3A_1448] {strides = array<i32>} : memref<128x64xf32, #tpu.memory_space<vmem>>, vector<16xf32>,
        %get3A_1450 = arith.index_cast %add3A_1421 : i32 to index
        %get3A_1451 = arith.constant 32 : index
        %get3A_1452 = tpu.vector_load %arg12[%get3A_1450, %get3A_1451] {strides = array<i32>} : memref<128x128xf32, #tpu.memory_space<vmem>>, vector<16xf32>,
        %add3A_1453 = arith.addf %get3A_1449, %get3A_1452 : vector<16xf32>
        %get3A_1454 = arith.index_cast %add3A_1421 : i32 to index
        %get3A_1455 = arith.constant 32 : index
        %get3A_1456 = tpu.vector_load %arg13[%get3A_1454, %get3A_1455] {strides = array<i32>} : memref<128x64xf32, #tpu.memory_space<vmem>>, vector<16xf32>,
        %sub3A_1457 = arith.subf %add3A_1453, %get3A_1456 : vector<16xf32>
        %mul3A_1458 = arith.mulf %sub3A_1457, %sub3A_1457 : vector<16xf32>
        %add3A_1459 = arith.addf %add3A_1446, %mul3A_1458 : vector<16xf32>
        %get3A_1460 = arith.index_cast %add3A_1421 : i32 to index
        %get3A_1461 = arith.constant 48 : index
        %get3A_1462 = tpu.vector_load %arg11[%get3A_1460, %get3A_1461] {strides = array<i32>} : memref<128x64xf32, #tpu.memory_space<vmem>>, vector<16xf32>,
        %get3A_1463 = arith.index_cast %add3A_1421 : i32 to index
        %get3A_1464 = arith.constant 48 : index
        %get3A_1465 = tpu.vector_load %arg12[%get3A_1463, %get3A_1464] {strides = array<i32>} : memref<128x128xf32, #tpu.memory_space<vmem>>, vector<16xf32>,
        %add3A_1466 = arith.addf %get3A_1462, %get3A_1465 : vector<16xf32>
        %get3A_1467 = arith.index_cast %add3A_1421 : i32 to index
        %get3A_1468 = arith.constant 48 : index
        %get3A_1469 = tpu.vector_load %arg13[%get3A_1467, %get3A_1468] {strides = array<i32>} : memref<128x64xf32, #tpu.memory_space<vmem>>, vector<16xf32>,
        %sub3A_1470 = arith.subf %add3A_1466, %get3A_1469 : vector<16xf32>
        %mul3A_1471 = arith.mulf %sub3A_1470, %sub3A_1470 : vector<16xf32>
        %add3A_1472 = arith.addf %add3A_1459, %mul3A_1471 : vector<16xf32>
        %swap3A_1473 = arith.constant 168 : index
        %swap3A_1474 = tpu.vector_load %arg15[%swap3A_1473] {strides = array<i32>} : memref<384xf32, #tpu.memory_space<vmem>>, vector<16xf32>,
        tpu.vector_store %arg15[%swap3A_1473], %add3A_1472 {strides = array<i32>} : memref<384xf32, #tpu.memory_space<vmem>>, vector<16xf32>,
        %add3A_1475 = arith.constant 8 : i32
        %add3A_1476 = arith.addi %mul3A_522, %add3A_1475 : i32
        %get3A_1477 = arith.index_cast %add3A_1476 : i32 to index
        %get3A_1478 = arith.constant 0 : index
        %get3A_1479 = tpu.vector_load %arg11[%get3A_1477, %get3A_1478] {strides = array<i32>} : memref<128x64xf32, #tpu.memory_space<vmem>>, vector<16xf32>,
        %get3A_1480 = arith.index_cast %add3A_1476 : i32 to index
        %get3A_1481 = arith.constant 0 : index
        %get3A_1482 = tpu.vector_load %arg12[%get3A_1480, %get3A_1481] {strides = array<i32>} : memref<128x128xf32, #tpu.memory_space<vmem>>, vector<16xf32>,
        %add3A_1483 = arith.addf %get3A_1479, %get3A_1482 : vector<16xf32>
        %get3A_1484 = arith.index_cast %add3A_1476 : i32 to index
        %get3A_1485 = arith.constant 0 : index
        %get3A_1486 = tpu.vector_load %arg13[%get3A_1484, %get3A_1485] {strides = array<i32>} : memref<128x64xf32, #tpu.memory_space<vmem>>, vector<16xf32>,
        %sub3A_1487 = arith.subf %add3A_1483, %get3A_1486 : vector<16xf32>
        %mul3A_1488 = arith.mulf %sub3A_1487, %sub3A_1487 : vector<16xf32>
        %get3A_1489 = arith.index_cast %add3A_1476 : i32 to index
        %get3A_1490 = arith.constant 16 : index
        %get3A_1491 = tpu.vector_load %arg11[%get3A_1489, %get3A_1490] {strides = array<i32>} : memref<128x64xf32, #tpu.memory_space<vmem>>, vector<16xf32>,
        %get3A_1492 = arith.index_cast %add3A_1476 : i32 to index
        %get3A_1493 = arith.constant 16 : index
        %get3A_1494 = tpu.vector_load %arg12[%get3A_1492, %get3A_1493] {strides = array<i32>} : memref<128x128xf32, #tpu.memory_space<vmem>>, vector<16xf32>,
        %add3A_1495 = arith.addf %get3A_1491, %get3A_1494 : vector<16xf32>
        %get3A_1496 = arith.index_cast %add3A_1476 : i32 to index
        %get3A_1497 = arith.constant 16 : index
        %get3A_1498 = tpu.vector_load %arg13[%get3A_1496, %get3A_1497] {strides = array<i32>} : memref<128x64xf32, #tpu.memory_space<vmem>>, vector<16xf32>,
        %sub3A_1499 = arith.subf %add3A_1495, %get3A_1498 : vector<16xf32>
        %mul3A_1500 = arith.mulf %sub3A_1499, %sub3A_1499 : vector<16xf32>
        %add3A_1501 = arith.addf %mul3A_1488, %mul3A_1500 : vector<16xf32>
        %get3A_1502 = arith.index_cast %add3A_1476 : i32 to index
        %get3A_1503 = arith.constant 32 : index
        %get3A_1504 = tpu.vector_load %arg11[%get3A_1502, %get3A_1503] {strides = array<i32>} : memref<128x64xf32, #tpu.memory_space<vmem>>, vector<16xf32>,
        %get3A_1505 = arith.index_cast %add3A_1476 : i32 to index
        %get3A_1506 = arith.constant 32 : index
        %get3A_1507 = tpu.vector_load %arg12[%get3A_1505, %get3A_1506] {strides = array<i32>} : memref<128x128xf32, #tpu.memory_space<vmem>>, vector<16xf32>,
        %add3A_1508 = arith.addf %get3A_1504, %get3A_1507 : vector<16xf32>
        %get3A_1509 = arith.index_cast %add3A_1476 : i32 to index
        %get3A_1510 = arith.constant 32 : index
        %get3A_1511 = tpu.vector_load %arg13[%get3A_1509, %get3A_1510] {strides = array<i32>} : memref<128x64xf32, #tpu.memory_space<vmem>>, vector<16xf32>,
        %sub3A_1512 = arith.subf %add3A_1508, %get3A_1511 : vector<16xf32>
        %mul3A_1513 = arith.mulf %sub3A_1512, %sub3A_1512 : vector<16xf32>
        %add3A_1514 = arith.addf %add3A_1501, %mul3A_1513 : vector<16xf32>
        %get3A_1515 = arith.index_cast %add3A_1476 : i32 to index
        %get3A_1516 = arith.constant 48 : index
        %get3A_1517 = tpu.vector_load %arg11[%get3A_1515, %get3A_1516] {strides = array<i32>} : memref<128x64xf32, #tpu.memory_space<vmem>>, vector<16xf32>,
        %get3A_1518 = arith.index_cast %add3A_1476 : i32 to index
        %get3A_1519 = arith.constant 48 : index
        %get3A_1520 = tpu.vector_load %arg12[%get3A_1518, %get3A_1519] {strides = array<i32>} : memref<128x128xf32, #tpu.memory_space<vmem>>, vector<16xf32>,
        %add3A_1521 = arith.addf %get3A_1517, %get3A_1520 : vector<16xf32>
        %get3A_1522 = arith.index_cast %add3A_1476 : i32 to index
        %get3A_1523 = arith.constant 48 : index
        %get3A_1524 = tpu.vector_load %arg13[%get3A_1522, %get3A_1523] {strides = array<i32>} : memref<128x64xf32, #tpu.memory_space<vmem>>, vector<16xf32>,
        %sub3A_1525 = arith.subf %add3A_1521, %get3A_1524 : vector<16xf32>
        %mul3A_1526 = arith.mulf %sub3A_1525, %sub3A_1525 : vector<16xf32>
        %add3A_1527 = arith.addf %add3A_1514, %mul3A_1526 : vector<16xf32>
        %swap3A_1528 = arith.constant 192 : index
        %swap3A_1529 = tpu.vector_load %arg15[%swap3A_1528] {strides = array<i32>} : memref<384xf32, #tpu.memory_space<vmem>>, vector<16xf32>,
        tpu.vector_store %arg15[%swap3A_1528], %add3A_1527 {strides = array<i32>} : memref<384xf32, #tpu.memory_space<vmem>>, vector<16xf32>,
        %add3A_1530 = arith.constant 9 : i32
        %add3A_1531 = arith.addi %mul3A_522, %add3A_1530 : i32
        %get3A_1532 = arith.index_cast %add3A_1531 : i32 to index
        %get3A_1533 = arith.constant 0 : index
        %get3A_1534 = tpu.vector_load %arg11[%get3A_1532, %get3A_1533] {strides = array<i32>} : memref<128x64xf32, #tpu.memory_space<vmem>>, vector<16xf32>,
        %get3A_1535 = arith.index_cast %add3A_1531 : i32 to index
        %get3A_1536 = arith.constant 0 : index
        %get3A_1537 = tpu.vector_load %arg12[%get3A_1535, %get3A_1536] {strides = array<i32>} : memref<128x128xf32, #tpu.memory_space<vmem>>, vector<16xf32>,
        %add3A_1538 = arith.addf %get3A_1534, %get3A_1537 : vector<16xf32>
        %get3A_1539 = arith.index_cast %add3A_1531 : i32 to index
        %get3A_1540 = arith.constant 0 : index
        %get3A_1541 = tpu.vector_load %arg13[%get3A_1539, %get3A_1540] {strides = array<i32>} : memref<128x64xf32, #tpu.memory_space<vmem>>, vector<16xf32>,
        %sub3A_1542 = arith.subf %add3A_1538, %get3A_1541 : vector<16xf32>
        %mul3A_1543 = arith.mulf %sub3A_1542, %sub3A_1542 : vector<16xf32>
        %get3A_1544 = arith.index_cast %add3A_1531 : i32 to index
        %get3A_1545 = arith.constant 16 : index
        %get3A_1546 = tpu.vector_load %arg11[%get3A_1544, %get3A_1545] {strides = array<i32>} : memref<128x64xf32, #tpu.memory_space<vmem>>, vector<16xf32>,
        %get3A_1547 = arith.index_cast %add3A_1531 : i32 to index
        %get3A_1548 = arith.constant 16 : index
        %get3A_1549 = tpu.vector_load %arg12[%get3A_1547, %get3A_1548] {strides = array<i32>} : memref<128x128xf32, #tpu.memory_space<vmem>>, vector<16xf32>,
        %add3A_1550 = arith.addf %get3A_1546, %get3A_1549 : vector<16xf32>
        %get3A_1551 = arith.index_cast %add3A_1531 : i32 to index
        %get3A_1552 = arith.constant 16 : index
        %get3A_1553 = tpu.vector_load %arg13[%get3A_1551, %get3A_1552] {strides = array<i32>} : memref<128x64xf32, #tpu.memory_space<vmem>>, vector<16xf32>,
        %sub3A_1554 = arith.subf %add3A_1550, %get3A_1553 : vector<16xf32>
        %mul3A_1555 = arith.mulf %sub3A_1554, %sub3A_1554 : vector<16xf32>
        %add3A_1556 = arith.addf %mul3A_1543, %mul3A_1555 : vector<16xf32>
        %get3A_1557 = arith.index_cast %add3A_1531 : i32 to index
        %get3A_1558 = arith.constant 32 : index
        %get3A_1559 = tpu.vector_load %arg11[%get3A_1557, %get3A_1558] {strides = array<i32>} : memref<128x64xf32, #tpu.memory_space<vmem>>, vector<16xf32>,
        %get3A_1560 = arith.index_cast %add3A_1531 : i32 to index
        %get3A_1561 = arith.constant 32 : index
        %get3A_1562 = tpu.vector_load %arg12[%get3A_1560, %get3A_1561] {strides = array<i32>} : memref<128x128xf32, #tpu.memory_space<vmem>>, vector<16xf32>,
        %add3A_1563 = arith.addf %get3A_1559, %get3A_1562 : vector<16xf32>
        %get3A_1564 = arith.index_cast %add3A_1531 : i32 to index
        %get3A_1565 = arith.constant 32 : index
        %get3A_1566 = tpu.vector_load %arg13[%get3A_1564, %get3A_1565] {strides = array<i32>} : memref<128x64xf32, #tpu.memory_space<vmem>>, vector<16xf32>,
        %sub3A_1567 = arith.subf %add3A_1563, %get3A_1566 : vector<16xf32>
        %mul3A_1568 = arith.mulf %sub3A_1567, %sub3A_1567 : vector<16xf32>
        %add3A_1569 = arith.addf %add3A_1556, %mul3A_1568 : vector<16xf32>
        %get3A_1570 = arith.index_cast %add3A_1531 : i32 to index
        %get3A_1571 = arith.constant 48 : index
        %get3A_1572 = tpu.vector_load %arg11[%get3A_1570, %get3A_1571] {strides = array<i32>} : memref<128x64xf32, #tpu.memory_space<vmem>>, vector<16xf32>,
        %get3A_1573 = arith.index_cast %add3A_1531 : i32 to index
        %get3A_1574 = arith.constant 48 : index
        %get3A_1575 = tpu.vector_load %arg12[%get3A_1573, %get3A_1574] {strides = array<i32>} : memref<128x128xf32, #tpu.memory_space<vmem>>, vector<16xf32>,
        %add3A_1576 = arith.addf %get3A_1572, %get3A_1575 : vector<16xf32>
        %get3A_1577 = arith.index_cast %add3A_1531 : i32 to index
        %get3A_1578 = arith.constant 48 : index
        %get3A_1579 = tpu.vector_load %arg13[%get3A_1577, %get3A_1578] {strides = array<i32>} : memref<128x64xf32, #tpu.memory_space<vmem>>, vector<16xf32>,
        %sub3A_1580 = arith.subf %add3A_1576, %get3A_1579 : vector<16xf32>
        %mul3A_1581 = arith.mulf %sub3A_1580, %sub3A_1580 : vector<16xf32>
        %add3A_1582 = arith.addf %add3A_1569, %mul3A_1581 : vector<16xf32>
        %swap3A_1583 = arith.constant 216 : index
        %swap3A_1584 = tpu.vector_load %arg15[%swap3A_1583] {strides = array<i32>} : memref<384xf32, #tpu.memory_space<vmem>>, vector<16xf32>,
        tpu.vector_store %arg15[%swap3A_1583], %add3A_1582 {strides = array<i32>} : memref<384xf32, #tpu.memory_space<vmem>>, vector<16xf32>,
        %add3A_1585 = arith.constant 10 : i32
        %add3A_1586 = arith.addi %mul3A_522, %add3A_1585 : i32
        %get3A_1587 = arith.index_cast %add3A_1586 : i32 to index
        %get3A_1588 = arith.constant 0 : index
        %get3A_1589 = tpu.vector_load %arg11[%get3A_1587, %get3A_1588] {strides = array<i32>} : memref<128x64xf32, #tpu.memory_space<vmem>>, vector<16xf32>,
        %get3A_1590 = arith.index_cast %add3A_1586 : i32 to index
        %get3A_1591 = arith.constant 0 : index
        %get3A_1592 = tpu.vector_load %arg12[%get3A_1590, %get3A_1591] {strides = array<i32>} : memref<128x128xf32, #tpu.memory_space<vmem>>, vector<16xf32>,
        %add3A_1593 = arith.addf %get3A_1589, %get3A_1592 : vector<16xf32>
        %get3A_1594 = arith.index_cast %add3A_1586 : i32 to index
        %get3A_1595 = arith.constant 0 : index
        %get3A_1596 = tpu.vector_load %arg13[%get3A_1594, %get3A_1595] {strides = array<i32>} : memref<128x64xf32, #tpu.memory_space<vmem>>, vector<16xf32>,
        %sub3A_1597 = arith.subf %add3A_1593, %get3A_1596 : vector<16xf32>
        %mul3A_1598 = arith.mulf %sub3A_1597, %sub3A_1597 : vector<16xf32>
        %get3A_1599 = arith.index_cast %add3A_1586 : i32 to index
        %get3A_1600 = arith.constant 16 : index
        %get3A_1601 = tpu.vector_load %arg11[%get3A_1599, %get3A_1600] {strides = array<i32>} : memref<128x64xf32, #tpu.memory_space<vmem>>, vector<16xf32>,
        %get3A_1602 = arith.index_cast %add3A_1586 : i32 to index
        %get3A_1603 = arith.constant 16 : index
        %get3A_1604 = tpu.vector_load %arg12[%get3A_1602, %get3A_1603] {strides = array<i32>} : memref<128x128xf32, #tpu.memory_space<vmem>>, vector<16xf32>,
        %add3A_1605 = arith.addf %get3A_1601, %get3A_1604 : vector<16xf32>
        %get3A_1606 = arith.index_cast %add3A_1586 : i32 to index
        %get3A_1607 = arith.constant 16 : index
        %get3A_1608 = tpu.vector_load %arg13[%get3A_1606, %get3A_1607] {strides = array<i32>} : memref<128x64xf32, #tpu.memory_space<vmem>>, vector<16xf32>,
        %sub3A_1609 = arith.subf %add3A_1605, %get3A_1608 : vector<16xf32>
        %mul3A_1610 = arith.mulf %sub3A_1609, %sub3A_1609 : vector<16xf32>
        %add3A_1611 = arith.addf %mul3A_1598, %mul3A_1610 : vector<16xf32>
        %get3A_1612 = arith.index_cast %add3A_1586 : i32 to index
        %get3A_1613 = arith.constant 32 : index
        %get3A_1614 = tpu.vector_load %arg11[%get3A_1612, %get3A_1613] {strides = array<i32>} : memref<128x64xf32, #tpu.memory_space<vmem>>, vector<16xf32>,
        %get3A_1615 = arith.index_cast %add3A_1586 : i32 to index
        %get3A_1616 = arith.constant 32 : index
        %get3A_1617 = tpu.vector_load %arg12[%get3A_1615, %get3A_1616] {strides = array<i32>} : memref<128x128xf32, #tpu.memory_space<vmem>>, vector<16xf32>,
        %add3A_1618 = arith.addf %get3A_1614, %get3A_1617 : vector<16xf32>
        %get3A_1619 = arith.index_cast %add3A_1586 : i32 to index
        %get3A_1620 = arith.constant 32 : index
        %get3A_1621 = tpu.vector_load %arg13[%get3A_1619, %get3A_1620] {strides = array<i32>} : memref<128x64xf32, #tpu.memory_space<vmem>>, vector<16xf32>,
        %sub3A_1622 = arith.subf %add3A_1618, %get3A_1621 : vector<16xf32>
        %mul3A_1623 = arith.mulf %sub3A_1622, %sub3A_1622 : vector<16xf32>
        %add3A_1624 = arith.addf %add3A_1611, %mul3A_1623 : vector<16xf32>
        %get3A_1625 = arith.index_cast %add3A_1586 : i32 to index
        %get3A_1626 = arith.constant 48 : index
        %get3A_1627 = tpu.vector_load %arg11[%get3A_1625, %get3A_1626] {strides = array<i32>} : memref<128x64xf32, #tpu.memory_space<vmem>>, vector<16xf32>,
        %get3A_1628 = arith.index_cast %add3A_1586 : i32 to index
        %get3A_1629 = arith.constant 48 : index
        %get3A_1630 = tpu.vector_load %arg12[%get3A_1628, %get3A_1629] {strides = array<i32>} : memref<128x128xf32, #tpu.memory_space<vmem>>, vector<16xf32>,
        %add3A_1631 = arith.addf %get3A_1627, %get3A_1630 : vector<16xf32>
        %get3A_1632 = arith.index_cast %add3A_1586 : i32 to index
        %get3A_1633 = arith.constant 48 : index
        %get3A_1634 = tpu.vector_load %arg13[%get3A_1632, %get3A_1633] {strides = array<i32>} : memref<128x64xf32, #tpu.memory_space<vmem>>, vector<16xf32>,
        %sub3A_1635 = arith.subf %add3A_1631, %get3A_1634 : vector<16xf32>
        %mul3A_1636 = arith.mulf %sub3A_1635, %sub3A_1635 : vector<16xf32>
        %add3A_1637 = arith.addf %add3A_1624, %mul3A_1636 : vector<16xf32>
        %swap3A_1638 = arith.constant 240 : index
        %swap3A_1639 = tpu.vector_load %arg15[%swap3A_1638] {strides = array<i32>} : memref<384xf32, #tpu.memory_space<vmem>>, vector<16xf32>,
        tpu.vector_store %arg15[%swap3A_1638], %add3A_1637 {strides = array<i32>} : memref<384xf32, #tpu.memory_space<vmem>>, vector<16xf32>,
        %add3A_1640 = arith.constant 11 : i32
        %add3A_1641 = arith.addi %mul3A_522, %add3A_1640 : i32
        %get3A_1642 = arith.index_cast %add3A_1641 : i32 to index
        %get3A_1643 = arith.constant 0 : index
        %get3A_1644 = tpu.vector_load %arg11[%get3A_1642, %get3A_1643] {strides = array<i32>} : memref<128x64xf32, #tpu.memory_space<vmem>>, vector<16xf32>,
        %get3A_1645 = arith.index_cast %add3A_1641 : i32 to index
        %get3A_1646 = arith.constant 0 : index
        %get3A_1647 = tpu.vector_load %arg12[%get3A_1645, %get3A_1646] {strides = array<i32>} : memref<128x128xf32, #tpu.memory_space<vmem>>, vector<16xf32>,
        %add3A_1648 = arith.addf %get3A_1644, %get3A_1647 : vector<16xf32>
        %get3A_1649 = arith.index_cast %add3A_1641 : i32 to index
        %get3A_1650 = arith.constant 0 : index
        %get3A_1651 = tpu.vector_load %arg13[%get3A_1649, %get3A_1650] {strides = array<i32>} : memref<128x64xf32, #tpu.memory_space<vmem>>, vector<16xf32>,
        %sub3A_1652 = arith.subf %add3A_1648, %get3A_1651 : vector<16xf32>
        %mul3A_1653 = arith.mulf %sub3A_1652, %sub3A_1652 : vector<16xf32>
        %get3A_1654 = arith.index_cast %add3A_1641 : i32 to index
        %get3A_1655 = arith.constant 16 : index
        %get3A_1656 = tpu.vector_load %arg11[%get3A_1654, %get3A_1655] {strides = array<i32>} : memref<128x64xf32, #tpu.memory_space<vmem>>, vector<16xf32>,
        %get3A_1657 = arith.index_cast %add3A_1641 : i32 to index
        %get3A_1658 = arith.constant 16 : index
        %get3A_1659 = tpu.vector_load %arg12[%get3A_1657, %get3A_1658] {strides = array<i32>} : memref<128x128xf32, #tpu.memory_space<vmem>>, vector<16xf32>,
        %add3A_1660 = arith.addf %get3A_1656, %get3A_1659 : vector<16xf32>
        %get3A_1661 = arith.index_cast %add3A_1641 : i32 to index
        %get3A_1662 = arith.constant 16 : index
        %get3A_1663 = tpu.vector_load %arg13[%get3A_1661, %get3A_1662] {strides = array<i32>} : memref<128x64xf32, #tpu.memory_space<vmem>>, vector<16xf32>,
        %sub3A_1664 = arith.subf %add3A_1660, %get3A_1663 : vector<16xf32>
        %mul3A_1665 = arith.mulf %sub3A_1664, %sub3A_1664 : vector<16xf32>
        %add3A_1666 = arith.addf %mul3A_1653, %mul3A_1665 : vector<16xf32>
        %get3A_1667 = arith.index_cast %add3A_1641 : i32 to index
        %get3A_1668 = arith.constant 32 : index
        %get3A_1669 = tpu.vector_load %arg11[%get3A_1667, %get3A_1668] {strides = array<i32>} : memref<128x64xf32, #tpu.memory_space<vmem>>, vector<16xf32>,
        %get3A_1670 = arith.index_cast %add3A_1641 : i32 to index
        %get3A_1671 = arith.constant 32 : index
        %get3A_1672 = tpu.vector_load %arg12[%get3A_1670, %get3A_1671] {strides = array<i32>} : memref<128x128xf32, #tpu.memory_space<vmem>>, vector<16xf32>,
        %add3A_1673 = arith.addf %get3A_1669, %get3A_1672 : vector<16xf32>
        %get3A_1674 = arith.index_cast %add3A_1641 : i32 to index
        %get3A_1675 = arith.constant 32 : index
        %get3A_1676 = tpu.vector_load %arg13[%get3A_1674, %get3A_1675] {strides = array<i32>} : memref<128x64xf32, #tpu.memory_space<vmem>>, vector<16xf32>,
        %sub3A_1677 = arith.subf %add3A_1673, %get3A_1676 : vector<16xf32>
        %mul3A_1678 = arith.mulf %sub3A_1677, %sub3A_1677 : vector<16xf32>
        %add3A_1679 = arith.addf %add3A_1666, %mul3A_1678 : vector<16xf32>
        %get3A_1680 = arith.index_cast %add3A_1641 : i32 to index
        %get3A_1681 = arith.constant 48 : index
        %get3A_1682 = tpu.vector_load %arg11[%get3A_1680, %get3A_1681] {strides = array<i32>} : memref<128x64xf32, #tpu.memory_space<vmem>>, vector<16xf32>,
        %get3A_1683 = arith.index_cast %add3A_1641 : i32 to index
        %get3A_1684 = arith.constant 48 : index
        %get3A_1685 = tpu.vector_load %arg12[%get3A_1683, %get3A_1684] {strides = array<i32>} : memref<128x128xf32, #tpu.memory_space<vmem>>, vector<16xf32>,
        %add3A_1686 = arith.addf %get3A_1682, %get3A_1685 : vector<16xf32>
        %get3A_1687 = arith.index_cast %add3A_1641 : i32 to index
        %get3A_1688 = arith.constant 48 : index
        %get3A_1689 = tpu.vector_load %arg13[%get3A_1687, %get3A_1688] {strides = array<i32>} : memref<128x64xf32, #tpu.memory_space<vmem>>, vector<16xf32>,
        %sub3A_1690 = arith.subf %add3A_1686, %get3A_1689 : vector<16xf32>
        %mul3A_1691 = arith.mulf %sub3A_1690, %sub3A_1690 : vector<16xf32>
        %add3A_1692 = arith.addf %add3A_1679, %mul3A_1691 : vector<16xf32>
        %swap3A_1693 = arith.constant 264 : index
        %swap3A_1694 = tpu.vector_load %arg15[%swap3A_1693] {strides = array<i32>} : memref<384xf32, #tpu.memory_space<vmem>>, vector<16xf32>,
        tpu.vector_store %arg15[%swap3A_1693], %add3A_1692 {strides = array<i32>} : memref<384xf32, #tpu.memory_space<vmem>>, vector<16xf32>,
        %add3A_1695 = arith.constant 12 : i32
        %add3A_1696 = arith.addi %mul3A_522, %add3A_1695 : i32
        %get3A_1697 = arith.index_cast %add3A_1696 : i32 to index
        %get3A_1698 = arith.constant 0 : index
        %get3A_1699 = tpu.vector_load %arg11[%get3A_1697, %get3A_1698] {strides = array<i32>} : memref<128x64xf32, #tpu.memory_space<vmem>>, vector<16xf32>,
        %get3A_1700 = arith.index_cast %add3A_1696 : i32 to index
        %get3A_1701 = arith.constant 0 : index
        %get3A_1702 = tpu.vector_load %arg12[%get3A_1700, %get3A_1701] {strides = array<i32>} : memref<128x128xf32, #tpu.memory_space<vmem>>, vector<16xf32>,
        %add3A_1703 = arith.addf %get3A_1699, %get3A_1702 : vector<16xf32>
        %get3A_1704 = arith.index_cast %add3A_1696 : i32 to index
        %get3A_1705 = arith.constant 0 : index
        %get3A_1706 = tpu.vector_load %arg13[%get3A_1704, %get3A_1705] {strides = array<i32>} : memref<128x64xf32, #tpu.memory_space<vmem>>, vector<16xf32>,
        %sub3A_1707 = arith.subf %add3A_1703, %get3A_1706 : vector<16xf32>
        %mul3A_1708 = arith.mulf %sub3A_1707, %sub3A_1707 : vector<16xf32>
        %get3A_1709 = arith.index_cast %add3A_1696 : i32 to index
        %get3A_1710 = arith.constant 16 : index
        %get3A_1711 = tpu.vector_load %arg11[%get3A_1709, %get3A_1710] {strides = array<i32>} : memref<128x64xf32, #tpu.memory_space<vmem>>, vector<16xf32>,
        %get3A_1712 = arith.index_cast %add3A_1696 : i32 to index
        %get3A_1713 = arith.constant 16 : index
        %get3A_1714 = tpu.vector_load %arg12[%get3A_1712, %get3A_1713] {strides = array<i32>} : memref<128x128xf32, #tpu.memory_space<vmem>>, vector<16xf32>,
        %add3A_1715 = arith.addf %get3A_1711, %get3A_1714 : vector<16xf32>
        %get3A_1716 = arith.index_cast %add3A_1696 : i32 to index
        %get3A_1717 = arith.constant 16 : index
        %get3A_1718 = tpu.vector_load %arg13[%get3A_1716, %get3A_1717] {strides = array<i32>} : memref<128x64xf32, #tpu.memory_space<vmem>>, vector<16xf32>,
        %sub3A_1719 = arith.subf %add3A_1715, %get3A_1718 : vector<16xf32>
        %mul3A_1720 = arith.mulf %sub3A_1719, %sub3A_1719 : vector<16xf32>
        %add3A_1721 = arith.addf %mul3A_1708, %mul3A_1720 : vector<16xf32>
        %get3A_1722 = arith.index_cast %add3A_1696 : i32 to index
        %get3A_1723 = arith.constant 32 : index
        %get3A_1724 = tpu.vector_load %arg11[%get3A_1722, %get3A_1723] {strides = array<i32>} : memref<128x64xf32, #tpu.memory_space<vmem>>, vector<16xf32>,
        %get3A_1725 = arith.index_cast %add3A_1696 : i32 to index
        %get3A_1726 = arith.constant 32 : index
        %get3A_1727 = tpu.vector_load %arg12[%get3A_1725, %get3A_1726] {strides = array<i32>} : memref<128x128xf32, #tpu.memory_space<vmem>>, vector<16xf32>,
        %add3A_1728 = arith.addf %get3A_1724, %get3A_1727 : vector<16xf32>
        %get3A_1729 = arith.index_cast %add3A_1696 : i32 to index
        %get3A_1730 = arith.constant 32 : index
        %get3A_1731 = tpu.vector_load %arg13[%get3A_1729, %get3A_1730] {strides = array<i32>} : memref<128x64xf32, #tpu.memory_space<vmem>>, vector<16xf32>,
        %sub3A_1732 = arith.subf %add3A_1728, %get3A_1731 : vector<16xf32>
        %mul3A_1733 = arith.mulf %sub3A_1732, %sub3A_1732 : vector<16xf32>
        %add3A_1734 = arith.addf %add3A_1721, %mul3A_1733 : vector<16xf32>
        %get3A_1735 = arith.index_cast %add3A_1696 : i32 to index
        %get3A_1736 = arith.constant 48 : index
        %get3A_1737 = tpu.vector_load %arg11[%get3A_1735, %get3A_1736] {strides = array<i32>} : memref<128x64xf32, #tpu.memory_space<vmem>>, vector<16xf32>,
        %get3A_1738 = arith.index_cast %add3A_1696 : i32 to index
        %get3A_1739 = arith.constant 48 : index
        %get3A_1740 = tpu.vector_load %arg12[%get3A_1738, %get3A_1739] {strides = array<i32>} : memref<128x128xf32, #tpu.memory_space<vmem>>, vector<16xf32>,
        %add3A_1741 = arith.addf %get3A_1737, %get3A_1740 : vector<16xf32>
        %get3A_1742 = arith.index_cast %add3A_1696 : i32 to index
        %get3A_1743 = arith.constant 48 : index
        %get3A_1744 = tpu.vector_load %arg13[%get3A_1742, %get3A_1743] {strides = array<i32>} : memref<128x64xf32, #tpu.memory_space<vmem>>, vector<16xf32>,
        %sub3A_1745 = arith.subf %add3A_1741, %get3A_1744 : vector<16xf32>
        %mul3A_1746 = arith.mulf %sub3A_1745, %sub3A_1745 : vector<16xf32>
        %add3A_1747 = arith.addf %add3A_1734, %mul3A_1746 : vector<16xf32>
        %swap3A_1748 = arith.constant 288 : index
        %swap3A_1749 = tpu.vector_load %arg15[%swap3A_1748] {strides = array<i32>} : memref<384xf32, #tpu.memory_space<vmem>>, vector<16xf32>,
        tpu.vector_store %arg15[%swap3A_1748], %add3A_1747 {strides = array<i32>} : memref<384xf32, #tpu.memory_space<vmem>>, vector<16xf32>,
        %add3A_1750 = arith.constant 13 : i32
        %add3A_1751 = arith.addi %mul3A_522, %add3A_1750 : i32
        %get3A_1752 = arith.index_cast %add3A_1751 : i32 to index
        %get3A_1753 = arith.constant 0 : index
        %get3A_1754 = tpu.vector_load %arg11[%get3A_1752, %get3A_1753] {strides = array<i32>} : memref<128x64xf32, #tpu.memory_space<vmem>>, vector<16xf32>,
        %get3A_1755 = arith.index_cast %add3A_1751 : i32 to index
        %get3A_1756 = arith.constant 0 : index
        %get3A_1757 = tpu.vector_load %arg12[%get3A_1755, %get3A_1756] {strides = array<i32>} : memref<128x128xf32, #tpu.memory_space<vmem>>, vector<16xf32>,
        %add3A_1758 = arith.addf %get3A_1754, %get3A_1757 : vector<16xf32>
        %get3A_1759 = arith.index_cast %add3A_1751 : i32 to index
        %get3A_1760 = arith.constant 0 : index
        %get3A_1761 = tpu.vector_load %arg13[%get3A_1759, %get3A_1760] {strides = array<i32>} : memref<128x64xf32, #tpu.memory_space<vmem>>, vector<16xf32>,
        %sub3A_1762 = arith.subf %add3A_1758, %get3A_1761 : vector<16xf32>
        %mul3A_1763 = arith.mulf %sub3A_1762, %sub3A_1762 : vector<16xf32>
        %get3A_1764 = arith.index_cast %add3A_1751 : i32 to index
        %get3A_1765 = arith.constant 16 : index
        %get3A_1766 = tpu.vector_load %arg11[%get3A_1764, %get3A_1765] {strides = array<i32>} : memref<128x64xf32, #tpu.memory_space<vmem>>, vector<16xf32>,
        %get3A_1767 = arith.index_cast %add3A_1751 : i32 to index
        %get3A_1768 = arith.constant 16 : index
        %get3A_1769 = tpu.vector_load %arg12[%get3A_1767, %get3A_1768] {strides = array<i32>} : memref<128x128xf32, #tpu.memory_space<vmem>>, vector<16xf32>,
        %add3A_1770 = arith.addf %get3A_1766, %get3A_1769 : vector<16xf32>
        %get3A_1771 = arith.index_cast %add3A_1751 : i32 to index
        %get3A_1772 = arith.constant 16 : index
        %get3A_1773 = tpu.vector_load %arg13[%get3A_1771, %get3A_1772] {strides = array<i32>} : memref<128x64xf32, #tpu.memory_space<vmem>>, vector<16xf32>,
        %sub3A_1774 = arith.subf %add3A_1770, %get3A_1773 : vector<16xf32>
        %mul3A_1775 = arith.mulf %sub3A_1774, %sub3A_1774 : vector<16xf32>
        %add3A_1776 = arith.addf %mul3A_1763, %mul3A_1775 : vector<16xf32>
        %get3A_1777 = arith.index_cast %add3A_1751 : i32 to index
        %get3A_1778 = arith.constant 32 : index
        %get3A_1779 = tpu.vector_load %arg11[%get3A_1777, %get3A_1778] {strides = array<i32>} : memref<128x64xf32, #tpu.memory_space<vmem>>, vector<16xf32>,
        %get3A_1780 = arith.index_cast %add3A_1751 : i32 to index
        %get3A_1781 = arith.constant 32 : index
        %get3A_1782 = tpu.vector_load %arg12[%get3A_1780, %get3A_1781] {strides = array<i32>} : memref<128x128xf32, #tpu.memory_space<vmem>>, vector<16xf32>,
        %add3A_1783 = arith.addf %get3A_1779, %get3A_1782 : vector<16xf32>
        %get3A_1784 = arith.index_cast %add3A_1751 : i32 to index
        %get3A_1785 = arith.constant 32 : index
        %get3A_1786 = tpu.vector_load %arg13[%get3A_1784, %get3A_1785] {strides = array<i32>} : memref<128x64xf32, #tpu.memory_space<vmem>>, vector<16xf32>,
        %sub3A_1787 = arith.subf %add3A_1783, %get3A_1786 : vector<16xf32>
        %mul3A_1788 = arith.mulf %sub3A_1787, %sub3A_1787 : vector<16xf32>
        %add3A_1789 = arith.addf %add3A_1776, %mul3A_1788 : vector<16xf32>
        %get3A_1790 = arith.index_cast %add3A_1751 : i32 to index
        %get3A_1791 = arith.constant 48 : index
        %get3A_1792 = tpu.vector_load %arg11[%get3A_1790, %get3A_1791] {strides = array<i32>} : memref<128x64xf32, #tpu.memory_space<vmem>>, vector<16xf32>,
        %get3A_1793 = arith.index_cast %add3A_1751 : i32 to index
        %get3A_1794 = arith.constant 48 : index
        %get3A_1795 = tpu.vector_load %arg12[%get3A_1793, %get3A_1794] {strides = array<i32>} : memref<128x128xf32, #tpu.memory_space<vmem>>, vector<16xf32>,
        %add3A_1796 = arith.addf %get3A_1792, %get3A_1795 : vector<16xf32>
        %get3A_1797 = arith.index_cast %add3A_1751 : i32 to index
        %get3A_1798 = arith.constant 48 : index
        %get3A_1799 = tpu.vector_load %arg13[%get3A_1797, %get3A_1798] {strides = array<i32>} : memref<128x64xf32, #tpu.memory_space<vmem>>, vector<16xf32>,
        %sub3A_1800 = arith.subf %add3A_1796, %get3A_1799 : vector<16xf32>
        %mul3A_1801 = arith.mulf %sub3A_1800, %sub3A_1800 : vector<16xf32>
        %add3A_1802 = arith.addf %add3A_1789, %mul3A_1801 : vector<16xf32>
        %swap3A_1803 = arith.constant 312 : index
        %swap3A_1804 = tpu.vector_load %arg15[%swap3A_1803] {strides = array<i32>} : memref<384xf32, #tpu.memory_space<vmem>>, vector<16xf32>,
        tpu.vector_store %arg15[%swap3A_1803], %add3A_1802 {strides = array<i32>} : memref<384xf32, #tpu.memory_space<vmem>>, vector<16xf32>,
        %add3A_1805 = arith.constant 14 : i32
        %add3A_1806 = arith.addi %mul3A_522, %add3A_1805 : i32
        %get3A_1807 = arith.index_cast %add3A_1806 : i32 to index
        %get3A_1808 = arith.constant 0 : index
        %get3A_1809 = tpu.vector_load %arg11[%get3A_1807, %get3A_1808] {strides = array<i32>} : memref<128x64xf32, #tpu.memory_space<vmem>>, vector<16xf32>,
        %get3A_1810 = arith.index_cast %add3A_1806 : i32 to index
        %get3A_1811 = arith.constant 0 : index
        %get3A_1812 = tpu.vector_load %arg12[%get3A_1810, %get3A_1811] {strides = array<i32>} : memref<128x128xf32, #tpu.memory_space<vmem>>, vector<16xf32>,
        %add3A_1813 = arith.addf %get3A_1809, %get3A_1812 : vector<16xf32>
        %get3A_1814 = arith.index_cast %add3A_1806 : i32 to index
        %get3A_1815 = arith.constant 0 : index
        %get3A_1816 = tpu.vector_load %arg13[%get3A_1814, %get3A_1815] {strides = array<i32>} : memref<128x64xf32, #tpu.memory_space<vmem>>, vector<16xf32>,
        %sub3A_1817 = arith.subf %add3A_1813, %get3A_1816 : vector<16xf32>
        %mul3A_1818 = arith.mulf %sub3A_1817, %sub3A_1817 : vector<16xf32>
        %get3A_1819 = arith.index_cast %add3A_1806 : i32 to index
        %get3A_1820 = arith.constant 16 : index
        %get3A_1821 = tpu.vector_load %arg11[%get3A_1819, %get3A_1820] {strides = array<i32>} : memref<128x64xf32, #tpu.memory_space<vmem>>, vector<16xf32>,
        %get3A_1822 = arith.index_cast %add3A_1806 : i32 to index
        %get3A_1823 = arith.constant 16 : index
        %get3A_1824 = tpu.vector_load %arg12[%get3A_1822, %get3A_1823] {strides = array<i32>} : memref<128x128xf32, #tpu.memory_space<vmem>>, vector<16xf32>,
        %add3A_1825 = arith.addf %get3A_1821, %get3A_1824 : vector<16xf32>
        %get3A_1826 = arith.index_cast %add3A_1806 : i32 to index
        %get3A_1827 = arith.constant 16 : index
        %get3A_1828 = tpu.vector_load %arg13[%get3A_1826, %get3A_1827] {strides = array<i32>} : memref<128x64xf32, #tpu.memory_space<vmem>>, vector<16xf32>,
        %sub3A_1829 = arith.subf %add3A_1825, %get3A_1828 : vector<16xf32>
        %mul3A_1830 = arith.mulf %sub3A_1829, %sub3A_1829 : vector<16xf32>
        %add3A_1831 = arith.addf %mul3A_1818, %mul3A_1830 : vector<16xf32>
        %get3A_1832 = arith.index_cast %add3A_1806 : i32 to index
        %get3A_1833 = arith.constant 32 : index
        %get3A_1834 = tpu.vector_load %arg11[%get3A_1832, %get3A_1833] {strides = array<i32>} : memref<128x64xf32, #tpu.memory_space<vmem>>, vector<16xf32>,
        %get3A_1835 = arith.index_cast %add3A_1806 : i32 to index
        %get3A_1836 = arith.constant 32 : index
        %get3A_1837 = tpu.vector_load %arg12[%get3A_1835, %get3A_1836] {strides = array<i32>} : memref<128x128xf32, #tpu.memory_space<vmem>>, vector<16xf32>,
        %add3A_1838 = arith.addf %get3A_1834, %get3A_1837 : vector<16xf32>
        %get3A_1839 = arith.index_cast %add3A_1806 : i32 to index
        %get3A_1840 = arith.constant 32 : index
        %get3A_1841 = tpu.vector_load %arg13[%get3A_1839, %get3A_1840] {strides = array<i32>} : memref<128x64xf32, #tpu.memory_space<vmem>>, vector<16xf32>,
        %sub3A_1842 = arith.subf %add3A_1838, %get3A_1841 : vector<16xf32>
        %mul3A_1843 = arith.mulf %sub3A_1842, %sub3A_1842 : vector<16xf32>
        %add3A_1844 = arith.addf %add3A_1831, %mul3A_1843 : vector<16xf32>
        %get3A_1845 = arith.index_cast %add3A_1806 : i32 to index
        %get3A_1846 = arith.constant 48 : index
        %get3A_1847 = tpu.vector_load %arg11[%get3A_1845, %get3A_1846] {strides = array<i32>} : memref<128x64xf32, #tpu.memory_space<vmem>>, vector<16xf32>,
        %get3A_1848 = arith.index_cast %add3A_1806 : i32 to index
        %get3A_1849 = arith.constant 48 : index
        %get3A_1850 = tpu.vector_load %arg12[%get3A_1848, %get3A_1849] {strides = array<i32>} : memref<128x128xf32, #tpu.memory_space<vmem>>, vector<16xf32>,
        %add3A_1851 = arith.addf %get3A_1847, %get3A_1850 : vector<16xf32>
        %get3A_1852 = arith.index_cast %add3A_1806 : i32 to index
        %get3A_1853 = arith.constant 48 : index
        %get3A_1854 = tpu.vector_load %arg13[%get3A_1852, %get3A_1853] {strides = array<i32>} : memref<128x64xf32, #tpu.memory_space<vmem>>, vector<16xf32>,
        %sub3A_1855 = arith.subf %add3A_1851, %get3A_1854 : vector<16xf32>
        %mul3A_1856 = arith.mulf %sub3A_1855, %sub3A_1855 : vector<16xf32>
        %add3A_1857 = arith.addf %add3A_1844, %mul3A_1856 : vector<16xf32>
        %swap3A_1858 = arith.constant 336 : index
        %swap3A_1859 = tpu.vector_load %arg15[%swap3A_1858] {strides = array<i32>} : memref<384xf32, #tpu.memory_space<vmem>>, vector<16xf32>,
        tpu.vector_store %arg15[%swap3A_1858], %add3A_1857 {strides = array<i32>} : memref<384xf32, #tpu.memory_space<vmem>>, vector<16xf32>,
        %add3A_1860 = arith.constant 15 : i32
        %add3A_1861 = arith.addi %mul3A_522, %add3A_1860 : i32
        %get3A_1862 = arith.index_cast %add3A_1861 : i32 to index
        %get3A_1863 = arith.constant 0 : index
        %get3A_1864 = tpu.vector_load %arg11[%get3A_1862, %get3A_1863] {strides = array<i32>} : memref<128x64xf32, #tpu.memory_space<vmem>>, vector<16xf32>,
        %get3A_1865 = arith.index_cast %add3A_1861 : i32 to index
        %get3A_1866 = arith.constant 0 : index
        %get3A_1867 = tpu.vector_load %arg12[%get3A_1865, %get3A_1866] {strides = array<i32>} : memref<128x128xf32, #tpu.memory_space<vmem>>, vector<16xf32>,
        %add3A_1868 = arith.addf %get3A_1864, %get3A_1867 : vector<16xf32>
        %get3A_1869 = arith.index_cast %add3A_1861 : i32 to index
        %get3A_1870 = arith.constant 0 : index
        %get3A_1871 = tpu.vector_load %arg13[%get3A_1869, %get3A_1870] {strides = array<i32>} : memref<128x64xf32, #tpu.memory_space<vmem>>, vector<16xf32>,
        %sub3A_1872 = arith.subf %add3A_1868, %get3A_1871 : vector<16xf32>
        %mul3A_1873 = arith.mulf %sub3A_1872, %sub3A_1872 : vector<16xf32>
        %get3A_1874 = arith.index_cast %add3A_1861 : i32 to index
        %get3A_1875 = arith.constant 16 : index
        %get3A_1876 = tpu.vector_load %arg11[%get3A_1874, %get3A_1875] {strides = array<i32>} : memref<128x64xf32, #tpu.memory_space<vmem>>, vector<16xf32>,
        %get3A_1877 = arith.index_cast %add3A_1861 : i32 to index
        %get3A_1878 = arith.constant 16 : index
        %get3A_1879 = tpu.vector_load %arg12[%get3A_1877, %get3A_1878] {strides = array<i32>} : memref<128x128xf32, #tpu.memory_space<vmem>>, vector<16xf32>,
        %add3A_1880 = arith.addf %get3A_1876, %get3A_1879 : vector<16xf32>
        %get3A_1881 = arith.index_cast %add3A_1861 : i32 to index
        %get3A_1882 = arith.constant 16 : index
        %get3A_1883 = tpu.vector_load %arg13[%get3A_1881, %get3A_1882] {strides = array<i32>} : memref<128x64xf32, #tpu.memory_space<vmem>>, vector<16xf32>,
        %sub3A_1884 = arith.subf %add3A_1880, %get3A_1883 : vector<16xf32>
        %mul3A_1885 = arith.mulf %sub3A_1884, %sub3A_1884 : vector<16xf32>
        %add3A_1886 = arith.addf %mul3A_1873, %mul3A_1885 : vector<16xf32>
        %get3A_1887 = arith.index_cast %add3A_1861 : i32 to index
        %get3A_1888 = arith.constant 32 : index
        %get3A_1889 = tpu.vector_load %arg11[%get3A_1887, %get3A_1888] {strides = array<i32>} : memref<128x64xf32, #tpu.memory_space<vmem>>, vector<16xf32>,
        %get3A_1890 = arith.index_cast %add3A_1861 : i32 to index
        %get3A_1891 = arith.constant 32 : index
        %get3A_1892 = tpu.vector_load %arg12[%get3A_1890, %get3A_1891] {strides = array<i32>} : memref<128x128xf32, #tpu.memory_space<vmem>>, vector<16xf32>,
        %add3A_1893 = arith.addf %get3A_1889, %get3A_1892 : vector<16xf32>
        %get3A_1894 = arith.index_cast %add3A_1861 : i32 to index
        %get3A_1895 = arith.constant 32 : index
        %get3A_1896 = tpu.vector_load %arg13[%get3A_1894, %get3A_1895] {strides = array<i32>} : memref<128x64xf32, #tpu.memory_space<vmem>>, vector<16xf32>,
        %sub3A_1897 = arith.subf %add3A_1893, %get3A_1896 : vector<16xf32>
        %mul3A_1898 = arith.mulf %sub3A_1897, %sub3A_1897 : vector<16xf32>
        %add3A_1899 = arith.addf %add3A_1886, %mul3A_1898 : vector<16xf32>
        %get3A_1900 = arith.index_cast %add3A_1861 : i32 to index
        %get3A_1901 = arith.constant 48 : index
        %get3A_1902 = tpu.vector_load %arg11[%get3A_1900, %get3A_1901] {strides = array<i32>} : memref<128x64xf32, #tpu.memory_space<vmem>>, vector<16xf32>,
        %get3A_1903 = arith.index_cast %add3A_1861 : i32 to index
        %get3A_1904 = arith.constant 48 : index
        %get3A_1905 = tpu.vector_load %arg12[%get3A_1903, %get3A_1904] {strides = array<i32>} : memref<128x128xf32, #tpu.memory_space<vmem>>, vector<16xf32>,
        %add3A_1906 = arith.addf %get3A_1902, %get3A_1905 : vector<16xf32>
        %get3A_1907 = arith.index_cast %add3A_1861 : i32 to index
        %get3A_1908 = arith.constant 48 : index
        %get3A_1909 = tpu.vector_load %arg13[%get3A_1907, %get3A_1908] {strides = array<i32>} : memref<128x64xf32, #tpu.memory_space<vmem>>, vector<16xf32>,
        %sub3A_1910 = arith.subf %add3A_1906, %get3A_1909 : vector<16xf32>
        %mul3A_1911 = arith.mulf %sub3A_1910, %sub3A_1910 : vector<16xf32>
        %add3A_1912 = arith.addf %add3A_1899, %mul3A_1911 : vector<16xf32>
        %swap3A_1913 = arith.constant 360 : index
        %swap3A_1914 = tpu.vector_load %arg15[%swap3A_1913] {strides = array<i32>} : memref<384xf32, #tpu.memory_space<vmem>>, vector<16xf32>,
        tpu.vector_store %arg15[%swap3A_1913], %add3A_1912 {strides = array<i32>} : memref<384xf32, #tpu.memory_space<vmem>>, vector<16xf32>,
        %gather3A = tpu.vector_load_idx %arg15[%mul3A_5] : memref<384xf32, #tpu.memory_space<vmem>>[vector<16xi32>], vector<16xf32>,
        %add3A_1915 = arith.constant 1 : i32
        %add3A_1916 = vector.broadcast %add3A_1915 : i32 to vector<16xi32>
        %add3A_1917 = arith.addi %mul3A_5, %add3A_1916 : vector<16xi32>
        %gather3A_1918 = tpu.vector_load_idx %arg15[%add3A_1917] : memref<384xf32, #tpu.memory_space<vmem>>[vector<16xi32>], vector<16xf32>,
        %add3A_1919 = arith.addf %gather3A, %gather3A_1918 : vector<16xf32>
        %add3A_1920 = arith.constant 2 : i32
        %add3A_1921 = vector.broadcast %add3A_1920 : i32 to vector<16xi32>
        %add3A_1922 = arith.addi %mul3A_5, %add3A_1921 : vector<16xi32>
        %gather3A_1923 = tpu.vector_load_idx %arg15[%add3A_1922] : memref<384xf32, #tpu.memory_space<vmem>>[vector<16xi32>], vector<16xf32>,
        %add3A_1924 = arith.addf %add3A_1919, %gather3A_1923 : vector<16xf32>
        %add3A_1925 = arith.constant 3 : i32
        %add3A_1926 = vector.broadcast %add3A_1925 : i32 to vector<16xi32>
        %add3A_1927 = arith.addi %mul3A_5, %add3A_1926 : vector<16xi32>
        %gather3A_1928 = tpu.vector_load_idx %arg15[%add3A_1927] : memref<384xf32, #tpu.memory_space<vmem>>[vector<16xi32>], vector<16xf32>,
        %add3A_1929 = arith.addf %add3A_1924, %gather3A_1928 : vector<16xf32>
        %add3A_1930 = arith.constant 4 : i32
        %add3A_1931 = vector.broadcast %add3A_1930 : i32 to vector<16xi32>
        %add3A_1932 = arith.addi %mul3A_5, %add3A_1931 : vector<16xi32>
        %gather3A_1933 = tpu.vector_load_idx %arg15[%add3A_1932] : memref<384xf32, #tpu.memory_space<vmem>>[vector<16xi32>], vector<16xf32>,
        %add3A_1934 = arith.addf %add3A_1929, %gather3A_1933 : vector<16xf32>
        %add3A_1935 = arith.constant 5 : i32
        %add3A_1936 = vector.broadcast %add3A_1935 : i32 to vector<16xi32>
        %add3A_1937 = arith.addi %mul3A_5, %add3A_1936 : vector<16xi32>
        %gather3A_1938 = tpu.vector_load_idx %arg15[%add3A_1937] : memref<384xf32, #tpu.memory_space<vmem>>[vector<16xi32>], vector<16xf32>,
        %add3A_1939 = arith.addf %add3A_1934, %gather3A_1938 : vector<16xf32>
        %add3A_1940 = arith.constant 6 : i32
        %add3A_1941 = vector.broadcast %add3A_1940 : i32 to vector<16xi32>
        %add3A_1942 = arith.addi %mul3A_5, %add3A_1941 : vector<16xi32>
        %gather3A_1943 = tpu.vector_load_idx %arg15[%add3A_1942] : memref<384xf32, #tpu.memory_space<vmem>>[vector<16xi32>], vector<16xf32>,
        %add3A_1944 = arith.addf %add3A_1939, %gather3A_1943 : vector<16xf32>
        %add3A_1945 = arith.constant 7 : i32
        %add3A_1946 = vector.broadcast %add3A_1945 : i32 to vector<16xi32>
        %add3A_1947 = arith.addi %mul3A_5, %add3A_1946 : vector<16xi32>
        %gather3A_1948 = tpu.vector_load_idx %arg15[%add3A_1947] : memref<384xf32, #tpu.memory_space<vmem>>[vector<16xi32>], vector<16xf32>,
        %add3A_1949 = arith.addf %add3A_1944, %gather3A_1948 : vector<16xf32>
        %add3A_1950 = arith.constant 8 : i32
        %add3A_1951 = vector.broadcast %add3A_1950 : i32 to vector<16xi32>
        %add3A_1952 = arith.addi %mul3A_5, %add3A_1951 : vector<16xi32>
        %gather3A_1953 = tpu.vector_load_idx %arg15[%add3A_1952] : memref<384xf32, #tpu.memory_space<vmem>>[vector<16xi32>], vector<16xf32>,
        %add3A_1954 = arith.addf %add3A_1949, %gather3A_1953 : vector<16xf32>
        %add3A_1955 = arith.constant 9 : i32
        %add3A_1956 = vector.broadcast %add3A_1955 : i32 to vector<16xi32>
        %add3A_1957 = arith.addi %mul3A_5, %add3A_1956 : vector<16xi32>
        %gather3A_1958 = tpu.vector_load_idx %arg15[%add3A_1957] : memref<384xf32, #tpu.memory_space<vmem>>[vector<16xi32>], vector<16xf32>,
        %add3A_1959 = arith.addf %add3A_1954, %gather3A_1958 : vector<16xf32>
        %add3A_1960 = arith.constant 10 : i32
        %add3A_1961 = vector.broadcast %add3A_1960 : i32 to vector<16xi32>
        %add3A_1962 = arith.addi %mul3A_5, %add3A_1961 : vector<16xi32>
        %gather3A_1963 = tpu.vector_load_idx %arg15[%add3A_1962] : memref<384xf32, #tpu.memory_space<vmem>>[vector<16xi32>], vector<16xf32>,
        %add3A_1964 = arith.addf %add3A_1959, %gather3A_1963 : vector<16xf32>
        %add3A_1965 = arith.constant 11 : i32
        %add3A_1966 = vector.broadcast %add3A_1965 : i32 to vector<16xi32>
        %add3A_1967 = arith.addi %mul3A_5, %add3A_1966 : vector<16xi32>
        %gather3A_1968 = tpu.vector_load_idx %arg15[%add3A_1967] : memref<384xf32, #tpu.memory_space<vmem>>[vector<16xi32>], vector<16xf32>,
        %add3A_1969 = arith.addf %add3A_1964, %gather3A_1968 : vector<16xf32>
        %add3A_1970 = arith.constant 12 : i32
        %add3A_1971 = vector.broadcast %add3A_1970 : i32 to vector<16xi32>
        %add3A_1972 = arith.addi %mul3A_5, %add3A_1971 : vector<16xi32>
        %gather3A_1973 = tpu.vector_load_idx %arg15[%add3A_1972] : memref<384xf32, #tpu.memory_space<vmem>>[vector<16xi32>], vector<16xf32>,
        %add3A_1974 = arith.addf %add3A_1969, %gather3A_1973 : vector<16xf32>
        %add3A_1975 = arith.constant 13 : i32
        %add3A_1976 = vector.broadcast %add3A_1975 : i32 to vector<16xi32>
        %add3A_1977 = arith.addi %mul3A_5, %add3A_1976 : vector<16xi32>
        %gather3A_1978 = tpu.vector_load_idx %arg15[%add3A_1977] : memref<384xf32, #tpu.memory_space<vmem>>[vector<16xi32>], vector<16xf32>,
        %add3A_1979 = arith.addf %add3A_1974, %gather3A_1978 : vector<16xf32>
        %add3A_1980 = arith.constant 14 : i32
        %add3A_1981 = vector.broadcast %add3A_1980 : i32 to vector<16xi32>
        %add3A_1982 = arith.addi %mul3A_5, %add3A_1981 : vector<16xi32>
        %gather3A_1983 = tpu.vector_load_idx %arg15[%add3A_1982] : memref<384xf32, #tpu.memory_space<vmem>>[vector<16xi32>], vector<16xf32>,
        %add3A_1984 = arith.addf %add3A_1979, %gather3A_1983 : vector<16xf32>
        %add3A_1985 = arith.constant 15 : i32
        %add3A_1986 = vector.broadcast %add3A_1985 : i32 to vector<16xi32>
        %add3A_1987 = arith.addi %mul3A_5, %add3A_1986 : vector<16xi32>
        %gather3A_1988 = tpu.vector_load_idx %arg15[%add3A_1987] : memref<384xf32, #tpu.memory_space<vmem>>[vector<16xi32>], vector<16xf32>,
        %add3A_1989 = arith.addf %add3A_1984, %gather3A_1988 : vector<16xf32>
        %bitcast3A = vector.bitcast %add3A_1989 : vector<16xf32> to vector<16xi32>
        %shift_right_logical3A = arith.constant 1 : i32
        %shift_right_logical3A_1990 = vector.broadcast %shift_right_logical3A : i32 to vector<16xi32>
        %shift_right_logical3A_1991 = arith.shrui %bitcast3A, %shift_right_logical3A_1990 : vector<16xi32>
        %sub3A_1992 = arith.constant 1597463007 : i32
        %sub3A_1993 = vector.broadcast %sub3A_1992 : i32 to vector<16xi32>
        %sub3A_1994 = arith.subi %sub3A_1993, %shift_right_logical3A_1991 : vector<16xi32>
        %bitcast3A_1995 = vector.bitcast %sub3A_1994 : vector<16xi32> to vector<16xf32>
        %mul3A_1996 = arith.constant -5.000000e-01 : f32
        %mul3A_1997 = vector.broadcast %mul3A_1996 : f32 to vector<16xf32>
        %mul3A_1998 = arith.mulf %add3A_1989, %mul3A_1997 : vector<16xf32>
        %mul3A_1999 = arith.mulf %mul3A_1998, %bitcast3A_1995 : vector<16xf32>
        %mul3A_2000 = arith.mulf %mul3A_1999, %bitcast3A_1995 : vector<16xf32>
        %add3A_2001 = arith.constant 1.500000e+00 : f32
        %add3A_2002 = vector.broadcast %add3A_2001 : f32 to vector<16xf32>
        %add3A_2003 = arith.addf %add3A_2002, %mul3A_2000 : vector<16xf32>
        %mul3A_2004 = arith.mulf %bitcast3A_1995, %add3A_2003 : vector<16xf32>
        %mul3A_2005 = arith.mulf %mul3A_1998, %mul3A_2004 : vector<16xf32>
        %mul3A_2006 = arith.mulf %mul3A_2005, %mul3A_2004 : vector<16xf32>
        %add3A_2007 = arith.constant 1.500000e+00 : f32
        %add3A_2008 = vector.broadcast %add3A_2007 : f32 to vector<16xf32>
        %add3A_2009 = arith.addf %add3A_2008, %mul3A_2006 : vector<16xf32>
        %mul3A_2010 = arith.mulf %mul3A_2004, %add3A_2009 : vector<16xf32>
        %mul3A_2011 = arith.mulf %add3A_1989, %mul3A_2010 : vector<16xf32>
        %sub3A_2012 = arith.constant 0.000000e+00 : f32
        %sub3A_2013 = vector.broadcast %sub3A_2012 : f32 to vector<16xf32>
        %sub3A_2014 = arith.subf %sub3A_2013, %mul3A_2011 : vector<16xf32>
        %swap3A_2015 = arith.index_cast %mul3A_522 : i32 to index
        %swap3A_2016 = tpu.vector_load %arg14[%swap3A_2015] {strides = array<i32>} : memref<128xf32, #tpu.memory_space<vmem>>, vector<16xf32>,
        tpu.vector_store %arg14[%swap3A_2015], %sub3A_2014 {strides = array<i32>} : memref<128xf32, #tpu.memory_space<vmem>>, vector<16xf32>,
        %add3A_2017 = arith.constant 32 : i32
        %add3A_2018 = arith.addi %mul3A_522, %add3A_2017 : i32
        %lt3A = arith.constant 128 : i32
        %lt3A_2019 = arith.cmpi slt, %add3A_2018, %lt3A : i32
        %convert_element_type3A = arith.extui %lt3A_2019 : i1 to i32
        %cond3A = arith.constant 0 : i32
        %cond3A_2020 = arith.cmpi ne, %convert_element_type3A, %cond3A : i32
        scf.if %cond3A_2020 {
          %add3A_3036 = arith.constant 32 : i32
          %add3A_3037 = arith.addi %mul3A_522, %add3A_3036 : i32
          %add3A_3038 = arith.addi %mul3A_16, %add3A_3037 : i32
          %get3A_3039 = arith.index_cast %add3A_3038 : i32 to index
          %get3A_3040 = tpu.vector_load %arg8[%get3A_3039] {strides = array<i32>} : memref<512xi32, #tpu.memory_space<vmem>>, vector<16xi32>,
          %add3A_3041 = arith.addi %mul3A_16, %add3A_3037 : i32
          %get3A_3042 = arith.index_cast %add3A_3041 : i32 to index
          %get3A_3043 = tpu.vector_load %arg10[%get3A_3042] {strides = array<i32>} : memref<512xi32, #tpu.memory_space<vmem>>, vector<16xi32>,
          %slice3A_3044 = vector.extract_strided_slice %get3A_3040 {offsets = [0], sizes = [1], strides = [1]} : vector<16xi32> to vector<1xi32>
          %squeeze3A_3045 = vector.extract %slice3A_3044[0] : i32 from vector<1xi32>
          %slice3A_3046 = vector.extract_strided_slice %get3A_3043 {offsets = [0], sizes = [1], strides = [1]} : vector<16xi32> to vector<1xi32>
          %squeeze3A_3047 = vector.extract %slice3A_3046[0] : i32 from vector<1xi32>
          %add3A_3048 = arith.constant 0 : i32
          %add3A_3049 = arith.addi %add3A_3037, %add3A_3048 : i32
          %dma_start3A_3050 = arith.constant 0 : i32
          %dma_start3A_3051 = arith.constant 0 : i32
          %dma_start3A_3052 = tpu.memref_slice %arg11[%add3A_3049, %dma_start3A_3051] : memref<128x64xf32, #tpu.memory_space<vmem>> -> memref<1x64xf32, #tpu.memory_space<vmem>>
          %dma_start3A_3053 = arith.constant 0 : i32
          %dma_start3A_3054 = tpu.memref_slice %arg5[%dma_start3A_3050, %squeeze3A_3045, %dma_start3A_3053] : memref<1x1000000x64xf32, #tpu.memory_space<hbm>> -> memref<1x1x64xf32, #tpu.memory_space<hbm>>
          %dma_start3A_3055 = tpu.memref_squeeze %dma_start3A_3054 : memref<1x1x64xf32, #tpu.memory_space<hbm>> -> memref<1x64xf32, #tpu.memory_space<hbm>>
          %dma_start3A_3056 = arith.constant 0 : i32
          %dma_start3A_3057 = tpu.memref_slice %arg11[%add3A_3049, %dma_start3A_3056] : memref<128x64xf32, #tpu.memory_space<vmem>> -> memref<1x64xf32, #tpu.memory_space<vmem>>
          %dma_start3A_3058 = arith.constant 0 : i32
          %dma_start3A_3059 = tpu.memref_slice %arg5[%dma_start3A_3050, %squeeze3A_3045, %dma_start3A_3058] : memref<1x1000000x64xf32, #tpu.memory_space<hbm>> -> memref<1x1x64xf32, #tpu.memory_space<hbm>>
          %dma_start3A_3060 = tpu.memref_squeeze %dma_start3A_3059 : memref<1x1x64xf32, #tpu.memory_space<hbm>> -> memref<1x64xf32, #tpu.memory_space<hbm>>
          tpu.enqueue_dma source(%dma_start3A_3060 : memref<1x64xf32, #tpu.memory_space<hbm>>) target(%dma_start3A_3057 : memref<1x64xf32, #tpu.memory_space<vmem>>) target_semaphore(%arg16 : memref<!tpu.dma_semaphore, #tpu.memory_space<semaphore_mem>>)
          %add3A_3061 = arith.constant 0 : i32
          %add3A_3062 = arith.addi %add3A_3037, %add3A_3061 : i32
          %dma_start3A_3063 = arith.constant 0 : i32
          %dma_start3A_3064 = arith.constant 0 : i32
          %dma_start3A_3065 = tpu.memref_slice %arg13[%add3A_3062, %dma_start3A_3064] : memref<128x64xf32, #tpu.memory_space<vmem>> -> memref<1x64xf32, #tpu.memory_space<vmem>>
          %dma_start3A_3066 = arith.constant 0 : i32
          %dma_start3A_3067 = tpu.memref_slice %arg5[%dma_start3A_3063, %squeeze3A_3047, %dma_start3A_3066] : memref<1x1000000x64xf32, #tpu.memory_space<hbm>> -> memref<1x1x64xf32, #tpu.memory_space<hbm>>
          %dma_start3A_3068 = tpu.memref_squeeze %dma_start3A_3067 : memref<1x1x64xf32, #tpu.memory_space<hbm>> -> memref<1x64xf32, #tpu.memory_space<hbm>>
          %dma_start3A_3069 = arith.constant 0 : i32
          %dma_start3A_3070 = tpu.memref_slice %arg13[%add3A_3062, %dma_start3A_3069] : memref<128x64xf32, #tpu.memory_space<vmem>> -> memref<1x64xf32, #tpu.memory_space<vmem>>
          %dma_start3A_3071 = arith.constant 0 : i32
          %dma_start3A_3072 = tpu.memref_slice %arg5[%dma_start3A_3063, %squeeze3A_3047, %dma_start3A_3071] : memref<1x1000000x64xf32, #tpu.memory_space<hbm>> -> memref<1x1x64xf32, #tpu.memory_space<hbm>>
          %dma_start3A_3073 = tpu.memref_squeeze %dma_start3A_3072 : memref<1x1x64xf32, #tpu.memory_space<hbm>> -> memref<1x64xf32, #tpu.memory_space<hbm>>
          tpu.enqueue_dma source(%dma_start3A_3073 : memref<1x64xf32, #tpu.memory_space<hbm>>) target(%dma_start3A_3070 : memref<1x64xf32, #tpu.memory_space<vmem>>) target_semaphore(%arg16 : memref<!tpu.dma_semaphore, #tpu.memory_space<semaphore_mem>>)
          %slice3A_3074 = vector.extract_strided_slice %get3A_3040 {offsets = [1], sizes = [1], strides = [1]} : vector<16xi32> to vector<1xi32>
          %squeeze3A_3075 = vector.extract %slice3A_3074[0] : i32 from vector<1xi32>
          %slice3A_3076 = vector.extract_strided_slice %get3A_3043 {offsets = [1], sizes = [1], strides = [1]} : vector<16xi32> to vector<1xi32>
          %squeeze3A_3077 = vector.extract %slice3A_3076[0] : i32 from vector<1xi32>
          %add3A_3078 = arith.constant 1 : i32
          %add3A_3079 = arith.addi %add3A_3037, %add3A_3078 : i32
          %dma_start3A_3080 = arith.constant 0 : i32
          %dma_start3A_3081 = arith.constant 0 : i32
          %dma_start3A_3082 = tpu.memref_slice %arg11[%add3A_3079, %dma_start3A_3081] : memref<128x64xf32, #tpu.memory_space<vmem>> -> memref<1x64xf32, #tpu.memory_space<vmem>>
          %dma_start3A_3083 = arith.constant 0 : i32
          %dma_start3A_3084 = tpu.memref_slice %arg5[%dma_start3A_3080, %squeeze3A_3075, %dma_start3A_3083] : memref<1x1000000x64xf32, #tpu.memory_space<hbm>> -> memref<1x1x64xf32, #tpu.memory_space<hbm>>
          %dma_start3A_3085 = tpu.memref_squeeze %dma_start3A_3084 : memref<1x1x64xf32, #tpu.memory_space<hbm>> -> memref<1x64xf32, #tpu.memory_space<hbm>>
          %dma_start3A_3086 = arith.constant 0 : i32
          %dma_start3A_3087 = tpu.memref_slice %arg11[%add3A_3079, %dma_start3A_3086] : memref<128x64xf32, #tpu.memory_space<vmem>> -> memref<1x64xf32, #tpu.memory_space<vmem>>
          %dma_start3A_3088 = arith.constant 0 : i32
          %dma_start3A_3089 = tpu.memref_slice %arg5[%dma_start3A_3080, %squeeze3A_3075, %dma_start3A_3088] : memref<1x1000000x64xf32, #tpu.memory_space<hbm>> -> memref<1x1x64xf32, #tpu.memory_space<hbm>>
          %dma_start3A_3090 = tpu.memref_squeeze %dma_start3A_3089 : memref<1x1x64xf32, #tpu.memory_space<hbm>> -> memref<1x64xf32, #tpu.memory_space<hbm>>
          tpu.enqueue_dma source(%dma_start3A_3090 : memref<1x64xf32, #tpu.memory_space<hbm>>) target(%dma_start3A_3087 : memref<1x64xf32, #tpu.memory_space<vmem>>) target_semaphore(%arg16 : memref<!tpu.dma_semaphore, #tpu.memory_space<semaphore_mem>>)
          %add3A_3091 = arith.constant 1 : i32
          %add3A_3092 = arith.addi %add3A_3037, %add3A_3091 : i32
          %dma_start3A_3093 = arith.constant 0 : i32
          %dma_start3A_3094 = arith.constant 0 : i32
          %dma_start3A_3095 = tpu.memref_slice %arg13[%add3A_3092, %dma_start3A_3094] : memref<128x64xf32, #tpu.memory_space<vmem>> -> memref<1x64xf32, #tpu.memory_space<vmem>>
          %dma_start3A_3096 = arith.constant 0 : i32
          %dma_start3A_3097 = tpu.memref_slice %arg5[%dma_start3A_3093, %squeeze3A_3077, %dma_start3A_3096] : memref<1x1000000x64xf32, #tpu.memory_space<hbm>> -> memref<1x1x64xf32, #tpu.memory_space<hbm>>
          %dma_start3A_3098 = tpu.memref_squeeze %dma_start3A_3097 : memref<1x1x64xf32, #tpu.memory_space<hbm>> -> memref<1x64xf32, #tpu.memory_space<hbm>>
          %dma_start3A_3099 = arith.constant 0 : i32
          %dma_start3A_3100 = tpu.memref_slice %arg13[%add3A_3092, %dma_start3A_3099] : memref<128x64xf32, #tpu.memory_space<vmem>> -> memref<1x64xf32, #tpu.memory_space<vmem>>
          %dma_start3A_3101 = arith.constant 0 : i32
          %dma_start3A_3102 = tpu.memref_slice %arg5[%dma_start3A_3093, %squeeze3A_3077, %dma_start3A_3101] : memref<1x1000000x64xf32, #tpu.memory_space<hbm>> -> memref<1x1x64xf32, #tpu.memory_space<hbm>>
          %dma_start3A_3103 = tpu.memref_squeeze %dma_start3A_3102 : memref<1x1x64xf32, #tpu.memory_space<hbm>> -> memref<1x64xf32, #tpu.memory_space<hbm>>
          tpu.enqueue_dma source(%dma_start3A_3103 : memref<1x64xf32, #tpu.memory_space<hbm>>) target(%dma_start3A_3100 : memref<1x64xf32, #tpu.memory_space<vmem>>) target_semaphore(%arg16 : memref<!tpu.dma_semaphore, #tpu.memory_space<semaphore_mem>>)
          %slice3A_3104 = vector.extract_strided_slice %get3A_3040 {offsets = [2], sizes = [1], strides = [1]} : vector<16xi32> to vector<1xi32>
          %squeeze3A_3105 = vector.extract %slice3A_3104[0] : i32 from vector<1xi32>
          %slice3A_3106 = vector.extract_strided_slice %get3A_3043 {offsets = [2], sizes = [1], strides = [1]} : vector<16xi32> to vector<1xi32>
          %squeeze3A_3107 = vector.extract %slice3A_3106[0] : i32 from vector<1xi32>
          %add3A_3108 = arith.constant 2 : i32
          %add3A_3109 = arith.addi %add3A_3037, %add3A_3108 : i32
          %dma_start3A_3110 = arith.constant 0 : i32
          %dma_start3A_3111 = arith.constant 0 : i32
          %dma_start3A_3112 = tpu.memref_slice %arg11[%add3A_3109, %dma_start3A_3111] : memref<128x64xf32, #tpu.memory_space<vmem>> -> memref<1x64xf32, #tpu.memory_space<vmem>>
          %dma_start3A_3113 = arith.constant 0 : i32
          %dma_start3A_3114 = tpu.memref_slice %arg5[%dma_start3A_3110, %squeeze3A_3105, %dma_start3A_3113] : memref<1x1000000x64xf32, #tpu.memory_space<hbm>> -> memref<1x1x64xf32, #tpu.memory_space<hbm>>
          %dma_start3A_3115 = tpu.memref_squeeze %dma_start3A_3114 : memref<1x1x64xf32, #tpu.memory_space<hbm>> -> memref<1x64xf32, #tpu.memory_space<hbm>>
          %dma_start3A_3116 = arith.constant 0 : i32
          %dma_start3A_3117 = tpu.memref_slice %arg11[%add3A_3109, %dma_start3A_3116] : memref<128x64xf32, #tpu.memory_space<vmem>> -> memref<1x64xf32, #tpu.memory_space<vmem>>
          %dma_start3A_3118 = arith.constant 0 : i32
          %dma_start3A_3119 = tpu.memref_slice %arg5[%dma_start3A_3110, %squeeze3A_3105, %dma_start3A_3118] : memref<1x1000000x64xf32, #tpu.memory_space<hbm>> -> memref<1x1x64xf32, #tpu.memory_space<hbm>>
          %dma_start3A_3120 = tpu.memref_squeeze %dma_start3A_3119 : memref<1x1x64xf32, #tpu.memory_space<hbm>> -> memref<1x64xf32, #tpu.memory_space<hbm>>
          tpu.enqueue_dma source(%dma_start3A_3120 : memref<1x64xf32, #tpu.memory_space<hbm>>) target(%dma_start3A_3117 : memref<1x64xf32, #tpu.memory_space<vmem>>) target_semaphore(%arg16 : memref<!tpu.dma_semaphore, #tpu.memory_space<semaphore_mem>>)
          %add3A_3121 = arith.constant 2 : i32
          %add3A_3122 = arith.addi %add3A_3037, %add3A_3121 : i32
          %dma_start3A_3123 = arith.constant 0 : i32
          %dma_start3A_3124 = arith.constant 0 : i32
          %dma_start3A_3125 = tpu.memref_slice %arg13[%add3A_3122, %dma_start3A_3124] : memref<128x64xf32, #tpu.memory_space<vmem>> -> memref<1x64xf32, #tpu.memory_space<vmem>>
          %dma_start3A_3126 = arith.constant 0 : i32
          %dma_start3A_3127 = tpu.memref_slice %arg5[%dma_start3A_3123, %squeeze3A_3107, %dma_start3A_3126] : memref<1x1000000x64xf32, #tpu.memory_space<hbm>> -> memref<1x1x64xf32, #tpu.memory_space<hbm>>
          %dma_start3A_3128 = tpu.memref_squeeze %dma_start3A_3127 : memref<1x1x64xf32, #tpu.memory_space<hbm>> -> memref<1x64xf32, #tpu.memory_space<hbm>>
          %dma_start3A_3129 = arith.constant 0 : i32
          %dma_start3A_3130 = tpu.memref_slice %arg13[%add3A_3122, %dma_start3A_3129] : memref<128x64xf32, #tpu.memory_space<vmem>> -> memref<1x64xf32, #tpu.memory_space<vmem>>
          %dma_start3A_3131 = arith.constant 0 : i32
          %dma_start3A_3132 = tpu.memref_slice %arg5[%dma_start3A_3123, %squeeze3A_3107, %dma_start3A_3131] : memref<1x1000000x64xf32, #tpu.memory_space<hbm>> -> memref<1x1x64xf32, #tpu.memory_space<hbm>>
          %dma_start3A_3133 = tpu.memref_squeeze %dma_start3A_3132 : memref<1x1x64xf32, #tpu.memory_space<hbm>> -> memref<1x64xf32, #tpu.memory_space<hbm>>
          tpu.enqueue_dma source(%dma_start3A_3133 : memref<1x64xf32, #tpu.memory_space<hbm>>) target(%dma_start3A_3130 : memref<1x64xf32, #tpu.memory_space<vmem>>) target_semaphore(%arg16 : memref<!tpu.dma_semaphore, #tpu.memory_space<semaphore_mem>>)
          %slice3A_3134 = vector.extract_strided_slice %get3A_3040 {offsets = [3], sizes = [1], strides = [1]} : vector<16xi32> to vector<1xi32>
          %squeeze3A_3135 = vector.extract %slice3A_3134[0] : i32 from vector<1xi32>
          %slice3A_3136 = vector.extract_strided_slice %get3A_3043 {offsets = [3], sizes = [1], strides = [1]} : vector<16xi32> to vector<1xi32>
          %squeeze3A_3137 = vector.extract %slice3A_3136[0] : i32 from vector<1xi32>
          %add3A_3138 = arith.constant 3 : i32
          %add3A_3139 = arith.addi %add3A_3037, %add3A_3138 : i32
          %dma_start3A_3140 = arith.constant 0 : i32
          %dma_start3A_3141 = arith.constant 0 : i32
          %dma_start3A_3142 = tpu.memref_slice %arg11[%add3A_3139, %dma_start3A_3141] : memref<128x64xf32, #tpu.memory_space<vmem>> -> memref<1x64xf32, #tpu.memory_space<vmem>>
          %dma_start3A_3143 = arith.constant 0 : i32
          %dma_start3A_3144 = tpu.memref_slice %arg5[%dma_start3A_3140, %squeeze3A_3135, %dma_start3A_3143] : memref<1x1000000x64xf32, #tpu.memory_space<hbm>> -> memref<1x1x64xf32, #tpu.memory_space<hbm>>
          %dma_start3A_3145 = tpu.memref_squeeze %dma_start3A_3144 : memref<1x1x64xf32, #tpu.memory_space<hbm>> -> memref<1x64xf32, #tpu.memory_space<hbm>>
          %dma_start3A_3146 = arith.constant 0 : i32
          %dma_start3A_3147 = tpu.memref_slice %arg11[%add3A_3139, %dma_start3A_3146] : memref<128x64xf32, #tpu.memory_space<vmem>> -> memref<1x64xf32, #tpu.memory_space<vmem>>
          %dma_start3A_3148 = arith.constant 0 : i32
          %dma_start3A_3149 = tpu.memref_slice %arg5[%dma_start3A_3140, %squeeze3A_3135, %dma_start3A_3148] : memref<1x1000000x64xf32, #tpu.memory_space<hbm>> -> memref<1x1x64xf32, #tpu.memory_space<hbm>>
          %dma_start3A_3150 = tpu.memref_squeeze %dma_start3A_3149 : memref<1x1x64xf32, #tpu.memory_space<hbm>> -> memref<1x64xf32, #tpu.memory_space<hbm>>
          tpu.enqueue_dma source(%dma_start3A_3150 : memref<1x64xf32, #tpu.memory_space<hbm>>) target(%dma_start3A_3147 : memref<1x64xf32, #tpu.memory_space<vmem>>) target_semaphore(%arg16 : memref<!tpu.dma_semaphore, #tpu.memory_space<semaphore_mem>>)
          %add3A_3151 = arith.constant 3 : i32
          %add3A_3152 = arith.addi %add3A_3037, %add3A_3151 : i32
          %dma_start3A_3153 = arith.constant 0 : i32
          %dma_start3A_3154 = arith.constant 0 : i32
          %dma_start3A_3155 = tpu.memref_slice %arg13[%add3A_3152, %dma_start3A_3154] : memref<128x64xf32, #tpu.memory_space<vmem>> -> memref<1x64xf32, #tpu.memory_space<vmem>>
          %dma_start3A_3156 = arith.constant 0 : i32
          %dma_start3A_3157 = tpu.memref_slice %arg5[%dma_start3A_3153, %squeeze3A_3137, %dma_start3A_3156] : memref<1x1000000x64xf32, #tpu.memory_space<hbm>> -> memref<1x1x64xf32, #tpu.memory_space<hbm>>
          %dma_start3A_3158 = tpu.memref_squeeze %dma_start3A_3157 : memref<1x1x64xf32, #tpu.memory_space<hbm>> -> memref<1x64xf32, #tpu.memory_space<hbm>>
          %dma_start3A_3159 = arith.constant 0 : i32
          %dma_start3A_3160 = tpu.memref_slice %arg13[%add3A_3152, %dma_start3A_3159] : memref<128x64xf32, #tpu.memory_space<vmem>> -> memref<1x64xf32, #tpu.memory_space<vmem>>
          %dma_start3A_3161 = arith.constant 0 : i32
          %dma_start3A_3162 = tpu.memref_slice %arg5[%dma_start3A_3153, %squeeze3A_3137, %dma_start3A_3161] : memref<1x1000000x64xf32, #tpu.memory_space<hbm>> -> memref<1x1x64xf32, #tpu.memory_space<hbm>>
          %dma_start3A_3163 = tpu.memref_squeeze %dma_start3A_3162 : memref<1x1x64xf32, #tpu.memory_space<hbm>> -> memref<1x64xf32, #tpu.memory_space<hbm>>
          tpu.enqueue_dma source(%dma_start3A_3163 : memref<1x64xf32, #tpu.memory_space<hbm>>) target(%dma_start3A_3160 : memref<1x64xf32, #tpu.memory_space<vmem>>) target_semaphore(%arg16 : memref<!tpu.dma_semaphore, #tpu.memory_space<semaphore_mem>>)
          %slice3A_3164 = vector.extract_strided_slice %get3A_3040 {offsets = [4], sizes = [1], strides = [1]} : vector<16xi32> to vector<1xi32>
          %squeeze3A_3165 = vector.extract %slice3A_3164[0] : i32 from vector<1xi32>
          %slice3A_3166 = vector.extract_strided_slice %get3A_3043 {offsets = [4], sizes = [1], strides = [1]} : vector<16xi32> to vector<1xi32>
          %squeeze3A_3167 = vector.extract %slice3A_3166[0] : i32 from vector<1xi32>
          %add3A_3168 = arith.constant 4 : i32
          %add3A_3169 = arith.addi %add3A_3037, %add3A_3168 : i32
          %dma_start3A_3170 = arith.constant 0 : i32
          %dma_start3A_3171 = arith.constant 0 : i32
          %dma_start3A_3172 = tpu.memref_slice %arg11[%add3A_3169, %dma_start3A_3171] : memref<128x64xf32, #tpu.memory_space<vmem>> -> memref<1x64xf32, #tpu.memory_space<vmem>>
          %dma_start3A_3173 = arith.constant 0 : i32
          %dma_start3A_3174 = tpu.memref_slice %arg5[%dma_start3A_3170, %squeeze3A_3165, %dma_start3A_3173] : memref<1x1000000x64xf32, #tpu.memory_space<hbm>> -> memref<1x1x64xf32, #tpu.memory_space<hbm>>
          %dma_start3A_3175 = tpu.memref_squeeze %dma_start3A_3174 : memref<1x1x64xf32, #tpu.memory_space<hbm>> -> memref<1x64xf32, #tpu.memory_space<hbm>>
          %dma_start3A_3176 = arith.constant 0 : i32
          %dma_start3A_3177 = tpu.memref_slice %arg11[%add3A_3169, %dma_start3A_3176] : memref<128x64xf32, #tpu.memory_space<vmem>> -> memref<1x64xf32, #tpu.memory_space<vmem>>
          %dma_start3A_3178 = arith.constant 0 : i32
          %dma_start3A_3179 = tpu.memref_slice %arg5[%dma_start3A_3170, %squeeze3A_3165, %dma_start3A_3178] : memref<1x1000000x64xf32, #tpu.memory_space<hbm>> -> memref<1x1x64xf32, #tpu.memory_space<hbm>>
          %dma_start3A_3180 = tpu.memref_squeeze %dma_start3A_3179 : memref<1x1x64xf32, #tpu.memory_space<hbm>> -> memref<1x64xf32, #tpu.memory_space<hbm>>
          tpu.enqueue_dma source(%dma_start3A_3180 : memref<1x64xf32, #tpu.memory_space<hbm>>) target(%dma_start3A_3177 : memref<1x64xf32, #tpu.memory_space<vmem>>) target_semaphore(%arg16 : memref<!tpu.dma_semaphore, #tpu.memory_space<semaphore_mem>>)
          %add3A_3181 = arith.constant 4 : i32
          %add3A_3182 = arith.addi %add3A_3037, %add3A_3181 : i32
          %dma_start3A_3183 = arith.constant 0 : i32
          %dma_start3A_3184 = arith.constant 0 : i32
          %dma_start3A_3185 = tpu.memref_slice %arg13[%add3A_3182, %dma_start3A_3184] : memref<128x64xf32, #tpu.memory_space<vmem>> -> memref<1x64xf32, #tpu.memory_space<vmem>>
          %dma_start3A_3186 = arith.constant 0 : i32
          %dma_start3A_3187 = tpu.memref_slice %arg5[%dma_start3A_3183, %squeeze3A_3167, %dma_start3A_3186] : memref<1x1000000x64xf32, #tpu.memory_space<hbm>> -> memref<1x1x64xf32, #tpu.memory_space<hbm>>
          %dma_start3A_3188 = tpu.memref_squeeze %dma_start3A_3187 : memref<1x1x64xf32, #tpu.memory_space<hbm>> -> memref<1x64xf32, #tpu.memory_space<hbm>>
          %dma_start3A_3189 = arith.constant 0 : i32
          %dma_start3A_3190 = tpu.memref_slice %arg13[%add3A_3182, %dma_start3A_3189] : memref<128x64xf32, #tpu.memory_space<vmem>> -> memref<1x64xf32, #tpu.memory_space<vmem>>
          %dma_start3A_3191 = arith.constant 0 : i32
          %dma_start3A_3192 = tpu.memref_slice %arg5[%dma_start3A_3183, %squeeze3A_3167, %dma_start3A_3191] : memref<1x1000000x64xf32, #tpu.memory_space<hbm>> -> memref<1x1x64xf32, #tpu.memory_space<hbm>>
          %dma_start3A_3193 = tpu.memref_squeeze %dma_start3A_3192 : memref<1x1x64xf32, #tpu.memory_space<hbm>> -> memref<1x64xf32, #tpu.memory_space<hbm>>
          tpu.enqueue_dma source(%dma_start3A_3193 : memref<1x64xf32, #tpu.memory_space<hbm>>) target(%dma_start3A_3190 : memref<1x64xf32, #tpu.memory_space<vmem>>) target_semaphore(%arg16 : memref<!tpu.dma_semaphore, #tpu.memory_space<semaphore_mem>>)
          %slice3A_3194 = vector.extract_strided_slice %get3A_3040 {offsets = [5], sizes = [1], strides = [1]} : vector<16xi32> to vector<1xi32>
          %squeeze3A_3195 = vector.extract %slice3A_3194[0] : i32 from vector<1xi32>
          %slice3A_3196 = vector.extract_strided_slice %get3A_3043 {offsets = [5], sizes = [1], strides = [1]} : vector<16xi32> to vector<1xi32>
          %squeeze3A_3197 = vector.extract %slice3A_3196[0] : i32 from vector<1xi32>
          %add3A_3198 = arith.constant 5 : i32
          %add3A_3199 = arith.addi %add3A_3037, %add3A_3198 : i32
          %dma_start3A_3200 = arith.constant 0 : i32
          %dma_start3A_3201 = arith.constant 0 : i32
          %dma_start3A_3202 = tpu.memref_slice %arg11[%add3A_3199, %dma_start3A_3201] : memref<128x64xf32, #tpu.memory_space<vmem>> -> memref<1x64xf32, #tpu.memory_space<vmem>>
          %dma_start3A_3203 = arith.constant 0 : i32
          %dma_start3A_3204 = tpu.memref_slice %arg5[%dma_start3A_3200, %squeeze3A_3195, %dma_start3A_3203] : memref<1x1000000x64xf32, #tpu.memory_space<hbm>> -> memref<1x1x64xf32, #tpu.memory_space<hbm>>
          %dma_start3A_3205 = tpu.memref_squeeze %dma_start3A_3204 : memref<1x1x64xf32, #tpu.memory_space<hbm>> -> memref<1x64xf32, #tpu.memory_space<hbm>>
          %dma_start3A_3206 = arith.constant 0 : i32
          %dma_start3A_3207 = tpu.memref_slice %arg11[%add3A_3199, %dma_start3A_3206] : memref<128x64xf32, #tpu.memory_space<vmem>> -> memref<1x64xf32, #tpu.memory_space<vmem>>
          %dma_start3A_3208 = arith.constant 0 : i32
          %dma_start3A_3209 = tpu.memref_slice %arg5[%dma_start3A_3200, %squeeze3A_3195, %dma_start3A_3208] : memref<1x1000000x64xf32, #tpu.memory_space<hbm>> -> memref<1x1x64xf32, #tpu.memory_space<hbm>>
          %dma_start3A_3210 = tpu.memref_squeeze %dma_start3A_3209 : memref<1x1x64xf32, #tpu.memory_space<hbm>> -> memref<1x64xf32, #tpu.memory_space<hbm>>
          tpu.enqueue_dma source(%dma_start3A_3210 : memref<1x64xf32, #tpu.memory_space<hbm>>) target(%dma_start3A_3207 : memref<1x64xf32, #tpu.memory_space<vmem>>) target_semaphore(%arg16 : memref<!tpu.dma_semaphore, #tpu.memory_space<semaphore_mem>>)
          %add3A_3211 = arith.constant 5 : i32
          %add3A_3212 = arith.addi %add3A_3037, %add3A_3211 : i32
          %dma_start3A_3213 = arith.constant 0 : i32
          %dma_start3A_3214 = arith.constant 0 : i32
          %dma_start3A_3215 = tpu.memref_slice %arg13[%add3A_3212, %dma_start3A_3214] : memref<128x64xf32, #tpu.memory_space<vmem>> -> memref<1x64xf32, #tpu.memory_space<vmem>>
          %dma_start3A_3216 = arith.constant 0 : i32
          %dma_start3A_3217 = tpu.memref_slice %arg5[%dma_start3A_3213, %squeeze3A_3197, %dma_start3A_3216] : memref<1x1000000x64xf32, #tpu.memory_space<hbm>> -> memref<1x1x64xf32, #tpu.memory_space<hbm>>
          %dma_start3A_3218 = tpu.memref_squeeze %dma_start3A_3217 : memref<1x1x64xf32, #tpu.memory_space<hbm>> -> memref<1x64xf32, #tpu.memory_space<hbm>>
          %dma_start3A_3219 = arith.constant 0 : i32
          %dma_start3A_3220 = tpu.memref_slice %arg13[%add3A_3212, %dma_start3A_3219] : memref<128x64xf32, #tpu.memory_space<vmem>> -> memref<1x64xf32, #tpu.memory_space<vmem>>
          %dma_start3A_3221 = arith.constant 0 : i32
          %dma_start3A_3222 = tpu.memref_slice %arg5[%dma_start3A_3213, %squeeze3A_3197, %dma_start3A_3221] : memref<1x1000000x64xf32, #tpu.memory_space<hbm>> -> memref<1x1x64xf32, #tpu.memory_space<hbm>>
          %dma_start3A_3223 = tpu.memref_squeeze %dma_start3A_3222 : memref<1x1x64xf32, #tpu.memory_space<hbm>> -> memref<1x64xf32, #tpu.memory_space<hbm>>
          tpu.enqueue_dma source(%dma_start3A_3223 : memref<1x64xf32, #tpu.memory_space<hbm>>) target(%dma_start3A_3220 : memref<1x64xf32, #tpu.memory_space<vmem>>) target_semaphore(%arg16 : memref<!tpu.dma_semaphore, #tpu.memory_space<semaphore_mem>>)
          %slice3A_3224 = vector.extract_strided_slice %get3A_3040 {offsets = [6], sizes = [1], strides = [1]} : vector<16xi32> to vector<1xi32>
          %squeeze3A_3225 = vector.extract %slice3A_3224[0] : i32 from vector<1xi32>
          %slice3A_3226 = vector.extract_strided_slice %get3A_3043 {offsets = [6], sizes = [1], strides = [1]} : vector<16xi32> to vector<1xi32>
          %squeeze3A_3227 = vector.extract %slice3A_3226[0] : i32 from vector<1xi32>
          %add3A_3228 = arith.constant 6 : i32
          %add3A_3229 = arith.addi %add3A_3037, %add3A_3228 : i32
          %dma_start3A_3230 = arith.constant 0 : i32
          %dma_start3A_3231 = arith.constant 0 : i32
          %dma_start3A_3232 = tpu.memref_slice %arg11[%add3A_3229, %dma_start3A_3231] : memref<128x64xf32, #tpu.memory_space<vmem>> -> memref<1x64xf32, #tpu.memory_space<vmem>>
          %dma_start3A_3233 = arith.constant 0 : i32
          %dma_start3A_3234 = tpu.memref_slice %arg5[%dma_start3A_3230, %squeeze3A_3225, %dma_start3A_3233] : memref<1x1000000x64xf32, #tpu.memory_space<hbm>> -> memref<1x1x64xf32, #tpu.memory_space<hbm>>
          %dma_start3A_3235 = tpu.memref_squeeze %dma_start3A_3234 : memref<1x1x64xf32, #tpu.memory_space<hbm>> -> memref<1x64xf32, #tpu.memory_space<hbm>>
          %dma_start3A_3236 = arith.constant 0 : i32
          %dma_start3A_3237 = tpu.memref_slice %arg11[%add3A_3229, %dma_start3A_3236] : memref<128x64xf32, #tpu.memory_space<vmem>> -> memref<1x64xf32, #tpu.memory_space<vmem>>
          %dma_start3A_3238 = arith.constant 0 : i32
          %dma_start3A_3239 = tpu.memref_slice %arg5[%dma_start3A_3230, %squeeze3A_3225, %dma_start3A_3238] : memref<1x1000000x64xf32, #tpu.memory_space<hbm>> -> memref<1x1x64xf32, #tpu.memory_space<hbm>>
          %dma_start3A_3240 = tpu.memref_squeeze %dma_start3A_3239 : memref<1x1x64xf32, #tpu.memory_space<hbm>> -> memref<1x64xf32, #tpu.memory_space<hbm>>
          tpu.enqueue_dma source(%dma_start3A_3240 : memref<1x64xf32, #tpu.memory_space<hbm>>) target(%dma_start3A_3237 : memref<1x64xf32, #tpu.memory_space<vmem>>) target_semaphore(%arg16 : memref<!tpu.dma_semaphore, #tpu.memory_space<semaphore_mem>>)
          %add3A_3241 = arith.constant 6 : i32
          %add3A_3242 = arith.addi %add3A_3037, %add3A_3241 : i32
          %dma_start3A_3243 = arith.constant 0 : i32
          %dma_start3A_3244 = arith.constant 0 : i32
          %dma_start3A_3245 = tpu.memref_slice %arg13[%add3A_3242, %dma_start3A_3244] : memref<128x64xf32, #tpu.memory_space<vmem>> -> memref<1x64xf32, #tpu.memory_space<vmem>>
          %dma_start3A_3246 = arith.constant 0 : i32
          %dma_start3A_3247 = tpu.memref_slice %arg5[%dma_start3A_3243, %squeeze3A_3227, %dma_start3A_3246] : memref<1x1000000x64xf32, #tpu.memory_space<hbm>> -> memref<1x1x64xf32, #tpu.memory_space<hbm>>
          %dma_start3A_3248 = tpu.memref_squeeze %dma_start3A_3247 : memref<1x1x64xf32, #tpu.memory_space<hbm>> -> memref<1x64xf32, #tpu.memory_space<hbm>>
          %dma_start3A_3249 = arith.constant 0 : i32
          %dma_start3A_3250 = tpu.memref_slice %arg13[%add3A_3242, %dma_start3A_3249] : memref<128x64xf32, #tpu.memory_space<vmem>> -> memref<1x64xf32, #tpu.memory_space<vmem>>
          %dma_start3A_3251 = arith.constant 0 : i32
          %dma_start3A_3252 = tpu.memref_slice %arg5[%dma_start3A_3243, %squeeze3A_3227, %dma_start3A_3251] : memref<1x1000000x64xf32, #tpu.memory_space<hbm>> -> memref<1x1x64xf32, #tpu.memory_space<hbm>>
          %dma_start3A_3253 = tpu.memref_squeeze %dma_start3A_3252 : memref<1x1x64xf32, #tpu.memory_space<hbm>> -> memref<1x64xf32, #tpu.memory_space<hbm>>
          tpu.enqueue_dma source(%dma_start3A_3253 : memref<1x64xf32, #tpu.memory_space<hbm>>) target(%dma_start3A_3250 : memref<1x64xf32, #tpu.memory_space<vmem>>) target_semaphore(%arg16 : memref<!tpu.dma_semaphore, #tpu.memory_space<semaphore_mem>>)
          %slice3A_3254 = vector.extract_strided_slice %get3A_3040 {offsets = [7], sizes = [1], strides = [1]} : vector<16xi32> to vector<1xi32>
          %squeeze3A_3255 = vector.extract %slice3A_3254[0] : i32 from vector<1xi32>
          %slice3A_3256 = vector.extract_strided_slice %get3A_3043 {offsets = [7], sizes = [1], strides = [1]} : vector<16xi32> to vector<1xi32>
          %squeeze3A_3257 = vector.extract %slice3A_3256[0] : i32 from vector<1xi32>
          %add3A_3258 = arith.constant 7 : i32
          %add3A_3259 = arith.addi %add3A_3037, %add3A_3258 : i32
          %dma_start3A_3260 = arith.constant 0 : i32
          %dma_start3A_3261 = arith.constant 0 : i32
          %dma_start3A_3262 = tpu.memref_slice %arg11[%add3A_3259, %dma_start3A_3261] : memref<128x64xf32, #tpu.memory_space<vmem>> -> memref<1x64xf32, #tpu.memory_space<vmem>>
          %dma_start3A_3263 = arith.constant 0 : i32
          %dma_start3A_3264 = tpu.memref_slice %arg5[%dma_start3A_3260, %squeeze3A_3255, %dma_start3A_3263] : memref<1x1000000x64xf32, #tpu.memory_space<hbm>> -> memref<1x1x64xf32, #tpu.memory_space<hbm>>
          %dma_start3A_3265 = tpu.memref_squeeze %dma_start3A_3264 : memref<1x1x64xf32, #tpu.memory_space<hbm>> -> memref<1x64xf32, #tpu.memory_space<hbm>>
          %dma_start3A_3266 = arith.constant 0 : i32
          %dma_start3A_3267 = tpu.memref_slice %arg11[%add3A_3259, %dma_start3A_3266] : memref<128x64xf32, #tpu.memory_space<vmem>> -> memref<1x64xf32, #tpu.memory_space<vmem>>
          %dma_start3A_3268 = arith.constant 0 : i32
          %dma_start3A_3269 = tpu.memref_slice %arg5[%dma_start3A_3260, %squeeze3A_3255, %dma_start3A_3268] : memref<1x1000000x64xf32, #tpu.memory_space<hbm>> -> memref<1x1x64xf32, #tpu.memory_space<hbm>>
          %dma_start3A_3270 = tpu.memref_squeeze %dma_start3A_3269 : memref<1x1x64xf32, #tpu.memory_space<hbm>> -> memref<1x64xf32, #tpu.memory_space<hbm>>
          tpu.enqueue_dma source(%dma_start3A_3270 : memref<1x64xf32, #tpu.memory_space<hbm>>) target(%dma_start3A_3267 : memref<1x64xf32, #tpu.memory_space<vmem>>) target_semaphore(%arg16 : memref<!tpu.dma_semaphore, #tpu.memory_space<semaphore_mem>>)
          %add3A_3271 = arith.constant 7 : i32
          %add3A_3272 = arith.addi %add3A_3037, %add3A_3271 : i32
          %dma_start3A_3273 = arith.constant 0 : i32
          %dma_start3A_3274 = arith.constant 0 : i32
          %dma_start3A_3275 = tpu.memref_slice %arg13[%add3A_3272, %dma_start3A_3274] : memref<128x64xf32, #tpu.memory_space<vmem>> -> memref<1x64xf32, #tpu.memory_space<vmem>>
          %dma_start3A_3276 = arith.constant 0 : i32
          %dma_start3A_3277 = tpu.memref_slice %arg5[%dma_start3A_3273, %squeeze3A_3257, %dma_start3A_3276] : memref<1x1000000x64xf32, #tpu.memory_space<hbm>> -> memref<1x1x64xf32, #tpu.memory_space<hbm>>
          %dma_start3A_3278 = tpu.memref_squeeze %dma_start3A_3277 : memref<1x1x64xf32, #tpu.memory_space<hbm>> -> memref<1x64xf32, #tpu.memory_space<hbm>>
          %dma_start3A_3279 = arith.constant 0 : i32
          %dma_start3A_3280 = tpu.memref_slice %arg13[%add3A_3272, %dma_start3A_3279] : memref<128x64xf32, #tpu.memory_space<vmem>> -> memref<1x64xf32, #tpu.memory_space<vmem>>
          %dma_start3A_3281 = arith.constant 0 : i32
          %dma_start3A_3282 = tpu.memref_slice %arg5[%dma_start3A_3273, %squeeze3A_3257, %dma_start3A_3281] : memref<1x1000000x64xf32, #tpu.memory_space<hbm>> -> memref<1x1x64xf32, #tpu.memory_space<hbm>>
          %dma_start3A_3283 = tpu.memref_squeeze %dma_start3A_3282 : memref<1x1x64xf32, #tpu.memory_space<hbm>> -> memref<1x64xf32, #tpu.memory_space<hbm>>
          tpu.enqueue_dma source(%dma_start3A_3283 : memref<1x64xf32, #tpu.memory_space<hbm>>) target(%dma_start3A_3280 : memref<1x64xf32, #tpu.memory_space<vmem>>) target_semaphore(%arg16 : memref<!tpu.dma_semaphore, #tpu.memory_space<semaphore_mem>>)
          %slice3A_3284 = vector.extract_strided_slice %get3A_3040 {offsets = [8], sizes = [1], strides = [1]} : vector<16xi32> to vector<1xi32>
          %squeeze3A_3285 = vector.extract %slice3A_3284[0] : i32 from vector<1xi32>
          %slice3A_3286 = vector.extract_strided_slice %get3A_3043 {offsets = [8], sizes = [1], strides = [1]} : vector<16xi32> to vector<1xi32>
          %squeeze3A_3287 = vector.extract %slice3A_3286[0] : i32 from vector<1xi32>
          %add3A_3288 = arith.constant 8 : i32
          %add3A_3289 = arith.addi %add3A_3037, %add3A_3288 : i32
          %dma_start3A_3290 = arith.constant 0 : i32
          %dma_start3A_3291 = arith.constant 0 : i32
          %dma_start3A_3292 = tpu.memref_slice %arg11[%add3A_3289, %dma_start3A_3291] : memref<128x64xf32, #tpu.memory_space<vmem>> -> memref<1x64xf32, #tpu.memory_space<vmem>>
          %dma_start3A_3293 = arith.constant 0 : i32
          %dma_start3A_3294 = tpu.memref_slice %arg5[%dma_start3A_3290, %squeeze3A_3285, %dma_start3A_3293] : memref<1x1000000x64xf32, #tpu.memory_space<hbm>> -> memref<1x1x64xf32, #tpu.memory_space<hbm>>
          %dma_start3A_3295 = tpu.memref_squeeze %dma_start3A_3294 : memref<1x1x64xf32, #tpu.memory_space<hbm>> -> memref<1x64xf32, #tpu.memory_space<hbm>>
          %dma_start3A_3296 = arith.constant 0 : i32
          %dma_start3A_3297 = tpu.memref_slice %arg11[%add3A_3289, %dma_start3A_3296] : memref<128x64xf32, #tpu.memory_space<vmem>> -> memref<1x64xf32, #tpu.memory_space<vmem>>
          %dma_start3A_3298 = arith.constant 0 : i32
          %dma_start3A_3299 = tpu.memref_slice %arg5[%dma_start3A_3290, %squeeze3A_3285, %dma_start3A_3298] : memref<1x1000000x64xf32, #tpu.memory_space<hbm>> -> memref<1x1x64xf32, #tpu.memory_space<hbm>>
          %dma_start3A_3300 = tpu.memref_squeeze %dma_start3A_3299 : memref<1x1x64xf32, #tpu.memory_space<hbm>> -> memref<1x64xf32, #tpu.memory_space<hbm>>
          tpu.enqueue_dma source(%dma_start3A_3300 : memref<1x64xf32, #tpu.memory_space<hbm>>) target(%dma_start3A_3297 : memref<1x64xf32, #tpu.memory_space<vmem>>) target_semaphore(%arg16 : memref<!tpu.dma_semaphore, #tpu.memory_space<semaphore_mem>>)
          %add3A_3301 = arith.constant 8 : i32
          %add3A_3302 = arith.addi %add3A_3037, %add3A_3301 : i32
          %dma_start3A_3303 = arith.constant 0 : i32
          %dma_start3A_3304 = arith.constant 0 : i32
          %dma_start3A_3305 = tpu.memref_slice %arg13[%add3A_3302, %dma_start3A_3304] : memref<128x64xf32, #tpu.memory_space<vmem>> -> memref<1x64xf32, #tpu.memory_space<vmem>>
          %dma_start3A_3306 = arith.constant 0 : i32
          %dma_start3A_3307 = tpu.memref_slice %arg5[%dma_start3A_3303, %squeeze3A_3287, %dma_start3A_3306] : memref<1x1000000x64xf32, #tpu.memory_space<hbm>> -> memref<1x1x64xf32, #tpu.memory_space<hbm>>
          %dma_start3A_3308 = tpu.memref_squeeze %dma_start3A_3307 : memref<1x1x64xf32, #tpu.memory_space<hbm>> -> memref<1x64xf32, #tpu.memory_space<hbm>>
          %dma_start3A_3309 = arith.constant 0 : i32
          %dma_start3A_3310 = tpu.memref_slice %arg13[%add3A_3302, %dma_start3A_3309] : memref<128x64xf32, #tpu.memory_space<vmem>> -> memref<1x64xf32, #tpu.memory_space<vmem>>
          %dma_start3A_3311 = arith.constant 0 : i32
          %dma_start3A_3312 = tpu.memref_slice %arg5[%dma_start3A_3303, %squeeze3A_3287, %dma_start3A_3311] : memref<1x1000000x64xf32, #tpu.memory_space<hbm>> -> memref<1x1x64xf32, #tpu.memory_space<hbm>>
          %dma_start3A_3313 = tpu.memref_squeeze %dma_start3A_3312 : memref<1x1x64xf32, #tpu.memory_space<hbm>> -> memref<1x64xf32, #tpu.memory_space<hbm>>
          tpu.enqueue_dma source(%dma_start3A_3313 : memref<1x64xf32, #tpu.memory_space<hbm>>) target(%dma_start3A_3310 : memref<1x64xf32, #tpu.memory_space<vmem>>) target_semaphore(%arg16 : memref<!tpu.dma_semaphore, #tpu.memory_space<semaphore_mem>>)
          %slice3A_3314 = vector.extract_strided_slice %get3A_3040 {offsets = [9], sizes = [1], strides = [1]} : vector<16xi32> to vector<1xi32>
          %squeeze3A_3315 = vector.extract %slice3A_3314[0] : i32 from vector<1xi32>
          %slice3A_3316 = vector.extract_strided_slice %get3A_3043 {offsets = [9], sizes = [1], strides = [1]} : vector<16xi32> to vector<1xi32>
          %squeeze3A_3317 = vector.extract %slice3A_3316[0] : i32 from vector<1xi32>
          %add3A_3318 = arith.constant 9 : i32
          %add3A_3319 = arith.addi %add3A_3037, %add3A_3318 : i32
          %dma_start3A_3320 = arith.constant 0 : i32
          %dma_start3A_3321 = arith.constant 0 : i32
          %dma_start3A_3322 = tpu.memref_slice %arg11[%add3A_3319, %dma_start3A_3321] : memref<128x64xf32, #tpu.memory_space<vmem>> -> memref<1x64xf32, #tpu.memory_space<vmem>>
          %dma_start3A_3323 = arith.constant 0 : i32
          %dma_start3A_3324 = tpu.memref_slice %arg5[%dma_start3A_3320, %squeeze3A_3315, %dma_start3A_3323] : memref<1x1000000x64xf32, #tpu.memory_space<hbm>> -> memref<1x1x64xf32, #tpu.memory_space<hbm>>
          %dma_start3A_3325 = tpu.memref_squeeze %dma_start3A_3324 : memref<1x1x64xf32, #tpu.memory_space<hbm>> -> memref<1x64xf32, #tpu.memory_space<hbm>>
          %dma_start3A_3326 = arith.constant 0 : i32
          %dma_start3A_3327 = tpu.memref_slice %arg11[%add3A_3319, %dma_start3A_3326] : memref<128x64xf32, #tpu.memory_space<vmem>> -> memref<1x64xf32, #tpu.memory_space<vmem>>
          %dma_start3A_3328 = arith.constant 0 : i32
          %dma_start3A_3329 = tpu.memref_slice %arg5[%dma_start3A_3320, %squeeze3A_3315, %dma_start3A_3328] : memref<1x1000000x64xf32, #tpu.memory_space<hbm>> -> memref<1x1x64xf32, #tpu.memory_space<hbm>>
          %dma_start3A_3330 = tpu.memref_squeeze %dma_start3A_3329 : memref<1x1x64xf32, #tpu.memory_space<hbm>> -> memref<1x64xf32, #tpu.memory_space<hbm>>
          tpu.enqueue_dma source(%dma_start3A_3330 : memref<1x64xf32, #tpu.memory_space<hbm>>) target(%dma_start3A_3327 : memref<1x64xf32, #tpu.memory_space<vmem>>) target_semaphore(%arg16 : memref<!tpu.dma_semaphore, #tpu.memory_space<semaphore_mem>>)
          %add3A_3331 = arith.constant 9 : i32
          %add3A_3332 = arith.addi %add3A_3037, %add3A_3331 : i32
          %dma_start3A_3333 = arith.constant 0 : i32
          %dma_start3A_3334 = arith.constant 0 : i32
          %dma_start3A_3335 = tpu.memref_slice %arg13[%add3A_3332, %dma_start3A_3334] : memref<128x64xf32, #tpu.memory_space<vmem>> -> memref<1x64xf32, #tpu.memory_space<vmem>>
          %dma_start3A_3336 = arith.constant 0 : i32
          %dma_start3A_3337 = tpu.memref_slice %arg5[%dma_start3A_3333, %squeeze3A_3317, %dma_start3A_3336] : memref<1x1000000x64xf32, #tpu.memory_space<hbm>> -> memref<1x1x64xf32, #tpu.memory_space<hbm>>
          %dma_start3A_3338 = tpu.memref_squeeze %dma_start3A_3337 : memref<1x1x64xf32, #tpu.memory_space<hbm>> -> memref<1x64xf32, #tpu.memory_space<hbm>>
          %dma_start3A_3339 = arith.constant 0 : i32
          %dma_start3A_3340 = tpu.memref_slice %arg13[%add3A_3332, %dma_start3A_3339] : memref<128x64xf32, #tpu.memory_space<vmem>> -> memref<1x64xf32, #tpu.memory_space<vmem>>
          %dma_start3A_3341 = arith.constant 0 : i32
          %dma_start3A_3342 = tpu.memref_slice %arg5[%dma_start3A_3333, %squeeze3A_3317, %dma_start3A_3341] : memref<1x1000000x64xf32, #tpu.memory_space<hbm>> -> memref<1x1x64xf32, #tpu.memory_space<hbm>>
          %dma_start3A_3343 = tpu.memref_squeeze %dma_start3A_3342 : memref<1x1x64xf32, #tpu.memory_space<hbm>> -> memref<1x64xf32, #tpu.memory_space<hbm>>
          tpu.enqueue_dma source(%dma_start3A_3343 : memref<1x64xf32, #tpu.memory_space<hbm>>) target(%dma_start3A_3340 : memref<1x64xf32, #tpu.memory_space<vmem>>) target_semaphore(%arg16 : memref<!tpu.dma_semaphore, #tpu.memory_space<semaphore_mem>>)
          %slice3A_3344 = vector.extract_strided_slice %get3A_3040 {offsets = [10], sizes = [1], strides = [1]} : vector<16xi32> to vector<1xi32>
          %squeeze3A_3345 = vector.extract %slice3A_3344[0] : i32 from vector<1xi32>
          %slice3A_3346 = vector.extract_strided_slice %get3A_3043 {offsets = [10], sizes = [1], strides = [1]} : vector<16xi32> to vector<1xi32>
          %squeeze3A_3347 = vector.extract %slice3A_3346[0] : i32 from vector<1xi32>
          %add3A_3348 = arith.constant 10 : i32
          %add3A_3349 = arith.addi %add3A_3037, %add3A_3348 : i32
          %dma_start3A_3350 = arith.constant 0 : i32
          %dma_start3A_3351 = arith.constant 0 : i32
          %dma_start3A_3352 = tpu.memref_slice %arg11[%add3A_3349, %dma_start3A_3351] : memref<128x64xf32, #tpu.memory_space<vmem>> -> memref<1x64xf32, #tpu.memory_space<vmem>>
          %dma_start3A_3353 = arith.constant 0 : i32
          %dma_start3A_3354 = tpu.memref_slice %arg5[%dma_start3A_3350, %squeeze3A_3345, %dma_start3A_3353] : memref<1x1000000x64xf32, #tpu.memory_space<hbm>> -> memref<1x1x64xf32, #tpu.memory_space<hbm>>
          %dma_start3A_3355 = tpu.memref_squeeze %dma_start3A_3354 : memref<1x1x64xf32, #tpu.memory_space<hbm>> -> memref<1x64xf32, #tpu.memory_space<hbm>>
          %dma_start3A_3356 = arith.constant 0 : i32
          %dma_start3A_3357 = tpu.memref_slice %arg11[%add3A_3349, %dma_start3A_3356] : memref<128x64xf32, #tpu.memory_space<vmem>> -> memref<1x64xf32, #tpu.memory_space<vmem>>
          %dma_start3A_3358 = arith.constant 0 : i32
          %dma_start3A_3359 = tpu.memref_slice %arg5[%dma_start3A_3350, %squeeze3A_3345, %dma_start3A_3358] : memref<1x1000000x64xf32, #tpu.memory_space<hbm>> -> memref<1x1x64xf32, #tpu.memory_space<hbm>>
          %dma_start3A_3360 = tpu.memref_squeeze %dma_start3A_3359 : memref<1x1x64xf32, #tpu.memory_space<hbm>> -> memref<1x64xf32, #tpu.memory_space<hbm>>
          tpu.enqueue_dma source(%dma_start3A_3360 : memref<1x64xf32, #tpu.memory_space<hbm>>) target(%dma_start3A_3357 : memref<1x64xf32, #tpu.memory_space<vmem>>) target_semaphore(%arg16 : memref<!tpu.dma_semaphore, #tpu.memory_space<semaphore_mem>>)
          %add3A_3361 = arith.constant 10 : i32
          %add3A_3362 = arith.addi %add3A_3037, %add3A_3361 : i32
          %dma_start3A_3363 = arith.constant 0 : i32
          %dma_start3A_3364 = arith.constant 0 : i32
          %dma_start3A_3365 = tpu.memref_slice %arg13[%add3A_3362, %dma_start3A_3364] : memref<128x64xf32, #tpu.memory_space<vmem>> -> memref<1x64xf32, #tpu.memory_space<vmem>>
          %dma_start3A_3366 = arith.constant 0 : i32
          %dma_start3A_3367 = tpu.memref_slice %arg5[%dma_start3A_3363, %squeeze3A_3347, %dma_start3A_3366] : memref<1x1000000x64xf32, #tpu.memory_space<hbm>> -> memref<1x1x64xf32, #tpu.memory_space<hbm>>
          %dma_start3A_3368 = tpu.memref_squeeze %dma_start3A_3367 : memref<1x1x64xf32, #tpu.memory_space<hbm>> -> memref<1x64xf32, #tpu.memory_space<hbm>>
          %dma_start3A_3369 = arith.constant 0 : i32
          %dma_start3A_3370 = tpu.memref_slice %arg13[%add3A_3362, %dma_start3A_3369] : memref<128x64xf32, #tpu.memory_space<vmem>> -> memref<1x64xf32, #tpu.memory_space<vmem>>
          %dma_start3A_3371 = arith.constant 0 : i32
          %dma_start3A_3372 = tpu.memref_slice %arg5[%dma_start3A_3363, %squeeze3A_3347, %dma_start3A_3371] : memref<1x1000000x64xf32, #tpu.memory_space<hbm>> -> memref<1x1x64xf32, #tpu.memory_space<hbm>>
          %dma_start3A_3373 = tpu.memref_squeeze %dma_start3A_3372 : memref<1x1x64xf32, #tpu.memory_space<hbm>> -> memref<1x64xf32, #tpu.memory_space<hbm>>
          tpu.enqueue_dma source(%dma_start3A_3373 : memref<1x64xf32, #tpu.memory_space<hbm>>) target(%dma_start3A_3370 : memref<1x64xf32, #tpu.memory_space<vmem>>) target_semaphore(%arg16 : memref<!tpu.dma_semaphore, #tpu.memory_space<semaphore_mem>>)
          %slice3A_3374 = vector.extract_strided_slice %get3A_3040 {offsets = [11], sizes = [1], strides = [1]} : vector<16xi32> to vector<1xi32>
          %squeeze3A_3375 = vector.extract %slice3A_3374[0] : i32 from vector<1xi32>
          %slice3A_3376 = vector.extract_strided_slice %get3A_3043 {offsets = [11], sizes = [1], strides = [1]} : vector<16xi32> to vector<1xi32>
          %squeeze3A_3377 = vector.extract %slice3A_3376[0] : i32 from vector<1xi32>
          %add3A_3378 = arith.constant 11 : i32
          %add3A_3379 = arith.addi %add3A_3037, %add3A_3378 : i32
          %dma_start3A_3380 = arith.constant 0 : i32
          %dma_start3A_3381 = arith.constant 0 : i32
          %dma_start3A_3382 = tpu.memref_slice %arg11[%add3A_3379, %dma_start3A_3381] : memref<128x64xf32, #tpu.memory_space<vmem>> -> memref<1x64xf32, #tpu.memory_space<vmem>>
          %dma_start3A_3383 = arith.constant 0 : i32
          %dma_start3A_3384 = tpu.memref_slice %arg5[%dma_start3A_3380, %squeeze3A_3375, %dma_start3A_3383] : memref<1x1000000x64xf32, #tpu.memory_space<hbm>> -> memref<1x1x64xf32, #tpu.memory_space<hbm>>
          %dma_start3A_3385 = tpu.memref_squeeze %dma_start3A_3384 : memref<1x1x64xf32, #tpu.memory_space<hbm>> -> memref<1x64xf32, #tpu.memory_space<hbm>>
          %dma_start3A_3386 = arith.constant 0 : i32
          %dma_start3A_3387 = tpu.memref_slice %arg11[%add3A_3379, %dma_start3A_3386] : memref<128x64xf32, #tpu.memory_space<vmem>> -> memref<1x64xf32, #tpu.memory_space<vmem>>
          %dma_start3A_3388 = arith.constant 0 : i32
          %dma_start3A_3389 = tpu.memref_slice %arg5[%dma_start3A_3380, %squeeze3A_3375, %dma_start3A_3388] : memref<1x1000000x64xf32, #tpu.memory_space<hbm>> -> memref<1x1x64xf32, #tpu.memory_space<hbm>>
          %dma_start3A_3390 = tpu.memref_squeeze %dma_start3A_3389 : memref<1x1x64xf32, #tpu.memory_space<hbm>> -> memref<1x64xf32, #tpu.memory_space<hbm>>
          tpu.enqueue_dma source(%dma_start3A_3390 : memref<1x64xf32, #tpu.memory_space<hbm>>) target(%dma_start3A_3387 : memref<1x64xf32, #tpu.memory_space<vmem>>) target_semaphore(%arg16 : memref<!tpu.dma_semaphore, #tpu.memory_space<semaphore_mem>>)
          %add3A_3391 = arith.constant 11 : i32
          %add3A_3392 = arith.addi %add3A_3037, %add3A_3391 : i32
          %dma_start3A_3393 = arith.constant 0 : i32
          %dma_start3A_3394 = arith.constant 0 : i32
          %dma_start3A_3395 = tpu.memref_slice %arg13[%add3A_3392, %dma_start3A_3394] : memref<128x64xf32, #tpu.memory_space<vmem>> -> memref<1x64xf32, #tpu.memory_space<vmem>>
          %dma_start3A_3396 = arith.constant 0 : i32
          %dma_start3A_3397 = tpu.memref_slice %arg5[%dma_start3A_3393, %squeeze3A_3377, %dma_start3A_3396] : memref<1x1000000x64xf32, #tpu.memory_space<hbm>> -> memref<1x1x64xf32, #tpu.memory_space<hbm>>
          %dma_start3A_3398 = tpu.memref_squeeze %dma_start3A_3397 : memref<1x1x64xf32, #tpu.memory_space<hbm>> -> memref<1x64xf32, #tpu.memory_space<hbm>>
          %dma_start3A_3399 = arith.constant 0 : i32
          %dma_start3A_3400 = tpu.memref_slice %arg13[%add3A_3392, %dma_start3A_3399] : memref<128x64xf32, #tpu.memory_space<vmem>> -> memref<1x64xf32, #tpu.memory_space<vmem>>
          %dma_start3A_3401 = arith.constant 0 : i32
          %dma_start3A_3402 = tpu.memref_slice %arg5[%dma_start3A_3393, %squeeze3A_3377, %dma_start3A_3401] : memref<1x1000000x64xf32, #tpu.memory_space<hbm>> -> memref<1x1x64xf32, #tpu.memory_space<hbm>>
          %dma_start3A_3403 = tpu.memref_squeeze %dma_start3A_3402 : memref<1x1x64xf32, #tpu.memory_space<hbm>> -> memref<1x64xf32, #tpu.memory_space<hbm>>
          tpu.enqueue_dma source(%dma_start3A_3403 : memref<1x64xf32, #tpu.memory_space<hbm>>) target(%dma_start3A_3400 : memref<1x64xf32, #tpu.memory_space<vmem>>) target_semaphore(%arg16 : memref<!tpu.dma_semaphore, #tpu.memory_space<semaphore_mem>>)
          %slice3A_3404 = vector.extract_strided_slice %get3A_3040 {offsets = [12], sizes = [1], strides = [1]} : vector<16xi32> to vector<1xi32>
          %squeeze3A_3405 = vector.extract %slice3A_3404[0] : i32 from vector<1xi32>
          %slice3A_3406 = vector.extract_strided_slice %get3A_3043 {offsets = [12], sizes = [1], strides = [1]} : vector<16xi32> to vector<1xi32>
          %squeeze3A_3407 = vector.extract %slice3A_3406[0] : i32 from vector<1xi32>
          %add3A_3408 = arith.constant 12 : i32
          %add3A_3409 = arith.addi %add3A_3037, %add3A_3408 : i32
          %dma_start3A_3410 = arith.constant 0 : i32
          %dma_start3A_3411 = arith.constant 0 : i32
          %dma_start3A_3412 = tpu.memref_slice %arg11[%add3A_3409, %dma_start3A_3411] : memref<128x64xf32, #tpu.memory_space<vmem>> -> memref<1x64xf32, #tpu.memory_space<vmem>>
          %dma_start3A_3413 = arith.constant 0 : i32
          %dma_start3A_3414 = tpu.memref_slice %arg5[%dma_start3A_3410, %squeeze3A_3405, %dma_start3A_3413] : memref<1x1000000x64xf32, #tpu.memory_space<hbm>> -> memref<1x1x64xf32, #tpu.memory_space<hbm>>
          %dma_start3A_3415 = tpu.memref_squeeze %dma_start3A_3414 : memref<1x1x64xf32, #tpu.memory_space<hbm>> -> memref<1x64xf32, #tpu.memory_space<hbm>>
          %dma_start3A_3416 = arith.constant 0 : i32
          %dma_start3A_3417 = tpu.memref_slice %arg11[%add3A_3409, %dma_start3A_3416] : memref<128x64xf32, #tpu.memory_space<vmem>> -> memref<1x64xf32, #tpu.memory_space<vmem>>
          %dma_start3A_3418 = arith.constant 0 : i32
          %dma_start3A_3419 = tpu.memref_slice %arg5[%dma_start3A_3410, %squeeze3A_3405, %dma_start3A_3418] : memref<1x1000000x64xf32, #tpu.memory_space<hbm>> -> memref<1x1x64xf32, #tpu.memory_space<hbm>>
          %dma_start3A_3420 = tpu.memref_squeeze %dma_start3A_3419 : memref<1x1x64xf32, #tpu.memory_space<hbm>> -> memref<1x64xf32, #tpu.memory_space<hbm>>
          tpu.enqueue_dma source(%dma_start3A_3420 : memref<1x64xf32, #tpu.memory_space<hbm>>) target(%dma_start3A_3417 : memref<1x64xf32, #tpu.memory_space<vmem>>) target_semaphore(%arg16 : memref<!tpu.dma_semaphore, #tpu.memory_space<semaphore_mem>>)
          %add3A_3421 = arith.constant 12 : i32
          %add3A_3422 = arith.addi %add3A_3037, %add3A_3421 : i32
          %dma_start3A_3423 = arith.constant 0 : i32
          %dma_start3A_3424 = arith.constant 0 : i32
          %dma_start3A_3425 = tpu.memref_slice %arg13[%add3A_3422, %dma_start3A_3424] : memref<128x64xf32, #tpu.memory_space<vmem>> -> memref<1x64xf32, #tpu.memory_space<vmem>>
          %dma_start3A_3426 = arith.constant 0 : i32
          %dma_start3A_3427 = tpu.memref_slice %arg5[%dma_start3A_3423, %squeeze3A_3407, %dma_start3A_3426] : memref<1x1000000x64xf32, #tpu.memory_space<hbm>> -> memref<1x1x64xf32, #tpu.memory_space<hbm>>
          %dma_start3A_3428 = tpu.memref_squeeze %dma_start3A_3427 : memref<1x1x64xf32, #tpu.memory_space<hbm>> -> memref<1x64xf32, #tpu.memory_space<hbm>>
          %dma_start3A_3429 = arith.constant 0 : i32
          %dma_start3A_3430 = tpu.memref_slice %arg13[%add3A_3422, %dma_start3A_3429] : memref<128x64xf32, #tpu.memory_space<vmem>> -> memref<1x64xf32, #tpu.memory_space<vmem>>
          %dma_start3A_3431 = arith.constant 0 : i32
          %dma_start3A_3432 = tpu.memref_slice %arg5[%dma_start3A_3423, %squeeze3A_3407, %dma_start3A_3431] : memref<1x1000000x64xf32, #tpu.memory_space<hbm>> -> memref<1x1x64xf32, #tpu.memory_space<hbm>>
          %dma_start3A_3433 = tpu.memref_squeeze %dma_start3A_3432 : memref<1x1x64xf32, #tpu.memory_space<hbm>> -> memref<1x64xf32, #tpu.memory_space<hbm>>
          tpu.enqueue_dma source(%dma_start3A_3433 : memref<1x64xf32, #tpu.memory_space<hbm>>) target(%dma_start3A_3430 : memref<1x64xf32, #tpu.memory_space<vmem>>) target_semaphore(%arg16 : memref<!tpu.dma_semaphore, #tpu.memory_space<semaphore_mem>>)
          %slice3A_3434 = vector.extract_strided_slice %get3A_3040 {offsets = [13], sizes = [1], strides = [1]} : vector<16xi32> to vector<1xi32>
          %squeeze3A_3435 = vector.extract %slice3A_3434[0] : i32 from vector<1xi32>
          %slice3A_3436 = vector.extract_strided_slice %get3A_3043 {offsets = [13], sizes = [1], strides = [1]} : vector<16xi32> to vector<1xi32>
          %squeeze3A_3437 = vector.extract %slice3A_3436[0] : i32 from vector<1xi32>
          %add3A_3438 = arith.constant 13 : i32
          %add3A_3439 = arith.addi %add3A_3037, %add3A_3438 : i32
          %dma_start3A_3440 = arith.constant 0 : i32
          %dma_start3A_3441 = arith.constant 0 : i32
          %dma_start3A_3442 = tpu.memref_slice %arg11[%add3A_3439, %dma_start3A_3441] : memref<128x64xf32, #tpu.memory_space<vmem>> -> memref<1x64xf32, #tpu.memory_space<vmem>>
          %dma_start3A_3443 = arith.constant 0 : i32
          %dma_start3A_3444 = tpu.memref_slice %arg5[%dma_start3A_3440, %squeeze3A_3435, %dma_start3A_3443] : memref<1x1000000x64xf32, #tpu.memory_space<hbm>> -> memref<1x1x64xf32, #tpu.memory_space<hbm>>
          %dma_start3A_3445 = tpu.memref_squeeze %dma_start3A_3444 : memref<1x1x64xf32, #tpu.memory_space<hbm>> -> memref<1x64xf32, #tpu.memory_space<hbm>>
          %dma_start3A_3446 = arith.constant 0 : i32
          %dma_start3A_3447 = tpu.memref_slice %arg11[%add3A_3439, %dma_start3A_3446] : memref<128x64xf32, #tpu.memory_space<vmem>> -> memref<1x64xf32, #tpu.memory_space<vmem>>
          %dma_start3A_3448 = arith.constant 0 : i32
          %dma_start3A_3449 = tpu.memref_slice %arg5[%dma_start3A_3440, %squeeze3A_3435, %dma_start3A_3448] : memref<1x1000000x64xf32, #tpu.memory_space<hbm>> -> memref<1x1x64xf32, #tpu.memory_space<hbm>>
          %dma_start3A_3450 = tpu.memref_squeeze %dma_start3A_3449 : memref<1x1x64xf32, #tpu.memory_space<hbm>> -> memref<1x64xf32, #tpu.memory_space<hbm>>
          tpu.enqueue_dma source(%dma_start3A_3450 : memref<1x64xf32, #tpu.memory_space<hbm>>) target(%dma_start3A_3447 : memref<1x64xf32, #tpu.memory_space<vmem>>) target_semaphore(%arg16 : memref<!tpu.dma_semaphore, #tpu.memory_space<semaphore_mem>>)
          %add3A_3451 = arith.constant 13 : i32
          %add3A_3452 = arith.addi %add3A_3037, %add3A_3451 : i32
          %dma_start3A_3453 = arith.constant 0 : i32
          %dma_start3A_3454 = arith.constant 0 : i32
          %dma_start3A_3455 = tpu.memref_slice %arg13[%add3A_3452, %dma_start3A_3454] : memref<128x64xf32, #tpu.memory_space<vmem>> -> memref<1x64xf32, #tpu.memory_space<vmem>>
          %dma_start3A_3456 = arith.constant 0 : i32
          %dma_start3A_3457 = tpu.memref_slice %arg5[%dma_start3A_3453, %squeeze3A_3437, %dma_start3A_3456] : memref<1x1000000x64xf32, #tpu.memory_space<hbm>> -> memref<1x1x64xf32, #tpu.memory_space<hbm>>
          %dma_start3A_3458 = tpu.memref_squeeze %dma_start3A_3457 : memref<1x1x64xf32, #tpu.memory_space<hbm>> -> memref<1x64xf32, #tpu.memory_space<hbm>>
          %dma_start3A_3459 = arith.constant 0 : i32
          %dma_start3A_3460 = tpu.memref_slice %arg13[%add3A_3452, %dma_start3A_3459] : memref<128x64xf32, #tpu.memory_space<vmem>> -> memref<1x64xf32, #tpu.memory_space<vmem>>
          %dma_start3A_3461 = arith.constant 0 : i32
          %dma_start3A_3462 = tpu.memref_slice %arg5[%dma_start3A_3453, %squeeze3A_3437, %dma_start3A_3461] : memref<1x1000000x64xf32, #tpu.memory_space<hbm>> -> memref<1x1x64xf32, #tpu.memory_space<hbm>>
          %dma_start3A_3463 = tpu.memref_squeeze %dma_start3A_3462 : memref<1x1x64xf32, #tpu.memory_space<hbm>> -> memref<1x64xf32, #tpu.memory_space<hbm>>
          tpu.enqueue_dma source(%dma_start3A_3463 : memref<1x64xf32, #tpu.memory_space<hbm>>) target(%dma_start3A_3460 : memref<1x64xf32, #tpu.memory_space<vmem>>) target_semaphore(%arg16 : memref<!tpu.dma_semaphore, #tpu.memory_space<semaphore_mem>>)
          %slice3A_3464 = vector.extract_strided_slice %get3A_3040 {offsets = [14], sizes = [1], strides = [1]} : vector<16xi32> to vector<1xi32>
          %squeeze3A_3465 = vector.extract %slice3A_3464[0] : i32 from vector<1xi32>
          %slice3A_3466 = vector.extract_strided_slice %get3A_3043 {offsets = [14], sizes = [1], strides = [1]} : vector<16xi32> to vector<1xi32>
          %squeeze3A_3467 = vector.extract %slice3A_3466[0] : i32 from vector<1xi32>
          %add3A_3468 = arith.constant 14 : i32
          %add3A_3469 = arith.addi %add3A_3037, %add3A_3468 : i32
          %dma_start3A_3470 = arith.constant 0 : i32
          %dma_start3A_3471 = arith.constant 0 : i32
          %dma_start3A_3472 = tpu.memref_slice %arg11[%add3A_3469, %dma_start3A_3471] : memref<128x64xf32, #tpu.memory_space<vmem>> -> memref<1x64xf32, #tpu.memory_space<vmem>>
          %dma_start3A_3473 = arith.constant 0 : i32
          %dma_start3A_3474 = tpu.memref_slice %arg5[%dma_start3A_3470, %squeeze3A_3465, %dma_start3A_3473] : memref<1x1000000x64xf32, #tpu.memory_space<hbm>> -> memref<1x1x64xf32, #tpu.memory_space<hbm>>
          %dma_start3A_3475 = tpu.memref_squeeze %dma_start3A_3474 : memref<1x1x64xf32, #tpu.memory_space<hbm>> -> memref<1x64xf32, #tpu.memory_space<hbm>>
          %dma_start3A_3476 = arith.constant 0 : i32
          %dma_start3A_3477 = tpu.memref_slice %arg11[%add3A_3469, %dma_start3A_3476] : memref<128x64xf32, #tpu.memory_space<vmem>> -> memref<1x64xf32, #tpu.memory_space<vmem>>
          %dma_start3A_3478 = arith.constant 0 : i32
          %dma_start3A_3479 = tpu.memref_slice %arg5[%dma_start3A_3470, %squeeze3A_3465, %dma_start3A_3478] : memref<1x1000000x64xf32, #tpu.memory_space<hbm>> -> memref<1x1x64xf32, #tpu.memory_space<hbm>>
          %dma_start3A_3480 = tpu.memref_squeeze %dma_start3A_3479 : memref<1x1x64xf32, #tpu.memory_space<hbm>> -> memref<1x64xf32, #tpu.memory_space<hbm>>
          tpu.enqueue_dma source(%dma_start3A_3480 : memref<1x64xf32, #tpu.memory_space<hbm>>) target(%dma_start3A_3477 : memref<1x64xf32, #tpu.memory_space<vmem>>) target_semaphore(%arg16 : memref<!tpu.dma_semaphore, #tpu.memory_space<semaphore_mem>>)
          %add3A_3481 = arith.constant 14 : i32
          %add3A_3482 = arith.addi %add3A_3037, %add3A_3481 : i32
          %dma_start3A_3483 = arith.constant 0 : i32
          %dma_start3A_3484 = arith.constant 0 : i32
          %dma_start3A_3485 = tpu.memref_slice %arg13[%add3A_3482, %dma_start3A_3484] : memref<128x64xf32, #tpu.memory_space<vmem>> -> memref<1x64xf32, #tpu.memory_space<vmem>>
          %dma_start3A_3486 = arith.constant 0 : i32
          %dma_start3A_3487 = tpu.memref_slice %arg5[%dma_start3A_3483, %squeeze3A_3467, %dma_start3A_3486] : memref<1x1000000x64xf32, #tpu.memory_space<hbm>> -> memref<1x1x64xf32, #tpu.memory_space<hbm>>
          %dma_start3A_3488 = tpu.memref_squeeze %dma_start3A_3487 : memref<1x1x64xf32, #tpu.memory_space<hbm>> -> memref<1x64xf32, #tpu.memory_space<hbm>>
          %dma_start3A_3489 = arith.constant 0 : i32
          %dma_start3A_3490 = tpu.memref_slice %arg13[%add3A_3482, %dma_start3A_3489] : memref<128x64xf32, #tpu.memory_space<vmem>> -> memref<1x64xf32, #tpu.memory_space<vmem>>
          %dma_start3A_3491 = arith.constant 0 : i32
          %dma_start3A_3492 = tpu.memref_slice %arg5[%dma_start3A_3483, %squeeze3A_3467, %dma_start3A_3491] : memref<1x1000000x64xf32, #tpu.memory_space<hbm>> -> memref<1x1x64xf32, #tpu.memory_space<hbm>>
          %dma_start3A_3493 = tpu.memref_squeeze %dma_start3A_3492 : memref<1x1x64xf32, #tpu.memory_space<hbm>> -> memref<1x64xf32, #tpu.memory_space<hbm>>
          tpu.enqueue_dma source(%dma_start3A_3493 : memref<1x64xf32, #tpu.memory_space<hbm>>) target(%dma_start3A_3490 : memref<1x64xf32, #tpu.memory_space<vmem>>) target_semaphore(%arg16 : memref<!tpu.dma_semaphore, #tpu.memory_space<semaphore_mem>>)
          %slice3A_3494 = vector.extract_strided_slice %get3A_3040 {offsets = [15], sizes = [1], strides = [1]} : vector<16xi32> to vector<1xi32>
          %squeeze3A_3495 = vector.extract %slice3A_3494[0] : i32 from vector<1xi32>
          %slice3A_3496 = vector.extract_strided_slice %get3A_3043 {offsets = [15], sizes = [1], strides = [1]} : vector<16xi32> to vector<1xi32>
          %squeeze3A_3497 = vector.extract %slice3A_3496[0] : i32 from vector<1xi32>
          %add3A_3498 = arith.constant 15 : i32
          %add3A_3499 = arith.addi %add3A_3037, %add3A_3498 : i32
          %dma_start3A_3500 = arith.constant 0 : i32
          %dma_start3A_3501 = arith.constant 0 : i32
          %dma_start3A_3502 = tpu.memref_slice %arg11[%add3A_3499, %dma_start3A_3501] : memref<128x64xf32, #tpu.memory_space<vmem>> -> memref<1x64xf32, #tpu.memory_space<vmem>>
          %dma_start3A_3503 = arith.constant 0 : i32
          %dma_start3A_3504 = tpu.memref_slice %arg5[%dma_start3A_3500, %squeeze3A_3495, %dma_start3A_3503] : memref<1x1000000x64xf32, #tpu.memory_space<hbm>> -> memref<1x1x64xf32, #tpu.memory_space<hbm>>
          %dma_start3A_3505 = tpu.memref_squeeze %dma_start3A_3504 : memref<1x1x64xf32, #tpu.memory_space<hbm>> -> memref<1x64xf32, #tpu.memory_space<hbm>>
          %dma_start3A_3506 = arith.constant 0 : i32
          %dma_start3A_3507 = tpu.memref_slice %arg11[%add3A_3499, %dma_start3A_3506] : memref<128x64xf32, #tpu.memory_space<vmem>> -> memref<1x64xf32, #tpu.memory_space<vmem>>
          %dma_start3A_3508 = arith.constant 0 : i32
          %dma_start3A_3509 = tpu.memref_slice %arg5[%dma_start3A_3500, %squeeze3A_3495, %dma_start3A_3508] : memref<1x1000000x64xf32, #tpu.memory_space<hbm>> -> memref<1x1x64xf32, #tpu.memory_space<hbm>>
          %dma_start3A_3510 = tpu.memref_squeeze %dma_start3A_3509 : memref<1x1x64xf32, #tpu.memory_space<hbm>> -> memref<1x64xf32, #tpu.memory_space<hbm>>
          tpu.enqueue_dma source(%dma_start3A_3510 : memref<1x64xf32, #tpu.memory_space<hbm>>) target(%dma_start3A_3507 : memref<1x64xf32, #tpu.memory_space<vmem>>) target_semaphore(%arg16 : memref<!tpu.dma_semaphore, #tpu.memory_space<semaphore_mem>>)
          %add3A_3511 = arith.constant 15 : i32
          %add3A_3512 = arith.addi %add3A_3037, %add3A_3511 : i32
          %dma_start3A_3513 = arith.constant 0 : i32
          %dma_start3A_3514 = arith.constant 0 : i32
          %dma_start3A_3515 = tpu.memref_slice %arg13[%add3A_3512, %dma_start3A_3514] : memref<128x64xf32, #tpu.memory_space<vmem>> -> memref<1x64xf32, #tpu.memory_space<vmem>>
          %dma_start3A_3516 = arith.constant 0 : i32
          %dma_start3A_3517 = tpu.memref_slice %arg5[%dma_start3A_3513, %squeeze3A_3497, %dma_start3A_3516] : memref<1x1000000x64xf32, #tpu.memory_space<hbm>> -> memref<1x1x64xf32, #tpu.memory_space<hbm>>
          %dma_start3A_3518 = tpu.memref_squeeze %dma_start3A_3517 : memref<1x1x64xf32, #tpu.memory_space<hbm>> -> memref<1x64xf32, #tpu.memory_space<hbm>>
          %dma_start3A_3519 = arith.constant 0 : i32
          %dma_start3A_3520 = tpu.memref_slice %arg13[%add3A_3512, %dma_start3A_3519] : memref<128x64xf32, #tpu.memory_space<vmem>> -> memref<1x64xf32, #tpu.memory_space<vmem>>
          %dma_start3A_3521 = arith.constant 0 : i32
          %dma_start3A_3522 = tpu.memref_slice %arg5[%dma_start3A_3513, %squeeze3A_3497, %dma_start3A_3521] : memref<1x1000000x64xf32, #tpu.memory_space<hbm>> -> memref<1x1x64xf32, #tpu.memory_space<hbm>>
          %dma_start3A_3523 = tpu.memref_squeeze %dma_start3A_3522 : memref<1x1x64xf32, #tpu.memory_space<hbm>> -> memref<1x64xf32, #tpu.memory_space<hbm>>
          tpu.enqueue_dma source(%dma_start3A_3523 : memref<1x64xf32, #tpu.memory_space<hbm>>) target(%dma_start3A_3520 : memref<1x64xf32, #tpu.memory_space<vmem>>) target_semaphore(%arg16 : memref<!tpu.dma_semaphore, #tpu.memory_space<semaphore_mem>>)
        } else {
        }
        %add3A_2021 = arith.constant 16 : i32
        %add3A_2022 = arith.addi %mul3A_522, %add3A_2021 : i32
        %dma_wait3A_2023 = arith.constant 0 : i32
        %dma_wait3A_2024 = arith.constant 0 : i32
        %dma_wait3A_2025 = tpu.memref_slice %arg11[%add3A_2022, %dma_wait3A_2024] : memref<128x64xf32, #tpu.memory_space<vmem>> -> memref<16x64xf32, #tpu.memory_space<vmem>>
        %dma_wait3A_2026 = arith.constant 0 : i32
        %dma_wait3A_2027 = arith.constant 0 : i32
        %dma_wait3A_2028 = tpu.memref_slice %arg5[%dma_wait3A_2023, %dma_wait3A_2026, %dma_wait3A_2027] : memref<1x1000000x64xf32, #tpu.memory_space<hbm>> -> memref<1x16x64xf32, #tpu.memory_space<hbm>>
        %dma_wait3A_2029 = tpu.memref_squeeze %dma_wait3A_2028 : memref<1x16x64xf32, #tpu.memory_space<hbm>> -> memref<16x64xf32, #tpu.memory_space<hbm>>
        %dma_wait3A_2030 = arith.constant 0 : i32
        %dma_wait3A_2031 = tpu.memref_slice %arg11[%add3A_2022, %dma_wait3A_2030] : memref<128x64xf32, #tpu.memory_space<vmem>> -> memref<16x64xf32, #tpu.memory_space<vmem>>
        %dma_wait3A_2032 = arith.constant 0 : i32
        %dma_wait3A_2033 = arith.constant 0 : i32
        %dma_wait3A_2034 = tpu.memref_slice %arg5[%dma_wait3A_2023, %dma_wait3A_2032, %dma_wait3A_2033] : memref<1x1000000x64xf32, #tpu.memory_space<hbm>> -> memref<1x16x64xf32, #tpu.memory_space<hbm>>
        %dma_wait3A_2035 = tpu.memref_squeeze %dma_wait3A_2034 : memref<1x16x64xf32, #tpu.memory_space<hbm>> -> memref<16x64xf32, #tpu.memory_space<hbm>>
        tpu.wait_dma2 semaphore(%arg17 : memref<!tpu.dma_semaphore, #tpu.memory_space<semaphore_mem>>) src(%dma_wait3A_2035 : memref<16x64xf32, #tpu.memory_space<hbm>>) dst(%dma_wait3A_2031 : memref<16x64xf32, #tpu.memory_space<vmem>>)
        %dma_wait3A_2036 = arith.constant 0 : i32
        %dma_wait3A_2037 = arith.constant 0 : i32
        %dma_wait3A_2038 = tpu.memref_slice %arg13[%add3A_2022, %dma_wait3A_2037] : memref<128x64xf32, #tpu.memory_space<vmem>> -> memref<16x64xf32, #tpu.memory_space<vmem>>
        %dma_wait3A_2039 = arith.constant 0 : i32
        %dma_wait3A_2040 = arith.constant 0 : i32
        %dma_wait3A_2041 = tpu.memref_slice %arg5[%dma_wait3A_2036, %dma_wait3A_2039, %dma_wait3A_2040] : memref<1x1000000x64xf32, #tpu.memory_space<hbm>> -> memref<1x16x64xf32, #tpu.memory_space<hbm>>
        %dma_wait3A_2042 = tpu.memref_squeeze %dma_wait3A_2041 : memref<1x16x64xf32, #tpu.memory_space<hbm>> -> memref<16x64xf32, #tpu.memory_space<hbm>>
        %dma_wait3A_2043 = arith.constant 0 : i32
        %dma_wait3A_2044 = tpu.memref_slice %arg13[%add3A_2022, %dma_wait3A_2043] : memref<128x64xf32, #tpu.memory_space<vmem>> -> memref<16x64xf32, #tpu.memory_space<vmem>>
        %dma_wait3A_2045 = arith.constant 0 : i32
        %dma_wait3A_2046 = arith.constant 0 : i32
        %dma_wait3A_2047 = tpu.memref_slice %arg5[%dma_wait3A_2036, %dma_wait3A_2045, %dma_wait3A_2046] : memref<1x1000000x64xf32, #tpu.memory_space<hbm>> -> memref<1x16x64xf32, #tpu.memory_space<hbm>>
        %dma_wait3A_2048 = tpu.memref_squeeze %dma_wait3A_2047 : memref<1x16x64xf32, #tpu.memory_space<hbm>> -> memref<16x64xf32, #tpu.memory_space<hbm>>
        tpu.wait_dma2 semaphore(%arg17 : memref<!tpu.dma_semaphore, #tpu.memory_space<semaphore_mem>>) src(%dma_wait3A_2048 : memref<16x64xf32, #tpu.memory_space<hbm>>) dst(%dma_wait3A_2044 : memref<16x64xf32, #tpu.memory_space<vmem>>)
        %add3A_2049 = arith.constant 16 : i32
        %add3A_2050 = arith.addi %mul3A_522, %add3A_2049 : i32
        %add3A_2051 = arith.constant 0 : i32
        %add3A_2052 = arith.addi %add3A_2050, %add3A_2051 : i32
        %get3A_2053 = arith.index_cast %add3A_2052 : i32 to index
        %get3A_2054 = arith.constant 0 : index
        %get3A_2055 = tpu.vector_load %arg11[%get3A_2053, %get3A_2054] {strides = array<i32>} : memref<128x64xf32, #tpu.memory_space<vmem>>, vector<16xf32>,
        %get3A_2056 = arith.index_cast %add3A_2052 : i32 to index
        %get3A_2057 = arith.constant 0 : index
        %get3A_2058 = tpu.vector_load %arg12[%get3A_2056, %get3A_2057] {strides = array<i32>} : memref<128x128xf32, #tpu.memory_space<vmem>>, vector<16xf32>,
        %add3A_2059 = arith.addf %get3A_2055, %get3A_2058 : vector<16xf32>
        %get3A_2060 = arith.index_cast %add3A_2052 : i32 to index
        %get3A_2061 = arith.constant 0 : index
        %get3A_2062 = tpu.vector_load %arg13[%get3A_2060, %get3A_2061] {strides = array<i32>} : memref<128x64xf32, #tpu.memory_space<vmem>>, vector<16xf32>,
        %sub3A_2063 = arith.subf %add3A_2059, %get3A_2062 : vector<16xf32>
        %mul3A_2064 = arith.mulf %sub3A_2063, %sub3A_2063 : vector<16xf32>
        %get3A_2065 = arith.index_cast %add3A_2052 : i32 to index
        %get3A_2066 = arith.constant 16 : index
        %get3A_2067 = tpu.vector_load %arg11[%get3A_2065, %get3A_2066] {strides = array<i32>} : memref<128x64xf32, #tpu.memory_space<vmem>>, vector<16xf32>,
        %get3A_2068 = arith.index_cast %add3A_2052 : i32 to index
        %get3A_2069 = arith.constant 16 : index
        %get3A_2070 = tpu.vector_load %arg12[%get3A_2068, %get3A_2069] {strides = array<i32>} : memref<128x128xf32, #tpu.memory_space<vmem>>, vector<16xf32>,
        %add3A_2071 = arith.addf %get3A_2067, %get3A_2070 : vector<16xf32>
        %get3A_2072 = arith.index_cast %add3A_2052 : i32 to index
        %get3A_2073 = arith.constant 16 : index
        %get3A_2074 = tpu.vector_load %arg13[%get3A_2072, %get3A_2073] {strides = array<i32>} : memref<128x64xf32, #tpu.memory_space<vmem>>, vector<16xf32>,
        %sub3A_2075 = arith.subf %add3A_2071, %get3A_2074 : vector<16xf32>
        %mul3A_2076 = arith.mulf %sub3A_2075, %sub3A_2075 : vector<16xf32>
        %add3A_2077 = arith.addf %mul3A_2064, %mul3A_2076 : vector<16xf32>
        %get3A_2078 = arith.index_cast %add3A_2052 : i32 to index
        %get3A_2079 = arith.constant 32 : index
        %get3A_2080 = tpu.vector_load %arg11[%get3A_2078, %get3A_2079] {strides = array<i32>} : memref<128x64xf32, #tpu.memory_space<vmem>>, vector<16xf32>,
        %get3A_2081 = arith.index_cast %add3A_2052 : i32 to index
        %get3A_2082 = arith.constant 32 : index
        %get3A_2083 = tpu.vector_load %arg12[%get3A_2081, %get3A_2082] {strides = array<i32>} : memref<128x128xf32, #tpu.memory_space<vmem>>, vector<16xf32>,
        %add3A_2084 = arith.addf %get3A_2080, %get3A_2083 : vector<16xf32>
        %get3A_2085 = arith.index_cast %add3A_2052 : i32 to index
        %get3A_2086 = arith.constant 32 : index
        %get3A_2087 = tpu.vector_load %arg13[%get3A_2085, %get3A_2086] {strides = array<i32>} : memref<128x64xf32, #tpu.memory_space<vmem>>, vector<16xf32>,
        %sub3A_2088 = arith.subf %add3A_2084, %get3A_2087 : vector<16xf32>
        %mul3A_2089 = arith.mulf %sub3A_2088, %sub3A_2088 : vector<16xf32>
        %add3A_2090 = arith.addf %add3A_2077, %mul3A_2089 : vector<16xf32>
        %get3A_2091 = arith.index_cast %add3A_2052 : i32 to index
        %get3A_2092 = arith.constant 48 : index
        %get3A_2093 = tpu.vector_load %arg11[%get3A_2091, %get3A_2092] {strides = array<i32>} : memref<128x64xf32, #tpu.memory_space<vmem>>, vector<16xf32>,
        %get3A_2094 = arith.index_cast %add3A_2052 : i32 to index
        %get3A_2095 = arith.constant 48 : index
        %get3A_2096 = tpu.vector_load %arg12[%get3A_2094, %get3A_2095] {strides = array<i32>} : memref<128x128xf32, #tpu.memory_space<vmem>>, vector<16xf32>,
        %add3A_2097 = arith.addf %get3A_2093, %get3A_2096 : vector<16xf32>
        %get3A_2098 = arith.index_cast %add3A_2052 : i32 to index
        %get3A_2099 = arith.constant 48 : index
        %get3A_2100 = tpu.vector_load %arg13[%get3A_2098, %get3A_2099] {strides = array<i32>} : memref<128x64xf32, #tpu.memory_space<vmem>>, vector<16xf32>,
        %sub3A_2101 = arith.subf %add3A_2097, %get3A_2100 : vector<16xf32>
        %mul3A_2102 = arith.mulf %sub3A_2101, %sub3A_2101 : vector<16xf32>
        %add3A_2103 = arith.addf %add3A_2090, %mul3A_2102 : vector<16xf32>
        %swap3A_2104 = arith.constant 0 : index
        %swap3A_2105 = tpu.vector_load %arg15[%swap3A_2104] {strides = array<i32>} : memref<384xf32, #tpu.memory_space<vmem>>, vector<16xf32>,
        tpu.vector_store %arg15[%swap3A_2104], %add3A_2103 {strides = array<i32>} : memref<384xf32, #tpu.memory_space<vmem>>, vector<16xf32>,
        %add3A_2106 = arith.constant 1 : i32
        %add3A_2107 = arith.addi %add3A_2050, %add3A_2106 : i32
        %get3A_2108 = arith.index_cast %add3A_2107 : i32 to index
        %get3A_2109 = arith.constant 0 : index
        %get3A_2110 = tpu.vector_load %arg11[%get3A_2108, %get3A_2109] {strides = array<i32>} : memref<128x64xf32, #tpu.memory_space<vmem>>, vector<16xf32>,
        %get3A_2111 = arith.index_cast %add3A_2107 : i32 to index
        %get3A_2112 = arith.constant 0 : index
        %get3A_2113 = tpu.vector_load %arg12[%get3A_2111, %get3A_2112] {strides = array<i32>} : memref<128x128xf32, #tpu.memory_space<vmem>>, vector<16xf32>,
        %add3A_2114 = arith.addf %get3A_2110, %get3A_2113 : vector<16xf32>
        %get3A_2115 = arith.index_cast %add3A_2107 : i32 to index
        %get3A_2116 = arith.constant 0 : index
        %get3A_2117 = tpu.vector_load %arg13[%get3A_2115, %get3A_2116] {strides = array<i32>} : memref<128x64xf32, #tpu.memory_space<vmem>>, vector<16xf32>,
        %sub3A_2118 = arith.subf %add3A_2114, %get3A_2117 : vector<16xf32>
        %mul3A_2119 = arith.mulf %sub3A_2118, %sub3A_2118 : vector<16xf32>
        %get3A_2120 = arith.index_cast %add3A_2107 : i32 to index
        %get3A_2121 = arith.constant 16 : index
        %get3A_2122 = tpu.vector_load %arg11[%get3A_2120, %get3A_2121] {strides = array<i32>} : memref<128x64xf32, #tpu.memory_space<vmem>>, vector<16xf32>,
        %get3A_2123 = arith.index_cast %add3A_2107 : i32 to index
        %get3A_2124 = arith.constant 16 : index
        %get3A_2125 = tpu.vector_load %arg12[%get3A_2123, %get3A_2124] {strides = array<i32>} : memref<128x128xf32, #tpu.memory_space<vmem>>, vector<16xf32>,
        %add3A_2126 = arith.addf %get3A_2122, %get3A_2125 : vector<16xf32>
        %get3A_2127 = arith.index_cast %add3A_2107 : i32 to index
        %get3A_2128 = arith.constant 16 : index
        %get3A_2129 = tpu.vector_load %arg13[%get3A_2127, %get3A_2128] {strides = array<i32>} : memref<128x64xf32, #tpu.memory_space<vmem>>, vector<16xf32>,
        %sub3A_2130 = arith.subf %add3A_2126, %get3A_2129 : vector<16xf32>
        %mul3A_2131 = arith.mulf %sub3A_2130, %sub3A_2130 : vector<16xf32>
        %add3A_2132 = arith.addf %mul3A_2119, %mul3A_2131 : vector<16xf32>
        %get3A_2133 = arith.index_cast %add3A_2107 : i32 to index
        %get3A_2134 = arith.constant 32 : index
        %get3A_2135 = tpu.vector_load %arg11[%get3A_2133, %get3A_2134] {strides = array<i32>} : memref<128x64xf32, #tpu.memory_space<vmem>>, vector<16xf32>,
        %get3A_2136 = arith.index_cast %add3A_2107 : i32 to index
        %get3A_2137 = arith.constant 32 : index
        %get3A_2138 = tpu.vector_load %arg12[%get3A_2136, %get3A_2137] {strides = array<i32>} : memref<128x128xf32, #tpu.memory_space<vmem>>, vector<16xf32>,
        %add3A_2139 = arith.addf %get3A_2135, %get3A_2138 : vector<16xf32>
        %get3A_2140 = arith.index_cast %add3A_2107 : i32 to index
        %get3A_2141 = arith.constant 32 : index
        %get3A_2142 = tpu.vector_load %arg13[%get3A_2140, %get3A_2141] {strides = array<i32>} : memref<128x64xf32, #tpu.memory_space<vmem>>, vector<16xf32>,
        %sub3A_2143 = arith.subf %add3A_2139, %get3A_2142 : vector<16xf32>
        %mul3A_2144 = arith.mulf %sub3A_2143, %sub3A_2143 : vector<16xf32>
        %add3A_2145 = arith.addf %add3A_2132, %mul3A_2144 : vector<16xf32>
        %get3A_2146 = arith.index_cast %add3A_2107 : i32 to index
        %get3A_2147 = arith.constant 48 : index
        %get3A_2148 = tpu.vector_load %arg11[%get3A_2146, %get3A_2147] {strides = array<i32>} : memref<128x64xf32, #tpu.memory_space<vmem>>, vector<16xf32>,
        %get3A_2149 = arith.index_cast %add3A_2107 : i32 to index
        %get3A_2150 = arith.constant 48 : index
        %get3A_2151 = tpu.vector_load %arg12[%get3A_2149, %get3A_2150] {strides = array<i32>} : memref<128x128xf32, #tpu.memory_space<vmem>>, vector<16xf32>,
        %add3A_2152 = arith.addf %get3A_2148, %get3A_2151 : vector<16xf32>
        %get3A_2153 = arith.index_cast %add3A_2107 : i32 to index
        %get3A_2154 = arith.constant 48 : index
        %get3A_2155 = tpu.vector_load %arg13[%get3A_2153, %get3A_2154] {strides = array<i32>} : memref<128x64xf32, #tpu.memory_space<vmem>>, vector<16xf32>,
        %sub3A_2156 = arith.subf %add3A_2152, %get3A_2155 : vector<16xf32>
        %mul3A_2157 = arith.mulf %sub3A_2156, %sub3A_2156 : vector<16xf32>
        %add3A_2158 = arith.addf %add3A_2145, %mul3A_2157 : vector<16xf32>
        %swap3A_2159 = arith.constant 24 : index
        %swap3A_2160 = tpu.vector_load %arg15[%swap3A_2159] {strides = array<i32>} : memref<384xf32, #tpu.memory_space<vmem>>, vector<16xf32>,
        tpu.vector_store %arg15[%swap3A_2159], %add3A_2158 {strides = array<i32>} : memref<384xf32, #tpu.memory_space<vmem>>, vector<16xf32>,
        %add3A_2161 = arith.constant 2 : i32
        %add3A_2162 = arith.addi %add3A_2050, %add3A_2161 : i32
        %get3A_2163 = arith.index_cast %add3A_2162 : i32 to index
        %get3A_2164 = arith.constant 0 : index
        %get3A_2165 = tpu.vector_load %arg11[%get3A_2163, %get3A_2164] {strides = array<i32>} : memref<128x64xf32, #tpu.memory_space<vmem>>, vector<16xf32>,
        %get3A_2166 = arith.index_cast %add3A_2162 : i32 to index
        %get3A_2167 = arith.constant 0 : index
        %get3A_2168 = tpu.vector_load %arg12[%get3A_2166, %get3A_2167] {strides = array<i32>} : memref<128x128xf32, #tpu.memory_space<vmem>>, vector<16xf32>,
        %add3A_2169 = arith.addf %get3A_2165, %get3A_2168 : vector<16xf32>
        %get3A_2170 = arith.index_cast %add3A_2162 : i32 to index
        %get3A_2171 = arith.constant 0 : index
        %get3A_2172 = tpu.vector_load %arg13[%get3A_2170, %get3A_2171] {strides = array<i32>} : memref<128x64xf32, #tpu.memory_space<vmem>>, vector<16xf32>,
        %sub3A_2173 = arith.subf %add3A_2169, %get3A_2172 : vector<16xf32>
        %mul3A_2174 = arith.mulf %sub3A_2173, %sub3A_2173 : vector<16xf32>
        %get3A_2175 = arith.index_cast %add3A_2162 : i32 to index
        %get3A_2176 = arith.constant 16 : index
        %get3A_2177 = tpu.vector_load %arg11[%get3A_2175, %get3A_2176] {strides = array<i32>} : memref<128x64xf32, #tpu.memory_space<vmem>>, vector<16xf32>,
        %get3A_2178 = arith.index_cast %add3A_2162 : i32 to index
        %get3A_2179 = arith.constant 16 : index
        %get3A_2180 = tpu.vector_load %arg12[%get3A_2178, %get3A_2179] {strides = array<i32>} : memref<128x128xf32, #tpu.memory_space<vmem>>, vector<16xf32>,
        %add3A_2181 = arith.addf %get3A_2177, %get3A_2180 : vector<16xf32>
        %get3A_2182 = arith.index_cast %add3A_2162 : i32 to index
        %get3A_2183 = arith.constant 16 : index
        %get3A_2184 = tpu.vector_load %arg13[%get3A_2182, %get3A_2183] {strides = array<i32>} : memref<128x64xf32, #tpu.memory_space<vmem>>, vector<16xf32>,
        %sub3A_2185 = arith.subf %add3A_2181, %get3A_2184 : vector<16xf32>
        %mul3A_2186 = arith.mulf %sub3A_2185, %sub3A_2185 : vector<16xf32>
        %add3A_2187 = arith.addf %mul3A_2174, %mul3A_2186 : vector<16xf32>
        %get3A_2188 = arith.index_cast %add3A_2162 : i32 to index
        %get3A_2189 = arith.constant 32 : index
        %get3A_2190 = tpu.vector_load %arg11[%get3A_2188, %get3A_2189] {strides = array<i32>} : memref<128x64xf32, #tpu.memory_space<vmem>>, vector<16xf32>,
        %get3A_2191 = arith.index_cast %add3A_2162 : i32 to index
        %get3A_2192 = arith.constant 32 : index
        %get3A_2193 = tpu.vector_load %arg12[%get3A_2191, %get3A_2192] {strides = array<i32>} : memref<128x128xf32, #tpu.memory_space<vmem>>, vector<16xf32>,
        %add3A_2194 = arith.addf %get3A_2190, %get3A_2193 : vector<16xf32>
        %get3A_2195 = arith.index_cast %add3A_2162 : i32 to index
        %get3A_2196 = arith.constant 32 : index
        %get3A_2197 = tpu.vector_load %arg13[%get3A_2195, %get3A_2196] {strides = array<i32>} : memref<128x64xf32, #tpu.memory_space<vmem>>, vector<16xf32>,
        %sub3A_2198 = arith.subf %add3A_2194, %get3A_2197 : vector<16xf32>
        %mul3A_2199 = arith.mulf %sub3A_2198, %sub3A_2198 : vector<16xf32>
        %add3A_2200 = arith.addf %add3A_2187, %mul3A_2199 : vector<16xf32>
        %get3A_2201 = arith.index_cast %add3A_2162 : i32 to index
        %get3A_2202 = arith.constant 48 : index
        %get3A_2203 = tpu.vector_load %arg11[%get3A_2201, %get3A_2202] {strides = array<i32>} : memref<128x64xf32, #tpu.memory_space<vmem>>, vector<16xf32>,
        %get3A_2204 = arith.index_cast %add3A_2162 : i32 to index
        %get3A_2205 = arith.constant 48 : index
        %get3A_2206 = tpu.vector_load %arg12[%get3A_2204, %get3A_2205] {strides = array<i32>} : memref<128x128xf32, #tpu.memory_space<vmem>>, vector<16xf32>,
        %add3A_2207 = arith.addf %get3A_2203, %get3A_2206 : vector<16xf32>
        %get3A_2208 = arith.index_cast %add3A_2162 : i32 to index
        %get3A_2209 = arith.constant 48 : index
        %get3A_2210 = tpu.vector_load %arg13[%get3A_2208, %get3A_2209] {strides = array<i32>} : memref<128x64xf32, #tpu.memory_space<vmem>>, vector<16xf32>,
        %sub3A_2211 = arith.subf %add3A_2207, %get3A_2210 : vector<16xf32>
        %mul3A_2212 = arith.mulf %sub3A_2211, %sub3A_2211 : vector<16xf32>
        %add3A_2213 = arith.addf %add3A_2200, %mul3A_2212 : vector<16xf32>
        %swap3A_2214 = arith.constant 48 : index
        %swap3A_2215 = tpu.vector_load %arg15[%swap3A_2214] {strides = array<i32>} : memref<384xf32, #tpu.memory_space<vmem>>, vector<16xf32>,
        tpu.vector_store %arg15[%swap3A_2214], %add3A_2213 {strides = array<i32>} : memref<384xf32, #tpu.memory_space<vmem>>, vector<16xf32>,
        %add3A_2216 = arith.constant 3 : i32
        %add3A_2217 = arith.addi %add3A_2050, %add3A_2216 : i32
        %get3A_2218 = arith.index_cast %add3A_2217 : i32 to index
        %get3A_2219 = arith.constant 0 : index
        %get3A_2220 = tpu.vector_load %arg11[%get3A_2218, %get3A_2219] {strides = array<i32>} : memref<128x64xf32, #tpu.memory_space<vmem>>, vector<16xf32>,
        %get3A_2221 = arith.index_cast %add3A_2217 : i32 to index
        %get3A_2222 = arith.constant 0 : index
        %get3A_2223 = tpu.vector_load %arg12[%get3A_2221, %get3A_2222] {strides = array<i32>} : memref<128x128xf32, #tpu.memory_space<vmem>>, vector<16xf32>,
        %add3A_2224 = arith.addf %get3A_2220, %get3A_2223 : vector<16xf32>
        %get3A_2225 = arith.index_cast %add3A_2217 : i32 to index
        %get3A_2226 = arith.constant 0 : index
        %get3A_2227 = tpu.vector_load %arg13[%get3A_2225, %get3A_2226] {strides = array<i32>} : memref<128x64xf32, #tpu.memory_space<vmem>>, vector<16xf32>,
        %sub3A_2228 = arith.subf %add3A_2224, %get3A_2227 : vector<16xf32>
        %mul3A_2229 = arith.mulf %sub3A_2228, %sub3A_2228 : vector<16xf32>
        %get3A_2230 = arith.index_cast %add3A_2217 : i32 to index
        %get3A_2231 = arith.constant 16 : index
        %get3A_2232 = tpu.vector_load %arg11[%get3A_2230, %get3A_2231] {strides = array<i32>} : memref<128x64xf32, #tpu.memory_space<vmem>>, vector<16xf32>,
        %get3A_2233 = arith.index_cast %add3A_2217 : i32 to index
        %get3A_2234 = arith.constant 16 : index
        %get3A_2235 = tpu.vector_load %arg12[%get3A_2233, %get3A_2234] {strides = array<i32>} : memref<128x128xf32, #tpu.memory_space<vmem>>, vector<16xf32>,
        %add3A_2236 = arith.addf %get3A_2232, %get3A_2235 : vector<16xf32>
        %get3A_2237 = arith.index_cast %add3A_2217 : i32 to index
        %get3A_2238 = arith.constant 16 : index
        %get3A_2239 = tpu.vector_load %arg13[%get3A_2237, %get3A_2238] {strides = array<i32>} : memref<128x64xf32, #tpu.memory_space<vmem>>, vector<16xf32>,
        %sub3A_2240 = arith.subf %add3A_2236, %get3A_2239 : vector<16xf32>
        %mul3A_2241 = arith.mulf %sub3A_2240, %sub3A_2240 : vector<16xf32>
        %add3A_2242 = arith.addf %mul3A_2229, %mul3A_2241 : vector<16xf32>
        %get3A_2243 = arith.index_cast %add3A_2217 : i32 to index
        %get3A_2244 = arith.constant 32 : index
        %get3A_2245 = tpu.vector_load %arg11[%get3A_2243, %get3A_2244] {strides = array<i32>} : memref<128x64xf32, #tpu.memory_space<vmem>>, vector<16xf32>,
        %get3A_2246 = arith.index_cast %add3A_2217 : i32 to index
        %get3A_2247 = arith.constant 32 : index
        %get3A_2248 = tpu.vector_load %arg12[%get3A_2246, %get3A_2247] {strides = array<i32>} : memref<128x128xf32, #tpu.memory_space<vmem>>, vector<16xf32>,
        %add3A_2249 = arith.addf %get3A_2245, %get3A_2248 : vector<16xf32>
        %get3A_2250 = arith.index_cast %add3A_2217 : i32 to index
        %get3A_2251 = arith.constant 32 : index
        %get3A_2252 = tpu.vector_load %arg13[%get3A_2250, %get3A_2251] {strides = array<i32>} : memref<128x64xf32, #tpu.memory_space<vmem>>, vector<16xf32>,
        %sub3A_2253 = arith.subf %add3A_2249, %get3A_2252 : vector<16xf32>
        %mul3A_2254 = arith.mulf %sub3A_2253, %sub3A_2253 : vector<16xf32>
        %add3A_2255 = arith.addf %add3A_2242, %mul3A_2254 : vector<16xf32>
        %get3A_2256 = arith.index_cast %add3A_2217 : i32 to index
        %get3A_2257 = arith.constant 48 : index
        %get3A_2258 = tpu.vector_load %arg11[%get3A_2256, %get3A_2257] {strides = array<i32>} : memref<128x64xf32, #tpu.memory_space<vmem>>, vector<16xf32>,
        %get3A_2259 = arith.index_cast %add3A_2217 : i32 to index
        %get3A_2260 = arith.constant 48 : index
        %get3A_2261 = tpu.vector_load %arg12[%get3A_2259, %get3A_2260] {strides = array<i32>} : memref<128x128xf32, #tpu.memory_space<vmem>>, vector<16xf32>,
        %add3A_2262 = arith.addf %get3A_2258, %get3A_2261 : vector<16xf32>
        %get3A_2263 = arith.index_cast %add3A_2217 : i32 to index
        %get3A_2264 = arith.constant 48 : index
        %get3A_2265 = tpu.vector_load %arg13[%get3A_2263, %get3A_2264] {strides = array<i32>} : memref<128x64xf32, #tpu.memory_space<vmem>>, vector<16xf32>,
        %sub3A_2266 = arith.subf %add3A_2262, %get3A_2265 : vector<16xf32>
        %mul3A_2267 = arith.mulf %sub3A_2266, %sub3A_2266 : vector<16xf32>
        %add3A_2268 = arith.addf %add3A_2255, %mul3A_2267 : vector<16xf32>
        %swap3A_2269 = arith.constant 72 : index
        %swap3A_2270 = tpu.vector_load %arg15[%swap3A_2269] {strides = array<i32>} : memref<384xf32, #tpu.memory_space<vmem>>, vector<16xf32>,
        tpu.vector_store %arg15[%swap3A_2269], %add3A_2268 {strides = array<i32>} : memref<384xf32, #tpu.memory_space<vmem>>, vector<16xf32>,
        %add3A_2271 = arith.constant 4 : i32
        %add3A_2272 = arith.addi %add3A_2050, %add3A_2271 : i32
        %get3A_2273 = arith.index_cast %add3A_2272 : i32 to index
        %get3A_2274 = arith.constant 0 : index
        %get3A_2275 = tpu.vector_load %arg11[%get3A_2273, %get3A_2274] {strides = array<i32>} : memref<128x64xf32, #tpu.memory_space<vmem>>, vector<16xf32>,
        %get3A_2276 = arith.index_cast %add3A_2272 : i32 to index
        %get3A_2277 = arith.constant 0 : index
        %get3A_2278 = tpu.vector_load %arg12[%get3A_2276, %get3A_2277] {strides = array<i32>} : memref<128x128xf32, #tpu.memory_space<vmem>>, vector<16xf32>,
        %add3A_2279 = arith.addf %get3A_2275, %get3A_2278 : vector<16xf32>
        %get3A_2280 = arith.index_cast %add3A_2272 : i32 to index
        %get3A_2281 = arith.constant 0 : index
        %get3A_2282 = tpu.vector_load %arg13[%get3A_2280, %get3A_2281] {strides = array<i32>} : memref<128x64xf32, #tpu.memory_space<vmem>>, vector<16xf32>,
        %sub3A_2283 = arith.subf %add3A_2279, %get3A_2282 : vector<16xf32>
        %mul3A_2284 = arith.mulf %sub3A_2283, %sub3A_2283 : vector<16xf32>
        %get3A_2285 = arith.index_cast %add3A_2272 : i32 to index
        %get3A_2286 = arith.constant 16 : index
        %get3A_2287 = tpu.vector_load %arg11[%get3A_2285, %get3A_2286] {strides = array<i32>} : memref<128x64xf32, #tpu.memory_space<vmem>>, vector<16xf32>,
        %get3A_2288 = arith.index_cast %add3A_2272 : i32 to index
        %get3A_2289 = arith.constant 16 : index
        %get3A_2290 = tpu.vector_load %arg12[%get3A_2288, %get3A_2289] {strides = array<i32>} : memref<128x128xf32, #tpu.memory_space<vmem>>, vector<16xf32>,
        %add3A_2291 = arith.addf %get3A_2287, %get3A_2290 : vector<16xf32>
        %get3A_2292 = arith.index_cast %add3A_2272 : i32 to index
        %get3A_2293 = arith.constant 16 : index
        %get3A_2294 = tpu.vector_load %arg13[%get3A_2292, %get3A_2293] {strides = array<i32>} : memref<128x64xf32, #tpu.memory_space<vmem>>, vector<16xf32>,
        %sub3A_2295 = arith.subf %add3A_2291, %get3A_2294 : vector<16xf32>
        %mul3A_2296 = arith.mulf %sub3A_2295, %sub3A_2295 : vector<16xf32>
        %add3A_2297 = arith.addf %mul3A_2284, %mul3A_2296 : vector<16xf32>
        %get3A_2298 = arith.index_cast %add3A_2272 : i32 to index
        %get3A_2299 = arith.constant 32 : index
        %get3A_2300 = tpu.vector_load %arg11[%get3A_2298, %get3A_2299] {strides = array<i32>} : memref<128x64xf32, #tpu.memory_space<vmem>>, vector<16xf32>,
        %get3A_2301 = arith.index_cast %add3A_2272 : i32 to index
        %get3A_2302 = arith.constant 32 : index
        %get3A_2303 = tpu.vector_load %arg12[%get3A_2301, %get3A_2302] {strides = array<i32>} : memref<128x128xf32, #tpu.memory_space<vmem>>, vector<16xf32>,
        %add3A_2304 = arith.addf %get3A_2300, %get3A_2303 : vector<16xf32>
        %get3A_2305 = arith.index_cast %add3A_2272 : i32 to index
        %get3A_2306 = arith.constant 32 : index
        %get3A_2307 = tpu.vector_load %arg13[%get3A_2305, %get3A_2306] {strides = array<i32>} : memref<128x64xf32, #tpu.memory_space<vmem>>, vector<16xf32>,
        %sub3A_2308 = arith.subf %add3A_2304, %get3A_2307 : vector<16xf32>
        %mul3A_2309 = arith.mulf %sub3A_2308, %sub3A_2308 : vector<16xf32>
        %add3A_2310 = arith.addf %add3A_2297, %mul3A_2309 : vector<16xf32>
        %get3A_2311 = arith.index_cast %add3A_2272 : i32 to index
        %get3A_2312 = arith.constant 48 : index
        %get3A_2313 = tpu.vector_load %arg11[%get3A_2311, %get3A_2312] {strides = array<i32>} : memref<128x64xf32, #tpu.memory_space<vmem>>, vector<16xf32>,
        %get3A_2314 = arith.index_cast %add3A_2272 : i32 to index
        %get3A_2315 = arith.constant 48 : index
        %get3A_2316 = tpu.vector_load %arg12[%get3A_2314, %get3A_2315] {strides = array<i32>} : memref<128x128xf32, #tpu.memory_space<vmem>>, vector<16xf32>,
        %add3A_2317 = arith.addf %get3A_2313, %get3A_2316 : vector<16xf32>
        %get3A_2318 = arith.index_cast %add3A_2272 : i32 to index
        %get3A_2319 = arith.constant 48 : index
        %get3A_2320 = tpu.vector_load %arg13[%get3A_2318, %get3A_2319] {strides = array<i32>} : memref<128x64xf32, #tpu.memory_space<vmem>>, vector<16xf32>,
        %sub3A_2321 = arith.subf %add3A_2317, %get3A_2320 : vector<16xf32>
        %mul3A_2322 = arith.mulf %sub3A_2321, %sub3A_2321 : vector<16xf32>
        %add3A_2323 = arith.addf %add3A_2310, %mul3A_2322 : vector<16xf32>
        %swap3A_2324 = arith.constant 96 : index
        %swap3A_2325 = tpu.vector_load %arg15[%swap3A_2324] {strides = array<i32>} : memref<384xf32, #tpu.memory_space<vmem>>, vector<16xf32>,
        tpu.vector_store %arg15[%swap3A_2324], %add3A_2323 {strides = array<i32>} : memref<384xf32, #tpu.memory_space<vmem>>, vector<16xf32>,
        %add3A_2326 = arith.constant 5 : i32
        %add3A_2327 = arith.addi %add3A_2050, %add3A_2326 : i32
        %get3A_2328 = arith.index_cast %add3A_2327 : i32 to index
        %get3A_2329 = arith.constant 0 : index
        %get3A_2330 = tpu.vector_load %arg11[%get3A_2328, %get3A_2329] {strides = array<i32>} : memref<128x64xf32, #tpu.memory_space<vmem>>, vector<16xf32>,
        %get3A_2331 = arith.index_cast %add3A_2327 : i32 to index
        %get3A_2332 = arith.constant 0 : index
        %get3A_2333 = tpu.vector_load %arg12[%get3A_2331, %get3A_2332] {strides = array<i32>} : memref<128x128xf32, #tpu.memory_space<vmem>>, vector<16xf32>,
        %add3A_2334 = arith.addf %get3A_2330, %get3A_2333 : vector<16xf32>
        %get3A_2335 = arith.index_cast %add3A_2327 : i32 to index
        %get3A_2336 = arith.constant 0 : index
        %get3A_2337 = tpu.vector_load %arg13[%get3A_2335, %get3A_2336] {strides = array<i32>} : memref<128x64xf32, #tpu.memory_space<vmem>>, vector<16xf32>,
        %sub3A_2338 = arith.subf %add3A_2334, %get3A_2337 : vector<16xf32>
        %mul3A_2339 = arith.mulf %sub3A_2338, %sub3A_2338 : vector<16xf32>
        %get3A_2340 = arith.index_cast %add3A_2327 : i32 to index
        %get3A_2341 = arith.constant 16 : index
        %get3A_2342 = tpu.vector_load %arg11[%get3A_2340, %get3A_2341] {strides = array<i32>} : memref<128x64xf32, #tpu.memory_space<vmem>>, vector<16xf32>,
        %get3A_2343 = arith.index_cast %add3A_2327 : i32 to index
        %get3A_2344 = arith.constant 16 : index
        %get3A_2345 = tpu.vector_load %arg12[%get3A_2343, %get3A_2344] {strides = array<i32>} : memref<128x128xf32, #tpu.memory_space<vmem>>, vector<16xf32>,
        %add3A_2346 = arith.addf %get3A_2342, %get3A_2345 : vector<16xf32>
        %get3A_2347 = arith.index_cast %add3A_2327 : i32 to index
        %get3A_2348 = arith.constant 16 : index
        %get3A_2349 = tpu.vector_load %arg13[%get3A_2347, %get3A_2348] {strides = array<i32>} : memref<128x64xf32, #tpu.memory_space<vmem>>, vector<16xf32>,
        %sub3A_2350 = arith.subf %add3A_2346, %get3A_2349 : vector<16xf32>
        %mul3A_2351 = arith.mulf %sub3A_2350, %sub3A_2350 : vector<16xf32>
        %add3A_2352 = arith.addf %mul3A_2339, %mul3A_2351 : vector<16xf32>
        %get3A_2353 = arith.index_cast %add3A_2327 : i32 to index
        %get3A_2354 = arith.constant 32 : index
        %get3A_2355 = tpu.vector_load %arg11[%get3A_2353, %get3A_2354] {strides = array<i32>} : memref<128x64xf32, #tpu.memory_space<vmem>>, vector<16xf32>,
        %get3A_2356 = arith.index_cast %add3A_2327 : i32 to index
        %get3A_2357 = arith.constant 32 : index
        %get3A_2358 = tpu.vector_load %arg12[%get3A_2356, %get3A_2357] {strides = array<i32>} : memref<128x128xf32, #tpu.memory_space<vmem>>, vector<16xf32>,
        %add3A_2359 = arith.addf %get3A_2355, %get3A_2358 : vector<16xf32>
        %get3A_2360 = arith.index_cast %add3A_2327 : i32 to index
        %get3A_2361 = arith.constant 32 : index
        %get3A_2362 = tpu.vector_load %arg13[%get3A_2360, %get3A_2361] {strides = array<i32>} : memref<128x64xf32, #tpu.memory_space<vmem>>, vector<16xf32>,
        %sub3A_2363 = arith.subf %add3A_2359, %get3A_2362 : vector<16xf32>
        %mul3A_2364 = arith.mulf %sub3A_2363, %sub3A_2363 : vector<16xf32>
        %add3A_2365 = arith.addf %add3A_2352, %mul3A_2364 : vector<16xf32>
        %get3A_2366 = arith.index_cast %add3A_2327 : i32 to index
        %get3A_2367 = arith.constant 48 : index
        %get3A_2368 = tpu.vector_load %arg11[%get3A_2366, %get3A_2367] {strides = array<i32>} : memref<128x64xf32, #tpu.memory_space<vmem>>, vector<16xf32>,
        %get3A_2369 = arith.index_cast %add3A_2327 : i32 to index
        %get3A_2370 = arith.constant 48 : index
        %get3A_2371 = tpu.vector_load %arg12[%get3A_2369, %get3A_2370] {strides = array<i32>} : memref<128x128xf32, #tpu.memory_space<vmem>>, vector<16xf32>,
        %add3A_2372 = arith.addf %get3A_2368, %get3A_2371 : vector<16xf32>
        %get3A_2373 = arith.index_cast %add3A_2327 : i32 to index
        %get3A_2374 = arith.constant 48 : index
        %get3A_2375 = tpu.vector_load %arg13[%get3A_2373, %get3A_2374] {strides = array<i32>} : memref<128x64xf32, #tpu.memory_space<vmem>>, vector<16xf32>,
        %sub3A_2376 = arith.subf %add3A_2372, %get3A_2375 : vector<16xf32>
        %mul3A_2377 = arith.mulf %sub3A_2376, %sub3A_2376 : vector<16xf32>
        %add3A_2378 = arith.addf %add3A_2365, %mul3A_2377 : vector<16xf32>
        %swap3A_2379 = arith.constant 120 : index
        %swap3A_2380 = tpu.vector_load %arg15[%swap3A_2379] {strides = array<i32>} : memref<384xf32, #tpu.memory_space<vmem>>, vector<16xf32>,
        tpu.vector_store %arg15[%swap3A_2379], %add3A_2378 {strides = array<i32>} : memref<384xf32, #tpu.memory_space<vmem>>, vector<16xf32>,
        %add3A_2381 = arith.constant 6 : i32
        %add3A_2382 = arith.addi %add3A_2050, %add3A_2381 : i32
        %get3A_2383 = arith.index_cast %add3A_2382 : i32 to index
        %get3A_2384 = arith.constant 0 : index
        %get3A_2385 = tpu.vector_load %arg11[%get3A_2383, %get3A_2384] {strides = array<i32>} : memref<128x64xf32, #tpu.memory_space<vmem>>, vector<16xf32>,
        %get3A_2386 = arith.index_cast %add3A_2382 : i32 to index
        %get3A_2387 = arith.constant 0 : index
        %get3A_2388 = tpu.vector_load %arg12[%get3A_2386, %get3A_2387] {strides = array<i32>} : memref<128x128xf32, #tpu.memory_space<vmem>>, vector<16xf32>,
        %add3A_2389 = arith.addf %get3A_2385, %get3A_2388 : vector<16xf32>
        %get3A_2390 = arith.index_cast %add3A_2382 : i32 to index
        %get3A_2391 = arith.constant 0 : index
        %get3A_2392 = tpu.vector_load %arg13[%get3A_2390, %get3A_2391] {strides = array<i32>} : memref<128x64xf32, #tpu.memory_space<vmem>>, vector<16xf32>,
        %sub3A_2393 = arith.subf %add3A_2389, %get3A_2392 : vector<16xf32>
        %mul3A_2394 = arith.mulf %sub3A_2393, %sub3A_2393 : vector<16xf32>
        %get3A_2395 = arith.index_cast %add3A_2382 : i32 to index
        %get3A_2396 = arith.constant 16 : index
        %get3A_2397 = tpu.vector_load %arg11[%get3A_2395, %get3A_2396] {strides = array<i32>} : memref<128x64xf32, #tpu.memory_space<vmem>>, vector<16xf32>,
        %get3A_2398 = arith.index_cast %add3A_2382 : i32 to index
        %get3A_2399 = arith.constant 16 : index
        %get3A_2400 = tpu.vector_load %arg12[%get3A_2398, %get3A_2399] {strides = array<i32>} : memref<128x128xf32, #tpu.memory_space<vmem>>, vector<16xf32>,
        %add3A_2401 = arith.addf %get3A_2397, %get3A_2400 : vector<16xf32>
        %get3A_2402 = arith.index_cast %add3A_2382 : i32 to index
        %get3A_2403 = arith.constant 16 : index
        %get3A_2404 = tpu.vector_load %arg13[%get3A_2402, %get3A_2403] {strides = array<i32>} : memref<128x64xf32, #tpu.memory_space<vmem>>, vector<16xf32>,
        %sub3A_2405 = arith.subf %add3A_2401, %get3A_2404 : vector<16xf32>
        %mul3A_2406 = arith.mulf %sub3A_2405, %sub3A_2405 : vector<16xf32>
        %add3A_2407 = arith.addf %mul3A_2394, %mul3A_2406 : vector<16xf32>
        %get3A_2408 = arith.index_cast %add3A_2382 : i32 to index
        %get3A_2409 = arith.constant 32 : index
        %get3A_2410 = tpu.vector_load %arg11[%get3A_2408, %get3A_2409] {strides = array<i32>} : memref<128x64xf32, #tpu.memory_space<vmem>>, vector<16xf32>,
        %get3A_2411 = arith.index_cast %add3A_2382 : i32 to index
        %get3A_2412 = arith.constant 32 : index
        %get3A_2413 = tpu.vector_load %arg12[%get3A_2411, %get3A_2412] {strides = array<i32>} : memref<128x128xf32, #tpu.memory_space<vmem>>, vector<16xf32>,
        %add3A_2414 = arith.addf %get3A_2410, %get3A_2413 : vector<16xf32>
        %get3A_2415 = arith.index_cast %add3A_2382 : i32 to index
        %get3A_2416 = arith.constant 32 : index
        %get3A_2417 = tpu.vector_load %arg13[%get3A_2415, %get3A_2416] {strides = array<i32>} : memref<128x64xf32, #tpu.memory_space<vmem>>, vector<16xf32>,
        %sub3A_2418 = arith.subf %add3A_2414, %get3A_2417 : vector<16xf32>
        %mul3A_2419 = arith.mulf %sub3A_2418, %sub3A_2418 : vector<16xf32>
        %add3A_2420 = arith.addf %add3A_2407, %mul3A_2419 : vector<16xf32>
        %get3A_2421 = arith.index_cast %add3A_2382 : i32 to index
        %get3A_2422 = arith.constant 48 : index
        %get3A_2423 = tpu.vector_load %arg11[%get3A_2421, %get3A_2422] {strides = array<i32>} : memref<128x64xf32, #tpu.memory_space<vmem>>, vector<16xf32>,
        %get3A_2424 = arith.index_cast %add3A_2382 : i32 to index
        %get3A_2425 = arith.constant 48 : index
        %get3A_2426 = tpu.vector_load %arg12[%get3A_2424, %get3A_2425] {strides = array<i32>} : memref<128x128xf32, #tpu.memory_space<vmem>>, vector<16xf32>,
        %add3A_2427 = arith.addf %get3A_2423, %get3A_2426 : vector<16xf32>
        %get3A_2428 = arith.index_cast %add3A_2382 : i32 to index
        %get3A_2429 = arith.constant 48 : index
        %get3A_2430 = tpu.vector_load %arg13[%get3A_2428, %get3A_2429] {strides = array<i32>} : memref<128x64xf32, #tpu.memory_space<vmem>>, vector<16xf32>,
        %sub3A_2431 = arith.subf %add3A_2427, %get3A_2430 : vector<16xf32>
        %mul3A_2432 = arith.mulf %sub3A_2431, %sub3A_2431 : vector<16xf32>
        %add3A_2433 = arith.addf %add3A_2420, %mul3A_2432 : vector<16xf32>
        %swap3A_2434 = arith.constant 144 : index
        %swap3A_2435 = tpu.vector_load %arg15[%swap3A_2434] {strides = array<i32>} : memref<384xf32, #tpu.memory_space<vmem>>, vector<16xf32>,
        tpu.vector_store %arg15[%swap3A_2434], %add3A_2433 {strides = array<i32>} : memref<384xf32, #tpu.memory_space<vmem>>, vector<16xf32>,
        %add3A_2436 = arith.constant 7 : i32
        %add3A_2437 = arith.addi %add3A_2050, %add3A_2436 : i32
        %get3A_2438 = arith.index_cast %add3A_2437 : i32 to index
        %get3A_2439 = arith.constant 0 : index
        %get3A_2440 = tpu.vector_load %arg11[%get3A_2438, %get3A_2439] {strides = array<i32>} : memref<128x64xf32, #tpu.memory_space<vmem>>, vector<16xf32>,
        %get3A_2441 = arith.index_cast %add3A_2437 : i32 to index
        %get3A_2442 = arith.constant 0 : index
        %get3A_2443 = tpu.vector_load %arg12[%get3A_2441, %get3A_2442] {strides = array<i32>} : memref<128x128xf32, #tpu.memory_space<vmem>>, vector<16xf32>,
        %add3A_2444 = arith.addf %get3A_2440, %get3A_2443 : vector<16xf32>
        %get3A_2445 = arith.index_cast %add3A_2437 : i32 to index
        %get3A_2446 = arith.constant 0 : index
        %get3A_2447 = tpu.vector_load %arg13[%get3A_2445, %get3A_2446] {strides = array<i32>} : memref<128x64xf32, #tpu.memory_space<vmem>>, vector<16xf32>,
        %sub3A_2448 = arith.subf %add3A_2444, %get3A_2447 : vector<16xf32>
        %mul3A_2449 = arith.mulf %sub3A_2448, %sub3A_2448 : vector<16xf32>
        %get3A_2450 = arith.index_cast %add3A_2437 : i32 to index
        %get3A_2451 = arith.constant 16 : index
        %get3A_2452 = tpu.vector_load %arg11[%get3A_2450, %get3A_2451] {strides = array<i32>} : memref<128x64xf32, #tpu.memory_space<vmem>>, vector<16xf32>,
        %get3A_2453 = arith.index_cast %add3A_2437 : i32 to index
        %get3A_2454 = arith.constant 16 : index
        %get3A_2455 = tpu.vector_load %arg12[%get3A_2453, %get3A_2454] {strides = array<i32>} : memref<128x128xf32, #tpu.memory_space<vmem>>, vector<16xf32>,
        %add3A_2456 = arith.addf %get3A_2452, %get3A_2455 : vector<16xf32>
        %get3A_2457 = arith.index_cast %add3A_2437 : i32 to index
        %get3A_2458 = arith.constant 16 : index
        %get3A_2459 = tpu.vector_load %arg13[%get3A_2457, %get3A_2458] {strides = array<i32>} : memref<128x64xf32, #tpu.memory_space<vmem>>, vector<16xf32>,
        %sub3A_2460 = arith.subf %add3A_2456, %get3A_2459 : vector<16xf32>
        %mul3A_2461 = arith.mulf %sub3A_2460, %sub3A_2460 : vector<16xf32>
        %add3A_2462 = arith.addf %mul3A_2449, %mul3A_2461 : vector<16xf32>
        %get3A_2463 = arith.index_cast %add3A_2437 : i32 to index
        %get3A_2464 = arith.constant 32 : index
        %get3A_2465 = tpu.vector_load %arg11[%get3A_2463, %get3A_2464] {strides = array<i32>} : memref<128x64xf32, #tpu.memory_space<vmem>>, vector<16xf32>,
        %get3A_2466 = arith.index_cast %add3A_2437 : i32 to index
        %get3A_2467 = arith.constant 32 : index
        %get3A_2468 = tpu.vector_load %arg12[%get3A_2466, %get3A_2467] {strides = array<i32>} : memref<128x128xf32, #tpu.memory_space<vmem>>, vector<16xf32>,
        %add3A_2469 = arith.addf %get3A_2465, %get3A_2468 : vector<16xf32>
        %get3A_2470 = arith.index_cast %add3A_2437 : i32 to index
        %get3A_2471 = arith.constant 32 : index
        %get3A_2472 = tpu.vector_load %arg13[%get3A_2470, %get3A_2471] {strides = array<i32>} : memref<128x64xf32, #tpu.memory_space<vmem>>, vector<16xf32>,
        %sub3A_2473 = arith.subf %add3A_2469, %get3A_2472 : vector<16xf32>
        %mul3A_2474 = arith.mulf %sub3A_2473, %sub3A_2473 : vector<16xf32>
        %add3A_2475 = arith.addf %add3A_2462, %mul3A_2474 : vector<16xf32>
        %get3A_2476 = arith.index_cast %add3A_2437 : i32 to index
        %get3A_2477 = arith.constant 48 : index
        %get3A_2478 = tpu.vector_load %arg11[%get3A_2476, %get3A_2477] {strides = array<i32>} : memref<128x64xf32, #tpu.memory_space<vmem>>, vector<16xf32>,
        %get3A_2479 = arith.index_cast %add3A_2437 : i32 to index
        %get3A_2480 = arith.constant 48 : index
        %get3A_2481 = tpu.vector_load %arg12[%get3A_2479, %get3A_2480] {strides = array<i32>} : memref<128x128xf32, #tpu.memory_space<vmem>>, vector<16xf32>,
        %add3A_2482 = arith.addf %get3A_2478, %get3A_2481 : vector<16xf32>
        %get3A_2483 = arith.index_cast %add3A_2437 : i32 to index
        %get3A_2484 = arith.constant 48 : index
        %get3A_2485 = tpu.vector_load %arg13[%get3A_2483, %get3A_2484] {strides = array<i32>} : memref<128x64xf32, #tpu.memory_space<vmem>>, vector<16xf32>,
        %sub3A_2486 = arith.subf %add3A_2482, %get3A_2485 : vector<16xf32>
        %mul3A_2487 = arith.mulf %sub3A_2486, %sub3A_2486 : vector<16xf32>
        %add3A_2488 = arith.addf %add3A_2475, %mul3A_2487 : vector<16xf32>
        %swap3A_2489 = arith.constant 168 : index
        %swap3A_2490 = tpu.vector_load %arg15[%swap3A_2489] {strides = array<i32>} : memref<384xf32, #tpu.memory_space<vmem>>, vector<16xf32>,
        tpu.vector_store %arg15[%swap3A_2489], %add3A_2488 {strides = array<i32>} : memref<384xf32, #tpu.memory_space<vmem>>, vector<16xf32>,
        %add3A_2491 = arith.constant 8 : i32
        %add3A_2492 = arith.addi %add3A_2050, %add3A_2491 : i32
        %get3A_2493 = arith.index_cast %add3A_2492 : i32 to index
        %get3A_2494 = arith.constant 0 : index
        %get3A_2495 = tpu.vector_load %arg11[%get3A_2493, %get3A_2494] {strides = array<i32>} : memref<128x64xf32, #tpu.memory_space<vmem>>, vector<16xf32>,
        %get3A_2496 = arith.index_cast %add3A_2492 : i32 to index
        %get3A_2497 = arith.constant 0 : index
        %get3A_2498 = tpu.vector_load %arg12[%get3A_2496, %get3A_2497] {strides = array<i32>} : memref<128x128xf32, #tpu.memory_space<vmem>>, vector<16xf32>,
        %add3A_2499 = arith.addf %get3A_2495, %get3A_2498 : vector<16xf32>
        %get3A_2500 = arith.index_cast %add3A_2492 : i32 to index
        %get3A_2501 = arith.constant 0 : index
        %get3A_2502 = tpu.vector_load %arg13[%get3A_2500, %get3A_2501] {strides = array<i32>} : memref<128x64xf32, #tpu.memory_space<vmem>>, vector<16xf32>,
        %sub3A_2503 = arith.subf %add3A_2499, %get3A_2502 : vector<16xf32>
        %mul3A_2504 = arith.mulf %sub3A_2503, %sub3A_2503 : vector<16xf32>
        %get3A_2505 = arith.index_cast %add3A_2492 : i32 to index
        %get3A_2506 = arith.constant 16 : index
        %get3A_2507 = tpu.vector_load %arg11[%get3A_2505, %get3A_2506] {strides = array<i32>} : memref<128x64xf32, #tpu.memory_space<vmem>>, vector<16xf32>,
        %get3A_2508 = arith.index_cast %add3A_2492 : i32 to index
        %get3A_2509 = arith.constant 16 : index
        %get3A_2510 = tpu.vector_load %arg12[%get3A_2508, %get3A_2509] {strides = array<i32>} : memref<128x128xf32, #tpu.memory_space<vmem>>, vector<16xf32>,
        %add3A_2511 = arith.addf %get3A_2507, %get3A_2510 : vector<16xf32>
        %get3A_2512 = arith.index_cast %add3A_2492 : i32 to index
        %get3A_2513 = arith.constant 16 : index
        %get3A_2514 = tpu.vector_load %arg13[%get3A_2512, %get3A_2513] {strides = array<i32>} : memref<128x64xf32, #tpu.memory_space<vmem>>, vector<16xf32>,
        %sub3A_2515 = arith.subf %add3A_2511, %get3A_2514 : vector<16xf32>
        %mul3A_2516 = arith.mulf %sub3A_2515, %sub3A_2515 : vector<16xf32>
        %add3A_2517 = arith.addf %mul3A_2504, %mul3A_2516 : vector<16xf32>
        %get3A_2518 = arith.index_cast %add3A_2492 : i32 to index
        %get3A_2519 = arith.constant 32 : index
        %get3A_2520 = tpu.vector_load %arg11[%get3A_2518, %get3A_2519] {strides = array<i32>} : memref<128x64xf32, #tpu.memory_space<vmem>>, vector<16xf32>,
        %get3A_2521 = arith.index_cast %add3A_2492 : i32 to index
        %get3A_2522 = arith.constant 32 : index
        %get3A_2523 = tpu.vector_load %arg12[%get3A_2521, %get3A_2522] {strides = array<i32>} : memref<128x128xf32, #tpu.memory_space<vmem>>, vector<16xf32>,
        %add3A_2524 = arith.addf %get3A_2520, %get3A_2523 : vector<16xf32>
        %get3A_2525 = arith.index_cast %add3A_2492 : i32 to index
        %get3A_2526 = arith.constant 32 : index
        %get3A_2527 = tpu.vector_load %arg13[%get3A_2525, %get3A_2526] {strides = array<i32>} : memref<128x64xf32, #tpu.memory_space<vmem>>, vector<16xf32>,
        %sub3A_2528 = arith.subf %add3A_2524, %get3A_2527 : vector<16xf32>
        %mul3A_2529 = arith.mulf %sub3A_2528, %sub3A_2528 : vector<16xf32>
        %add3A_2530 = arith.addf %add3A_2517, %mul3A_2529 : vector<16xf32>
        %get3A_2531 = arith.index_cast %add3A_2492 : i32 to index
        %get3A_2532 = arith.constant 48 : index
        %get3A_2533 = tpu.vector_load %arg11[%get3A_2531, %get3A_2532] {strides = array<i32>} : memref<128x64xf32, #tpu.memory_space<vmem>>, vector<16xf32>,
        %get3A_2534 = arith.index_cast %add3A_2492 : i32 to index
        %get3A_2535 = arith.constant 48 : index
        %get3A_2536 = tpu.vector_load %arg12[%get3A_2534, %get3A_2535] {strides = array<i32>} : memref<128x128xf32, #tpu.memory_space<vmem>>, vector<16xf32>,
        %add3A_2537 = arith.addf %get3A_2533, %get3A_2536 : vector<16xf32>
        %get3A_2538 = arith.index_cast %add3A_2492 : i32 to index
        %get3A_2539 = arith.constant 48 : index
        %get3A_2540 = tpu.vector_load %arg13[%get3A_2538, %get3A_2539] {strides = array<i32>} : memref<128x64xf32, #tpu.memory_space<vmem>>, vector<16xf32>,
        %sub3A_2541 = arith.subf %add3A_2537, %get3A_2540 : vector<16xf32>
        %mul3A_2542 = arith.mulf %sub3A_2541, %sub3A_2541 : vector<16xf32>
        %add3A_2543 = arith.addf %add3A_2530, %mul3A_2542 : vector<16xf32>
        %swap3A_2544 = arith.constant 192 : index
        %swap3A_2545 = tpu.vector_load %arg15[%swap3A_2544] {strides = array<i32>} : memref<384xf32, #tpu.memory_space<vmem>>, vector<16xf32>,
        tpu.vector_store %arg15[%swap3A_2544], %add3A_2543 {strides = array<i32>} : memref<384xf32, #tpu.memory_space<vmem>>, vector<16xf32>,
        %add3A_2546 = arith.constant 9 : i32
        %add3A_2547 = arith.addi %add3A_2050, %add3A_2546 : i32
        %get3A_2548 = arith.index_cast %add3A_2547 : i32 to index
        %get3A_2549 = arith.constant 0 : index
        %get3A_2550 = tpu.vector_load %arg11[%get3A_2548, %get3A_2549] {strides = array<i32>} : memref<128x64xf32, #tpu.memory_space<vmem>>, vector<16xf32>,
        %get3A_2551 = arith.index_cast %add3A_2547 : i32 to index
        %get3A_2552 = arith.constant 0 : index
        %get3A_2553 = tpu.vector_load %arg12[%get3A_2551, %get3A_2552] {strides = array<i32>} : memref<128x128xf32, #tpu.memory_space<vmem>>, vector<16xf32>,
        %add3A_2554 = arith.addf %get3A_2550, %get3A_2553 : vector<16xf32>
        %get3A_2555 = arith.index_cast %add3A_2547 : i32 to index
        %get3A_2556 = arith.constant 0 : index
        %get3A_2557 = tpu.vector_load %arg13[%get3A_2555, %get3A_2556] {strides = array<i32>} : memref<128x64xf32, #tpu.memory_space<vmem>>, vector<16xf32>,
        %sub3A_2558 = arith.subf %add3A_2554, %get3A_2557 : vector<16xf32>
        %mul3A_2559 = arith.mulf %sub3A_2558, %sub3A_2558 : vector<16xf32>
        %get3A_2560 = arith.index_cast %add3A_2547 : i32 to index
        %get3A_2561 = arith.constant 16 : index
        %get3A_2562 = tpu.vector_load %arg11[%get3A_2560, %get3A_2561] {strides = array<i32>} : memref<128x64xf32, #tpu.memory_space<vmem>>, vector<16xf32>,
        %get3A_2563 = arith.index_cast %add3A_2547 : i32 to index
        %get3A_2564 = arith.constant 16 : index
        %get3A_2565 = tpu.vector_load %arg12[%get3A_2563, %get3A_2564] {strides = array<i32>} : memref<128x128xf32, #tpu.memory_space<vmem>>, vector<16xf32>,
        %add3A_2566 = arith.addf %get3A_2562, %get3A_2565 : vector<16xf32>
        %get3A_2567 = arith.index_cast %add3A_2547 : i32 to index
        %get3A_2568 = arith.constant 16 : index
        %get3A_2569 = tpu.vector_load %arg13[%get3A_2567, %get3A_2568] {strides = array<i32>} : memref<128x64xf32, #tpu.memory_space<vmem>>, vector<16xf32>,
        %sub3A_2570 = arith.subf %add3A_2566, %get3A_2569 : vector<16xf32>
        %mul3A_2571 = arith.mulf %sub3A_2570, %sub3A_2570 : vector<16xf32>
        %add3A_2572 = arith.addf %mul3A_2559, %mul3A_2571 : vector<16xf32>
        %get3A_2573 = arith.index_cast %add3A_2547 : i32 to index
        %get3A_2574 = arith.constant 32 : index
        %get3A_2575 = tpu.vector_load %arg11[%get3A_2573, %get3A_2574] {strides = array<i32>} : memref<128x64xf32, #tpu.memory_space<vmem>>, vector<16xf32>,
        %get3A_2576 = arith.index_cast %add3A_2547 : i32 to index
        %get3A_2577 = arith.constant 32 : index
        %get3A_2578 = tpu.vector_load %arg12[%get3A_2576, %get3A_2577] {strides = array<i32>} : memref<128x128xf32, #tpu.memory_space<vmem>>, vector<16xf32>,
        %add3A_2579 = arith.addf %get3A_2575, %get3A_2578 : vector<16xf32>
        %get3A_2580 = arith.index_cast %add3A_2547 : i32 to index
        %get3A_2581 = arith.constant 32 : index
        %get3A_2582 = tpu.vector_load %arg13[%get3A_2580, %get3A_2581] {strides = array<i32>} : memref<128x64xf32, #tpu.memory_space<vmem>>, vector<16xf32>,
        %sub3A_2583 = arith.subf %add3A_2579, %get3A_2582 : vector<16xf32>
        %mul3A_2584 = arith.mulf %sub3A_2583, %sub3A_2583 : vector<16xf32>
        %add3A_2585 = arith.addf %add3A_2572, %mul3A_2584 : vector<16xf32>
        %get3A_2586 = arith.index_cast %add3A_2547 : i32 to index
        %get3A_2587 = arith.constant 48 : index
        %get3A_2588 = tpu.vector_load %arg11[%get3A_2586, %get3A_2587] {strides = array<i32>} : memref<128x64xf32, #tpu.memory_space<vmem>>, vector<16xf32>,
        %get3A_2589 = arith.index_cast %add3A_2547 : i32 to index
        %get3A_2590 = arith.constant 48 : index
        %get3A_2591 = tpu.vector_load %arg12[%get3A_2589, %get3A_2590] {strides = array<i32>} : memref<128x128xf32, #tpu.memory_space<vmem>>, vector<16xf32>,
        %add3A_2592 = arith.addf %get3A_2588, %get3A_2591 : vector<16xf32>
        %get3A_2593 = arith.index_cast %add3A_2547 : i32 to index
        %get3A_2594 = arith.constant 48 : index
        %get3A_2595 = tpu.vector_load %arg13[%get3A_2593, %get3A_2594] {strides = array<i32>} : memref<128x64xf32, #tpu.memory_space<vmem>>, vector<16xf32>,
        %sub3A_2596 = arith.subf %add3A_2592, %get3A_2595 : vector<16xf32>
        %mul3A_2597 = arith.mulf %sub3A_2596, %sub3A_2596 : vector<16xf32>
        %add3A_2598 = arith.addf %add3A_2585, %mul3A_2597 : vector<16xf32>
        %swap3A_2599 = arith.constant 216 : index
        %swap3A_2600 = tpu.vector_load %arg15[%swap3A_2599] {strides = array<i32>} : memref<384xf32, #tpu.memory_space<vmem>>, vector<16xf32>,
        tpu.vector_store %arg15[%swap3A_2599], %add3A_2598 {strides = array<i32>} : memref<384xf32, #tpu.memory_space<vmem>>, vector<16xf32>,
        %add3A_2601 = arith.constant 10 : i32
        %add3A_2602 = arith.addi %add3A_2050, %add3A_2601 : i32
        %get3A_2603 = arith.index_cast %add3A_2602 : i32 to index
        %get3A_2604 = arith.constant 0 : index
        %get3A_2605 = tpu.vector_load %arg11[%get3A_2603, %get3A_2604] {strides = array<i32>} : memref<128x64xf32, #tpu.memory_space<vmem>>, vector<16xf32>,
        %get3A_2606 = arith.index_cast %add3A_2602 : i32 to index
        %get3A_2607 = arith.constant 0 : index
        %get3A_2608 = tpu.vector_load %arg12[%get3A_2606, %get3A_2607] {strides = array<i32>} : memref<128x128xf32, #tpu.memory_space<vmem>>, vector<16xf32>,
        %add3A_2609 = arith.addf %get3A_2605, %get3A_2608 : vector<16xf32>
        %get3A_2610 = arith.index_cast %add3A_2602 : i32 to index
        %get3A_2611 = arith.constant 0 : index
        %get3A_2612 = tpu.vector_load %arg13[%get3A_2610, %get3A_2611] {strides = array<i32>} : memref<128x64xf32, #tpu.memory_space<vmem>>, vector<16xf32>,
        %sub3A_2613 = arith.subf %add3A_2609, %get3A_2612 : vector<16xf32>
        %mul3A_2614 = arith.mulf %sub3A_2613, %sub3A_2613 : vector<16xf32>
        %get3A_2615 = arith.index_cast %add3A_2602 : i32 to index
        %get3A_2616 = arith.constant 16 : index
        %get3A_2617 = tpu.vector_load %arg11[%get3A_2615, %get3A_2616] {strides = array<i32>} : memref<128x64xf32, #tpu.memory_space<vmem>>, vector<16xf32>,
        %get3A_2618 = arith.index_cast %add3A_2602 : i32 to index
        %get3A_2619 = arith.constant 16 : index
        %get3A_2620 = tpu.vector_load %arg12[%get3A_2618, %get3A_2619] {strides = array<i32>} : memref<128x128xf32, #tpu.memory_space<vmem>>, vector<16xf32>,
        %add3A_2621 = arith.addf %get3A_2617, %get3A_2620 : vector<16xf32>
        %get3A_2622 = arith.index_cast %add3A_2602 : i32 to index
        %get3A_2623 = arith.constant 16 : index
        %get3A_2624 = tpu.vector_load %arg13[%get3A_2622, %get3A_2623] {strides = array<i32>} : memref<128x64xf32, #tpu.memory_space<vmem>>, vector<16xf32>,
        %sub3A_2625 = arith.subf %add3A_2621, %get3A_2624 : vector<16xf32>
        %mul3A_2626 = arith.mulf %sub3A_2625, %sub3A_2625 : vector<16xf32>
        %add3A_2627 = arith.addf %mul3A_2614, %mul3A_2626 : vector<16xf32>
        %get3A_2628 = arith.index_cast %add3A_2602 : i32 to index
        %get3A_2629 = arith.constant 32 : index
        %get3A_2630 = tpu.vector_load %arg11[%get3A_2628, %get3A_2629] {strides = array<i32>} : memref<128x64xf32, #tpu.memory_space<vmem>>, vector<16xf32>,
        %get3A_2631 = arith.index_cast %add3A_2602 : i32 to index
        %get3A_2632 = arith.constant 32 : index
        %get3A_2633 = tpu.vector_load %arg12[%get3A_2631, %get3A_2632] {strides = array<i32>} : memref<128x128xf32, #tpu.memory_space<vmem>>, vector<16xf32>,
        %add3A_2634 = arith.addf %get3A_2630, %get3A_2633 : vector<16xf32>
        %get3A_2635 = arith.index_cast %add3A_2602 : i32 to index
        %get3A_2636 = arith.constant 32 : index
        %get3A_2637 = tpu.vector_load %arg13[%get3A_2635, %get3A_2636] {strides = array<i32>} : memref<128x64xf32, #tpu.memory_space<vmem>>, vector<16xf32>,
        %sub3A_2638 = arith.subf %add3A_2634, %get3A_2637 : vector<16xf32>
        %mul3A_2639 = arith.mulf %sub3A_2638, %sub3A_2638 : vector<16xf32>
        %add3A_2640 = arith.addf %add3A_2627, %mul3A_2639 : vector<16xf32>
        %get3A_2641 = arith.index_cast %add3A_2602 : i32 to index
        %get3A_2642 = arith.constant 48 : index
        %get3A_2643 = tpu.vector_load %arg11[%get3A_2641, %get3A_2642] {strides = array<i32>} : memref<128x64xf32, #tpu.memory_space<vmem>>, vector<16xf32>,
        %get3A_2644 = arith.index_cast %add3A_2602 : i32 to index
        %get3A_2645 = arith.constant 48 : index
        %get3A_2646 = tpu.vector_load %arg12[%get3A_2644, %get3A_2645] {strides = array<i32>} : memref<128x128xf32, #tpu.memory_space<vmem>>, vector<16xf32>,
        %add3A_2647 = arith.addf %get3A_2643, %get3A_2646 : vector<16xf32>
        %get3A_2648 = arith.index_cast %add3A_2602 : i32 to index
        %get3A_2649 = arith.constant 48 : index
        %get3A_2650 = tpu.vector_load %arg13[%get3A_2648, %get3A_2649] {strides = array<i32>} : memref<128x64xf32, #tpu.memory_space<vmem>>, vector<16xf32>,
        %sub3A_2651 = arith.subf %add3A_2647, %get3A_2650 : vector<16xf32>
        %mul3A_2652 = arith.mulf %sub3A_2651, %sub3A_2651 : vector<16xf32>
        %add3A_2653 = arith.addf %add3A_2640, %mul3A_2652 : vector<16xf32>
        %swap3A_2654 = arith.constant 240 : index
        %swap3A_2655 = tpu.vector_load %arg15[%swap3A_2654] {strides = array<i32>} : memref<384xf32, #tpu.memory_space<vmem>>, vector<16xf32>,
        tpu.vector_store %arg15[%swap3A_2654], %add3A_2653 {strides = array<i32>} : memref<384xf32, #tpu.memory_space<vmem>>, vector<16xf32>,
        %add3A_2656 = arith.constant 11 : i32
        %add3A_2657 = arith.addi %add3A_2050, %add3A_2656 : i32
        %get3A_2658 = arith.index_cast %add3A_2657 : i32 to index
        %get3A_2659 = arith.constant 0 : index
        %get3A_2660 = tpu.vector_load %arg11[%get3A_2658, %get3A_2659] {strides = array<i32>} : memref<128x64xf32, #tpu.memory_space<vmem>>, vector<16xf32>,
        %get3A_2661 = arith.index_cast %add3A_2657 : i32 to index
        %get3A_2662 = arith.constant 0 : index
        %get3A_2663 = tpu.vector_load %arg12[%get3A_2661, %get3A_2662] {strides = array<i32>} : memref<128x128xf32, #tpu.memory_space<vmem>>, vector<16xf32>,
        %add3A_2664 = arith.addf %get3A_2660, %get3A_2663 : vector<16xf32>
        %get3A_2665 = arith.index_cast %add3A_2657 : i32 to index
        %get3A_2666 = arith.constant 0 : index
        %get3A_2667 = tpu.vector_load %arg13[%get3A_2665, %get3A_2666] {strides = array<i32>} : memref<128x64xf32, #tpu.memory_space<vmem>>, vector<16xf32>,
        %sub3A_2668 = arith.subf %add3A_2664, %get3A_2667 : vector<16xf32>
        %mul3A_2669 = arith.mulf %sub3A_2668, %sub3A_2668 : vector<16xf32>
        %get3A_2670 = arith.index_cast %add3A_2657 : i32 to index
        %get3A_2671 = arith.constant 16 : index
        %get3A_2672 = tpu.vector_load %arg11[%get3A_2670, %get3A_2671] {strides = array<i32>} : memref<128x64xf32, #tpu.memory_space<vmem>>, vector<16xf32>,
        %get3A_2673 = arith.index_cast %add3A_2657 : i32 to index
        %get3A_2674 = arith.constant 16 : index
        %get3A_2675 = tpu.vector_load %arg12[%get3A_2673, %get3A_2674] {strides = array<i32>} : memref<128x128xf32, #tpu.memory_space<vmem>>, vector<16xf32>,
        %add3A_2676 = arith.addf %get3A_2672, %get3A_2675 : vector<16xf32>
        %get3A_2677 = arith.index_cast %add3A_2657 : i32 to index
        %get3A_2678 = arith.constant 16 : index
        %get3A_2679 = tpu.vector_load %arg13[%get3A_2677, %get3A_2678] {strides = array<i32>} : memref<128x64xf32, #tpu.memory_space<vmem>>, vector<16xf32>,
        %sub3A_2680 = arith.subf %add3A_2676, %get3A_2679 : vector<16xf32>
        %mul3A_2681 = arith.mulf %sub3A_2680, %sub3A_2680 : vector<16xf32>
        %add3A_2682 = arith.addf %mul3A_2669, %mul3A_2681 : vector<16xf32>
        %get3A_2683 = arith.index_cast %add3A_2657 : i32 to index
        %get3A_2684 = arith.constant 32 : index
        %get3A_2685 = tpu.vector_load %arg11[%get3A_2683, %get3A_2684] {strides = array<i32>} : memref<128x64xf32, #tpu.memory_space<vmem>>, vector<16xf32>,
        %get3A_2686 = arith.index_cast %add3A_2657 : i32 to index
        %get3A_2687 = arith.constant 32 : index
        %get3A_2688 = tpu.vector_load %arg12[%get3A_2686, %get3A_2687] {strides = array<i32>} : memref<128x128xf32, #tpu.memory_space<vmem>>, vector<16xf32>,
        %add3A_2689 = arith.addf %get3A_2685, %get3A_2688 : vector<16xf32>
        %get3A_2690 = arith.index_cast %add3A_2657 : i32 to index
        %get3A_2691 = arith.constant 32 : index
        %get3A_2692 = tpu.vector_load %arg13[%get3A_2690, %get3A_2691] {strides = array<i32>} : memref<128x64xf32, #tpu.memory_space<vmem>>, vector<16xf32>,
        %sub3A_2693 = arith.subf %add3A_2689, %get3A_2692 : vector<16xf32>
        %mul3A_2694 = arith.mulf %sub3A_2693, %sub3A_2693 : vector<16xf32>
        %add3A_2695 = arith.addf %add3A_2682, %mul3A_2694 : vector<16xf32>
        %get3A_2696 = arith.index_cast %add3A_2657 : i32 to index
        %get3A_2697 = arith.constant 48 : index
        %get3A_2698 = tpu.vector_load %arg11[%get3A_2696, %get3A_2697] {strides = array<i32>} : memref<128x64xf32, #tpu.memory_space<vmem>>, vector<16xf32>,
        %get3A_2699 = arith.index_cast %add3A_2657 : i32 to index
        %get3A_2700 = arith.constant 48 : index
        %get3A_2701 = tpu.vector_load %arg12[%get3A_2699, %get3A_2700] {strides = array<i32>} : memref<128x128xf32, #tpu.memory_space<vmem>>, vector<16xf32>,
        %add3A_2702 = arith.addf %get3A_2698, %get3A_2701 : vector<16xf32>
        %get3A_2703 = arith.index_cast %add3A_2657 : i32 to index
        %get3A_2704 = arith.constant 48 : index
        %get3A_2705 = tpu.vector_load %arg13[%get3A_2703, %get3A_2704] {strides = array<i32>} : memref<128x64xf32, #tpu.memory_space<vmem>>, vector<16xf32>,
        %sub3A_2706 = arith.subf %add3A_2702, %get3A_2705 : vector<16xf32>
        %mul3A_2707 = arith.mulf %sub3A_2706, %sub3A_2706 : vector<16xf32>
        %add3A_2708 = arith.addf %add3A_2695, %mul3A_2707 : vector<16xf32>
        %swap3A_2709 = arith.constant 264 : index
        %swap3A_2710 = tpu.vector_load %arg15[%swap3A_2709] {strides = array<i32>} : memref<384xf32, #tpu.memory_space<vmem>>, vector<16xf32>,
        tpu.vector_store %arg15[%swap3A_2709], %add3A_2708 {strides = array<i32>} : memref<384xf32, #tpu.memory_space<vmem>>, vector<16xf32>,
        %add3A_2711 = arith.constant 12 : i32
        %add3A_2712 = arith.addi %add3A_2050, %add3A_2711 : i32
        %get3A_2713 = arith.index_cast %add3A_2712 : i32 to index
        %get3A_2714 = arith.constant 0 : index
        %get3A_2715 = tpu.vector_load %arg11[%get3A_2713, %get3A_2714] {strides = array<i32>} : memref<128x64xf32, #tpu.memory_space<vmem>>, vector<16xf32>,
        %get3A_2716 = arith.index_cast %add3A_2712 : i32 to index
        %get3A_2717 = arith.constant 0 : index
        %get3A_2718 = tpu.vector_load %arg12[%get3A_2716, %get3A_2717] {strides = array<i32>} : memref<128x128xf32, #tpu.memory_space<vmem>>, vector<16xf32>,
        %add3A_2719 = arith.addf %get3A_2715, %get3A_2718 : vector<16xf32>
        %get3A_2720 = arith.index_cast %add3A_2712 : i32 to index
        %get3A_2721 = arith.constant 0 : index
        %get3A_2722 = tpu.vector_load %arg13[%get3A_2720, %get3A_2721] {strides = array<i32>} : memref<128x64xf32, #tpu.memory_space<vmem>>, vector<16xf32>,
        %sub3A_2723 = arith.subf %add3A_2719, %get3A_2722 : vector<16xf32>
        %mul3A_2724 = arith.mulf %sub3A_2723, %sub3A_2723 : vector<16xf32>
        %get3A_2725 = arith.index_cast %add3A_2712 : i32 to index
        %get3A_2726 = arith.constant 16 : index
        %get3A_2727 = tpu.vector_load %arg11[%get3A_2725, %get3A_2726] {strides = array<i32>} : memref<128x64xf32, #tpu.memory_space<vmem>>, vector<16xf32>,
        %get3A_2728 = arith.index_cast %add3A_2712 : i32 to index
        %get3A_2729 = arith.constant 16 : index
        %get3A_2730 = tpu.vector_load %arg12[%get3A_2728, %get3A_2729] {strides = array<i32>} : memref<128x128xf32, #tpu.memory_space<vmem>>, vector<16xf32>,
        %add3A_2731 = arith.addf %get3A_2727, %get3A_2730 : vector<16xf32>
        %get3A_2732 = arith.index_cast %add3A_2712 : i32 to index
        %get3A_2733 = arith.constant 16 : index
        %get3A_2734 = tpu.vector_load %arg13[%get3A_2732, %get3A_2733] {strides = array<i32>} : memref<128x64xf32, #tpu.memory_space<vmem>>, vector<16xf32>,
        %sub3A_2735 = arith.subf %add3A_2731, %get3A_2734 : vector<16xf32>
        %mul3A_2736 = arith.mulf %sub3A_2735, %sub3A_2735 : vector<16xf32>
        %add3A_2737 = arith.addf %mul3A_2724, %mul3A_2736 : vector<16xf32>
        %get3A_2738 = arith.index_cast %add3A_2712 : i32 to index
        %get3A_2739 = arith.constant 32 : index
        %get3A_2740 = tpu.vector_load %arg11[%get3A_2738, %get3A_2739] {strides = array<i32>} : memref<128x64xf32, #tpu.memory_space<vmem>>, vector<16xf32>,
        %get3A_2741 = arith.index_cast %add3A_2712 : i32 to index
        %get3A_2742 = arith.constant 32 : index
        %get3A_2743 = tpu.vector_load %arg12[%get3A_2741, %get3A_2742] {strides = array<i32>} : memref<128x128xf32, #tpu.memory_space<vmem>>, vector<16xf32>,
        %add3A_2744 = arith.addf %get3A_2740, %get3A_2743 : vector<16xf32>
        %get3A_2745 = arith.index_cast %add3A_2712 : i32 to index
        %get3A_2746 = arith.constant 32 : index
        %get3A_2747 = tpu.vector_load %arg13[%get3A_2745, %get3A_2746] {strides = array<i32>} : memref<128x64xf32, #tpu.memory_space<vmem>>, vector<16xf32>,
        %sub3A_2748 = arith.subf %add3A_2744, %get3A_2747 : vector<16xf32>
        %mul3A_2749 = arith.mulf %sub3A_2748, %sub3A_2748 : vector<16xf32>
        %add3A_2750 = arith.addf %add3A_2737, %mul3A_2749 : vector<16xf32>
        %get3A_2751 = arith.index_cast %add3A_2712 : i32 to index
        %get3A_2752 = arith.constant 48 : index
        %get3A_2753 = tpu.vector_load %arg11[%get3A_2751, %get3A_2752] {strides = array<i32>} : memref<128x64xf32, #tpu.memory_space<vmem>>, vector<16xf32>,
        %get3A_2754 = arith.index_cast %add3A_2712 : i32 to index
        %get3A_2755 = arith.constant 48 : index
        %get3A_2756 = tpu.vector_load %arg12[%get3A_2754, %get3A_2755] {strides = array<i32>} : memref<128x128xf32, #tpu.memory_space<vmem>>, vector<16xf32>,
        %add3A_2757 = arith.addf %get3A_2753, %get3A_2756 : vector<16xf32>
        %get3A_2758 = arith.index_cast %add3A_2712 : i32 to index
        %get3A_2759 = arith.constant 48 : index
        %get3A_2760 = tpu.vector_load %arg13[%get3A_2758, %get3A_2759] {strides = array<i32>} : memref<128x64xf32, #tpu.memory_space<vmem>>, vector<16xf32>,
        %sub3A_2761 = arith.subf %add3A_2757, %get3A_2760 : vector<16xf32>
        %mul3A_2762 = arith.mulf %sub3A_2761, %sub3A_2761 : vector<16xf32>
        %add3A_2763 = arith.addf %add3A_2750, %mul3A_2762 : vector<16xf32>
        %swap3A_2764 = arith.constant 288 : index
        %swap3A_2765 = tpu.vector_load %arg15[%swap3A_2764] {strides = array<i32>} : memref<384xf32, #tpu.memory_space<vmem>>, vector<16xf32>,
        tpu.vector_store %arg15[%swap3A_2764], %add3A_2763 {strides = array<i32>} : memref<384xf32, #tpu.memory_space<vmem>>, vector<16xf32>,
        %add3A_2766 = arith.constant 13 : i32
        %add3A_2767 = arith.addi %add3A_2050, %add3A_2766 : i32
        %get3A_2768 = arith.index_cast %add3A_2767 : i32 to index
        %get3A_2769 = arith.constant 0 : index
        %get3A_2770 = tpu.vector_load %arg11[%get3A_2768, %get3A_2769] {strides = array<i32>} : memref<128x64xf32, #tpu.memory_space<vmem>>, vector<16xf32>,
        %get3A_2771 = arith.index_cast %add3A_2767 : i32 to index
        %get3A_2772 = arith.constant 0 : index
        %get3A_2773 = tpu.vector_load %arg12[%get3A_2771, %get3A_2772] {strides = array<i32>} : memref<128x128xf32, #tpu.memory_space<vmem>>, vector<16xf32>,
        %add3A_2774 = arith.addf %get3A_2770, %get3A_2773 : vector<16xf32>
        %get3A_2775 = arith.index_cast %add3A_2767 : i32 to index
        %get3A_2776 = arith.constant 0 : index
        %get3A_2777 = tpu.vector_load %arg13[%get3A_2775, %get3A_2776] {strides = array<i32>} : memref<128x64xf32, #tpu.memory_space<vmem>>, vector<16xf32>,
        %sub3A_2778 = arith.subf %add3A_2774, %get3A_2777 : vector<16xf32>
        %mul3A_2779 = arith.mulf %sub3A_2778, %sub3A_2778 : vector<16xf32>
        %get3A_2780 = arith.index_cast %add3A_2767 : i32 to index
        %get3A_2781 = arith.constant 16 : index
        %get3A_2782 = tpu.vector_load %arg11[%get3A_2780, %get3A_2781] {strides = array<i32>} : memref<128x64xf32, #tpu.memory_space<vmem>>, vector<16xf32>,
        %get3A_2783 = arith.index_cast %add3A_2767 : i32 to index
        %get3A_2784 = arith.constant 16 : index
        %get3A_2785 = tpu.vector_load %arg12[%get3A_2783, %get3A_2784] {strides = array<i32>} : memref<128x128xf32, #tpu.memory_space<vmem>>, vector<16xf32>,
        %add3A_2786 = arith.addf %get3A_2782, %get3A_2785 : vector<16xf32>
        %get3A_2787 = arith.index_cast %add3A_2767 : i32 to index
        %get3A_2788 = arith.constant 16 : index
        %get3A_2789 = tpu.vector_load %arg13[%get3A_2787, %get3A_2788] {strides = array<i32>} : memref<128x64xf32, #tpu.memory_space<vmem>>, vector<16xf32>,
        %sub3A_2790 = arith.subf %add3A_2786, %get3A_2789 : vector<16xf32>
        %mul3A_2791 = arith.mulf %sub3A_2790, %sub3A_2790 : vector<16xf32>
        %add3A_2792 = arith.addf %mul3A_2779, %mul3A_2791 : vector<16xf32>
        %get3A_2793 = arith.index_cast %add3A_2767 : i32 to index
        %get3A_2794 = arith.constant 32 : index
        %get3A_2795 = tpu.vector_load %arg11[%get3A_2793, %get3A_2794] {strides = array<i32>} : memref<128x64xf32, #tpu.memory_space<vmem>>, vector<16xf32>,
        %get3A_2796 = arith.index_cast %add3A_2767 : i32 to index
        %get3A_2797 = arith.constant 32 : index
        %get3A_2798 = tpu.vector_load %arg12[%get3A_2796, %get3A_2797] {strides = array<i32>} : memref<128x128xf32, #tpu.memory_space<vmem>>, vector<16xf32>,
        %add3A_2799 = arith.addf %get3A_2795, %get3A_2798 : vector<16xf32>
        %get3A_2800 = arith.index_cast %add3A_2767 : i32 to index
        %get3A_2801 = arith.constant 32 : index
        %get3A_2802 = tpu.vector_load %arg13[%get3A_2800, %get3A_2801] {strides = array<i32>} : memref<128x64xf32, #tpu.memory_space<vmem>>, vector<16xf32>,
        %sub3A_2803 = arith.subf %add3A_2799, %get3A_2802 : vector<16xf32>
        %mul3A_2804 = arith.mulf %sub3A_2803, %sub3A_2803 : vector<16xf32>
        %add3A_2805 = arith.addf %add3A_2792, %mul3A_2804 : vector<16xf32>
        %get3A_2806 = arith.index_cast %add3A_2767 : i32 to index
        %get3A_2807 = arith.constant 48 : index
        %get3A_2808 = tpu.vector_load %arg11[%get3A_2806, %get3A_2807] {strides = array<i32>} : memref<128x64xf32, #tpu.memory_space<vmem>>, vector<16xf32>,
        %get3A_2809 = arith.index_cast %add3A_2767 : i32 to index
        %get3A_2810 = arith.constant 48 : index
        %get3A_2811 = tpu.vector_load %arg12[%get3A_2809, %get3A_2810] {strides = array<i32>} : memref<128x128xf32, #tpu.memory_space<vmem>>, vector<16xf32>,
        %add3A_2812 = arith.addf %get3A_2808, %get3A_2811 : vector<16xf32>
        %get3A_2813 = arith.index_cast %add3A_2767 : i32 to index
        %get3A_2814 = arith.constant 48 : index
        %get3A_2815 = tpu.vector_load %arg13[%get3A_2813, %get3A_2814] {strides = array<i32>} : memref<128x64xf32, #tpu.memory_space<vmem>>, vector<16xf32>,
        %sub3A_2816 = arith.subf %add3A_2812, %get3A_2815 : vector<16xf32>
        %mul3A_2817 = arith.mulf %sub3A_2816, %sub3A_2816 : vector<16xf32>
        %add3A_2818 = arith.addf %add3A_2805, %mul3A_2817 : vector<16xf32>
        %swap3A_2819 = arith.constant 312 : index
        %swap3A_2820 = tpu.vector_load %arg15[%swap3A_2819] {strides = array<i32>} : memref<384xf32, #tpu.memory_space<vmem>>, vector<16xf32>,
        tpu.vector_store %arg15[%swap3A_2819], %add3A_2818 {strides = array<i32>} : memref<384xf32, #tpu.memory_space<vmem>>, vector<16xf32>,
        %add3A_2821 = arith.constant 14 : i32
        %add3A_2822 = arith.addi %add3A_2050, %add3A_2821 : i32
        %get3A_2823 = arith.index_cast %add3A_2822 : i32 to index
        %get3A_2824 = arith.constant 0 : index
        %get3A_2825 = tpu.vector_load %arg11[%get3A_2823, %get3A_2824] {strides = array<i32>} : memref<128x64xf32, #tpu.memory_space<vmem>>, vector<16xf32>,
        %get3A_2826 = arith.index_cast %add3A_2822 : i32 to index
        %get3A_2827 = arith.constant 0 : index
        %get3A_2828 = tpu.vector_load %arg12[%get3A_2826, %get3A_2827] {strides = array<i32>} : memref<128x128xf32, #tpu.memory_space<vmem>>, vector<16xf32>,
        %add3A_2829 = arith.addf %get3A_2825, %get3A_2828 : vector<16xf32>
        %get3A_2830 = arith.index_cast %add3A_2822 : i32 to index
        %get3A_2831 = arith.constant 0 : index
        %get3A_2832 = tpu.vector_load %arg13[%get3A_2830, %get3A_2831] {strides = array<i32>} : memref<128x64xf32, #tpu.memory_space<vmem>>, vector<16xf32>,
        %sub3A_2833 = arith.subf %add3A_2829, %get3A_2832 : vector<16xf32>
        %mul3A_2834 = arith.mulf %sub3A_2833, %sub3A_2833 : vector<16xf32>
        %get3A_2835 = arith.index_cast %add3A_2822 : i32 to index
        %get3A_2836 = arith.constant 16 : index
        %get3A_2837 = tpu.vector_load %arg11[%get3A_2835, %get3A_2836] {strides = array<i32>} : memref<128x64xf32, #tpu.memory_space<vmem>>, vector<16xf32>,
        %get3A_2838 = arith.index_cast %add3A_2822 : i32 to index
        %get3A_2839 = arith.constant 16 : index
        %get3A_2840 = tpu.vector_load %arg12[%get3A_2838, %get3A_2839] {strides = array<i32>} : memref<128x128xf32, #tpu.memory_space<vmem>>, vector<16xf32>,
        %add3A_2841 = arith.addf %get3A_2837, %get3A_2840 : vector<16xf32>
        %get3A_2842 = arith.index_cast %add3A_2822 : i32 to index
        %get3A_2843 = arith.constant 16 : index
        %get3A_2844 = tpu.vector_load %arg13[%get3A_2842, %get3A_2843] {strides = array<i32>} : memref<128x64xf32, #tpu.memory_space<vmem>>, vector<16xf32>,
        %sub3A_2845 = arith.subf %add3A_2841, %get3A_2844 : vector<16xf32>
        %mul3A_2846 = arith.mulf %sub3A_2845, %sub3A_2845 : vector<16xf32>
        %add3A_2847 = arith.addf %mul3A_2834, %mul3A_2846 : vector<16xf32>
        %get3A_2848 = arith.index_cast %add3A_2822 : i32 to index
        %get3A_2849 = arith.constant 32 : index
        %get3A_2850 = tpu.vector_load %arg11[%get3A_2848, %get3A_2849] {strides = array<i32>} : memref<128x64xf32, #tpu.memory_space<vmem>>, vector<16xf32>,
        %get3A_2851 = arith.index_cast %add3A_2822 : i32 to index
        %get3A_2852 = arith.constant 32 : index
        %get3A_2853 = tpu.vector_load %arg12[%get3A_2851, %get3A_2852] {strides = array<i32>} : memref<128x128xf32, #tpu.memory_space<vmem>>, vector<16xf32>,
        %add3A_2854 = arith.addf %get3A_2850, %get3A_2853 : vector<16xf32>
        %get3A_2855 = arith.index_cast %add3A_2822 : i32 to index
        %get3A_2856 = arith.constant 32 : index
        %get3A_2857 = tpu.vector_load %arg13[%get3A_2855, %get3A_2856] {strides = array<i32>} : memref<128x64xf32, #tpu.memory_space<vmem>>, vector<16xf32>,
        %sub3A_2858 = arith.subf %add3A_2854, %get3A_2857 : vector<16xf32>
        %mul3A_2859 = arith.mulf %sub3A_2858, %sub3A_2858 : vector<16xf32>
        %add3A_2860 = arith.addf %add3A_2847, %mul3A_2859 : vector<16xf32>
        %get3A_2861 = arith.index_cast %add3A_2822 : i32 to index
        %get3A_2862 = arith.constant 48 : index
        %get3A_2863 = tpu.vector_load %arg11[%get3A_2861, %get3A_2862] {strides = array<i32>} : memref<128x64xf32, #tpu.memory_space<vmem>>, vector<16xf32>,
        %get3A_2864 = arith.index_cast %add3A_2822 : i32 to index
        %get3A_2865 = arith.constant 48 : index
        %get3A_2866 = tpu.vector_load %arg12[%get3A_2864, %get3A_2865] {strides = array<i32>} : memref<128x128xf32, #tpu.memory_space<vmem>>, vector<16xf32>,
        %add3A_2867 = arith.addf %get3A_2863, %get3A_2866 : vector<16xf32>
        %get3A_2868 = arith.index_cast %add3A_2822 : i32 to index
        %get3A_2869 = arith.constant 48 : index
        %get3A_2870 = tpu.vector_load %arg13[%get3A_2868, %get3A_2869] {strides = array<i32>} : memref<128x64xf32, #tpu.memory_space<vmem>>, vector<16xf32>,
        %sub3A_2871 = arith.subf %add3A_2867, %get3A_2870 : vector<16xf32>
        %mul3A_2872 = arith.mulf %sub3A_2871, %sub3A_2871 : vector<16xf32>
        %add3A_2873 = arith.addf %add3A_2860, %mul3A_2872 : vector<16xf32>
        %swap3A_2874 = arith.constant 336 : index
        %swap3A_2875 = tpu.vector_load %arg15[%swap3A_2874] {strides = array<i32>} : memref<384xf32, #tpu.memory_space<vmem>>, vector<16xf32>,
        tpu.vector_store %arg15[%swap3A_2874], %add3A_2873 {strides = array<i32>} : memref<384xf32, #tpu.memory_space<vmem>>, vector<16xf32>,
        %add3A_2876 = arith.constant 15 : i32
        %add3A_2877 = arith.addi %add3A_2050, %add3A_2876 : i32
        %get3A_2878 = arith.index_cast %add3A_2877 : i32 to index
        %get3A_2879 = arith.constant 0 : index
        %get3A_2880 = tpu.vector_load %arg11[%get3A_2878, %get3A_2879] {strides = array<i32>} : memref<128x64xf32, #tpu.memory_space<vmem>>, vector<16xf32>,
        %get3A_2881 = arith.index_cast %add3A_2877 : i32 to index
        %get3A_2882 = arith.constant 0 : index
        %get3A_2883 = tpu.vector_load %arg12[%get3A_2881, %get3A_2882] {strides = array<i32>} : memref<128x128xf32, #tpu.memory_space<vmem>>, vector<16xf32>,
        %add3A_2884 = arith.addf %get3A_2880, %get3A_2883 : vector<16xf32>
        %get3A_2885 = arith.index_cast %add3A_2877 : i32 to index
        %get3A_2886 = arith.constant 0 : index
        %get3A_2887 = tpu.vector_load %arg13[%get3A_2885, %get3A_2886] {strides = array<i32>} : memref<128x64xf32, #tpu.memory_space<vmem>>, vector<16xf32>,
        %sub3A_2888 = arith.subf %add3A_2884, %get3A_2887 : vector<16xf32>
        %mul3A_2889 = arith.mulf %sub3A_2888, %sub3A_2888 : vector<16xf32>
        %get3A_2890 = arith.index_cast %add3A_2877 : i32 to index
        %get3A_2891 = arith.constant 16 : index
        %get3A_2892 = tpu.vector_load %arg11[%get3A_2890, %get3A_2891] {strides = array<i32>} : memref<128x64xf32, #tpu.memory_space<vmem>>, vector<16xf32>,
        %get3A_2893 = arith.index_cast %add3A_2877 : i32 to index
        %get3A_2894 = arith.constant 16 : index
        %get3A_2895 = tpu.vector_load %arg12[%get3A_2893, %get3A_2894] {strides = array<i32>} : memref<128x128xf32, #tpu.memory_space<vmem>>, vector<16xf32>,
        %add3A_2896 = arith.addf %get3A_2892, %get3A_2895 : vector<16xf32>
        %get3A_2897 = arith.index_cast %add3A_2877 : i32 to index
        %get3A_2898 = arith.constant 16 : index
        %get3A_2899 = tpu.vector_load %arg13[%get3A_2897, %get3A_2898] {strides = array<i32>} : memref<128x64xf32, #tpu.memory_space<vmem>>, vector<16xf32>,
        %sub3A_2900 = arith.subf %add3A_2896, %get3A_2899 : vector<16xf32>
        %mul3A_2901 = arith.mulf %sub3A_2900, %sub3A_2900 : vector<16xf32>
        %add3A_2902 = arith.addf %mul3A_2889, %mul3A_2901 : vector<16xf32>
        %get3A_2903 = arith.index_cast %add3A_2877 : i32 to index
        %get3A_2904 = arith.constant 32 : index
        %get3A_2905 = tpu.vector_load %arg11[%get3A_2903, %get3A_2904] {strides = array<i32>} : memref<128x64xf32, #tpu.memory_space<vmem>>, vector<16xf32>,
        %get3A_2906 = arith.index_cast %add3A_2877 : i32 to index
        %get3A_2907 = arith.constant 32 : index
        %get3A_2908 = tpu.vector_load %arg12[%get3A_2906, %get3A_2907] {strides = array<i32>} : memref<128x128xf32, #tpu.memory_space<vmem>>, vector<16xf32>,
        %add3A_2909 = arith.addf %get3A_2905, %get3A_2908 : vector<16xf32>
        %get3A_2910 = arith.index_cast %add3A_2877 : i32 to index
        %get3A_2911 = arith.constant 32 : index
        %get3A_2912 = tpu.vector_load %arg13[%get3A_2910, %get3A_2911] {strides = array<i32>} : memref<128x64xf32, #tpu.memory_space<vmem>>, vector<16xf32>,
        %sub3A_2913 = arith.subf %add3A_2909, %get3A_2912 : vector<16xf32>
        %mul3A_2914 = arith.mulf %sub3A_2913, %sub3A_2913 : vector<16xf32>
        %add3A_2915 = arith.addf %add3A_2902, %mul3A_2914 : vector<16xf32>
        %get3A_2916 = arith.index_cast %add3A_2877 : i32 to index
        %get3A_2917 = arith.constant 48 : index
        %get3A_2918 = tpu.vector_load %arg11[%get3A_2916, %get3A_2917] {strides = array<i32>} : memref<128x64xf32, #tpu.memory_space<vmem>>, vector<16xf32>,
        %get3A_2919 = arith.index_cast %add3A_2877 : i32 to index
        %get3A_2920 = arith.constant 48 : index
        %get3A_2921 = tpu.vector_load %arg12[%get3A_2919, %get3A_2920] {strides = array<i32>} : memref<128x128xf32, #tpu.memory_space<vmem>>, vector<16xf32>,
        %add3A_2922 = arith.addf %get3A_2918, %get3A_2921 : vector<16xf32>
        %get3A_2923 = arith.index_cast %add3A_2877 : i32 to index
        %get3A_2924 = arith.constant 48 : index
        %get3A_2925 = tpu.vector_load %arg13[%get3A_2923, %get3A_2924] {strides = array<i32>} : memref<128x64xf32, #tpu.memory_space<vmem>>, vector<16xf32>,
        %sub3A_2926 = arith.subf %add3A_2922, %get3A_2925 : vector<16xf32>
        %mul3A_2927 = arith.mulf %sub3A_2926, %sub3A_2926 : vector<16xf32>
        %add3A_2928 = arith.addf %add3A_2915, %mul3A_2927 : vector<16xf32>
        %swap3A_2929 = arith.constant 360 : index
        %swap3A_2930 = tpu.vector_load %arg15[%swap3A_2929] {strides = array<i32>} : memref<384xf32, #tpu.memory_space<vmem>>, vector<16xf32>,
        tpu.vector_store %arg15[%swap3A_2929], %add3A_2928 {strides = array<i32>} : memref<384xf32, #tpu.memory_space<vmem>>, vector<16xf32>,
        %gather3A_2931 = tpu.vector_load_idx %arg15[%mul3A_5] : memref<384xf32, #tpu.memory_space<vmem>>[vector<16xi32>], vector<16xf32>,
        %add3A_2932 = arith.constant 1 : i32
        %add3A_2933 = vector.broadcast %add3A_2932 : i32 to vector<16xi32>
        %add3A_2934 = arith.addi %mul3A_5, %add3A_2933 : vector<16xi32>
        %gather3A_2935 = tpu.vector_load_idx %arg15[%add3A_2934] : memref<384xf32, #tpu.memory_space<vmem>>[vector<16xi32>], vector<16xf32>,
        %add3A_2936 = arith.addf %gather3A_2931, %gather3A_2935 : vector<16xf32>
        %add3A_2937 = arith.constant 2 : i32
        %add3A_2938 = vector.broadcast %add3A_2937 : i32 to vector<16xi32>
        %add3A_2939 = arith.addi %mul3A_5, %add3A_2938 : vector<16xi32>
        %gather3A_2940 = tpu.vector_load_idx %arg15[%add3A_2939] : memref<384xf32, #tpu.memory_space<vmem>>[vector<16xi32>], vector<16xf32>,
        %add3A_2941 = arith.addf %add3A_2936, %gather3A_2940 : vector<16xf32>
        %add3A_2942 = arith.constant 3 : i32
        %add3A_2943 = vector.broadcast %add3A_2942 : i32 to vector<16xi32>
        %add3A_2944 = arith.addi %mul3A_5, %add3A_2943 : vector<16xi32>
        %gather3A_2945 = tpu.vector_load_idx %arg15[%add3A_2944] : memref<384xf32, #tpu.memory_space<vmem>>[vector<16xi32>], vector<16xf32>,
        %add3A_2946 = arith.addf %add3A_2941, %gather3A_2945 : vector<16xf32>
        %add3A_2947 = arith.constant 4 : i32
        %add3A_2948 = vector.broadcast %add3A_2947 : i32 to vector<16xi32>
        %add3A_2949 = arith.addi %mul3A_5, %add3A_2948 : vector<16xi32>
        %gather3A_2950 = tpu.vector_load_idx %arg15[%add3A_2949] : memref<384xf32, #tpu.memory_space<vmem>>[vector<16xi32>], vector<16xf32>,
        %add3A_2951 = arith.addf %add3A_2946, %gather3A_2950 : vector<16xf32>
        %add3A_2952 = arith.constant 5 : i32
        %add3A_2953 = vector.broadcast %add3A_2952 : i32 to vector<16xi32>
        %add3A_2954 = arith.addi %mul3A_5, %add3A_2953 : vector<16xi32>
        %gather3A_2955 = tpu.vector_load_idx %arg15[%add3A_2954] : memref<384xf32, #tpu.memory_space<vmem>>[vector<16xi32>], vector<16xf32>,
        %add3A_2956 = arith.addf %add3A_2951, %gather3A_2955 : vector<16xf32>
        %add3A_2957 = arith.constant 6 : i32
        %add3A_2958 = vector.broadcast %add3A_2957 : i32 to vector<16xi32>
        %add3A_2959 = arith.addi %mul3A_5, %add3A_2958 : vector<16xi32>
        %gather3A_2960 = tpu.vector_load_idx %arg15[%add3A_2959] : memref<384xf32, #tpu.memory_space<vmem>>[vector<16xi32>], vector<16xf32>,
        %add3A_2961 = arith.addf %add3A_2956, %gather3A_2960 : vector<16xf32>
        %add3A_2962 = arith.constant 7 : i32
        %add3A_2963 = vector.broadcast %add3A_2962 : i32 to vector<16xi32>
        %add3A_2964 = arith.addi %mul3A_5, %add3A_2963 : vector<16xi32>
        %gather3A_2965 = tpu.vector_load_idx %arg15[%add3A_2964] : memref<384xf32, #tpu.memory_space<vmem>>[vector<16xi32>], vector<16xf32>,
        %add3A_2966 = arith.addf %add3A_2961, %gather3A_2965 : vector<16xf32>
        %add3A_2967 = arith.constant 8 : i32
        %add3A_2968 = vector.broadcast %add3A_2967 : i32 to vector<16xi32>
        %add3A_2969 = arith.addi %mul3A_5, %add3A_2968 : vector<16xi32>
        %gather3A_2970 = tpu.vector_load_idx %arg15[%add3A_2969] : memref<384xf32, #tpu.memory_space<vmem>>[vector<16xi32>], vector<16xf32>,
        %add3A_2971 = arith.addf %add3A_2966, %gather3A_2970 : vector<16xf32>
        %add3A_2972 = arith.constant 9 : i32
        %add3A_2973 = vector.broadcast %add3A_2972 : i32 to vector<16xi32>
        %add3A_2974 = arith.addi %mul3A_5, %add3A_2973 : vector<16xi32>
        %gather3A_2975 = tpu.vector_load_idx %arg15[%add3A_2974] : memref<384xf32, #tpu.memory_space<vmem>>[vector<16xi32>], vector<16xf32>,
        %add3A_2976 = arith.addf %add3A_2971, %gather3A_2975 : vector<16xf32>
        %add3A_2977 = arith.constant 10 : i32
        %add3A_2978 = vector.broadcast %add3A_2977 : i32 to vector<16xi32>
        %add3A_2979 = arith.addi %mul3A_5, %add3A_2978 : vector<16xi32>
        %gather3A_2980 = tpu.vector_load_idx %arg15[%add3A_2979] : memref<384xf32, #tpu.memory_space<vmem>>[vector<16xi32>], vector<16xf32>,
        %add3A_2981 = arith.addf %add3A_2976, %gather3A_2980 : vector<16xf32>
        %add3A_2982 = arith.constant 11 : i32
        %add3A_2983 = vector.broadcast %add3A_2982 : i32 to vector<16xi32>
        %add3A_2984 = arith.addi %mul3A_5, %add3A_2983 : vector<16xi32>
        %gather3A_2985 = tpu.vector_load_idx %arg15[%add3A_2984] : memref<384xf32, #tpu.memory_space<vmem>>[vector<16xi32>], vector<16xf32>,
        %add3A_2986 = arith.addf %add3A_2981, %gather3A_2985 : vector<16xf32>
        %add3A_2987 = arith.constant 12 : i32
        %add3A_2988 = vector.broadcast %add3A_2987 : i32 to vector<16xi32>
        %add3A_2989 = arith.addi %mul3A_5, %add3A_2988 : vector<16xi32>
        %gather3A_2990 = tpu.vector_load_idx %arg15[%add3A_2989] : memref<384xf32, #tpu.memory_space<vmem>>[vector<16xi32>], vector<16xf32>,
        %add3A_2991 = arith.addf %add3A_2986, %gather3A_2990 : vector<16xf32>
        %add3A_2992 = arith.constant 13 : i32
        %add3A_2993 = vector.broadcast %add3A_2992 : i32 to vector<16xi32>
        %add3A_2994 = arith.addi %mul3A_5, %add3A_2993 : vector<16xi32>
        %gather3A_2995 = tpu.vector_load_idx %arg15[%add3A_2994] : memref<384xf32, #tpu.memory_space<vmem>>[vector<16xi32>], vector<16xf32>,
        %add3A_2996 = arith.addf %add3A_2991, %gather3A_2995 : vector<16xf32>
        %add3A_2997 = arith.constant 14 : i32
        %add3A_2998 = vector.broadcast %add3A_2997 : i32 to vector<16xi32>
        %add3A_2999 = arith.addi %mul3A_5, %add3A_2998 : vector<16xi32>
        %gather3A_3000 = tpu.vector_load_idx %arg15[%add3A_2999] : memref<384xf32, #tpu.memory_space<vmem>>[vector<16xi32>], vector<16xf32>,
        %add3A_3001 = arith.addf %add3A_2996, %gather3A_3000 : vector<16xf32>
        %add3A_3002 = arith.constant 15 : i32
        %add3A_3003 = vector.broadcast %add3A_3002 : i32 to vector<16xi32>
        %add3A_3004 = arith.addi %mul3A_5, %add3A_3003 : vector<16xi32>
        %gather3A_3005 = tpu.vector_load_idx %arg15[%add3A_3004] : memref<384xf32, #tpu.memory_space<vmem>>[vector<16xi32>], vector<16xf32>,
        %add3A_3006 = arith.addf %add3A_3001, %gather3A_3005 : vector<16xf32>
        %bitcast3A_3007 = vector.bitcast %add3A_3006 : vector<16xf32> to vector<16xi32>
        %shift_right_logical3A_3008 = arith.constant 1 : i32
        %shift_right_logical3A_3009 = vector.broadcast %shift_right_logical3A_3008 : i32 to vector<16xi32>
        %shift_right_logical3A_3010 = arith.shrui %bitcast3A_3007, %shift_right_logical3A_3009 : vector<16xi32>
        %sub3A_3011 = arith.constant 1597463007 : i32
        %sub3A_3012 = vector.broadcast %sub3A_3011 : i32 to vector<16xi32>
        %sub3A_3013 = arith.subi %sub3A_3012, %shift_right_logical3A_3010 : vector<16xi32>
        %bitcast3A_3014 = vector.bitcast %sub3A_3013 : vector<16xi32> to vector<16xf32>
        %mul3A_3015 = arith.constant -5.000000e-01 : f32
        %mul3A_3016 = vector.broadcast %mul3A_3015 : f32 to vector<16xf32>
        %mul3A_3017 = arith.mulf %add3A_3006, %mul3A_3016 : vector<16xf32>
        %mul3A_3018 = arith.mulf %mul3A_3017, %bitcast3A_3014 : vector<16xf32>
        %mul3A_3019 = arith.mulf %mul3A_3018, %bitcast3A_3014 : vector<16xf32>
        %add3A_3020 = arith.constant 1.500000e+00 : f32
        %add3A_3021 = vector.broadcast %add3A_3020 : f32 to vector<16xf32>
        %add3A_3022 = arith.addf %add3A_3021, %mul3A_3019 : vector<16xf32>
        %mul3A_3023 = arith.mulf %bitcast3A_3014, %add3A_3022 : vector<16xf32>
        %mul3A_3024 = arith.mulf %mul3A_3017, %mul3A_3023 : vector<16xf32>
        %mul3A_3025 = arith.mulf %mul3A_3024, %mul3A_3023 : vector<16xf32>
        %add3A_3026 = arith.constant 1.500000e+00 : f32
        %add3A_3027 = vector.broadcast %add3A_3026 : f32 to vector<16xf32>
        %add3A_3028 = arith.addf %add3A_3027, %mul3A_3025 : vector<16xf32>
        %mul3A_3029 = arith.mulf %mul3A_3023, %add3A_3028 : vector<16xf32>
        %mul3A_3030 = arith.mulf %add3A_3006, %mul3A_3029 : vector<16xf32>
        %sub3A_3031 = arith.constant 0.000000e+00 : f32
        %sub3A_3032 = vector.broadcast %sub3A_3031 : f32 to vector<16xf32>
        %sub3A_3033 = arith.subf %sub3A_3032, %mul3A_3030 : vector<16xf32>
        %swap3A_3034 = arith.index_cast %add3A_2050 : i32 to index
        %swap3A_3035 = tpu.vector_load %arg14[%swap3A_3034] {strides = array<i32>} : memref<128xf32, #tpu.memory_space<vmem>>, vector<16xf32>,
        tpu.vector_store %arg14[%swap3A_3034], %sub3A_3033 {strides = array<i32>} : memref<128xf32, #tpu.memory_space<vmem>>, vector<16xf32>,
      }
      %scan3A_512 = arith.constant 4 : i32
      %add3A_513 = arith.addi %mul3A_2, %mul3A_16 : i32
      "tpu.region"() ({
        %run_scoped3A = tpu.sem_alloc : memref<!tpu.dma_semaphore, #tpu.memory_space<semaphore_mem>>
        %dma_start3A_514 = tpu.memref_slice %arg7[%add3A_513] : memref<16384xf32, #tpu.memory_space<hbm>> -> memref<128xf32, #tpu.memory_space<hbm>>
        %dma_start3A_515 = tpu.memref_slice %arg7[%add3A_513] : memref<16384xf32, #tpu.memory_space<hbm>> -> memref<128xf32, #tpu.memory_space<hbm>>
        tpu.enqueue_dma source(%arg14 : memref<128xf32, #tpu.memory_space<vmem>>) target(%dma_start3A_515 : memref<128xf32, #tpu.memory_space<hbm>>) target_semaphore(%run_scoped3A : memref<!tpu.dma_semaphore, #tpu.memory_space<semaphore_mem>>)
        %dma_wait3A_516 = tpu.memref_slice %arg7[%add3A_513] : memref<16384xf32, #tpu.memory_space<hbm>> -> memref<128xf32, #tpu.memory_space<hbm>>
        %dma_wait3A_517 = tpu.memref_slice %arg7[%add3A_513] : memref<16384xf32, #tpu.memory_space<hbm>> -> memref<128xf32, #tpu.memory_space<hbm>>
        tpu.wait_dma2 semaphore(%run_scoped3A : memref<!tpu.dma_semaphore, #tpu.memory_space<semaphore_mem>>) src(%arg14 : memref<128xf32, #tpu.memory_space<vmem>>) dst(%dma_wait3A_517 : memref<128xf32, #tpu.memory_space<hbm>>)
        tpu.yield
      }) : () -> ()
    }
    %scan3A_9 = arith.constant 4 : i32
    return
  }
}

</mosaic_0001>

<sc_bundles>
// kernel: kernel.3.cloned.1.call-start
scs
__scs_entry_jumppad:
0x0: {  	(pc) =	sbr.rel $0x88, $3  }
0x1: {  	(tag) =	ssettag $0x0;
	lr =	simm.s32 $0x1  }
0x2: {  	[smem:$0x3F9C] =	sst lr;
	_ =	strace $0xD0000000  }
0x3: {  	_ = 	snop  }
0x4: {  	_ = 	snop  }
0x5: {  	_ = 	snop  }
0x6: {  	_ = 	snop  }
0x7: {  	_ = 	snop  }
__scs_overlays_trampoline_lowered:
0x8: {  	[smem:$0x3FAB] =	sst s0  }
0x9: {  	[smem:$0x3FAC] =	sst s1  }
0xa: {  	[smem:$0x3FAD] =	sst s2  }
0xb: {  	[smem:$0x3FAE] =	sst s3  }
0xc: {  	[smem:$0x3FAF] =	sst s4  }
0xd: {  	[smem:$0x3FB0] =	sst s5  }
0xe: {  	[smem:$0x3FB1] =	sst s6  }
0xf: {  	[smem:$0x3FB2] =	sst s7  }
0x10: {  	[smem:$0x3FB3] =	sst s8  }
0x11: {  	[smem:$0x3FB4] =	sst s9;
	s0 =	simm.s32 @!p0 $0x0  }
0x12: {  	s1 =	sld [smem:$0x3F9A];
	s0 =	simm.s32 @p0 $0x1  }
0x13: {  	[smem:$0x3FB5] =	sst s0;
	s0 =	simm.s32 @!p1 $0x0  }
0x14: {  	s2 =	sld [smem:$0x3F99];
	s0 =	simm.s32 @p1 $0x1  }
0x15: {  	[smem:$0x3FB6] =	sst s0;
	s0 =	simm.s32 @!p2 $0x0  }
0x16: {  	s3 =	sld [smem:$0x3FDB];
	s0 =	simm.s32 @p2 $0x1  }
0x17: {  	s4 =	simm.s32 $0x1BF5;
	[smem:$0x3FB8] =	sst s0  }
0x18: {  	s0 =	sld [smem:$0x3F9B];
	_ =	swait.ge [sflag:s4], $0x0  }
0x19: {  	s7 =	sld [smem:$0x3F9C]  }
0x1a: {  	s8 =	sadd.s32 $0xFFFFE003, lr  }
0x1b: {  	s9 =	sadd.s32 $0xFFFFFEF7, lr;
	s5 =	simm.s32 $0xFFFFFFFF;
	p2 =	slt.u32 s8, $0xFFFFF086  }
0x1c: {  	p1 =	slt.u32 s9, $0xF7A;
	s5 =	simm.s32 @!p2 $0x0  }
0x1d: {  	s5 =	simm.s32 @p1 $0x1;
	p0 =	seq.s32 s7, s2  }
0x1e: {  	s7 =	smul.u32 @!p0 $0xF7A, s2;
	p2 =	seq.s32 @!p0 s5, $0x0  }
0x1f: {  	s9 =	smul.u32 $0xF7A, s1;
	s8 =	simm.s32 @!p0 $0x1BF5;
	p2 =	por !p2, p0  }
0x20: {  	[sflag:s8] =	ssyncset.s32 @!p0 $0xFFFFF086;
	s6 =	sadd.s32 @!p0 s3, s7;
	s7 =	simm.s32 @!p0 $0x108  }
0x21: {  	s3 =	sadd.s32 s3, s9;
	s6 =	sadd.s32 @!p0 $0x88, s6;
	s7 =	simm.s32 @p2 $0x1082  }
0x22: {  	[simem:s7], [sflag:s8] =	dma.local @!p0 [hbm:s6], $0xF7A  }
0x23: {  	s9 =	sor.u32 $0xD0000000, s2;
	s6 =	simm.s32 $0x108;
	_ =	swait.ge @!p0 [sflag:s8], $0x0  }
0x24: {  	s3 =	sadd.s32 $0x88, s3;
	s6 =	simm.s32 @!p1 $0x1082;
	[sflag:s4] =	ssyncset.s32 $0xFFFFF086  }
0x25: {  	[simem:s6], [sflag:s4] =	dma.local [hbm:s3], $0xF7A  }
0x26: {  	[smem:$0x3F9C] =	sst s1;
	(tag) =	ssettag s2;
	_ =	strace s9  }
0x27: {  	s1 =	sld [smem:$0x3FAC]  }
0x28: {  	s2 =	sld [smem:$0x3FAD]  }
0x29: {  	s4 =	sld [smem:$0x3FAF]  }
0x2a: {  	p0 =	seq.s32 s5, $0x0;
	s5 =	sld [smem:$0x3FB0]  }
0x2b: {  	s6 =	sld [smem:$0x3FB1]  }
0x2c: {  	s7 =	sld [smem:$0x3FB2]  }
0x2d: {  	s3 =	simm.s32 $0x108;
	s8 =	sld [smem:$0x3FB3]  }
0x2e: {  	s3 =	simm.s32 @!p0 $0x1082;
	s9 =	sld [smem:$0x3FB4]  }
0x2f: {  	lr =	sadd.s32 s0, s3;
	s0 =	sld [smem:$0x3FAB]  }
0x30: {  	s3 =	sld [smem:$0x3FAE]  }
0x31: {  	[smem:$0x3FB7] =	sst s10  }
0x32: {  	s10 =	sld [smem:$0x3FB5];
	_ =	sdelay $0x3  }
0x33: {  	p0 =	seq.s32 s10, $0x1;
	s10 =	sld [smem:$0x3FB7];
	_ =	sdelay $0x3  }
0x34: {  	[smem:$0x3FB7] =	sst s10  }
0x35: {  	s10 =	sld [smem:$0x3FB6];
	_ =	sdelay $0x3  }
0x36: {  	p1 =	seq.s32 s10, $0x1;
	s10 =	sld [smem:$0x3FB7];
	_ =	sdelay $0x3  }
0x37: {  	[smem:$0x3FB7] =	sst s10  }
0x38: {  	s10 =	sld [smem:$0x3FB8]  }
0x39: {  	_ = 	snop;
	(pc) =	sbr.ind lr, $3  }
0x3a: {  	_ = 	snop  }
0x3b: {  	_ = 	snop  }
0x3c: {  	p2 =	seq.s32 s10, $0x1;
	s10 =	sld [smem:$0x3FB7]  }
0x3d: {  	_ =	shalt  }
0x3e: {  	_ =	shalt  }
0x3f: {  	_ =	shalt  }
0x40: {  	_ =	shalt  }
0x41: {  	_ =	shalt  }
0x42: {  	_ =	shalt  }
0x43: {  	_ =	shalt  }
0x44: {  	_ =	shalt  }
0x45: {  	_ =	shalt  }
0x46: {  	_ =	shalt  }
0x47: {  	_ =	shalt  }
0x48: {  	_ =	shalt  }
0x49: {  	_ =	shalt  }
0x4a: {  	_ =	shalt  }
0x4b: {  	_ =	shalt  }
0x4c: {  	_ =	shalt  }
0x4d: {  	_ =	shalt  }
0x4e: {  	_ =	shalt  }
0x4f: {  	_ =	shalt  }
0x50: {  	_ =	shalt  }
0x51: {  	_ =	shalt  }
0x52: {  	_ =	shalt  }
0x53: {  	_ =	shalt  }
0x54: {  	_ =	shalt  }
0x55: {  	_ =	shalt  }
0x56: {  	_ =	shalt  }
0x57: {  	_ =	shalt  }
0x58: {  	_ =	shalt  }
0x59: {  	_ =	shalt  }
0x5a: {  	_ =	shalt  }
0x5b: {  	_ =	shalt  }
0x5c: {  	_ =	shalt  }
0x5d: {  	_ =	shalt  }
0x5e: {  	_ =	shalt  }
0x5f: {  	_ =	shalt  }
0x60: {  	_ =	shalt  }
0x61: {  	_ =	shalt  }
0x62: {  	_ =	shalt  }
0x63: {  	_ =	shalt  }
0x64: {  	_ =	shalt  }
0x65: {  	_ =	shalt  }
0x66: {  	_ =	shalt  }
0x67: {  	_ =	shalt  }
0x68: {  	_ =	shalt  }
0x69: {  	_ =	shalt  }
0x6a: {  	_ =	shalt  }
0x6b: {  	_ =	shalt  }
0x6c: {  	_ =	shalt  }
0x6d: {  	_ =	shalt  }
0x6e: {  	_ =	shalt  }
0x6f: {  	_ =	shalt  }
0x70: {  	_ =	shalt  }
0x71: {  	_ =	shalt  }
0x72: {  	_ =	shalt  }
0x73: {  	_ =	shalt  }
0x74: {  	_ =	shalt  }
0x75: {  	_ =	shalt  }
0x76: {  	_ =	shalt  }
0x77: {  	_ =	shalt  }
0x78: {  	_ =	shalt  }
0x79: {  	_ =	shalt  }
0x7a: {  	_ =	shalt  }
0x7b: {  	_ =	shalt  }
0x7c: {  	_ =	shalt  }
0x7d: {  	_ =	shalt  }
0x7e: {  	_ =	shalt  }
0x7f: {  	_ =	shalt  }
0x80: {  	_ =	shalt  }
0x81: {  	_ =	shalt  }
0x82: {  	_ =	shalt  }
0x83: {  	_ =	shalt  }
0x84: {  	_ =	shalt  }
0x85: {  	_ =	shalt  }
0x86: {  	_ =	shalt  }
0x87: {  	_ =	shalt  }
.Lfunc_end0:
.L_simem_size_0:
called_computation_lowered:
.L_overlay_start_0:
0x88: {  	s2 =	sld [smem:$0x3FD9]  }
0x89: {  	s3 =	sld [smem:$0x3FFE];
	_ =	sdelay $0x1  }
0x8a: {  	s1 =	srdreg.scid  }
0x8b: {  	s0 =	sand.u32 $0x1, s1  }
0x8c: {  	s17 =	sshll.u32 s0, $0xA;
	s2 =	sadd.s32 s3, s2  }
0x8d: {  	s2 =	sadd.s32 s2, s17  }
0x8e: {  	[smem:$0x3FC3] =	sst s2  }
0x8f: {  	_ = 	snop  }
0x90: {  	s2 =	sld [smem:$0x3FC9]  }
0x91: {  	s18 =	sld [smem:$0x3FC8]  }
0x92: {  	s4 =	sld [smem:$0x3FC7]  }
0x93: {  	s5 =	sld [smem:$0x3FD0];
	(tm) =	ssettm $0x1  }
0x94: {  	s6 =	sld [smem:$0x3FFB];
	_ =	sdelay $0x3  }
0x95: {  	_ =	strace s6  }
0x96: {  	s6 =	sld [smem:$0x3FFC];
	_ =	sdelay $0x3  }
0x97: {  	_ =	strace s6  }
0x98: {  	s6 =	sld [smem:$0x3FFD];
	_ =	sdelay $0x3  }
0x99: {  	_ =	strace s6  }
0x9a: {  	_ =	strace $0x8FFFFFFF  }
0x9b: {  	s19 =	sld [smem:$0x3FDB];
	_ =	sdelay $0x1  }
0x9c: {  	s7 =	simm.s32 $_scs_section_size  }
0x9d: {  	s8 =	simm.s32 $_size__tile_overlayer_lowered;
	s9 =	simm.s32 $_tile_overlayer_lowered  }
0x9e: {  	s22 =	simm.s32 $0x1BFF;
	s21 =	sshll.u32 s9, $0x1;
	s6 =	sadd.s32 s7, s19  }
0x9f: {  	s10 =	simm.s32 $0x0;
	s20 =	sshll.u32 s8, $0x1;
	s8 =	sadd.s32 s21, s6  }
0xa0: {  	[timem:s10], [sflag:s22] =	dma.local [hbm:s8], s20  }
0xa1: {  	_ =	swait.ge [sflag:s22], s20  }
0xa2: {  	s7 =	ssub.s32 $0x0, s20;
	[sflag:s22] =	ssyncset.done $0x0  }
0xa3: {  	[sflag:s22] =	ssyncadd.s32 s7;
	_ =	sdelay $0x1  }
0xa4: {  	s23 =	simm.s32 $0x1B8B  }
0xa5: {  	_ =	swait.ge [sflag:s23], $0x1  }
0xa6: {  	[sflag:s23] =	ssyncset.done $0x0  }
0xa7: {  	s25 =	simm.s32 $0x1B8E;
	s24 =	sld [smem:$0x3FFE];
	[sflag:s23] =	ssyncadd.s32 $0xFFFFFFFF  }
0xa8: {  	s26 =	simm.s32 $execute0_lowered;
	[smem:$0x3FD2] =	sst s25  }
0xa9: {  	s8 =	sshll.u32 s26, $0x1;
	_ =	strace $0x80000046;
	[dreg:$0x1] =	wrdreg $0xFFFFFFFF  }
0xaa: {  	s28 =	simm.s32 $_size_execute0_lowered;
	s6 =	sadd.s32 s6, s8;
	[dreg:$0x0] =	wrdreg $0x0  }
0xab: {  	s8 =	sshll.u32 s28, $0x1;
	[dreg:$0x2] =	wrdreg s6  }
0xac: {  	[dreg:$0x3] =	wrdreg s8  }
0xad: {  	[dreg:$0x4] =	wrdreg $0xC0  }
0xae: {  	_ =	task [dreg:s10], $0x5FFFF  }
0xaf: {  	[dreg:$0x1] =	wrdreg $0xFFFFFFFF  }
0xb0: {  	[dreg:$0x0] =	wrdreg $0x60  }
0xb1: {  	[dreg:$0x2] =	wrdreg s2  }
0xb2: {  	[dreg:$0x3] =	wrdreg s18  }
0xb3: {  	[dreg:$0x4] =	wrdreg s4  }
0xb4: {  	[dreg:$0x5] =	wrdreg s24  }
0xb5: {  	[dreg:$0x6] =	wrdreg s5  }
0xb6: {  	[dreg:$0x7] =	wrdreg $0x9  }
0xb7: {  	_ =	task.clear_ibuf [dreg:s10], $0x8FFFF;
	_ =	strace $0x90000046  }
0xb8: {  	s29 =	simm.s32 $0x9;
	_ =	strace $0x80000048  }
0xb9: {  	_ =	swait.ge [sflag:s29], $0x1  }
0xba: {  	[sflag:s29] =	ssyncadd.s32 $0xFFFFFFFF  }
0xbb: {  	_ =	strace $0x90000048  }
0xbc: {  	_ =	sfence  }
0xbd: {  	s30 =	sld [smem:$0x0];
	_ =	sdelay $0x2  }
0xbe: {  	s31 =	sshll.u32 s1, $0xD;
	s1 =	sshrl.u32 s1, $0x2  }
0xbf: {  	s3 =	sand.u32 $0x4000, s31;
	s1 =	sadd.s32 s1, s30  }
0xc0: {  	s0 =	sor.u32 s3, s0;
	s1 =	sshll.u32 s1, $0x11  }
0xc1: {  	s0 =	sor.u32 s1, s0  }
0xc2: {  	s0 =	sadd.s32 $0x8F2B, s0  }
0xc3: {  	[sflag:s0] =	ssyncadd.remote.s32 $0x1  }
0xc4: {  	_ =	sfence.sel $0xFFFF  }
0xc5: {  	[dreg:$0x0] =	wrdreg $0xFFFFFFFF;
	(pc) =	sbr.abs _section_cstart, $3  }
0xc6: {  	[dreg:$0x1] =	wrdreg $0xFFFFFFFF  }
0xc7: {  	_ =	task.clear_ibuf [dreg:s10], $0x2FFFF;
	_ =	strace $0x9FFFFFFF  }
0xc8: {  	(tm) =	ssettm $0x7FFFFFFF  }
0xc9: {  	_ =	shalt  }
tec
execute0_lowered:
.L_overlay_start_1:
0x0: {  	(tag) =	ssettag $0x1  }
0x1: {  	s0 =	rddreg [dreg:$0x0]  }
0x2: {  	s1 =	rddreg [dreg:$0x1]  }
0x3: {  	s2 =	rddreg [dreg:$0x2]  }
0x4: {  	s6 =	rddreg [dreg:$0x3];
	s3 =	simm.s32 $0x0  }
0x5: {  	s4 =	srdreg.scid;
	s7 =	stileid.u32;
	s11 =	simm.s32 $0x4  }
0x6: {  	s14 =	simm.s32 $0xC00;
	s15 =	simm.s32 $0x8C00;
	s16 =	simm.s32 $0xC80  }
0x7: {  	s17 =	simm.s32 $0x8C80;
	s18 =	simm.s32 $0xD00;
	s19 =	simm.s32 $0x8D00  }
0x8: {  	s20 =	simm.s32 $0xD80;
	s21 =	simm.s32 $0x8D80;
	s22 =	simm.s32 $0x3  }
0x9: {  	s23 =	simm.s32 $0x1;
	s24 =	simm.s32 $0xC680;
	s5 =	sand.u32 $0x1, s4  }
0xa: {  	v0 =	vlaneseq.u32;
	s25 =	simm.s32 $0x2;
	s7 =	sshll.u32 s7, $0xA;
	s8 =	sshll.u32 s5, $0x9  }
0xb: {  	s26 =	simm.s32 $0xC600;
	v0 =	vmul.u32 $0x18, v0;
	s9 =	ssub.s32 $0x2, s5;
	s5 =	sor.u32 s8, s7  }
0xc: {  	[smem:$0x7FF] =	sst s3;
	s4 =	sadd.s32 $0x4600, s6;
	s8 =	sshrl.u32 s5, $0x3  }
.Ltmp0:
0xd: {  	_ =	strace $0x80000047;
	v1 =	vor.u32 $0x1, v0;
	v2 =	vor.u32 $0x2, v0;
	v3 =	vor.u32 $0x3, v0;
	s0 =	sadd.s32 s0, s8;
	(pc) =	sbr.rel .LBB2_1-.Ltmp0, $4  }
0xe: {  	s28 =	sshrl.u32 s9, $0x1;
	v4 =	vor.u32 $0x4, v0;
	v5 =	vor.u32 $0x5, v0;
	v6 =	vor.u32 $0x6, v0;
	s29 =	sadd.s32 s1, s8;
	[dreg:$0x6] =	wrdreg s0  }
0xf: {  	v7 =	vor.u32 $0x7, v0;
	v8 =	vadd.s32 $0x8, v0;
	v9 =	vadd.s32 $0x9, v0;
	s7 =	ssub.s32 s9, s28;
	s30 =	sadd.s32 s2, s8;
	[dreg:$0x7] =	wrdreg s29  }
0x10: {  	s6 =	sadd.s32 $0x600, s6;
	v10 =	vadd.s32 $0xA, v0;
	v11 =	vadd.s32 $0xB, v0;
	v12 =	vadd.s32 $0xC, v0;
	s31 =	smax.u32 s7, $0x1;
	[dreg:$0x8] =	wrdreg s30  }
0x11: {  	v13 =	vadd.s32 $0xD, v0;
	v14 =	vadd.s32 $0xE, v0;
	v15 =	vadd.s32 $0xF, v0;
	s1 =	simm.s32 $0x8B80;
	s2 =	simm.s32 $0x0;
	[dreg:$0x9] =	wrdreg s31  }
.LBB2_7:
0x12: {  	s2 =	rddreg [dreg:$0xa]  }
0x13: {  	s0 =	rddreg [dreg:$0x9];
	s2 =	sadd.s32 $0x1, s2  }
0x14: {  	p0 =	sne.s32 s2, s0  }
.Ltmp1:
0x15: {  	_ = 	snop;
	(pc) =	sbr.rel @!p0 .LBB2_8-.Ltmp1, $1  }
0x16: {  	_ =	sdelay $0x3  }
.LBB2_1:
0x17: {  	[dreg:$0xa] =	wrdreg s2  }
0x18: {  	s0 =	rddreg [dreg:$0x6]  }
0x19: {  	[tilespmem:s3], [sflag:$0x4] =	stream.linear.gather [hbm4b:s0+s3], $0x200, $0x38;
	[tilespmem:$0xC800] =	vst v63  }
0x1a: {  	_ =	swait.ge [sflag:s11], $0x200  }
0x1b: {  	[sflag:s11] =	ssyncset.done $0x0  }
0x1c: {  	s29 =	simm.s32 $0x200;
	s13 =	rddreg [dreg:$0x7];
	[sflag:s11] =	ssyncadd.s32 $0xFFFFFE00  }
0x1d: {  	[tilespmem:s29], [sflag:$0x4] =	stream.linear.gather [hbm4b:s13+s3], $0x200, $0x38;
	[tilespmem:$0xC800] =	vst v63  }
0x1e: {  	_ =	swait.ge [sflag:s11], $0x200  }
0x1f: {  	s31 =	simm.s32 $0x400;
	[sflag:s11] =	ssyncset.done $0x0  }
.Ltmp2:
0x20: {  	s30 =	rddreg [dreg:$0x8];
	[sflag:s11] =	ssyncadd.s32 $0xFFFFFE00;
	(pc) =	sbr.rel .LBB2_2-.Ltmp2, $4  }
0x21: {  	[tilespmem:s31], [sflag:$0x4] =	stream.linear.gather [hbm4b:s30+s3], $0x200, $0x38;
	[tilespmem:$0xC800] =	vst v63  }
0x22: {  	_ =	swait.ge [sflag:s11], $0x200  }
0x23: {  	[sflag:s11] =	ssyncset.done $0x0  }
0x24: {  	s28 =	simm.s32 $0x0;
	[sflag:s11] =	ssyncadd.s32 $0xFFFFFE00  }
.LBB2_6:
0x25: {  	s0 =	sor.u32 s5, s29;
	s28 =	sadd.s32 $0x1, s28  }
0x26: {  	s2 =	rddreg [dreg:$0x4];
	s0 =	sshrl.u32 s0, $0x3;
	p0 =	sne.s32 s28, $0x4  }
.Ltmp3:
0x27: {  	s0 =	sadd.s32 s2, s0;
	(pc) =	sbr.rel @!p0 .LBB2_7-.Ltmp3, $4  }
0x28: {  	[hbm4b:s0+s3] =	stream.linear.scatter [tilespmem:s26], [sflag:$0x4], $0x80, $0x38;
	[tilespmem:$0xC800] =	vst v63  }
0x29: {  	_ =	swait.ge [sflag:s11], $0x80  }
0x2a: {  	[sflag:s11] =	ssyncset.done $0x0  }
0x2b: {  	[sflag:s11] =	ssyncadd.s32 $0xFFFFFF80  }
.LBB2_2:
0x2c: {  	s29 =	sshll.u32 s28, $0x7  }
0x2d: {  	s2 =	simm.s32 $0x80;
	s7 =	simm.s32 $0x4600;
	s0 =	sadd.s32 $0x200, s29  }
0x2e: {  	[tilespmem:s7], [sflag:$0x3] =	stream.indirect.gather [hbm4b:s6+s2], $0x80, s0, s2, $0xb8;
	[tilespmem:$0xC800] =	vst v63  }
0x2f: {  	v16 =	vld [tilespmem:s29+$0x0];
	_ =	sdelay $0x1  }
0x30: {  	v18 =	vld [tilespmem:s29+$0x400];
	_ =	sdelay $0x2  }
0x31: {  	v17 =	vshll.u32 v16, $0x4  }
0x32: {  	(v2sf) =	vpush v17, $0x0  }
0x33: {  	v16 =	vshll.u32 v18, $0x4  }
0x34: {  	(v2sf) =	vpush v16, $0x0;
	_ =	sdelay $0x1  }
0x35: {  	(v2sf) =	vpush v17, $0x1;
	_ =	sdelay $0x2  }
0x36: {  	(v2sf) =	vpush v16, $0x1;
	_ =	sdelay $0x7  }
0x37: {  	s2 =	spop (v2sf);
	(v2sf) =	vpush v17, $0x2;
	_ =	sdelay $0x1  }
0x38: {  	s8 =	spop (v2sf);
	(v2sf) =	vpush v16, $0x2;
	_ =	sdelay $0x1  }
0x39: {  	s10 =	spop (v2sf);
	(v2sf) =	vpush v17, $0x3;
	_ =	sdelay $0x2  }
0x3a: {  	s13 =	spop (v2sf);
	(v2sf) =	vpush v16, $0x3;
	_ =	sdelay $0x4  }
0x3b: {  	s0 =	sand.u32 $0x1FFFFFF0, s2  }
0x3c: {  	s30 =	simm.s32 $0x0;
	s7 =	simm.s32 $0x600;
	s0 =	sadd.s32 s4, s0  }
0x3d: {  	[tilespmem:s7], [sflag:$0x1] =	stream.linear.gather [hbm4b:s0+s30], $0x80, $0x38;
	[tilespmem:$0xC800] =	vst v63  }
0x3e: {  	s2 =	spop (v2sf);
	(v2sf) =	vpush v17, $0x4  }
0x3f: {  	s0 =	sand.u32 $0x1FFFFFF0, s8  }
0x40: {  	s9 =	simm.s32 $0x8600;
	s0 =	sadd.s32 s4, s0;
	s8 =	spop (v2sf);
	(v2sf) =	vpush v16, $0x4  }
0x41: {  	[tilespmem:s9], [sflag:$0x1] =	stream.linear.gather [hbm4b:s0+s30], $0x80, $0x38;
	[tilespmem:$0xC800] =	vst v63  }
0x42: {  	s0 =	sand.u32 $0x1FFFFFF0, s10;
	s10 =	spop (v2sf);
	(v2sf) =	vpush v17, $0x5  }
0x43: {  	s12 =	simm.s32 $0x680;
	s0 =	sadd.s32 s4, s0  }
0x44: {  	[tilespmem:s12], [sflag:$0x1] =	stream.linear.gather [hbm4b:s0+s30], $0x80, $0x38;
	[tilespmem:$0xC800] =	vst v63  }
0x45: {  	s0 =	sand.u32 $0x1FFFFFF0, s13;
	s13 =	spop (v2sf);
	(v2sf) =	vpush v16, $0x5;
	_ =	sdelay $0x1  }
0x46: {  	s31 =	simm.s32 $0x8680;
	s0 =	sadd.s32 s4, s0  }
0x47: {  	[tilespmem:s31], [sflag:$0x1] =	stream.linear.gather [hbm4b:s0+s30], $0x80, $0x38;
	[tilespmem:$0xC800] =	vst v63  }
0x48: {  	s0 =	sand.u32 $0x1FFFFFF0, s2  }
0x49: {  	s7 =	simm.s32 $0x700;
	s0 =	sadd.s32 s4, s0  }
0x4a: {  	[tilespmem:s7], [sflag:$0x1] =	stream.linear.gather [hbm4b:s0+s30], $0x80, $0x38;
	[tilespmem:$0xC800] =	vst v63  }
0x4b: {  	s0 =	sand.u32 $0x1FFFFFF0, s8  }
0x4c: {  	s9 =	simm.s32 $0x8700;
	s0 =	sadd.s32 s4, s0;
	s2 =	spop (v2sf);
	(v2sf) =	vpush v17, $0x6  }
0x4d: {  	[tilespmem:s9], [sflag:$0x1] =	stream.linear.gather [hbm4b:s0+s30], $0x80, $0x38;
	[tilespmem:$0xC800] =	vst v63  }
0x4e: {  	s8 =	spop (v2sf);
	(v2sf) =	vpush v16, $0x6  }
0x4f: {  	s0 =	sand.u32 $0x1FFFFFF0, s10  }
0x50: {  	s12 =	simm.s32 $0x780;
	s0 =	sadd.s32 s4, s0;
	s10 =	spop (v2sf);
	(v2sf) =	vpush v17, $0x7  }
0x51: {  	[tilespmem:s12], [sflag:$0x1] =	stream.linear.gather [hbm4b:s0+s30], $0x80, $0x38;
	[tilespmem:$0xC800] =	vst v63  }
0x52: {  	s0 =	sand.u32 $0x1FFFFFF0, s13  }
0x53: {  	s31 =	simm.s32 $0x8780;
	s0 =	sadd.s32 s4, s0;
	s13 =	spop (v2sf);
	(v2sf) =	vpush v16, $0x7  }
0x54: {  	[tilespmem:s31], [sflag:$0x1] =	stream.linear.gather [hbm4b:s0+s30], $0x80, $0x38;
	[tilespmem:$0xC800] =	vst v63  }
0x55: {  	s0 =	sand.u32 $0x1FFFFFF0, s2  }
0x56: {  	s7 =	simm.s32 $0x800;
	s0 =	sadd.s32 s4, s0  }
0x57: {  	[tilespmem:s7], [sflag:$0x1] =	stream.linear.gather [hbm4b:s0+s30], $0x80, $0x38;
	[tilespmem:$0xC800] =	vst v63  }
0x58: {  	s0 =	sand.u32 $0x1FFFFFF0, s8  }
0x59: {  	s9 =	simm.s32 $0x8800;
	s0 =	sadd.s32 s4, s0  }
0x5a: {  	[tilespmem:s9], [sflag:$0x1] =	stream.linear.gather [hbm4b:s0+s30], $0x80, $0x38;
	[tilespmem:$0xC800] =	vst v63  }
0x5b: {  	s2 =	spop (v2sf);
	(v2sf) =	vpush v17, $0x8  }
0x5c: {  	s0 =	sand.u32 $0x1FFFFFF0, s10  }
0x5d: {  	s12 =	simm.s32 $0x880;
	s0 =	sadd.s32 s4, s0;
	s8 =	spop (v2sf);
	(v2sf) =	vpush v16, $0x8  }
0x5e: {  	[tilespmem:s12], [sflag:$0x1] =	stream.linear.gather [hbm4b:s0+s30], $0x80, $0x38;
	[tilespmem:$0xC800] =	vst v63  }
0x5f: {  	s0 =	sand.u32 $0x1FFFFFF0, s13;
	s10 =	spop (v2sf);
	(v2sf) =	vpush v17, $0x9  }
0x60: {  	s31 =	simm.s32 $0x8880;
	s0 =	sadd.s32 s4, s0  }
0x61: {  	[tilespmem:s31], [sflag:$0x1] =	stream.linear.gather [hbm4b:s0+s30], $0x80, $0x38;
	[tilespmem:$0xC800] =	vst v63  }
0x62: {  	s13 =	spop (v2sf);
	(v2sf) =	vpush v16, $0x9  }
0x63: {  	s0 =	sand.u32 $0x1FFFFFF0, s2  }
0x64: {  	s7 =	simm.s32 $0x900;
	s0 =	sadd.s32 s4, s0  }
0x65: {  	[tilespmem:s7], [sflag:$0x1] =	stream.linear.gather [hbm4b:s0+s30], $0x80, $0x38;
	[tilespmem:$0xC800] =	vst v63  }
0x66: {  	s0 =	sand.u32 $0x1FFFFFF0, s8  }
0x67: {  	s9 =	simm.s32 $0x8900;
	s0 =	sadd.s32 s4, s0  }
0x68: {  	[tilespmem:s9], [sflag:$0x1] =	stream.linear.gather [hbm4b:s0+s30], $0x80, $0x38;
	[tilespmem:$0xC800] =	vst v63  }
0x69: {  	s0 =	sand.u32 $0x1FFFFFF0, s10  }
0x6a: {  	s12 =	simm.s32 $0x980;
	s0 =	sadd.s32 s4, s0;
	s2 =	spop (v2sf);
	(v2sf) =	vpush v17, $0xA  }
0x6b: {  	[tilespmem:s12], [sflag:$0x1] =	stream.linear.gather [hbm4b:s0+s30], $0x80, $0x38;
	[tilespmem:$0xC800] =	vst v63  }
0x6c: {  	s8 =	spop (v2sf);
	(v2sf) =	vpush v16, $0xA  }
0x6d: {  	s0 =	sand.u32 $0x1FFFFFF0, s13  }
0x6e: {  	s31 =	simm.s32 $0x8980;
	s0 =	sadd.s32 s4, s0;
	s10 =	spop (v2sf);
	(v2sf) =	vpush v17, $0xB  }
0x6f: {  	[tilespmem:s31], [sflag:$0x1] =	stream.linear.gather [hbm4b:s0+s30], $0x80, $0x38;
	[tilespmem:$0xC800] =	vst v63  }
0x70: {  	s0 =	sand.u32 $0x1FFFFFF0, s2  }
0x71: {  	s7 =	simm.s32 $0xA00;
	s0 =	sadd.s32 s4, s0;
	s13 =	spop (v2sf);
	(v2sf) =	vpush v16, $0xB  }
0x72: {  	[tilespmem:s7], [sflag:$0x1] =	stream.linear.gather [hbm4b:s0+s30], $0x80, $0x38;
	[tilespmem:$0xC800] =	vst v63  }
0x73: {  	s0 =	sand.u32 $0x1FFFFFF0, s8  }
0x74: {  	s9 =	simm.s32 $0x8A00;
	s0 =	sadd.s32 s4, s0  }
0x75: {  	[tilespmem:s9], [sflag:$0x1] =	stream.linear.gather [hbm4b:s0+s30], $0x80, $0x38;
	[tilespmem:$0xC800] =	vst v63  }
0x76: {  	s0 =	sand.u32 $0x1FFFFFF0, s10  }
0x77: {  	s12 =	simm.s32 $0xA80;
	s0 =	sadd.s32 s4, s0  }
0x78: {  	[tilespmem:s12], [sflag:$0x1] =	stream.linear.gather [hbm4b:s0+s30], $0x80, $0x38;
	[tilespmem:$0xC800] =	vst v63  }
0x79: {  	s7 =	spop (v2sf);
	(v2sf) =	vpush v17, $0xC  }
0x7a: {  	s0 =	sand.u32 $0x1FFFFFF0, s13  }
0x7b: {  	s31 =	simm.s32 $0x8A80;
	s0 =	sadd.s32 s4, s0;
	s9 =	spop (v2sf);
	(v2sf) =	vpush v16, $0xC  }
0x7c: {  	[tilespmem:s31], [sflag:$0x1] =	stream.linear.gather [hbm4b:s0+s30], $0x80, $0x38;
	[tilespmem:$0xC800] =	vst v63  }
0x7d: {  	s0 =	sand.u32 $0x1FFFFFF0, s7;
	s12 =	spop (v2sf);
	(v2sf) =	vpush v17, $0xD  }
0x7e: {  	s8 =	simm.s32 $0xB00;
	s0 =	sadd.s32 s4, s0  }
0x7f: {  	[tilespmem:s8], [sflag:$0x1] =	stream.linear.gather [hbm4b:s0+s30], $0x80, $0x38;
	[tilespmem:$0xC800] =	vst v63  }
0x80: {  	s31 =	spop (v2sf);
	(v2sf) =	vpush v16, $0xD  }
0x81: {  	s0 =	sand.u32 $0x1FFFFFF0, s9  }
0x82: {  	s10 =	simm.s32 $0x8B00;
	s0 =	sadd.s32 s4, s0  }
0x83: {  	[tilespmem:s10], [sflag:$0x1] =	stream.linear.gather [hbm4b:s0+s30], $0x80, $0x38;
	[tilespmem:$0xC800] =	vst v63  }
0x84: {  	s0 =	sand.u32 $0x1FFFFFF0, s12  }
0x85: {  	s13 =	simm.s32 $0xB80;
	s0 =	sadd.s32 s4, s0  }
0x86: {  	[tilespmem:s13], [sflag:$0x1] =	stream.linear.gather [hbm4b:s0+s30], $0x80, $0x38;
	[tilespmem:$0xC800] =	vst v63  }
0x87: {  	s0 =	sand.u32 $0x1FFFFFF0, s31  }
0x88: {  	s0 =	sadd.s32 s4, s0;
	s2 =	spop (v2sf);
	(v2sf) =	vpush v17, $0xE  }
0x89: {  	[tilespmem:s1], [sflag:$0x1] =	stream.linear.gather [hbm4b:s0+s30], $0x80, $0x38;
	[tilespmem:$0xC800] =	vst v63  }
0x8a: {  	s7 =	spop (v2sf);
	(v2sf) =	vpush v16, $0xE  }
0x8b: {  	s0 =	sand.u32 $0x1FFFFFF0, s2  }
0x8c: {  	s0 =	sadd.s32 s4, s0;
	s8 =	spop (v2sf)  }
0x8d: {  	(v2sf) =	vpush v17, $0xF;
	[tilespmem:s14], [sflag:$0x1] =	stream.linear.gather [hbm4b:s0+s30], $0x80, $0x38;
	[tilespmem:$0xC800] =	vst v63  }
0x8e: {  	s0 =	sand.u32 $0x1FFFFFF0, s7  }
0x8f: {  	s9 =	spop (v2sf);
	s0 =	sadd.s32 s4, s0  }
0x90: {  	(v2sf) =	vpush v16, $0xF;
	[tilespmem:s15], [sflag:$0x1] =	stream.linear.gather [hbm4b:s0+s30], $0x80, $0x38;
	[tilespmem:$0xC800] =	vst v63  }
0x91: {  	s0 =	sand.u32 $0x1FFFFFF0, s8  }
0x92: {  	s0 =	sadd.s32 s4, s0  }
0x93: {  	[tilespmem:s16], [sflag:$0x1] =	stream.linear.gather [hbm4b:s0+s30], $0x80, $0x38;
	[tilespmem:$0xC800] =	vst v63  }
0x94: {  	s0 =	sand.u32 $0x1FFFFFF0, s9  }
0x95: {  	s0 =	sadd.s32 s4, s0  }
0x96: {  	[tilespmem:s17], [sflag:$0x1] =	stream.linear.gather [hbm4b:s0+s30], $0x80, $0x38;
	[tilespmem:$0xC800] =	vst v63  }
0x97: {  	s10 =	spop (v2sf)  }
0x98: {  	s0 =	sand.u32 $0x1FFFFFF0, s10  }
0x99: {  	s12 =	spop (v2sf);
	s0 =	sadd.s32 s4, s0  }
0x9a: {  	[tilespmem:s18], [sflag:$0x1] =	stream.linear.gather [hbm4b:s0+s30], $0x80, $0x38;
	[tilespmem:$0xC800] =	vst v63  }
0x9b: {  	s0 =	sand.u32 $0x1FFFFFF0, s12  }
0x9c: {  	s13 =	spop (v2sf);
	s0 =	sadd.s32 s4, s0  }
0x9d: {  	[tilespmem:s19], [sflag:$0x1] =	stream.linear.gather [hbm4b:s0+s30], $0x80, $0x38;
	[tilespmem:$0xC800] =	vst v63  }
0x9e: {  	s0 =	sand.u32 $0x1FFFFFF0, s13  }
0x9f: {  	s31 =	spop (v2sf);
	s0 =	sadd.s32 s4, s0  }
0xa0: {  	[tilespmem:s20], [sflag:$0x1] =	stream.linear.gather [hbm4b:s0+s30], $0x80, $0x38;
	[tilespmem:$0xC800] =	vst v63  }
0xa1: {  	s0 =	sand.u32 $0x1FFFFFF0, s31  }
.Ltmp4:
0xa2: {  	s0 =	sadd.s32 s4, s0;
	(pc) =	sbr.rel .LBB2_3-.Ltmp4, $4  }
0xa3: {  	[tilespmem:s21], [sflag:$0x1] =	stream.linear.gather [hbm4b:s0+s30], $0x80, $0x38;
	[tilespmem:$0xC800] =	vst v63  }
0xa4: {  	_ =	swait.ge [sflag:s22], $0x4000  }
0xa5: {  	[sflag:s22] =	ssyncset.done $0x0  }
0xa6: {  	[sflag:s22] =	ssyncadd.s32 $0xFFFFC000  }
.LBB2_5:
0xa7: {  	_ =	swait.ge [sflag:s25], $0x800  }
0xa8: {  	[sflag:s25] =	ssyncset.done $0x0  }
0xa9: {  	[sflag:s25] =	ssyncadd.s32 $0xFFFFF800  }
0xaa: {  	_ =	swait.ge [sflag:s25], $0x800  }
0xab: {  	[sflag:s25] =	ssyncset.done $0x0  }
0xac: {  	[sflag:s25] =	ssyncadd.s32 $0xFFFFF800  }
0xad: {  	v16 =	vld [tilespmem:s7+$0x600]  }
0xae: {  	v17 =	vld [tilespmem:s7+$0x4600]  }
0xaf: {  	v18 =	vld [tilespmem:s7+$0x8600]  }
0xb0: {  	v19 =	vld [tilespmem:s7+$0x610]  }
0xb1: {  	v20 =	vld [tilespmem:s7+$0x4610]  }
0xb2: {  	v21 =	vld [tilespmem:s7+$0x8610]  }
0xb3: {  	v22 =	vld [tilespmem:s7+$0x620]  }
0xb4: {  	v23 =	vld [tilespmem:s7+$0x4620]  }
0xb5: {  	v24 =	vld [tilespmem:s7+$0x8620]  }
0xb6: {  	v25 =	vld [tilespmem:s7+$0x630]  }
0xb7: {  	v16 =	vadd.f32 v17, v16;
	v17 =	vld [tilespmem:s7+$0x4630]  }
0xb8: {  	v19 =	vadd.f32 v20, v19  }
0xb9: {  	v30 =	vld [tilespmem:s7+$0x8630];
	v31 =	vadd.f32 v23, v22  }
0xba: {  	v16 =	vsub.f32 v16, v18;
	v19 =	vsub.f32 v19, v21  }
0xbb: {  	v20 =	vsub.f32 v31, v24  }
0xbc: {  	v16 =	vmul.f32 v16, v16;
	v19 =	vmul.f32 v19, v19;
	v17 =	vadd.f32 v17, v25;
	_ =	sdelay $0x1  }
0xbd: {  	v32 =	vmul.f32 v20, v20;
	v16 =	vadd.f32 v19, v16;
	v17 =	vsub.f32 v17, v30;
	_ =	sdelay $0x1  }
0xbe: {  	v16 =	vadd.f32 v32, v16;
	v17 =	vmul.f32 v17, v17;
	_ =	sdelay $0x1  }
0xbf: {  	v16 =	vadd.f32 v17, v16;
	_ =	sdelay $0x1  }
0xc0: {  	s8 =	sor.u32 $0x880, s0;
	[tilespmem:$0xC680] =	vst v16  }
0xc1: {  	v16 =	vld [tilespmem:s8+$0x600]  }
0xc2: {  	v17 =	vld [tilespmem:s8+$0x4600]  }
0xc3: {  	v33 =	vld [tilespmem:s8+$0x8600]  }
0xc4: {  	v34 =	vld [tilespmem:s0+$0xE90]  }
0xc5: {  	v35 =	vld [tilespmem:s0+$0x4E90]  }
0xc6: {  	v36 =	vld [tilespmem:s0+$0x8E90]  }
0xc7: {  	v37 =	vld [tilespmem:s0+$0xEA0]  }
0xc8: {  	v38 =	vld [tilespmem:s0+$0x4EA0]  }
0xc9: {  	v39 =	vld [tilespmem:s0+$0x8EA0]  }
0xca: {  	v40 =	vld [tilespmem:s0+$0xEB0]  }
0xcb: {  	v16 =	vadd.f32 v17, v16;
	v17 =	vld [tilespmem:s0+$0x4EB0]  }
0xcc: {  	v19 =	vadd.f32 v35, v34  }
0xcd: {  	v41 =	vld [tilespmem:s0+$0x8EB0];
	v42 =	vadd.f32 v38, v37  }
0xce: {  	v16 =	vsub.f32 v16, v33;
	v19 =	vsub.f32 v19, v36  }
0xcf: {  	v20 =	vsub.f32 v42, v39  }
0xd0: {  	v16 =	vmul.f32 v16, v16;
	v19 =	vmul.f32 v19, v19;
	v17 =	vadd.f32 v17, v40;
	_ =	sdelay $0x1  }
0xd1: {  	v43 =	vmul.f32 v20, v20;
	v16 =	vadd.f32 v19, v16;
	v17 =	vsub.f32 v17, v41;
	_ =	sdelay $0x1  }
0xd2: {  	v16 =	vadd.f32 v43, v16;
	v17 =	vmul.f32 v17, v17;
	_ =	sdelay $0x1  }
0xd3: {  	v16 =	vadd.f32 v17, v16;
	_ =	sdelay $0x1  }
0xd4: {  	s9 =	sor.u32 $0x900, s0;
	[tilespmem:$0xC698] =	vst v16  }
0xd5: {  	v16 =	vld [tilespmem:s9+$0x600]  }
0xd6: {  	v17 =	vld [tilespmem:s9+$0x4600]  }
0xd7: {  	v44 =	vld [tilespmem:s9+$0x8600]  }
0xd8: {  	v45 =	vld [tilespmem:s0+$0xF10]  }
0xd9: {  	v46 =	vld [tilespmem:s0+$0x4F10]  }
0xda: {  	v47 =	vld [tilespmem:s0+$0x8F10]  }
0xdb: {  	v48 =	vld [tilespmem:s0+$0xF20]  }
0xdc: {  	v49 =	vld [tilespmem:s0+$0x4F20]  }
0xdd: {  	v50 =	vld [tilespmem:s0+$0x8F20]  }
0xde: {  	v51 =	vld [tilespmem:s0+$0xF30]  }
0xdf: {  	v16 =	vadd.f32 v17, v16;
	v17 =	vld [tilespmem:s0+$0x4F30]  }
0xe0: {  	v19 =	vadd.f32 v46, v45  }
0xe1: {  	v52 =	vld [tilespmem:s0+$0x8F30];
	v53 =	vadd.f32 v49, v48  }
0xe2: {  	v16 =	vsub.f32 v16, v44;
	v19 =	vsub.f32 v19, v47  }
0xe3: {  	v20 =	vsub.f32 v53, v50  }
0xe4: {  	v16 =	vmul.f32 v16, v16;
	v19 =	vmul.f32 v19, v19;
	v17 =	vadd.f32 v17, v51;
	_ =	sdelay $0x1  }
0xe5: {  	v54 =	vmul.f32 v20, v20;
	v16 =	vadd.f32 v19, v16;
	v17 =	vsub.f32 v17, v52;
	_ =	sdelay $0x1  }
0xe6: {  	v16 =	vadd.f32 v54, v16;
	v17 =	vmul.f32 v17, v17;
	_ =	sdelay $0x1  }
0xe7: {  	v16 =	vadd.f32 v17, v16;
	_ =	sdelay $0x1  }
0xe8: {  	s10 =	sor.u32 $0x980, s0;
	[tilespmem:$0xC6B0] =	vst v16  }
0xe9: {  	v16 =	vld [tilespmem:s10+$0x600]  }
0xea: {  	v17 =	vld [tilespmem:s10+$0x4600]  }
0xeb: {  	v55 =	vld [tilespmem:s10+$0x8600]  }
0xec: {  	v56 =	vld [tilespmem:s0+$0xF90]  }
0xed: {  	v57 =	vld [tilespmem:s0+$0x4F90]  }
0xee: {  	v58 =	vld [tilespmem:s0+$0x8F90]  }
0xef: {  	v59 =	vld [tilespmem:s0+$0xFA0]  }
0xf0: {  	v60 =	vld [tilespmem:s0+$0x4FA0]  }
0xf1: {  	v61 =	vld [tilespmem:s0+$0x8FA0]  }
0xf2: {  	v62 =	vld [tilespmem:s0+$0xFB0]  }
0xf3: {  	v16 =	vadd.f32 v17, v16;
	v17 =	vld [tilespmem:s0+$0x4FB0]  }
0xf4: {  	v19 =	vadd.f32 v57, v56  }
0xf5: {  	v63 =	vld [tilespmem:s0+$0x8FB0];
	v26 =	vadd.f32 v60, v59  }
0xf6: {  	v16 =	vsub.f32 v16, v55;
	v19 =	vsub.f32 v19, v58  }
0xf7: {  	v20 =	vsub.f32 v26, v61  }
0xf8: {  	v16 =	vmul.f32 v16, v16;
	v19 =	vmul.f32 v19, v19;
	v17 =	vadd.f32 v17, v62;
	_ =	sdelay $0x1  }
0xf9: {  	v27 =	vmul.f32 v20, v20;
	v16 =	vadd.f32 v19, v16;
	v17 =	vsub.f32 v17, v63;
	_ =	sdelay $0x1  }
0xfa: {  	v16 =	vadd.f32 v27, v16;
	v17 =	vmul.f32 v17, v17;
	_ =	sdelay $0x1  }
0xfb: {  	v16 =	vadd.f32 v17, v16;
	_ =	sdelay $0x1  }
0xfc: {  	s8 =	sor.u32 $0xA00, s0;
	[tilespmem:$0xC6C8] =	vst v16  }
0xfd: {  	v16 =	vld [tilespmem:s8+$0x600]  }
0xfe: {  	v17 =	vld [tilespmem:s8+$0x4600]  }
0xff: {  	v28 =	vld [tilespmem:s8+$0x8600]  }
0x100: {  	v29 =	vld [tilespmem:s0+$0x1010]  }
0x101: {  	v30 =	vld [tilespmem:s0+$0x5010]  }
0x102: {  	v31 =	vld [tilespmem:s0+$0x9010]  }
0x103: {  	v32 =	vld [tilespmem:s0+$0x1020]  }
0x104: {  	v33 =	vld [tilespmem:s0+$0x5020]  }
0x105: {  	v34 =	vld [tilespmem:s0+$0x9020]  }
0x106: {  	v35 =	vld [tilespmem:s0+$0x1030]  }
0x107: {  	v16 =	vadd.f32 v17, v16;
	v17 =	vld [tilespmem:s0+$0x5030]  }
0x108: {  	v19 =	vadd.f32 v30, v29  }
0x109: {  	v36 =	vld [tilespmem:s0+$0x9030];
	v37 =	vadd.f32 v33, v32  }
0x10a: {  	v16 =	vsub.f32 v16, v28;
	v19 =	vsub.f32 v19, v31  }
0x10b: {  	v20 =	vsub.f32 v37, v34  }
0x10c: {  	v16 =	vmul.f32 v16, v16;
	v19 =	vmul.f32 v19, v19;
	v17 =	vadd.f32 v17, v35;
	_ =	sdelay $0x1  }
0x10d: {  	v38 =	vmul.f32 v20, v20;
	v16 =	vadd.f32 v19, v16;
	v17 =	vsub.f32 v17, v36;
	_ =	sdelay $0x1  }
0x10e: {  	v16 =	vadd.f32 v38, v16;
	v17 =	vmul.f32 v17, v17;
	_ =	sdelay $0x1  }
0x10f: {  	v16 =	vadd.f32 v17, v16;
	_ =	sdelay $0x1  }
0x110: {  	s9 =	sor.u32 $0xA80, s0;
	[tilespmem:$0xC6E0] =	vst v16  }
0x111: {  	v16 =	vld [tilespmem:s9+$0x600]  }
0x112: {  	v17 =	vld [tilespmem:s9+$0x4600]  }
0x113: {  	v39 =	vld [tilespmem:s9+$0x8600]  }
0x114: {  	v40 =	vld [tilespmem:s0+$0x1090]  }
0x115: {  	v41 =	vld [tilespmem:s0+$0x5090]  }
0x116: {  	v42 =	vld [tilespmem:s0+$0x9090]  }
0x117: {  	v43 =	vld [tilespmem:s0+$0x10A0]  }
0x118: {  	v44 =	vld [tilespmem:s0+$0x50A0]  }
0x119: {  	v45 =	vld [tilespmem:s0+$0x90A0]  }
0x11a: {  	v46 =	vld [tilespmem:s0+$0x10B0]  }
0x11b: {  	v16 =	vadd.f32 v17, v16;
	v17 =	vld [tilespmem:s0+$0x50B0]  }
0x11c: {  	v19 =	vadd.f32 v41, v40  }
0x11d: {  	v47 =	vld [tilespmem:s0+$0x90B0];
	v48 =	vadd.f32 v44, v43  }
0x11e: {  	v16 =	vsub.f32 v16, v39;
	v19 =	vsub.f32 v19, v42  }
0x11f: {  	v20 =	vsub.f32 v48, v45  }
0x120: {  	v16 =	vmul.f32 v16, v16;
	v19 =	vmul.f32 v19, v19;
	v17 =	vadd.f32 v17, v46;
	_ =	sdelay $0x1  }
0x121: {  	v49 =	vmul.f32 v20, v20;
	v16 =	vadd.f32 v19, v16;
	v17 =	vsub.f32 v17, v47;
	_ =	sdelay $0x1  }
0x122: {  	v16 =	vadd.f32 v49, v16;
	v17 =	vmul.f32 v17, v17;
	_ =	sdelay $0x1  }
0x123: {  	v16 =	vadd.f32 v17, v16;
	_ =	sdelay $0x1  }
0x124: {  	s10 =	sor.u32 $0xB00, s0;
	[tilespmem:$0xC6F8] =	vst v16  }
0x125: {  	v16 =	vld [tilespmem:s10+$0x600]  }
0x126: {  	v17 =	vld [tilespmem:s10+$0x4600]  }
0x127: {  	v50 =	vld [tilespmem:s10+$0x8600]  }
0x128: {  	v51 =	vld [tilespmem:s0+$0x1110]  }
0x129: {  	v52 =	vld [tilespmem:s0+$0x5110]  }
0x12a: {  	v53 =	vld [tilespmem:s0+$0x9110]  }
0x12b: {  	v54 =	vld [tilespmem:s0+$0x1120]  }
0x12c: {  	v55 =	vld [tilespmem:s0+$0x5120]  }
0x12d: {  	v56 =	vld [tilespmem:s0+$0x9120]  }
0x12e: {  	v57 =	vld [tilespmem:s0+$0x1130]  }
0x12f: {  	v16 =	vadd.f32 v17, v16;
	v17 =	vld [tilespmem:s0+$0x5130]  }
0x130: {  	v19 =	vadd.f32 v52, v51  }
0x131: {  	v58 =	vld [tilespmem:s0+$0x9130];
	v59 =	vadd.f32 v55, v54  }
0x132: {  	v16 =	vsub.f32 v16, v50;
	v19 =	vsub.f32 v19, v53  }
0x133: {  	v20 =	vsub.f32 v59, v56  }
0x134: {  	v16 =	vmul.f32 v16, v16;
	v19 =	vmul.f32 v19, v19;
	v17 =	vadd.f32 v17, v57;
	_ =	sdelay $0x1  }
0x135: {  	v60 =	vmul.f32 v20, v20;
	v16 =	vadd.f32 v19, v16;
	v17 =	vsub.f32 v17, v58;
	_ =	sdelay $0x1  }
0x136: {  	v16 =	vadd.f32 v60, v16;
	v17 =	vmul.f32 v17, v17;
	_ =	sdelay $0x1  }
0x137: {  	v16 =	vadd.f32 v17, v16;
	_ =	sdelay $0x1  }
0x138: {  	s8 =	sor.u32 $0xB80, s0;
	[tilespmem:$0xC710] =	vst v16  }
0x139: {  	v16 =	vld [tilespmem:s8+$0x600]  }
0x13a: {  	v17 =	vld [tilespmem:s8+$0x4600]  }
0x13b: {  	v61 =	vld [tilespmem:s8+$0x8600]  }
0x13c: {  	v62 =	vld [tilespmem:s0+$0x1190]  }
0x13d: {  	v63 =	vld [tilespmem:s0+$0x5190]  }
0x13e: {  	v28 =	vld [tilespmem:s0+$0x9190]  }
0x13f: {  	v29 =	vld [tilespmem:s0+$0x11A0]  }
0x140: {  	v30 =	vld [tilespmem:s0+$0x51A0]  }
0x141: {  	v31 =	vld [tilespmem:s0+$0x91A0]  }
0x142: {  	v32 =	vld [tilespmem:s0+$0x11B0]  }
0x143: {  	v16 =	vadd.f32 v17, v16;
	v17 =	vld [tilespmem:s0+$0x51B0]  }
0x144: {  	v19 =	vadd.f32 v63, v62  }
0x145: {  	v33 =	vld [tilespmem:s0+$0x91B0];
	v34 =	vadd.f32 v30, v29  }
0x146: {  	v16 =	vsub.f32 v16, v61;
	v19 =	vsub.f32 v19, v28  }
0x147: {  	v20 =	vsub.f32 v34, v31  }
0x148: {  	v16 =	vmul.f32 v16, v16;
	v19 =	vmul.f32 v19, v19;
	v17 =	vadd.f32 v17, v32;
	_ =	sdelay $0x1  }
0x149: {  	v35 =	vmul.f32 v20, v20;
	v16 =	vadd.f32 v19, v16;
	v17 =	vsub.f32 v17, v33;
	_ =	sdelay $0x1  }
0x14a: {  	v16 =	vadd.f32 v35, v16;
	v17 =	vmul.f32 v17, v17;
	_ =	sdelay $0x1  }
0x14b: {  	v16 =	vadd.f32 v17, v16;
	_ =	sdelay $0x1  }
0x14c: {  	s9 =	sor.u32 $0xC00, s0;
	[tilespmem:$0xC728] =	vst v16  }
0x14d: {  	v16 =	vld [tilespmem:s9+$0x600]  }
0x14e: {  	v17 =	vld [tilespmem:s9+$0x4600]  }
0x14f: {  	v36 =	vld [tilespmem:s9+$0x8600]  }
0x150: {  	v37 =	vld [tilespmem:s0+$0x1210]  }
0x151: {  	v38 =	vld [tilespmem:s0+$0x5210]  }
0x152: {  	v39 =	vld [tilespmem:s0+$0x9210]  }
0x153: {  	v40 =	vld [tilespmem:s0+$0x1220]  }
0x154: {  	v41 =	vld [tilespmem:s0+$0x5220]  }
0x155: {  	v42 =	vld [tilespmem:s0+$0x9220]  }
0x156: {  	v43 =	vld [tilespmem:s0+$0x1230]  }
0x157: {  	v16 =	vadd.f32 v17, v16;
	v17 =	vld [tilespmem:s0+$0x5230]  }
0x158: {  	v19 =	vadd.f32 v38, v37  }
0x159: {  	v44 =	vld [tilespmem:s0+$0x9230];
	v45 =	vadd.f32 v41, v40  }
0x15a: {  	v16 =	vsub.f32 v16, v36;
	v19 =	vsub.f32 v19, v39  }
0x15b: {  	v20 =	vsub.f32 v45, v42  }
0x15c: {  	v16 =	vmul.f32 v16, v16;
	v19 =	vmul.f32 v19, v19;
	v17 =	vadd.f32 v17, v43;
	_ =	sdelay $0x1  }
0x15d: {  	v46 =	vmul.f32 v20, v20;
	v16 =	vadd.f32 v19, v16;
	v17 =	vsub.f32 v17, v44;
	_ =	sdelay $0x1  }
0x15e: {  	v16 =	vadd.f32 v46, v16;
	v17 =	vmul.f32 v17, v17;
	_ =	sdelay $0x1  }
0x15f: {  	v16 =	vadd.f32 v17, v16;
	_ =	sdelay $0x1  }
0x160: {  	s10 =	sor.u32 $0xC80, s0;
	[tilespmem:$0xC740] =	vst v16  }
0x161: {  	v16 =	vld [tilespmem:s10+$0x600]  }
0x162: {  	v17 =	vld [tilespmem:s10+$0x4600]  }
0x163: {  	v47 =	vld [tilespmem:s10+$0x8600]  }
0x164: {  	v48 =	vld [tilespmem:s0+$0x1290]  }
0x165: {  	v49 =	vld [tilespmem:s0+$0x5290]  }
0x166: {  	v50 =	vld [tilespmem:s0+$0x9290]  }
0x167: {  	v51 =	vld [tilespmem:s0+$0x12A0]  }
0x168: {  	v52 =	vld [tilespmem:s0+$0x52A0]  }
0x169: {  	v53 =	vld [tilespmem:s0+$0x92A0]  }
0x16a: {  	v54 =	vld [tilespmem:s0+$0x12B0]  }
0x16b: {  	v16 =	vadd.f32 v17, v16;
	v17 =	vld [tilespmem:s0+$0x52B0]  }
0x16c: {  	v19 =	vadd.f32 v49, v48  }
0x16d: {  	v55 =	vld [tilespmem:s0+$0x92B0];
	v56 =	vadd.f32 v52, v51  }
0x16e: {  	v16 =	vsub.f32 v16, v47;
	v19 =	vsub.f32 v19, v50  }
0x16f: {  	v20 =	vsub.f32 v56, v53  }
0x170: {  	v16 =	vmul.f32 v16, v16;
	v19 =	vmul.f32 v19, v19;
	v17 =	vadd.f32 v17, v54;
	_ =	sdelay $0x1  }
0x171: {  	v57 =	vmul.f32 v20, v20;
	v16 =	vadd.f32 v19, v16;
	v17 =	vsub.f32 v17, v55;
	_ =	sdelay $0x1  }
0x172: {  	v16 =	vadd.f32 v57, v16;
	v17 =	vmul.f32 v17, v17;
	_ =	sdelay $0x1  }
0x173: {  	v16 =	vadd.f32 v17, v16;
	_ =	sdelay $0x1  }
0x174: {  	s8 =	sor.u32 $0xD00, s0;
	[tilespmem:$0xC758] =	vst v16  }
0x175: {  	v16 =	vld [tilespmem:s8+$0x600]  }
0x176: {  	v17 =	vld [tilespmem:s8+$0x4600]  }
0x177: {  	v58 =	vld [tilespmem:s8+$0x8600]  }
0x178: {  	v59 =	vld [tilespmem:s0+$0x1310]  }
0x179: {  	v60 =	vld [tilespmem:s0+$0x5310]  }
0x17a: {  	v61 =	vld [tilespmem:s0+$0x9310]  }
0x17b: {  	v62 =	vld [tilespmem:s0+$0x1320]  }
0x17c: {  	v63 =	vld [tilespmem:s0+$0x5320]  }
0x17d: {  	v28 =	vld [tilespmem:s0+$0x9320]  }
0x17e: {  	v29 =	vld [tilespmem:s0+$0x1330]  }
0x17f: {  	v16 =	vadd.f32 v17, v16;
	v17 =	vld [tilespmem:s0+$0x5330]  }
0x180: {  	v19 =	vadd.f32 v60, v59  }
0x181: {  	v30 =	vld [tilespmem:s0+$0x9330];
	v31 =	vadd.f32 v63, v62  }
0x182: {  	v16 =	vsub.f32 v16, v58;
	v19 =	vsub.f32 v19, v61  }
0x183: {  	v20 =	vsub.f32 v31, v28  }
0x184: {  	v16 =	vmul.f32 v16, v16;
	v19 =	vmul.f32 v19, v19;
	v17 =	vadd.f32 v17, v29;
	_ =	sdelay $0x1  }
0x185: {  	v32 =	vmul.f32 v20, v20;
	v16 =	vadd.f32 v19, v16;
	v17 =	vsub.f32 v17, v30;
	_ =	sdelay $0x1  }
0x186: {  	v16 =	vadd.f32 v32, v16;
	v17 =	vmul.f32 v17, v17;
	_ =	sdelay $0x1  }
0x187: {  	v16 =	vadd.f32 v17, v16;
	_ =	sdelay $0x1  }
0x188: {  	s9 =	sor.u32 $0xD80, s0;
	[tilespmem:$0xC770] =	vst v16  }
0x189: {  	v16 =	vld [tilespmem:s9+$0x600]  }
0x18a: {  	v17 =	vld [tilespmem:s9+$0x4600]  }
0x18b: {  	v33 =	vld [tilespmem:s9+$0x8600]  }
0x18c: {  	v34 =	vld [tilespmem:s0+$0x1390]  }
0x18d: {  	v35 =	vld [tilespmem:s0+$0x5390]  }
0x18e: {  	v36 =	vld [tilespmem:s0+$0x9390]  }
0x18f: {  	v37 =	vld [tilespmem:s0+$0x13A0]  }
0x190: {  	v38 =	vld [tilespmem:s0+$0x53A0]  }
0x191: {  	v39 =	vld [tilespmem:s0+$0x93A0]  }
0x192: {  	v40 =	vld [tilespmem:s0+$0x13B0]  }
0x193: {  	v16 =	vadd.f32 v17, v16;
	v17 =	vld [tilespmem:s0+$0x53B0]  }
0x194: {  	v19 =	vadd.f32 v35, v34  }
0x195: {  	v41 =	vld [tilespmem:s0+$0x93B0];
	v42 =	vadd.f32 v38, v37  }
0x196: {  	v16 =	vsub.f32 v16, v33;
	v19 =	vsub.f32 v19, v36  }
0x197: {  	v20 =	vsub.f32 v42, v39  }
0x198: {  	v16 =	vmul.f32 v16, v16;
	v19 =	vmul.f32 v19, v19;
	v17 =	vadd.f32 v17, v40;
	_ =	sdelay $0x1  }
0x199: {  	v43 =	vmul.f32 v20, v20;
	v16 =	vadd.f32 v19, v16;
	v17 =	vsub.f32 v17, v41;
	_ =	sdelay $0x1  }
0x19a: {  	v16 =	vadd.f32 v43, v16;
	v17 =	vmul.f32 v17, v17;
	_ =	sdelay $0x1  }
0x19b: {  	v16 =	vadd.f32 v17, v16;
	_ =	sdelay $0x1  }
0x19c: {  	s10 =	sor.u32 $0xE00, s0;
	[tilespmem:$0xC788] =	vst v16  }
0x19d: {  	v16 =	vld [tilespmem:s10+$0x600]  }
0x19e: {  	v17 =	vld [tilespmem:s10+$0x4600]  }
0x19f: {  	v44 =	vld [tilespmem:s10+$0x8600]  }
0x1a0: {  	v45 =	vld [tilespmem:s0+$0x1410]  }
0x1a1: {  	v46 =	vld [tilespmem:s0+$0x5410]  }
0x1a2: {  	v47 =	vld [tilespmem:s0+$0x9410]  }
0x1a3: {  	v48 =	vld [tilespmem:s0+$0x1420]  }
0x1a4: {  	v49 =	vld [tilespmem:s0+$0x5420]  }
0x1a5: {  	v50 =	vld [tilespmem:s0+$0x9420]  }
0x1a6: {  	v51 =	vld [tilespmem:s0+$0x1430]  }
0x1a7: {  	v16 =	vadd.f32 v17, v16;
	v17 =	vld [tilespmem:s0+$0x5430]  }
0x1a8: {  	v19 =	vadd.f32 v46, v45  }
0x1a9: {  	v52 =	vld [tilespmem:s0+$0x9430];
	v53 =	vadd.f32 v49, v48  }
0x1aa: {  	v16 =	vsub.f32 v16, v44;
	v19 =	vsub.f32 v19, v47  }
0x1ab: {  	v20 =	vsub.f32 v53, v50  }
0x1ac: {  	v16 =	vmul.f32 v16, v16;
	v19 =	vmul.f32 v19, v19;
	v17 =	vadd.f32 v17, v51;
	_ =	sdelay $0x1  }
0x1ad: {  	v54 =	vmul.f32 v20, v20;
	v16 =	vadd.f32 v19, v16;
	v17 =	vsub.f32 v17, v52;
	_ =	sdelay $0x1  }
0x1ae: {  	v16 =	vadd.f32 v54, v16;
	v17 =	vmul.f32 v17, v17;
	_ =	sdelay $0x1  }
0x1af: {  	v16 =	vadd.f32 v17, v16;
	_ =	sdelay $0x1  }
0x1b0: {  	[tilespmem:$0xC7A0] =	vst v16  }
0x1b1: {  	v16 =	vld [tilespmem:s13+$0x600]  }
0x1b2: {  	v17 =	vld [tilespmem:s13+$0x4600]  }
0x1b3: {  	v55 =	vld [tilespmem:s13+$0x8600]  }
0x1b4: {  	v56 =	vld [tilespmem:s0+$0x1490]  }
0x1b5: {  	v57 =	vld [tilespmem:s0+$0x5490]  }
0x1b6: {  	v58 =	vld [tilespmem:s0+$0x9490]  }
0x1b7: {  	v59 =	vld [tilespmem:s0+$0x14A0]  }
0x1b8: {  	v60 =	vld [tilespmem:s0+$0x54A0]  }
0x1b9: {  	v61 =	vld [tilespmem:s0+$0x94A0]  }
0x1ba: {  	v62 =	vld [tilespmem:s0+$0x14B0]  }
0x1bb: {  	v16 =	vadd.f32 v17, v16;
	v17 =	vld [tilespmem:s0+$0x54B0]  }
0x1bc: {  	v19 =	vadd.f32 v57, v56  }
0x1bd: {  	v63 =	vld [tilespmem:s0+$0x94B0];
	v26 =	vadd.f32 v60, v59  }
0x1be: {  	v16 =	vsub.f32 v16, v55;
	v19 =	vsub.f32 v19, v58  }
0x1bf: {  	v20 =	vsub.f32 v26, v61  }
0x1c0: {  	v16 =	vmul.f32 v16, v16;
	v19 =	vmul.f32 v19, v19;
	v17 =	vadd.f32 v17, v62;
	_ =	sdelay $0x1  }
0x1c1: {  	v27 =	vmul.f32 v20, v20;
	v16 =	vadd.f32 v19, v16;
	v17 =	vsub.f32 v17, v63;
	_ =	sdelay $0x1  }
0x1c2: {  	v16 =	vadd.f32 v27, v16;
	v17 =	vmul.f32 v17, v17;
	_ =	sdelay $0x1  }
0x1c3: {  	v16 =	vadd.f32 v17, v16;
	_ =	sdelay $0x1  }
0x1c4: {  	[tilespmem:$0xC7B8] =	vst v16  }
0x1c5: {  	v16 =	vld [tilespmem:s12+$0x600]  }
0x1c6: {  	v17 =	vld [tilespmem:s12+$0x4600]  }
0x1c7: {  	v28 =	vld [tilespmem:s12+$0x8600]  }
0x1c8: {  	v29 =	vld [tilespmem:s0+$0x1510]  }
0x1c9: {  	v30 =	vld [tilespmem:s0+$0x5510]  }
0x1ca: {  	v31 =	vld [tilespmem:s0+$0x9510]  }
0x1cb: {  	v32 =	vld [tilespmem:s0+$0x1520]  }
0x1cc: {  	v33 =	vld [tilespmem:s0+$0x5520]  }
0x1cd: {  	v34 =	vld [tilespmem:s0+$0x9520]  }
0x1ce: {  	v35 =	vld [tilespmem:s0+$0x1530]  }
0x1cf: {  	v16 =	vadd.f32 v17, v16;
	v17 =	vld [tilespmem:s0+$0x5530]  }
0x1d0: {  	v19 =	vadd.f32 v30, v29  }
0x1d1: {  	v36 =	vld [tilespmem:s0+$0x9530];
	v37 =	vadd.f32 v33, v32  }
0x1d2: {  	v16 =	vsub.f32 v16, v28;
	v19 =	vsub.f32 v19, v31  }
0x1d3: {  	v20 =	vsub.f32 v37, v34  }
0x1d4: {  	v16 =	vmul.f32 v16, v16;
	v19 =	vmul.f32 v19, v19;
	v17 =	vadd.f32 v17, v35;
	_ =	sdelay $0x1  }
0x1d5: {  	v38 =	vmul.f32 v20, v20;
	v16 =	vadd.f32 v19, v16;
	v17 =	vsub.f32 v17, v36;
	_ =	sdelay $0x1  }
0x1d6: {  	v16 =	vadd.f32 v38, v16;
	v17 =	vmul.f32 v17, v17;
	_ =	sdelay $0x1  }
0x1d7: {  	v16 =	vadd.f32 v17, v16;
	_ =	sdelay $0x1  }
0x1d8: {  	[tilespmem:$0xC7D0] =	vst v16  }
0x1d9: {  	v16 =	vld [tilespmem:s2+$0x600]  }
0x1da: {  	v17 =	vld [tilespmem:s2+$0x4600]  }
0x1db: {  	v39 =	vld [tilespmem:s2+$0x8600]  }
0x1dc: {  	v40 =	vld [tilespmem:s0+$0x1590]  }
0x1dd: {  	v41 =	vld [tilespmem:s0+$0x5590]  }
0x1de: {  	v42 =	vld [tilespmem:s0+$0x9590]  }
0x1df: {  	v43 =	vld [tilespmem:s0+$0x15A0]  }
0x1e0: {  	v44 =	vld [tilespmem:s0+$0x55A0]  }
0x1e1: {  	v46 =	vld [tilespmem:s0+$0x15B0]  }
0x1e2: {  	v26 =	vld [tilespmem:s0+$0x55B0]  }
0x1e3: {  	v45 =	vld [tilespmem:s0+$0x95A0]  }
0x1e4: {  	v16 =	vadd.f32 v17, v16;
	v17 =	vadd.f32 v41, v40  }
0x1e5: {  	v48 =	vld [tilespmem:s0+$0x95B0];
	v47 =	vadd.f32 v44, v43  }
0x1e6: {  	v16 =	vsub.f32 v16, v39;
	v17 =	vsub.f32 v17, v42  }
0x1e7: {  	v50 =	vadd.f32 v26, v46  }
0x1e8: {  	v49 =	vsub.f32 v47, v45;
	v16 =	vmul.f32 v16, v16;
	v17 =	vmul.f32 v17, v17;
	_ =	sdelay $0x1  }
0x1e9: {  	v51 =	vsub.f32 v50, v48;
	v16 =	vadd.f32 v17, v16;
	v17 =	vmul.f32 v49, v49;
	_ =	sdelay $0x1  }
0x1ea: {  	v16 =	vadd.f32 v17, v16;
	v17 =	vmul.f32 v51, v51;
	_ =	sdelay $0x1  }
0x1eb: {  	v16 =	vadd.f32 v17, v16;
	_ =	sdelay $0x1  }
0x1ec: {  	[tilespmem:$0xC7E8] =	vst v16  }
0x1ed: {  	v16 =	vld.idx.msk [tilespmem:v0+s24+$0x0], $0xffff  }
0x1ee: {  	v17 =	vld.idx.msk [tilespmem:v1+s24+$0x0], $0xffff;
	_ =	sdelay $0x1  }
0x1ef: {  	v52 =	vld.idx.msk [tilespmem:v2+s24+$0x0], $0xffff;
	_ =	sdelay $0x1  }
0x1f0: {  	v53 =	vld.idx.msk [tilespmem:v3+s24+$0x0], $0xffff  }
0x1f1: {  	v16 =	vadd.f32 v17, v16  }
0x1f2: {  	v17 =	vld.idx.msk [tilespmem:v4+s24+$0x0], $0xffff  }
0x1f3: {  	v16 =	vadd.f32 v52, v16  }
0x1f4: {  	v54 =	vld.idx.msk [tilespmem:v5+s24+$0x0], $0xffff  }
0x1f5: {  	v16 =	vadd.f32 v53, v16  }
0x1f6: {  	v55 =	vld.idx.msk [tilespmem:v6+s24+$0x0], $0xffff  }
0x1f7: {  	v16 =	vadd.f32 v17, v16  }
0x1f8: {  	v17 =	vld.idx.msk [tilespmem:v7+s24+$0x0], $0xffff  }
0x1f9: {  	v16 =	vadd.f32 v54, v16  }
0x1fa: {  	v56 =	vld.idx.msk [tilespmem:v8+s24+$0x0], $0xffff  }
0x1fb: {  	v16 =	vadd.f32 v55, v16  }
0x1fc: {  	v57 =	vld.idx.msk [tilespmem:v9+s24+$0x0], $0xffff  }
0x1fd: {  	v16 =	vadd.f32 v17, v16  }
0x1fe: {  	v17 =	vld.idx.msk [tilespmem:v10+s24+$0x0], $0xffff  }
0x1ff: {  	v16 =	vadd.f32 v56, v16  }
0x200: {  	v58 =	vld.idx.msk [tilespmem:v11+s24+$0x0], $0xffff  }
0x201: {  	v16 =	vadd.f32 v57, v16  }
0x202: {  	v59 =	vld.idx.msk [tilespmem:v12+s24+$0x0], $0xffff  }
0x203: {  	v16 =	vadd.f32 v17, v16  }
0x204: {  	v17 =	vld.idx.msk [tilespmem:v13+s24+$0x0], $0xffff  }
0x205: {  	v16 =	vadd.f32 v58, v16  }
0x206: {  	v60 =	vld.idx.msk [tilespmem:v14+s24+$0x0], $0xffff  }
0x207: {  	v16 =	vadd.f32 v59, v16  }
0x208: {  	v61 =	vld.idx.msk [tilespmem:v15+s24+$0x0], $0xffff  }
0x209: {  	v16 =	vadd.f32 v17, v16;
	_ =	sdelay $0x1  }
0x20a: {  	v16 =	vadd.f32 v60, v16;
	_ =	sdelay $0x1  }
0x20b: {  	v16 =	vadd.f32 v61, v16;
	_ =	sdelay $0x1  }
0x20c: {  	v17 =	vshrl.u32 v16, $0x1;
	v62 =	vmul.f32 $-5.000000000e-01, v16  }
0x20d: {  	v17 =	vsub.s32 $0x5F3759DF, v17  }
0x20e: {  	v63 =	vmul.f32 v17, v62;
	_ =	sdelay $0x1  }
0x20f: {  	v19 =	vmul.f32 v17, v63;
	_ =	sdelay $0x1  }
0x210: {  	v19 =	vadd.f32 $1.500000000e+00, v19;
	_ =	sdelay $0x1  }
0x211: {  	v17 =	vmul.f32 v17, v19;
	_ =	sdelay $0x1  }
0x212: {  	v18 =	vmul.f32 v17, v62;
	_ =	sdelay $0x1  }
0x213: {  	v18 =	vmul.f32 v18, v17;
	_ =	sdelay $0x1  }
0x214: {  	v18 =	vadd.f32 $1.500000000e+00, v18;
	_ =	sdelay $0x1  }
0x215: {  	s30 =	sadd.s32 $0x1, s30;
	v17 =	vmul.f32 v18, v17  }
0x216: {  	p0 =	sne.s32 s30, $0x4  }
.Ltmp5:
0x217: {  	v16 =	vmul.f32 v17, v16;
	(pc) =	sbr.rel @!p0 .LBB2_6-.Ltmp5, $3  }
0x218: {  	_ = 	snop  }
0x219: {  	v16 =	vsub.f32 $0.0e+00, v16;
	_ =	sdelay $0x1  }
0x21a: {  	[tilespmem:s31+$0xC600] =	vst v16  }
.LBB2_3:
0x21b: {  	s8 =	sshll.u32 s30, $0x5  }
0x21c: {  	s31 =	sor.u32 $0x10, s8  }
0x21d: {  	s0 =	sor.u32 s29, s31  }
0x21e: {  	v16 =	vld [tilespmem:s0+$0x0];
	_ =	sdelay $0x3  }
0x21f: {  	v18 =	vld [tilespmem:s0+$0x400]  }
0x220: {  	v17 =	vshll.u32 v16, $0x4  }
0x221: {  	(v2sf) =	vpush v17, $0x0;
	_ =	sdelay $0x2  }
0x222: {  	v16 =	vshll.u32 v18, $0x4  }
0x223: {  	(v2sf) =	vpush v16, $0x0;
	_ =	sdelay $0x2  }
0x224: {  	(v2sf) =	vpush v17, $0x1;
	_ =	sdelay $0x2  }
0x225: {  	(v2sf) =	vpush v16, $0x1;
	_ =	sdelay $0x4  }
0x226: {  	s13 =	spop (v2sf);
	(v2sf) =	vpush v17, $0x2  }
0x227: {  	s7 =	sshll.u32 s31, $0x7;
	s0 =	sand.u32 $0x1FFFFFF0, s13  }
0x228: {  	s2 =	sor.u32 $0x600, s7;
	s0 =	sadd.s32 s4, s0  }
0x229: {  	[tilespmem:s2], [sflag:$0x2] =	stream.linear.gather [hbm4b:s0+s3], $0x80, $0x38;
	[tilespmem:$0xC800] =	vst v63  }
0x22a: {  	s2 =	spop (v2sf);
	(v2sf) =	vpush v16, $0x2;
	_ =	sdelay $0x1  }
0x22b: {  	s0 =	sand.u32 $0x1FFFFFF0, s2  }
0x22c: {  	s9 =	sadd.s32 $0x8600, s7;
	s10 =	spop (v2sf);
	s0 =	sadd.s32 s4, s0  }
0x22d: {  	(v2sf) =	vpush v17, $0x3;
	[tilespmem:s9], [sflag:$0x2] =	stream.linear.gather [hbm4b:s0+s3], $0x80, $0x38;
	[tilespmem:$0xC800] =	vst v63  }
0x22e: {  	s2 =	sand.u32 $0x1FFFFFF0, s10;
	s0 =	sshll.u32 s30, $0xC  }
0x22f: {  	s12 =	spop (v2sf);
	s2 =	sadd.s32 s4, s2;
	s13 =	sor.u32 $0xE80, s0  }
0x230: {  	[tilespmem:s13], [sflag:$0x2] =	stream.linear.gather [hbm4b:s2+s3], $0x80, $0x38;
	[tilespmem:$0xC800] =	vst v63  }
0x231: {  	(v2sf) =	vpush v16, $0x3;
	s2 =	sand.u32 $0x1FFFFFF0, s12  }
0x232: {  	s12 =	sadd.s32 $0x8E80, s0;
	s2 =	sadd.s32 s4, s2  }
0x233: {  	[tilespmem:s12], [sflag:$0x2] =	stream.linear.gather [hbm4b:s2+s3], $0x80, $0x38;
	[tilespmem:$0xC800] =	vst v63  }
0x234: {  	s9 =	spop (v2sf)  }
0x235: {  	(v2sf) =	vpush v17, $0x4;
	s2 =	sand.u32 $0x1FFFFFF0, s9  }
0x236: {  	s12 =	sor.u32 $0xF00, s0;
	s2 =	sadd.s32 s4, s2  }
0x237: {  	[tilespmem:s12], [sflag:$0x2] =	stream.linear.gather [hbm4b:s2+s3], $0x80, $0x38;
	[tilespmem:$0xC800] =	vst v63  }
0x238: {  	s10 =	spop (v2sf)  }
0x239: {  	(v2sf) =	vpush v16, $0x4;
	s2 =	sand.u32 $0x1FFFFFF0, s10  }
0x23a: {  	s9 =	sadd.s32 $0x8F00, s0;
	s2 =	sadd.s32 s4, s2  }
0x23b: {  	[tilespmem:s9], [sflag:$0x2] =	stream.linear.gather [hbm4b:s2+s3], $0x80, $0x38;
	[tilespmem:$0xC800] =	vst v63  }
0x23c: {  	s9 =	spop (v2sf)  }
0x23d: {  	(v2sf) =	vpush v17, $0x5;
	s2 =	sand.u32 $0x1FFFFFF0, s9  }
0x23e: {  	s10 =	sadd.s32 s4, s2;
	s2 =	sor.u32 $0xF80, s0  }
0x23f: {  	[tilespmem:s2], [sflag:$0x2] =	stream.linear.gather [hbm4b:s10+s3], $0x80, $0x38;
	[tilespmem:$0xC800] =	vst v63  }
0x240: {  	s10 =	spop (v2sf)  }
0x241: {  	(v2sf) =	vpush v16, $0x5;
	s9 =	sand.u32 $0x1FFFFFF0, s10  }
0x242: {  	s10 =	sadd.s32 $0x8F80, s0;
	s9 =	sadd.s32 s4, s9  }
0x243: {  	[tilespmem:s10], [sflag:$0x2] =	stream.linear.gather [hbm4b:s9+s3], $0x80, $0x38;
	[tilespmem:$0xC800] =	vst v63  }
0x244: {  	s10 =	spop (v2sf)  }
0x245: {  	(v2sf) =	vpush v17, $0x6;
	s9 =	sand.u32 $0x1FFFFFF0, s10  }
0x246: {  	s10 =	sadd.s32 $0x1000, s0;
	s9 =	sadd.s32 s4, s9  }
0x247: {  	[tilespmem:s10], [sflag:$0x2] =	stream.linear.gather [hbm4b:s9+s3], $0x80, $0x38;
	[tilespmem:$0xC800] =	vst v63  }
0x248: {  	s10 =	spop (v2sf)  }
0x249: {  	(v2sf) =	vpush v16, $0x6;
	s9 =	sand.u32 $0x1FFFFFF0, s10  }
0x24a: {  	s10 =	sadd.s32 $0x9000, s0;
	s9 =	sadd.s32 s4, s9  }
0x24b: {  	[tilespmem:s10], [sflag:$0x2] =	stream.linear.gather [hbm4b:s9+s3], $0x80, $0x38;
	[tilespmem:$0xC800] =	vst v63  }
0x24c: {  	s10 =	spop (v2sf)  }
0x24d: {  	(v2sf) =	vpush v17, $0x7;
	s9 =	sand.u32 $0x1FFFFFF0, s10  }
0x24e: {  	s10 =	sadd.s32 $0x1080, s0;
	s9 =	sadd.s32 s4, s9  }
0x24f: {  	[tilespmem:s10], [sflag:$0x2] =	stream.linear.gather [hbm4b:s9+s3], $0x80, $0x38;
	[tilespmem:$0xC800] =	vst v63  }
0x250: {  	s10 =	spop (v2sf)  }
0x251: {  	(v2sf) =	vpush v16, $0x7;
	s9 =	sand.u32 $0x1FFFFFF0, s10  }
0x252: {  	s10 =	sadd.s32 $0x9080, s0;
	s9 =	sadd.s32 s4, s9  }
0x253: {  	[tilespmem:s10], [sflag:$0x2] =	stream.linear.gather [hbm4b:s9+s3], $0x80, $0x38;
	[tilespmem:$0xC800] =	vst v63  }
0x254: {  	s10 =	spop (v2sf)  }
0x255: {  	(v2sf) =	vpush v17, $0x8;
	s9 =	sand.u32 $0x1FFFFFF0, s10  }
0x256: {  	s10 =	sadd.s32 $0x1100, s0;
	s9 =	sadd.s32 s4, s9  }
0x257: {  	[tilespmem:s10], [sflag:$0x2] =	stream.linear.gather [hbm4b:s9+s3], $0x80, $0x38;
	[tilespmem:$0xC800] =	vst v63  }
0x258: {  	s10 =	spop (v2sf)  }
0x259: {  	(v2sf) =	vpush v16, $0x8;
	s9 =	sand.u32 $0x1FFFFFF0, s10  }
0x25a: {  	s10 =	sadd.s32 $0x9100, s0;
	s9 =	sadd.s32 s4, s9  }
0x25b: {  	[tilespmem:s10], [sflag:$0x2] =	stream.linear.gather [hbm4b:s9+s3], $0x80, $0x38;
	[tilespmem:$0xC800] =	vst v63  }
0x25c: {  	s10 =	spop (v2sf)  }
0x25d: {  	(v2sf) =	vpush v17, $0x9;
	s9 =	sand.u32 $0x1FFFFFF0, s10  }
0x25e: {  	s10 =	sadd.s32 $0x1180, s0;
	s9 =	sadd.s32 s4, s9  }
0x25f: {  	[tilespmem:s10], [sflag:$0x2] =	stream.linear.gather [hbm4b:s9+s3], $0x80, $0x38;
	[tilespmem:$0xC800] =	vst v63  }
0x260: {  	s10 =	spop (v2sf)  }
0x261: {  	(v2sf) =	vpush v16, $0x9;
	s9 =	sand.u32 $0x1FFFFFF0, s10  }
0x262: {  	s10 =	sadd.s32 $0x9180, s0;
	s9 =	sadd.s32 s4, s9  }
0x263: {  	[tilespmem:s10], [sflag:$0x2] =	stream.linear.gather [hbm4b:s9+s3], $0x80, $0x38;
	[tilespmem:$0xC800] =	vst v63  }
0x264: {  	s10 =	spop (v2sf)  }
0x265: {  	(v2sf) =	vpush v17, $0xA;
	s9 =	sand.u32 $0x1FFFFFF0, s10  }
0x266: {  	s10 =	sadd.s32 $0x1200, s0;
	s9 =	sadd.s32 s4, s9  }
0x267: {  	[tilespmem:s10], [sflag:$0x2] =	stream.linear.gather [hbm4b:s9+s3], $0x80, $0x38;
	[tilespmem:$0xC800] =	vst v63  }
0x268: {  	s10 =	spop (v2sf)  }
0x269: {  	(v2sf) =	vpush v16, $0xA;
	s9 =	sand.u32 $0x1FFFFFF0, s10  }
0x26a: {  	s10 =	sadd.s32 $0x9200, s0;
	s9 =	sadd.s32 s4, s9  }
0x26b: {  	[tilespmem:s10], [sflag:$0x2] =	stream.linear.gather [hbm4b:s9+s3], $0x80, $0x38;
	[tilespmem:$0xC800] =	vst v63  }
0x26c: {  	s10 =	spop (v2sf)  }
0x26d: {  	(v2sf) =	vpush v17, $0xB;
	s9 =	sand.u32 $0x1FFFFFF0, s10  }
0x26e: {  	s10 =	sadd.s32 $0x1280, s0;
	s9 =	sadd.s32 s4, s9  }
0x26f: {  	[tilespmem:s10], [sflag:$0x2] =	stream.linear.gather [hbm4b:s9+s3], $0x80, $0x38;
	[tilespmem:$0xC800] =	vst v63  }
0x270: {  	s10 =	spop (v2sf)  }
0x271: {  	(v2sf) =	vpush v16, $0xB;
	s9 =	sand.u32 $0x1FFFFFF0, s10  }
0x272: {  	s10 =	sadd.s32 $0x9280, s0;
	s9 =	sadd.s32 s4, s9  }
0x273: {  	[tilespmem:s10], [sflag:$0x2] =	stream.linear.gather [hbm4b:s9+s3], $0x80, $0x38;
	[tilespmem:$0xC800] =	vst v63  }
0x274: {  	s10 =	spop (v2sf)  }
0x275: {  	(v2sf) =	vpush v17, $0xC;
	s9 =	sand.u32 $0x1FFFFFF0, s10  }
0x276: {  	s10 =	sadd.s32 $0x1300, s0;
	s9 =	sadd.s32 s4, s9  }
0x277: {  	[tilespmem:s10], [sflag:$0x2] =	stream.linear.gather [hbm4b:s9+s3], $0x80, $0x38;
	[tilespmem:$0xC800] =	vst v63  }
0x278: {  	s10 =	spop (v2sf)  }
0x279: {  	(v2sf) =	vpush v16, $0xC;
	s9 =	sand.u32 $0x1FFFFFF0, s10  }
0x27a: {  	s10 =	sadd.s32 $0x9300, s0;
	s9 =	sadd.s32 s4, s9  }
0x27b: {  	[tilespmem:s10], [sflag:$0x2] =	stream.linear.gather [hbm4b:s9+s3], $0x80, $0x38;
	[tilespmem:$0xC800] =	vst v63  }
0x27c: {  	s10 =	spop (v2sf)  }
0x27d: {  	(v2sf) =	vpush v17, $0xD;
	s9 =	sand.u32 $0x1FFFFFF0, s10  }
0x27e: {  	s10 =	sadd.s32 $0x1380, s0;
	s9 =	sadd.s32 s4, s9  }
0x27f: {  	[tilespmem:s10], [sflag:$0x2] =	stream.linear.gather [hbm4b:s9+s3], $0x80, $0x38;
	[tilespmem:$0xC800] =	vst v63  }
0x280: {  	s10 =	spop (v2sf)  }
0x281: {  	(v2sf) =	vpush v16, $0xD;
	s9 =	sand.u32 $0x1FFFFFF0, s10  }
0x282: {  	s10 =	sadd.s32 $0x9380, s0;
	s9 =	sadd.s32 s4, s9  }
0x283: {  	[tilespmem:s10], [sflag:$0x2] =	stream.linear.gather [hbm4b:s9+s3], $0x80, $0x38;
	[tilespmem:$0xC800] =	vst v63  }
0x284: {  	s10 =	spop (v2sf)  }
0x285: {  	(v2sf) =	vpush v17, $0xE;
	s9 =	sand.u32 $0x1FFFFFF0, s10  }
0x286: {  	s10 =	sadd.s32 $0x1400, s0;
	s9 =	sadd.s32 s4, s9  }
0x287: {  	[tilespmem:s10], [sflag:$0x2] =	stream.linear.gather [hbm4b:s9+s3], $0x80, $0x38;
	[tilespmem:$0xC800] =	vst v63  }
0x288: {  	s10 =	spop (v2sf)  }
0x289: {  	(v2sf) =	vpush v16, $0xE;
	s9 =	sand.u32 $0x1FFFFFF0, s10  }
0x28a: {  	s10 =	sadd.s32 $0x9400, s0;
	s9 =	sadd.s32 s4, s9  }
0x28b: {  	[tilespmem:s10], [sflag:$0x2] =	stream.linear.gather [hbm4b:s9+s3], $0x80, $0x38;
	[tilespmem:$0xC800] =	vst v63  }
0x28c: {  	s10 =	spop (v2sf)  }
0x28d: {  	(v2sf) =	vpush v17, $0xF;
	s9 =	sand.u32 $0x1FFFFFF0, s10  }
0x28e: {  	s10 =	sadd.s32 $0x1480, s0;
	s9 =	sadd.s32 s4, s9  }
0x28f: {  	[tilespmem:s10], [sflag:$0x2] =	stream.linear.gather [hbm4b:s9+s3], $0x80, $0x38;
	[tilespmem:$0xC800] =	vst v63  }
0x290: {  	s10 =	spop (v2sf)  }
0x291: {  	(v2sf) =	vpush v16, $0xF;
	s9 =	sand.u32 $0x1FFFFFF0, s10  }
0x292: {  	s10 =	sadd.s32 $0x9480, s0;
	s9 =	sadd.s32 s4, s9  }
0x293: {  	[tilespmem:s10], [sflag:$0x2] =	stream.linear.gather [hbm4b:s9+s3], $0x80, $0x38;
	[tilespmem:$0xC800] =	vst v63  }
0x294: {  	s10 =	spop (v2sf)  }
0x295: {  	s9 =	sand.u32 $0x1FFFFFF0, s10  }
0x296: {  	s10 =	sadd.s32 $0x1500, s0;
	s9 =	sadd.s32 s4, s9  }
0x297: {  	[tilespmem:s10], [sflag:$0x2] =	stream.linear.gather [hbm4b:s9+s3], $0x80, $0x38;
	[tilespmem:$0xC800] =	vst v63  }
0x298: {  	s10 =	spop (v2sf)  }
0x299: {  	s9 =	sand.u32 $0x1FFFFFF0, s10  }
0x29a: {  	s10 =	sadd.s32 $0x9500, s0;
	s9 =	sadd.s32 s4, s9  }
0x29b: {  	[tilespmem:s10], [sflag:$0x2] =	stream.linear.gather [hbm4b:s9+s3], $0x80, $0x38;
	[tilespmem:$0xC800] =	vst v63  }
0x29c: {  	s10 =	spop (v2sf)  }
0x29d: {  	s9 =	sand.u32 $0x1FFFFFF0, s10  }
0x29e: {  	s10 =	sadd.s32 $0x1580, s0;
	s9 =	sadd.s32 s4, s9  }
0x29f: {  	[tilespmem:s10], [sflag:$0x2] =	stream.linear.gather [hbm4b:s9+s3], $0x80, $0x38;
	[tilespmem:$0xC800] =	vst v63  }
0x2a0: {  	s10 =	spop (v2sf)  }
0x2a1: {  	s9 =	sand.u32 $0x1FFFFFF0, s10  }
0x2a2: {  	s10 =	sadd.s32 $0x9580, s0;
	s9 =	sadd.s32 s4, s9  }
0x2a3: {  	[tilespmem:s10], [sflag:$0x2] =	stream.linear.gather [hbm4b:s9+s3], $0x80, $0x38;
	[tilespmem:$0xC800] =	vst v63  }
0x2a4: {  	_ =	swait.ge [sflag:s23], $0x800  }
0x2a5: {  	[sflag:s23] =	ssyncset.done $0x0  }
0x2a6: {  	[sflag:s23] =	ssyncadd.s32 $0xFFFFF800  }
0x2a7: {  	_ =	swait.ge [sflag:s23], $0x800  }
0x2a8: {  	[sflag:s23] =	ssyncset.done $0x0  }
0x2a9: {  	[sflag:s23] =	ssyncadd.s32 $0xFFFFF800  }
0x2aa: {  	v16 =	vld [tilespmem:s0+$0x600]  }
0x2ab: {  	v17 =	vld [tilespmem:s0+$0x4600]  }
0x2ac: {  	v29 =	vld [tilespmem:s0+$0x8600]  }
0x2ad: {  	v19 =	vld [tilespmem:s0+$0x610]  }
0x2ae: {  	v20 =	vld [tilespmem:s0+$0x4610]  }
0x2af: {  	v21 =	vld [tilespmem:s0+$0x8610]  }
0x2b0: {  	v22 =	vld [tilespmem:s0+$0x620]  }
0x2b1: {  	v23 =	vld [tilespmem:s0+$0x4620]  }
0x2b2: {  	v24 =	vld [tilespmem:s0+$0x8620]  }
0x2b3: {  	v25 =	vld [tilespmem:s0+$0x630]  }
0x2b4: {  	v16 =	vadd.f32 v17, v16;
	v17 =	vld [tilespmem:s0+$0x4630]  }
0x2b5: {  	v19 =	vadd.f32 v20, v19  }
0x2b6: {  	v30 =	vld [tilespmem:s0+$0x8630];
	v31 =	vadd.f32 v23, v22  }
0x2b7: {  	v16 =	vsub.f32 v16, v29;
	v19 =	vsub.f32 v19, v21  }
0x2b8: {  	v20 =	vsub.f32 v31, v24  }
0x2b9: {  	v16 =	vmul.f32 v16, v16;
	v19 =	vmul.f32 v19, v19;
	v17 =	vadd.f32 v17, v25;
	_ =	sdelay $0x1  }
0x2ba: {  	v32 =	vmul.f32 v20, v20;
	v16 =	vadd.f32 v19, v16;
	v17 =	vsub.f32 v17, v30;
	_ =	sdelay $0x1  }
0x2bb: {  	v16 =	vadd.f32 v32, v16;
	v17 =	vmul.f32 v17, v17;
	_ =	sdelay $0x1  }
0x2bc: {  	v16 =	vadd.f32 v17, v16;
	_ =	sdelay $0x1  }
0x2bd: {  	[tilespmem:$0xC680] =	vst v16  }
0x2be: {  	v16 =	vld [tilespmem:s0+$0x680]  }
0x2bf: {  	v17 =	vld [tilespmem:s0+$0x4680]  }
0x2c0: {  	v33 =	vld [tilespmem:s0+$0x8680]  }
0x2c1: {  	v34 =	vld [tilespmem:s0+$0x690]  }
0x2c2: {  	v35 =	vld [tilespmem:s0+$0x4690]  }
0x2c3: {  	v36 =	vld [tilespmem:s0+$0x8690]  }
0x2c4: {  	v37 =	vld [tilespmem:s0+$0x6A0]  }
0x2c5: {  	v38 =	vld [tilespmem:s0+$0x46A0]  }
0x2c6: {  	v39 =	vld [tilespmem:s0+$0x86A0]  }
0x2c7: {  	v40 =	vld [tilespmem:s0+$0x6B0]  }
0x2c8: {  	v16 =	vadd.f32 v17, v16;
	v17 =	vld [tilespmem:s0+$0x46B0]  }
0x2c9: {  	v19 =	vadd.f32 v35, v34  }
0x2ca: {  	v41 =	vld [tilespmem:s0+$0x86B0];
	v42 =	vadd.f32 v38, v37  }
0x2cb: {  	v16 =	vsub.f32 v16, v33;
	v19 =	vsub.f32 v19, v36  }
0x2cc: {  	v20 =	vsub.f32 v42, v39  }
0x2cd: {  	v16 =	vmul.f32 v16, v16;
	v19 =	vmul.f32 v19, v19;
	v17 =	vadd.f32 v17, v40;
	_ =	sdelay $0x1  }
0x2ce: {  	v43 =	vmul.f32 v20, v20;
	v16 =	vadd.f32 v19, v16;
	v17 =	vsub.f32 v17, v41;
	_ =	sdelay $0x1  }
0x2cf: {  	v16 =	vadd.f32 v43, v16;
	v17 =	vmul.f32 v17, v17;
	_ =	sdelay $0x1  }
0x2d0: {  	v16 =	vadd.f32 v17, v16;
	_ =	sdelay $0x1  }
0x2d1: {  	[tilespmem:$0xC698] =	vst v16  }
0x2d2: {  	v16 =	vld [tilespmem:s0+$0x700]  }
0x2d3: {  	v17 =	vld [tilespmem:s0+$0x4700]  }
0x2d4: {  	v44 =	vld [tilespmem:s0+$0x8700]  }
0x2d5: {  	v45 =	vld [tilespmem:s0+$0x710]  }
0x2d6: {  	v46 =	vld [tilespmem:s0+$0x4710]  }
0x2d7: {  	v47 =	vld [tilespmem:s0+$0x8710]  }
0x2d8: {  	v48 =	vld [tilespmem:s0+$0x720]  }
0x2d9: {  	v49 =	vld [tilespmem:s0+$0x4720]  }
0x2da: {  	v50 =	vld [tilespmem:s0+$0x8720]  }
0x2db: {  	v51 =	vld [tilespmem:s0+$0x730]  }
0x2dc: {  	v16 =	vadd.f32 v17, v16;
	v17 =	vld [tilespmem:s0+$0x4730]  }
0x2dd: {  	v19 =	vadd.f32 v46, v45  }
0x2de: {  	v52 =	vld [tilespmem:s0+$0x8730];
	v53 =	vadd.f32 v49, v48  }
0x2df: {  	v16 =	vsub.f32 v16, v44;
	v19 =	vsub.f32 v19, v47  }
0x2e0: {  	v20 =	vsub.f32 v53, v50  }
0x2e1: {  	v16 =	vmul.f32 v16, v16;
	v19 =	vmul.f32 v19, v19;
	v17 =	vadd.f32 v17, v51;
	_ =	sdelay $0x1  }
0x2e2: {  	v54 =	vmul.f32 v20, v20;
	v16 =	vadd.f32 v19, v16;
	v17 =	vsub.f32 v17, v52;
	_ =	sdelay $0x1  }
0x2e3: {  	v16 =	vadd.f32 v54, v16;
	v17 =	vmul.f32 v17, v17;
	_ =	sdelay $0x1  }
0x2e4: {  	v16 =	vadd.f32 v17, v16;
	_ =	sdelay $0x1  }
0x2e5: {  	[tilespmem:$0xC6B0] =	vst v16  }
0x2e6: {  	v16 =	vld [tilespmem:s0+$0x780]  }
0x2e7: {  	v17 =	vld [tilespmem:s0+$0x4780]  }
0x2e8: {  	v55 =	vld [tilespmem:s0+$0x8780]  }
0x2e9: {  	v56 =	vld [tilespmem:s0+$0x790]  }
0x2ea: {  	v57 =	vld [tilespmem:s0+$0x4790]  }
0x2eb: {  	v58 =	vld [tilespmem:s0+$0x8790]  }
0x2ec: {  	v59 =	vld [tilespmem:s0+$0x7A0]  }
0x2ed: {  	v60 =	vld [tilespmem:s0+$0x47A0]  }
0x2ee: {  	v61 =	vld [tilespmem:s0+$0x87A0]  }
0x2ef: {  	v62 =	vld [tilespmem:s0+$0x7B0]  }
0x2f0: {  	v16 =	vadd.f32 v17, v16;
	v17 =	vld [tilespmem:s0+$0x47B0]  }
0x2f1: {  	v19 =	vadd.f32 v57, v56  }
0x2f2: {  	v63 =	vld [tilespmem:s0+$0x87B0];
	v26 =	vadd.f32 v60, v59  }
0x2f3: {  	v16 =	vsub.f32 v16, v55;
	v19 =	vsub.f32 v19, v58  }
0x2f4: {  	v20 =	vsub.f32 v26, v61  }
0x2f5: {  	v16 =	vmul.f32 v16, v16;
	v19 =	vmul.f32 v19, v19;
	v17 =	vadd.f32 v17, v62;
	_ =	sdelay $0x1  }
0x2f6: {  	v27 =	vmul.f32 v20, v20;
	v16 =	vadd.f32 v19, v16;
	v17 =	vsub.f32 v17, v63;
	_ =	sdelay $0x1  }
0x2f7: {  	v16 =	vadd.f32 v27, v16;
	v17 =	vmul.f32 v17, v17;
	_ =	sdelay $0x1  }
0x2f8: {  	v16 =	vadd.f32 v17, v16;
	_ =	sdelay $0x1  }
0x2f9: {  	[tilespmem:$0xC6C8] =	vst v16  }
0x2fa: {  	v16 =	vld [tilespmem:s0+$0x800]  }
0x2fb: {  	v17 =	vld [tilespmem:s0+$0x4800]  }
0x2fc: {  	v28 =	vld [tilespmem:s0+$0x8800]  }
0x2fd: {  	v29 =	vld [tilespmem:s0+$0x810]  }
0x2fe: {  	v30 =	vld [tilespmem:s0+$0x4810]  }
0x2ff: {  	v31 =	vld [tilespmem:s0+$0x8810]  }
0x300: {  	v32 =	vld [tilespmem:s0+$0x820]  }
0x301: {  	v33 =	vld [tilespmem:s0+$0x4820]  }
0x302: {  	v34 =	vld [tilespmem:s0+$0x8820]  }
0x303: {  	v35 =	vld [tilespmem:s0+$0x830]  }
0x304: {  	v16 =	vadd.f32 v17, v16;
	v17 =	vld [tilespmem:s0+$0x4830]  }
0x305: {  	v19 =	vadd.f32 v30, v29  }
0x306: {  	v36 =	vld [tilespmem:s0+$0x8830];
	v37 =	vadd.f32 v33, v32  }
0x307: {  	v16 =	vsub.f32 v16, v28;
	v19 =	vsub.f32 v19, v31  }
0x308: {  	v20 =	vsub.f32 v37, v34  }
0x309: {  	v16 =	vmul.f32 v16, v16;
	v19 =	vmul.f32 v19, v19;
	v17 =	vadd.f32 v17, v35;
	_ =	sdelay $0x1  }
0x30a: {  	v38 =	vmul.f32 v20, v20;
	v16 =	vadd.f32 v19, v16;
	v17 =	vsub.f32 v17, v36;
	_ =	sdelay $0x1  }
0x30b: {  	v16 =	vadd.f32 v38, v16;
	v17 =	vmul.f32 v17, v17;
	_ =	sdelay $0x1  }
0x30c: {  	v16 =	vadd.f32 v17, v16;
	_ =	sdelay $0x1  }
0x30d: {  	[tilespmem:$0xC6E0] =	vst v16  }
0x30e: {  	v16 =	vld [tilespmem:s0+$0x880]  }
0x30f: {  	v17 =	vld [tilespmem:s0+$0x4880]  }
0x310: {  	v39 =	vld [tilespmem:s0+$0x8880]  }
0x311: {  	v40 =	vld [tilespmem:s0+$0x890]  }
0x312: {  	v41 =	vld [tilespmem:s0+$0x4890]  }
0x313: {  	v42 =	vld [tilespmem:s0+$0x8890]  }
0x314: {  	v43 =	vld [tilespmem:s0+$0x8A0]  }
0x315: {  	v44 =	vld [tilespmem:s0+$0x48A0]  }
0x316: {  	v45 =	vld [tilespmem:s0+$0x88A0]  }
0x317: {  	v46 =	vld [tilespmem:s0+$0x8B0]  }
0x318: {  	v16 =	vadd.f32 v17, v16;
	v17 =	vld [tilespmem:s0+$0x48B0]  }
0x319: {  	v19 =	vadd.f32 v41, v40  }
0x31a: {  	v47 =	vld [tilespmem:s0+$0x88B0];
	v48 =	vadd.f32 v44, v43  }
0x31b: {  	v16 =	vsub.f32 v16, v39;
	v19 =	vsub.f32 v19, v42  }
0x31c: {  	v20 =	vsub.f32 v48, v45  }
0x31d: {  	v16 =	vmul.f32 v16, v16;
	v19 =	vmul.f32 v19, v19;
	v17 =	vadd.f32 v17, v46;
	_ =	sdelay $0x1  }
0x31e: {  	v49 =	vmul.f32 v20, v20;
	v16 =	vadd.f32 v19, v16;
	v17 =	vsub.f32 v17, v47;
	_ =	sdelay $0x1  }
0x31f: {  	v16 =	vadd.f32 v49, v16;
	v17 =	vmul.f32 v17, v17;
	_ =	sdelay $0x1  }
0x320: {  	v16 =	vadd.f32 v17, v16;
	_ =	sdelay $0x1  }
0x321: {  	[tilespmem:$0xC6F8] =	vst v16  }
0x322: {  	v16 =	vld [tilespmem:s0+$0x900]  }
0x323: {  	v17 =	vld [tilespmem:s0+$0x4900]  }
0x324: {  	v50 =	vld [tilespmem:s0+$0x8900]  }
0x325: {  	v51 =	vld [tilespmem:s0+$0x910]  }
0x326: {  	v52 =	vld [tilespmem:s0+$0x4910]  }
0x327: {  	v53 =	vld [tilespmem:s0+$0x8910]  }
0x328: {  	v54 =	vld [tilespmem:s0+$0x920]  }
0x329: {  	v55 =	vld [tilespmem:s0+$0x4920]  }
0x32a: {  	v56 =	vld [tilespmem:s0+$0x8920]  }
0x32b: {  	v57 =	vld [tilespmem:s0+$0x930]  }
0x32c: {  	v16 =	vadd.f32 v17, v16;
	v17 =	vld [tilespmem:s0+$0x4930]  }
0x32d: {  	v19 =	vadd.f32 v52, v51  }
0x32e: {  	v58 =	vld [tilespmem:s0+$0x8930];
	v59 =	vadd.f32 v55, v54  }
0x32f: {  	v16 =	vsub.f32 v16, v50;
	v19 =	vsub.f32 v19, v53  }
0x330: {  	v20 =	vsub.f32 v59, v56  }
0x331: {  	v16 =	vmul.f32 v16, v16;
	v19 =	vmul.f32 v19, v19;
	v17 =	vadd.f32 v17, v57;
	_ =	sdelay $0x1  }
0x332: {  	v60 =	vmul.f32 v20, v20;
	v16 =	vadd.f32 v19, v16;
	v17 =	vsub.f32 v17, v58;
	_ =	sdelay $0x1  }
0x333: {  	v16 =	vadd.f32 v60, v16;
	v17 =	vmul.f32 v17, v17;
	_ =	sdelay $0x1  }
0x334: {  	v16 =	vadd.f32 v17, v16;
	_ =	sdelay $0x1  }
0x335: {  	[tilespmem:$0xC710] =	vst v16  }
0x336: {  	v16 =	vld [tilespmem:s0+$0x980]  }
0x337: {  	v17 =	vld [tilespmem:s0+$0x4980]  }
0x338: {  	v61 =	vld [tilespmem:s0+$0x8980]  }
0x339: {  	v62 =	vld [tilespmem:s0+$0x990]  }
0x33a: {  	v63 =	vld [tilespmem:s0+$0x4990]  }
0x33b: {  	v28 =	vld [tilespmem:s0+$0x8990]  }
0x33c: {  	v29 =	vld [tilespmem:s0+$0x9A0]  }
0x33d: {  	v30 =	vld [tilespmem:s0+$0x49A0]  }
0x33e: {  	v31 =	vld [tilespmem:s0+$0x89A0]  }
0x33f: {  	v32 =	vld [tilespmem:s0+$0x9B0]  }
0x340: {  	v16 =	vadd.f32 v17, v16;
	v17 =	vld [tilespmem:s0+$0x49B0]  }
0x341: {  	v19 =	vadd.f32 v63, v62  }
0x342: {  	v33 =	vld [tilespmem:s0+$0x89B0];
	v34 =	vadd.f32 v30, v29  }
0x343: {  	v16 =	vsub.f32 v16, v61;
	v19 =	vsub.f32 v19, v28  }
0x344: {  	v20 =	vsub.f32 v34, v31  }
0x345: {  	v16 =	vmul.f32 v16, v16;
	v19 =	vmul.f32 v19, v19;
	v17 =	vadd.f32 v17, v32;
	_ =	sdelay $0x1  }
0x346: {  	v35 =	vmul.f32 v20, v20;
	v16 =	vadd.f32 v19, v16;
	v17 =	vsub.f32 v17, v33;
	_ =	sdelay $0x1  }
0x347: {  	v16 =	vadd.f32 v35, v16;
	v17 =	vmul.f32 v17, v17;
	_ =	sdelay $0x1  }
0x348: {  	v16 =	vadd.f32 v17, v16;
	_ =	sdelay $0x1  }
0x349: {  	[tilespmem:$0xC728] =	vst v16  }
0x34a: {  	v16 =	vld [tilespmem:s0+$0xA00]  }
0x34b: {  	v17 =	vld [tilespmem:s0+$0x4A00]  }
0x34c: {  	v36 =	vld [tilespmem:s0+$0x8A00]  }
0x34d: {  	v37 =	vld [tilespmem:s0+$0xA10]  }
0x34e: {  	v38 =	vld [tilespmem:s0+$0x4A10]  }
0x34f: {  	v39 =	vld [tilespmem:s0+$0x8A10]  }
0x350: {  	v40 =	vld [tilespmem:s0+$0xA20]  }
0x351: {  	v41 =	vld [tilespmem:s0+$0x4A20]  }
0x352: {  	v42 =	vld [tilespmem:s0+$0x8A20]  }
0x353: {  	v43 =	vld [tilespmem:s0+$0xA30]  }
0x354: {  	v16 =	vadd.f32 v17, v16;
	v17 =	vld [tilespmem:s0+$0x4A30]  }
0x355: {  	v19 =	vadd.f32 v38, v37  }
0x356: {  	v44 =	vld [tilespmem:s0+$0x8A30];
	v45 =	vadd.f32 v41, v40  }
0x357: {  	v16 =	vsub.f32 v16, v36;
	v19 =	vsub.f32 v19, v39  }
0x358: {  	v20 =	vsub.f32 v45, v42  }
0x359: {  	v16 =	vmul.f32 v16, v16;
	v19 =	vmul.f32 v19, v19;
	v17 =	vadd.f32 v17, v43;
	_ =	sdelay $0x1  }
0x35a: {  	v46 =	vmul.f32 v20, v20;
	v16 =	vadd.f32 v19, v16;
	v17 =	vsub.f32 v17, v44;
	_ =	sdelay $0x1  }
0x35b: {  	v16 =	vadd.f32 v46, v16;
	v17 =	vmul.f32 v17, v17;
	_ =	sdelay $0x1  }
0x35c: {  	v16 =	vadd.f32 v17, v16;
	_ =	sdelay $0x1  }
0x35d: {  	[tilespmem:$0xC740] =	vst v16  }
0x35e: {  	v16 =	vld [tilespmem:s0+$0xA80]  }
0x35f: {  	v17 =	vld [tilespmem:s0+$0x4A80]  }
0x360: {  	v47 =	vld [tilespmem:s0+$0x8A80]  }
0x361: {  	v48 =	vld [tilespmem:s0+$0xA90]  }
0x362: {  	v49 =	vld [tilespmem:s0+$0x4A90]  }
0x363: {  	v50 =	vld [tilespmem:s0+$0x8A90]  }
0x364: {  	v51 =	vld [tilespmem:s0+$0xAA0]  }
0x365: {  	v52 =	vld [tilespmem:s0+$0x4AA0]  }
0x366: {  	v53 =	vld [tilespmem:s0+$0x8AA0]  }
0x367: {  	v54 =	vld [tilespmem:s0+$0xAB0]  }
0x368: {  	v16 =	vadd.f32 v17, v16;
	v17 =	vld [tilespmem:s0+$0x4AB0]  }
0x369: {  	v19 =	vadd.f32 v49, v48  }
0x36a: {  	v55 =	vld [tilespmem:s0+$0x8AB0];
	v56 =	vadd.f32 v52, v51  }
0x36b: {  	v16 =	vsub.f32 v16, v47;
	v19 =	vsub.f32 v19, v50  }
0x36c: {  	v20 =	vsub.f32 v56, v53  }
0x36d: {  	v16 =	vmul.f32 v16, v16;
	v19 =	vmul.f32 v19, v19;
	v17 =	vadd.f32 v17, v54;
	_ =	sdelay $0x1  }
0x36e: {  	v57 =	vmul.f32 v20, v20;
	v16 =	vadd.f32 v19, v16;
	v17 =	vsub.f32 v17, v55;
	_ =	sdelay $0x1  }
0x36f: {  	v16 =	vadd.f32 v57, v16;
	v17 =	vmul.f32 v17, v17;
	_ =	sdelay $0x1  }
0x370: {  	v16 =	vadd.f32 v17, v16;
	_ =	sdelay $0x1  }
0x371: {  	[tilespmem:$0xC758] =	vst v16  }
0x372: {  	v16 =	vld [tilespmem:s0+$0xB00]  }
0x373: {  	v17 =	vld [tilespmem:s0+$0x4B00]  }
0x374: {  	v58 =	vld [tilespmem:s0+$0x8B00]  }
0x375: {  	v59 =	vld [tilespmem:s0+$0xB10]  }
0x376: {  	v60 =	vld [tilespmem:s0+$0x4B10]  }
0x377: {  	v61 =	vld [tilespmem:s0+$0x8B10]  }
0x378: {  	v62 =	vld [tilespmem:s0+$0xB20]  }
0x379: {  	v63 =	vld [tilespmem:s0+$0x4B20]  }
0x37a: {  	v28 =	vld [tilespmem:s0+$0x8B20]  }
0x37b: {  	v29 =	vld [tilespmem:s0+$0xB30]  }
0x37c: {  	v16 =	vadd.f32 v17, v16;
	v17 =	vld [tilespmem:s0+$0x4B30]  }
0x37d: {  	v19 =	vadd.f32 v60, v59  }
0x37e: {  	v30 =	vld [tilespmem:s0+$0x8B30];
	v31 =	vadd.f32 v63, v62  }
0x37f: {  	v16 =	vsub.f32 v16, v58;
	v19 =	vsub.f32 v19, v61  }
0x380: {  	v20 =	vsub.f32 v31, v28  }
0x381: {  	v16 =	vmul.f32 v16, v16;
	v19 =	vmul.f32 v19, v19;
	v17 =	vadd.f32 v17, v29;
	_ =	sdelay $0x1  }
0x382: {  	v32 =	vmul.f32 v20, v20;
	v16 =	vadd.f32 v19, v16;
	v17 =	vsub.f32 v17, v30;
	_ =	sdelay $0x1  }
0x383: {  	v16 =	vadd.f32 v32, v16;
	v17 =	vmul.f32 v17, v17;
	_ =	sdelay $0x1  }
0x384: {  	v16 =	vadd.f32 v17, v16;
	_ =	sdelay $0x1  }
0x385: {  	[tilespmem:$0xC770] =	vst v16  }
0x386: {  	v16 =	vld [tilespmem:s0+$0xB80]  }
0x387: {  	v17 =	vld [tilespmem:s0+$0x4B80]  }
0x388: {  	v33 =	vld [tilespmem:s0+$0x8B80]  }
0x389: {  	v34 =	vld [tilespmem:s0+$0xB90]  }
0x38a: {  	v35 =	vld [tilespmem:s0+$0x4B90]  }
0x38b: {  	v36 =	vld [tilespmem:s0+$0x8B90]  }
0x38c: {  	v37 =	vld [tilespmem:s0+$0xBA0]  }
0x38d: {  	v38 =	vld [tilespmem:s0+$0x4BA0]  }
0x38e: {  	v39 =	vld [tilespmem:s0+$0x8BA0]  }
0x38f: {  	v40 =	vld [tilespmem:s0+$0xBB0]  }
0x390: {  	v16 =	vadd.f32 v17, v16;
	v17 =	vld [tilespmem:s0+$0x4BB0]  }
0x391: {  	v19 =	vadd.f32 v35, v34  }
0x392: {  	v41 =	vld [tilespmem:s0+$0x8BB0];
	v42 =	vadd.f32 v38, v37  }
0x393: {  	v16 =	vsub.f32 v16, v33;
	v19 =	vsub.f32 v19, v36  }
0x394: {  	v20 =	vsub.f32 v42, v39  }
0x395: {  	v16 =	vmul.f32 v16, v16;
	v19 =	vmul.f32 v19, v19;
	v17 =	vadd.f32 v17, v40;
	_ =	sdelay $0x1  }
0x396: {  	v43 =	vmul.f32 v20, v20;
	v16 =	vadd.f32 v19, v16;
	v17 =	vsub.f32 v17, v41;
	_ =	sdelay $0x1  }
0x397: {  	v16 =	vadd.f32 v43, v16;
	v17 =	vmul.f32 v17, v17;
	_ =	sdelay $0x1  }
0x398: {  	v16 =	vadd.f32 v17, v16;
	_ =	sdelay $0x1  }
0x399: {  	[tilespmem:$0xC788] =	vst v16  }
0x39a: {  	v16 =	vld [tilespmem:s0+$0xC00]  }
0x39b: {  	v17 =	vld [tilespmem:s0+$0x4C00]  }
0x39c: {  	v44 =	vld [tilespmem:s0+$0x8C00]  }
0x39d: {  	v45 =	vld [tilespmem:s0+$0xC10]  }
0x39e: {  	v46 =	vld [tilespmem:s0+$0x4C10]  }
0x39f: {  	v47 =	vld [tilespmem:s0+$0x8C10]  }
0x3a0: {  	v48 =	vld [tilespmem:s0+$0xC20]  }
0x3a1: {  	v49 =	vld [tilespmem:s0+$0x4C20]  }
0x3a2: {  	v50 =	vld [tilespmem:s0+$0x8C20]  }
0x3a3: {  	v51 =	vld [tilespmem:s0+$0xC30]  }
0x3a4: {  	v16 =	vadd.f32 v17, v16;
	v17 =	vld [tilespmem:s0+$0x4C30]  }
0x3a5: {  	v19 =	vadd.f32 v46, v45  }
0x3a6: {  	v52 =	vld [tilespmem:s0+$0x8C30];
	v53 =	vadd.f32 v49, v48  }
0x3a7: {  	v16 =	vsub.f32 v16, v44;
	v19 =	vsub.f32 v19, v47  }
0x3a8: {  	v20 =	vsub.f32 v53, v50  }
0x3a9: {  	v16 =	vmul.f32 v16, v16;
	v19 =	vmul.f32 v19, v19;
	v17 =	vadd.f32 v17, v51;
	_ =	sdelay $0x1  }
0x3aa: {  	v54 =	vmul.f32 v20, v20;
	v16 =	vadd.f32 v19, v16;
	v17 =	vsub.f32 v17, v52;
	_ =	sdelay $0x1  }
0x3ab: {  	v16 =	vadd.f32 v54, v16;
	v17 =	vmul.f32 v17, v17;
	_ =	sdelay $0x1  }
0x3ac: {  	v16 =	vadd.f32 v17, v16;
	_ =	sdelay $0x1  }
0x3ad: {  	[tilespmem:$0xC7A0] =	vst v16  }
0x3ae: {  	v16 =	vld [tilespmem:s0+$0xC80]  }
0x3af: {  	v17 =	vld [tilespmem:s0+$0x4C80]  }
0x3b0: {  	v55 =	vld [tilespmem:s0+$0x8C80]  }
0x3b1: {  	v56 =	vld [tilespmem:s0+$0xC90]  }
0x3b2: {  	v57 =	vld [tilespmem:s0+$0x4C90]  }
0x3b3: {  	v58 =	vld [tilespmem:s0+$0x8C90]  }
0x3b4: {  	v59 =	vld [tilespmem:s0+$0xCA0]  }
0x3b5: {  	v60 =	vld [tilespmem:s0+$0x4CA0]  }
0x3b6: {  	v61 =	vld [tilespmem:s0+$0x8CA0]  }
0x3b7: {  	v62 =	vld [tilespmem:s0+$0xCB0]  }
0x3b8: {  	v16 =	vadd.f32 v17, v16;
	v17 =	vld [tilespmem:s0+$0x4CB0]  }
0x3b9: {  	v19 =	vadd.f32 v57, v56  }
0x3ba: {  	v63 =	vld [tilespmem:s0+$0x8CB0];
	v26 =	vadd.f32 v60, v59  }
0x3bb: {  	v16 =	vsub.f32 v16, v55;
	v19 =	vsub.f32 v19, v58  }
0x3bc: {  	v20 =	vsub.f32 v26, v61  }
0x3bd: {  	v16 =	vmul.f32 v16, v16;
	v19 =	vmul.f32 v19, v19;
	v17 =	vadd.f32 v17, v62;
	_ =	sdelay $0x1  }
0x3be: {  	v27 =	vmul.f32 v20, v20;
	v16 =	vadd.f32 v19, v16;
	v17 =	vsub.f32 v17, v63;
	_ =	sdelay $0x1  }
0x3bf: {  	v16 =	vadd.f32 v27, v16;
	v17 =	vmul.f32 v17, v17;
	_ =	sdelay $0x1  }
0x3c0: {  	v16 =	vadd.f32 v17, v16;
	_ =	sdelay $0x1  }
0x3c1: {  	[tilespmem:$0xC7B8] =	vst v16  }
0x3c2: {  	v16 =	vld [tilespmem:s0+$0xD00]  }
0x3c3: {  	v17 =	vld [tilespmem:s0+$0x4D00]  }
0x3c4: {  	v28 =	vld [tilespmem:s0+$0x8D00]  }
0x3c5: {  	v29 =	vld [tilespmem:s0+$0xD10]  }
0x3c6: {  	v30 =	vld [tilespmem:s0+$0x4D10]  }
0x3c7: {  	v31 =	vld [tilespmem:s0+$0x8D10]  }
0x3c8: {  	v32 =	vld [tilespmem:s0+$0xD20]  }
0x3c9: {  	v33 =	vld [tilespmem:s0+$0x4D20]  }
0x3ca: {  	v34 =	vld [tilespmem:s0+$0x8D20]  }
0x3cb: {  	v35 =	vld [tilespmem:s0+$0xD30]  }
0x3cc: {  	v16 =	vadd.f32 v17, v16;
	v17 =	vld [tilespmem:s0+$0x4D30]  }
0x3cd: {  	v19 =	vadd.f32 v30, v29  }
0x3ce: {  	v36 =	vld [tilespmem:s0+$0x8D30];
	v37 =	vadd.f32 v33, v32  }
0x3cf: {  	v16 =	vsub.f32 v16, v28;
	v19 =	vsub.f32 v19, v31  }
0x3d0: {  	v20 =	vsub.f32 v37, v34  }
0x3d1: {  	v16 =	vmul.f32 v16, v16;
	v19 =	vmul.f32 v19, v19;
	v17 =	vadd.f32 v17, v35;
	_ =	sdelay $0x1  }
0x3d2: {  	v38 =	vmul.f32 v20, v20;
	v16 =	vadd.f32 v19, v16;
	v17 =	vsub.f32 v17, v36;
	_ =	sdelay $0x1  }
0x3d3: {  	v16 =	vadd.f32 v38, v16;
	v17 =	vmul.f32 v17, v17;
	_ =	sdelay $0x1  }
0x3d4: {  	v16 =	vadd.f32 v17, v16;
	_ =	sdelay $0x1  }
0x3d5: {  	[tilespmem:$0xC7D0] =	vst v16  }
0x3d6: {  	v16 =	vld [tilespmem:s0+$0xD80]  }
0x3d7: {  	v17 =	vld [tilespmem:s0+$0x4D80]  }
0x3d8: {  	v39 =	vld [tilespmem:s0+$0x8D80]  }
0x3d9: {  	v40 =	vld [tilespmem:s0+$0xD90]  }
0x3da: {  	v41 =	vld [tilespmem:s0+$0x4D90]  }
0x3db: {  	v42 =	vld [tilespmem:s0+$0x8D90]  }
0x3dc: {  	v43 =	vld [tilespmem:s0+$0xDA0]  }
0x3dd: {  	v44 =	vld [tilespmem:s0+$0x4DA0]  }
0x3de: {  	v46 =	vld [tilespmem:s0+$0xDB0]  }
0x3df: {  	v26 =	vld [tilespmem:s0+$0x4DB0]  }
0x3e0: {  	v45 =	vld [tilespmem:s0+$0x8DA0]  }
0x3e1: {  	v16 =	vadd.f32 v17, v16;
	v17 =	vadd.f32 v41, v40  }
0x3e2: {  	v48 =	vld [tilespmem:s0+$0x8DB0];
	v47 =	vadd.f32 v44, v43  }
0x3e3: {  	v16 =	vsub.f32 v16, v39;
	v17 =	vsub.f32 v17, v42  }
0x3e4: {  	v50 =	vadd.f32 v26, v46  }
0x3e5: {  	v49 =	vsub.f32 v47, v45;
	v16 =	vmul.f32 v16, v16;
	v17 =	vmul.f32 v17, v17;
	_ =	sdelay $0x1  }
0x3e6: {  	v51 =	vsub.f32 v50, v48;
	v16 =	vadd.f32 v17, v16;
	v17 =	vmul.f32 v49, v49;
	_ =	sdelay $0x1  }
0x3e7: {  	v16 =	vadd.f32 v17, v16;
	v17 =	vmul.f32 v51, v51;
	_ =	sdelay $0x1  }
0x3e8: {  	v16 =	vadd.f32 v17, v16;
	_ =	sdelay $0x1  }
0x3e9: {  	[tilespmem:$0xC7E8] =	vst v16  }
0x3ea: {  	v16 =	vld.idx.msk [tilespmem:v0+s24+$0x0], $0xffff  }
0x3eb: {  	v17 =	vld.idx.msk [tilespmem:v1+s24+$0x0], $0xffff;
	_ =	sdelay $0x1  }
0x3ec: {  	v52 =	vld.idx.msk [tilespmem:v2+s24+$0x0], $0xffff;
	_ =	sdelay $0x1  }
0x3ed: {  	v53 =	vld.idx.msk [tilespmem:v3+s24+$0x0], $0xffff  }
0x3ee: {  	v16 =	vadd.f32 v17, v16  }
0x3ef: {  	v17 =	vld.idx.msk [tilespmem:v4+s24+$0x0], $0xffff  }
0x3f0: {  	v16 =	vadd.f32 v52, v16  }
0x3f1: {  	v54 =	vld.idx.msk [tilespmem:v5+s24+$0x0], $0xffff  }
0x3f2: {  	v16 =	vadd.f32 v53, v16  }
0x3f3: {  	v55 =	vld.idx.msk [tilespmem:v6+s24+$0x0], $0xffff  }
0x3f4: {  	v16 =	vadd.f32 v17, v16  }
0x3f5: {  	v17 =	vld.idx.msk [tilespmem:v7+s24+$0x0], $0xffff  }
0x3f6: {  	v16 =	vadd.f32 v54, v16  }
0x3f7: {  	v56 =	vld.idx.msk [tilespmem:v8+s24+$0x0], $0xffff  }
0x3f8: {  	v16 =	vadd.f32 v55, v16  }
0x3f9: {  	v57 =	vld.idx.msk [tilespmem:v9+s24+$0x0], $0xffff  }
0x3fa: {  	v16 =	vadd.f32 v17, v16  }
0x3fb: {  	v17 =	vld.idx.msk [tilespmem:v10+s24+$0x0], $0xffff  }
0x3fc: {  	v16 =	vadd.f32 v56, v16  }
0x3fd: {  	v58 =	vld.idx.msk [tilespmem:v11+s24+$0x0], $0xffff  }
0x3fe: {  	v16 =	vadd.f32 v57, v16  }
0x3ff: {  	v59 =	vld.idx.msk [tilespmem:v12+s24+$0x0], $0xffff  }
0x400: {  	v16 =	vadd.f32 v17, v16  }
0x401: {  	v17 =	vld.idx.msk [tilespmem:v13+s24+$0x0], $0xffff  }
0x402: {  	v16 =	vadd.f32 v58, v16  }
0x403: {  	v60 =	vld.idx.msk [tilespmem:v14+s24+$0x0], $0xffff  }
0x404: {  	v16 =	vadd.f32 v59, v16  }
0x405: {  	v61 =	vld.idx.msk [tilespmem:v15+s24+$0x0], $0xffff  }
0x406: {  	v16 =	vadd.f32 v17, v16;
	_ =	sdelay $0x1  }
0x407: {  	v16 =	vadd.f32 v60, v16;
	_ =	sdelay $0x1  }
0x408: {  	v16 =	vadd.f32 v61, v16;
	_ =	sdelay $0x1  }
0x409: {  	v17 =	vshrl.u32 v16, $0x1;
	v62 =	vmul.f32 $-5.000000000e-01, v16  }
0x40a: {  	v17 =	vsub.s32 $0x5F3759DF, v17  }
0x40b: {  	v63 =	vmul.f32 v17, v62;
	_ =	sdelay $0x1  }
0x40c: {  	v19 =	vmul.f32 v17, v63;
	_ =	sdelay $0x1  }
0x40d: {  	v19 =	vadd.f32 $1.500000000e+00, v19;
	_ =	sdelay $0x1  }
0x40e: {  	v17 =	vmul.f32 v17, v19;
	_ =	sdelay $0x1  }
0x40f: {  	v18 =	vmul.f32 v17, v62;
	_ =	sdelay $0x1  }
0x410: {  	v18 =	vmul.f32 v18, v17;
	_ =	sdelay $0x1  }
0x411: {  	v18 =	vadd.f32 $1.500000000e+00, v18;
	_ =	sdelay $0x1  }
0x412: {  	v17 =	vmul.f32 v18, v17  }
0x413: {  	p0 =	seq.s32 s30, $0x3  }
.Ltmp6:
0x414: {  	v16 =	vmul.f32 v17, v16;
	(pc) =	sbr.rel @p0 .LBB2_5-.Ltmp6, $3  }
0x415: {  	_ = 	snop  }
0x416: {  	v16 =	vsub.f32 $0.0e+00, v16;
	_ =	sdelay $0x1  }
0x417: {  	[tilespmem:s8+$0xC600] =	vst v16  }
0x418: {  	s8 =	sadd.s32 $0x20, s8  }
0x419: {  	s9 =	sadd.s32 s29, s8  }
0x41a: {  	s10 =	sand.u32 $0x60, s8;
	s9 =	sand.u32 $0x380, s9  }
0x41b: {  	s9 =	sor.u32 s10, s9  }
0x41c: {  	v16 =	vld [tilespmem:s9+$0x0];
	_ =	sdelay $0x3  }
0x41d: {  	v18 =	vld [tilespmem:s9+$0x400]  }
0x41e: {  	v17 =	vshll.u32 v16, $0x4  }
0x41f: {  	(v2sf) =	vpush v17, $0x0;
	_ =	sdelay $0x2  }
0x420: {  	v16 =	vshll.u32 v18, $0x4  }
0x421: {  	(v2sf) =	vpush v16, $0x0;
	_ =	sdelay $0x4  }
0x422: {  	(v2sf) =	vpush v17, $0x1  }
0x423: {  	(v2sf) =	vpush v16, $0x1;
	_ =	sdelay $0x4  }
0x424: {  	s10 =	spop (v2sf);
	(v2sf) =	vpush v17, $0x2  }
0x425: {  	s8 =	sshll.u32 s8, $0x7;
	s9 =	sand.u32 $0x1FFFFFF0, s10  }
0x426: {  	s10 =	sadd.s32 $0x600, s8;
	s9 =	sadd.s32 s4, s9  }
0x427: {  	[tilespmem:s10], [sflag:$0x1] =	stream.linear.gather [hbm4b:s9+s3], $0x80, $0x38;
	[tilespmem:$0xC800] =	vst v63  }
0x428: {  	s10 =	spop (v2sf);
	(v2sf) =	vpush v16, $0x2;
	_ =	sdelay $0x1  }
0x429: {  	s9 =	sand.u32 $0x1FFFFFF0, s10  }
0x42a: {  	s8 =	sadd.s32 $0x8600, s8;
	(v2sf) =	vpush v17, $0x3;
	s9 =	sadd.s32 s4, s9  }
0x42b: {  	[tilespmem:s8], [sflag:$0x1] =	stream.linear.gather [hbm4b:s9+s3], $0x80, $0x38;
	[tilespmem:$0xC800] =	vst v63  }
0x42c: {  	s9 =	spop (v2sf)  }
0x42d: {  	s8 =	sand.u32 $0x1FFFFFF0, s9;
	s9 =	spop (v2sf);
	(v2sf) =	vpush v16, $0x3;
	_ =	sdelay $0x2  }
0x42e: {  	s10 =	sadd.s32 $0x1680, s0;
	s8 =	sadd.s32 s4, s8  }
0x42f: {  	[tilespmem:s10], [sflag:$0x1] =	stream.linear.gather [hbm4b:s8+s3], $0x80, $0x38;
	[tilespmem:$0xC800] =	vst v63  }
0x430: {  	s8 =	sand.u32 $0x1FFFFFF0, s9;
	s9 =	spop (v2sf);
	(v2sf) =	vpush v17, $0x4;
	_ =	sdelay $0x1  }
0x431: {  	s10 =	sadd.s32 $0x9680, s0;
	s8 =	sadd.s32 s4, s8  }
0x432: {  	[tilespmem:s10], [sflag:$0x1] =	stream.linear.gather [hbm4b:s8+s3], $0x80, $0x38;
	[tilespmem:$0xC800] =	vst v63  }
0x433: {  	s8 =	sand.u32 $0x1FFFFFF0, s9;
	s9 =	spop (v2sf);
	(v2sf) =	vpush v16, $0x4  }
0x434: {  	s10 =	sadd.s32 $0x1700, s0;
	s8 =	sadd.s32 s4, s8  }
0x435: {  	[tilespmem:s10], [sflag:$0x1] =	stream.linear.gather [hbm4b:s8+s3], $0x80, $0x38;
	[tilespmem:$0xC800] =	vst v63  }
0x436: {  	s8 =	sand.u32 $0x1FFFFFF0, s9;
	s9 =	spop (v2sf);
	(v2sf) =	vpush v17, $0x5  }
0x437: {  	s10 =	sadd.s32 $0x9700, s0;
	s8 =	sadd.s32 s4, s8  }
0x438: {  	[tilespmem:s10], [sflag:$0x1] =	stream.linear.gather [hbm4b:s8+s3], $0x80, $0x38;
	[tilespmem:$0xC800] =	vst v63  }
0x439: {  	s8 =	sand.u32 $0x1FFFFFF0, s9;
	s9 =	spop (v2sf);
	(v2sf) =	vpush v16, $0x5;
	_ =	sdelay $0x2  }
0x43a: {  	s10 =	sadd.s32 $0x1780, s0;
	s8 =	sadd.s32 s4, s8  }
0x43b: {  	[tilespmem:s10], [sflag:$0x1] =	stream.linear.gather [hbm4b:s8+s3], $0x80, $0x38;
	[tilespmem:$0xC800] =	vst v63  }
0x43c: {  	s8 =	sand.u32 $0x1FFFFFF0, s9;
	s9 =	spop (v2sf);
	(v2sf) =	vpush v17, $0x6;
	_ =	sdelay $0x1  }
0x43d: {  	s10 =	sadd.s32 $0x9780, s0;
	s8 =	sadd.s32 s4, s8  }
0x43e: {  	[tilespmem:s10], [sflag:$0x1] =	stream.linear.gather [hbm4b:s8+s3], $0x80, $0x38;
	[tilespmem:$0xC800] =	vst v63  }
0x43f: {  	s8 =	sand.u32 $0x1FFFFFF0, s9;
	s9 =	spop (v2sf);
	(v2sf) =	vpush v16, $0x6  }
0x440: {  	s10 =	sadd.s32 $0x1800, s0;
	s8 =	sadd.s32 s4, s8  }
0x441: {  	[tilespmem:s10], [sflag:$0x1] =	stream.linear.gather [hbm4b:s8+s3], $0x80, $0x38;
	[tilespmem:$0xC800] =	vst v63  }
0x442: {  	s8 =	sand.u32 $0x1FFFFFF0, s9;
	s9 =	spop (v2sf);
	(v2sf) =	vpush v17, $0x7  }
0x443: {  	s10 =	sadd.s32 $0x9800, s0;
	s8 =	sadd.s32 s4, s8  }
0x444: {  	[tilespmem:s10], [sflag:$0x1] =	stream.linear.gather [hbm4b:s8+s3], $0x80, $0x38;
	[tilespmem:$0xC800] =	vst v63  }
0x445: {  	s8 =	sand.u32 $0x1FFFFFF0, s9;
	s9 =	spop (v2sf);
	(v2sf) =	vpush v16, $0x7;
	_ =	sdelay $0x2  }
0x446: {  	s10 =	sadd.s32 $0x1880, s0;
	s8 =	sadd.s32 s4, s8  }
0x447: {  	[tilespmem:s10], [sflag:$0x1] =	stream.linear.gather [hbm4b:s8+s3], $0x80, $0x38;
	[tilespmem:$0xC800] =	vst v63  }
0x448: {  	s8 =	sand.u32 $0x1FFFFFF0, s9;
	s9 =	spop (v2sf);
	(v2sf) =	vpush v17, $0x8;
	_ =	sdelay $0x1  }
0x449: {  	s10 =	sadd.s32 $0x9880, s0;
	s8 =	sadd.s32 s4, s8  }
0x44a: {  	[tilespmem:s10], [sflag:$0x1] =	stream.linear.gather [hbm4b:s8+s3], $0x80, $0x38;
	[tilespmem:$0xC800] =	vst v63  }
0x44b: {  	s8 =	sand.u32 $0x1FFFFFF0, s9;
	s9 =	spop (v2sf);
	(v2sf) =	vpush v16, $0x8  }
0x44c: {  	s10 =	sadd.s32 $0x1900, s0;
	s8 =	sadd.s32 s4, s8  }
0x44d: {  	[tilespmem:s10], [sflag:$0x1] =	stream.linear.gather [hbm4b:s8+s3], $0x80, $0x38;
	[tilespmem:$0xC800] =	vst v63  }
0x44e: {  	s8 =	sand.u32 $0x1FFFFFF0, s9;
	s9 =	spop (v2sf);
	(v2sf) =	vpush v17, $0x9  }
0x44f: {  	s10 =	sadd.s32 $0x9900, s0;
	s8 =	sadd.s32 s4, s8  }
0x450: {  	[tilespmem:s10], [sflag:$0x1] =	stream.linear.gather [hbm4b:s8+s3], $0x80, $0x38;
	[tilespmem:$0xC800] =	vst v63  }
0x451: {  	s8 =	sand.u32 $0x1FFFFFF0, s9;
	s9 =	spop (v2sf);
	(v2sf) =	vpush v16, $0x9;
	_ =	sdelay $0x2  }
0x452: {  	s10 =	sadd.s32 $0x1980, s0;
	s8 =	sadd.s32 s4, s8  }
0x453: {  	[tilespmem:s10], [sflag:$0x1] =	stream.linear.gather [hbm4b:s8+s3], $0x80, $0x38;
	[tilespmem:$0xC800] =	vst v63  }
0x454: {  	s8 =	sand.u32 $0x1FFFFFF0, s9;
	s9 =	spop (v2sf);
	(v2sf) =	vpush v17, $0xA;
	_ =	sdelay $0x1  }
0x455: {  	s10 =	sadd.s32 $0x9980, s0;
	s8 =	sadd.s32 s4, s8  }
0x456: {  	[tilespmem:s10], [sflag:$0x1] =	stream.linear.gather [hbm4b:s8+s3], $0x80, $0x38;
	[tilespmem:$0xC800] =	vst v63  }
0x457: {  	s8 =	sand.u32 $0x1FFFFFF0, s9;
	s9 =	spop (v2sf);
	(v2sf) =	vpush v16, $0xA  }
0x458: {  	s10 =	sadd.s32 $0x1A00, s0;
	s8 =	sadd.s32 s4, s8  }
0x459: {  	[tilespmem:s10], [sflag:$0x1] =	stream.linear.gather [hbm4b:s8+s3], $0x80, $0x38;
	[tilespmem:$0xC800] =	vst v63  }
0x45a: {  	s8 =	sand.u32 $0x1FFFFFF0, s9;
	s9 =	spop (v2sf);
	(v2sf) =	vpush v17, $0xB  }
0x45b: {  	s10 =	sadd.s32 $0x9A00, s0;
	s8 =	sadd.s32 s4, s8  }
0x45c: {  	[tilespmem:s10], [sflag:$0x1] =	stream.linear.gather [hbm4b:s8+s3], $0x80, $0x38;
	[tilespmem:$0xC800] =	vst v63  }
0x45d: {  	s8 =	sand.u32 $0x1FFFFFF0, s9;
	s9 =	spop (v2sf);
	(v2sf) =	vpush v16, $0xB;
	_ =	sdelay $0x2  }
0x45e: {  	s10 =	sadd.s32 $0x1A80, s0;
	s8 =	sadd.s32 s4, s8  }
0x45f: {  	[tilespmem:s10], [sflag:$0x1] =	stream.linear.gather [hbm4b:s8+s3], $0x80, $0x38;
	[tilespmem:$0xC800] =	vst v63  }
0x460: {  	s8 =	sand.u32 $0x1FFFFFF0, s9;
	s9 =	spop (v2sf);
	(v2sf) =	vpush v17, $0xC  }
0x461: {  	s10 =	sadd.s32 $0x9A80, s0;
	s8 =	sadd.s32 s4, s8  }
0x462: {  	[tilespmem:s10], [sflag:$0x1] =	stream.linear.gather [hbm4b:s8+s3], $0x80, $0x38;
	[tilespmem:$0xC800] =	vst v63  }
0x463: {  	s8 =	sand.u32 $0x1FFFFFF0, s9  }
0x464: {  	s10 =	sadd.s32 $0x1B00, s0;
	s8 =	sadd.s32 s4, s8;
	s9 =	spop (v2sf);
	(v2sf) =	vpush v16, $0xC  }
0x465: {  	[tilespmem:s10], [sflag:$0x1] =	stream.linear.gather [hbm4b:s8+s3], $0x80, $0x38;
	[tilespmem:$0xC800] =	vst v63  }
0x466: {  	s8 =	sand.u32 $0x1FFFFFF0, s9  }
0x467: {  	s10 =	sadd.s32 $0x9B00, s0;
	s9 =	spop (v2sf);
	s8 =	sadd.s32 s4, s8  }
0x468: {  	(v2sf) =	vpush v17, $0xD;
	[tilespmem:s10], [sflag:$0x1] =	stream.linear.gather [hbm4b:s8+s3], $0x80, $0x38;
	[tilespmem:$0xC800] =	vst v63  }
0x469: {  	s8 =	sand.u32 $0x1FFFFFF0, s9  }
0x46a: {  	(v2sf) =	vpush v16, $0xD;
	s10 =	sadd.s32 $0x1B80, s0;
	s8 =	sadd.s32 s4, s8;
	s9 =	spop (v2sf)  }
0x46b: {  	[tilespmem:s10], [sflag:$0x1] =	stream.linear.gather [hbm4b:s8+s3], $0x80, $0x38;
	[tilespmem:$0xC800] =	vst v63  }
0x46c: {  	s8 =	sand.u32 $0x1FFFFFF0, s9  }
0x46d: {  	(v2sf) =	vpush v17, $0xE;
	s10 =	sadd.s32 $0x9B80, s0;
	s8 =	sadd.s32 s4, s8  }
0x46e: {  	[tilespmem:s10], [sflag:$0x1] =	stream.linear.gather [hbm4b:s8+s3], $0x80, $0x38;
	[tilespmem:$0xC800] =	vst v63  }
0x46f: {  	s9 =	spop (v2sf)  }
0x470: {  	s8 =	sand.u32 $0x1FFFFFF0, s9  }
0x471: {  	s10 =	sadd.s32 $0x1C00, s0;
	s8 =	sadd.s32 s4, s8  }
0x472: {  	(v2sf) =	vpush v16, $0xE;
	[tilespmem:s10], [sflag:$0x1] =	stream.linear.gather [hbm4b:s8+s3], $0x80, $0x38;
	[tilespmem:$0xC800] =	vst v63  }
0x473: {  	s9 =	spop (v2sf)  }
0x474: {  	(v2sf) =	vpush v17, $0xF;
	s8 =	sand.u32 $0x1FFFFFF0, s9  }
0x475: {  	s10 =	sadd.s32 $0x9C00, s0;
	s8 =	sadd.s32 s4, s8  }
0x476: {  	[tilespmem:s10], [sflag:$0x1] =	stream.linear.gather [hbm4b:s8+s3], $0x80, $0x38;
	[tilespmem:$0xC800] =	vst v63  }
0x477: {  	s10 =	spop (v2sf)  }
0x478: {  	s8 =	sand.u32 $0x1FFFFFF0, s10  }
0x479: {  	s9 =	spop (v2sf);
	s10 =	sadd.s32 $0x1C80, s0;
	s8 =	sadd.s32 s4, s8  }
0x47a: {  	(v2sf) =	vpush v16, $0xF;
	[tilespmem:s10], [sflag:$0x1] =	stream.linear.gather [hbm4b:s8+s3], $0x80, $0x38;
	[tilespmem:$0xC800] =	vst v63  }
0x47b: {  	s8 =	sand.u32 $0x1FFFFFF0, s9  }
0x47c: {  	s9 =	spop (v2sf);
	s10 =	sadd.s32 $0x9C80, s0;
	s8 =	sadd.s32 s4, s8  }
0x47d: {  	[tilespmem:s10], [sflag:$0x1] =	stream.linear.gather [hbm4b:s8+s3], $0x80, $0x38;
	[tilespmem:$0xC800] =	vst v63  }
0x47e: {  	s8 =	sand.u32 $0x1FFFFFF0, s9  }
0x47f: {  	s10 =	sadd.s32 $0x1D00, s0;
	s8 =	sadd.s32 s4, s8  }
0x480: {  	[tilespmem:s10], [sflag:$0x1] =	stream.linear.gather [hbm4b:s8+s3], $0x80, $0x38;
	[tilespmem:$0xC800] =	vst v63  }
0x481: {  	s9 =	spop (v2sf)  }
0x482: {  	s8 =	sand.u32 $0x1FFFFFF0, s9  }
0x483: {  	s10 =	sadd.s32 $0x9D00, s0;
	s8 =	sadd.s32 s4, s8;
	s9 =	spop (v2sf)  }
0x484: {  	[tilespmem:s10], [sflag:$0x1] =	stream.linear.gather [hbm4b:s8+s3], $0x80, $0x38;
	[tilespmem:$0xC800] =	vst v63  }
0x485: {  	s9 =	sand.u32 $0x1FFFFFF0, s9  }
0x486: {  	s10 =	sadd.s32 $0x1D80, s0;
	s8 =	sadd.s32 s4, s9  }
0x487: {  	[tilespmem:s10], [sflag:$0x1] =	stream.linear.gather [hbm4b:s8+s3], $0x80, $0x38;
	[tilespmem:$0xC800] =	vst v63  }
.Ltmp7:
0x488: {  	_ = 	snop;
	(pc) =	sbr.rel .LBB2_5-.Ltmp7, $4  }
0x489: {  	s9 =	spop (v2sf)  }
0x48a: {  	s8 =	sand.u32 $0x1FFFFFF0, s9  }
0x48b: {  	s10 =	sadd.s32 $0x9D80, s0;
	s8 =	sadd.s32 s4, s8  }
0x48c: {  	[tilespmem:s10], [sflag:$0x1] =	stream.linear.gather [hbm4b:s8+s3], $0x80, $0x38;
	[tilespmem:$0xC800] =	vst v63  }
.LBB2_8:
0x48d: {  	_ =	sfence.sel $0x180000  }
0x48e: {  	[bflag:$0x0] =	sbarrier.arrive $0xFFFF  }
0x48f: {  	_ =	strace $0x90000047  }
0x490: {  	s0 =	stileid.u32;
	[bflag:$0x2] =	sbarrier.arrive $0xFFFF  }
0x491: {  	p0 =	sne.s32 s0, $0x0;
	s0 =	rddreg [dreg:$0x5]  }
0x492: {  	s0 =	sadd.s32 @!p0 $0x100000, s0  }
0x493: {  	[sflag:s0] =	ssyncadd.tile.s32 @!p0 $0x1;
	_ =	shalt  }
.Lfunc_end2:
_tile_overlayer_lowered:
.L_overlay_start_2:
0x494: {  	(tag) =	ssettag $0x2  }
0x495: {  	s0 =	rddreg [dreg:$0x0];
	s2 =	stileid.u32  }
0x496: {  	s1 =	rddreg [dreg:$0x1];
	p0 =	sne.s32 s2, $0x0  }
0x497: {  	s3 =	rddreg [dreg:$0x2];
	[bflag:$0x3] =	sbarrier.arrive $0xFFFF;
	s2 =	simm.s32 @!p0 $0x1C04  }
0x498: {  	[timem:s3], [sflag:s2] =	dma.local @!p0 [hbm:s0], s1  }
0x499: {  	s0 =	simm.s32 @!p0 $0x4  }
0x49a: {  	_ =	swait.ge @!p0 [sflag:s0], s1  }
0x49b: {  	s1 =	ssub.s32 @!p0 $0x0, s1;
	[sflag:s0] =	ssyncset.done @!p0 $0x0  }
0x49c: {  	[sflag:s0] =	ssyncadd.s32 @!p0 s1  }
0x49d: {  	[bflag:$0x3] =	sbarrier.arrive $0xFFFF  }
0x49e: {  	_ =	shalt  }

</sc_bundles>
